<compile_context>
chip_gen: v7x
topology: tpu7x:2x2x1
jax: 0.10.2.dev20260603
libtpu: 0.0.44.dev20260713+nightly
codegen_flags: <defaults>
</compile_context>

<pallas_src>
import functools

import jax
import jax.numpy as jnp
from jax import lax
from jax.experimental import pallas as pl
from jax.experimental.pallas import tpu as pltpu
from jax.experimental.pallas import tpu_sc as plsc

_NEG_INF = float("-inf")
_LOG2E = 1.4426950408889634


def _reduce_body(V, C, NG, K1, NSKIP, x_ref, m_ref, s_ref, bi_ref,
                 m_sc, s_sc, bi_sc):
    j = pl.program_id(0)
    jj = jnp.where(j >= K1, j + NSKIP, j)
    B = x_ref.shape[0]
    col = lax.broadcasted_iota(jnp.int32, (B, C), 1)

    def _stats(masked):
        x = x_ref[...]
        if masked:
            x = jnp.where(jj * C + col < V, x, _NEG_INF)
        bmax = jnp.max(x, axis=-1, keepdims=True)
        bidx = jnp.min(jnp.where(x == bmax, col, 2**31 - 1), axis=-1,
                       keepdims=True) + jj * C
        bsum = jnp.sum(jnp.exp(x - bmax), axis=-1, keepdims=True)
        return bmax, bidx, bsum

    def _acc(bmax, bidx, bsum):
        m_old = m_sc[...]
        m_new = jnp.maximum(m_old, bmax)
        s_sc[...] = s_sc[...] * jnp.exp(m_old - m_new) + bsum * jnp.exp(bmax - m_new)
        m_sc[...] = m_new
        better = bmax > m_old
        bi_sc[...] = jnp.where(better, bidx, bi_sc[...])

    @pl.when(j == 0)
    def _init():
        bmax, bidx, bsum = _stats(masked=NG == 1)
        m_sc[...] = bmax
        s_sc[...] = bsum
        bi_sc[...] = bidx

    @pl.when((j > 0) & (j < NG - 1))
    def _mid():
        _acc(*_stats(masked=False))

    @pl.when((j == NG - 1) & (j > 0))
    def _last():
        _acc(*_stats(masked=True))

    @pl.when(j == NG - 1)
    def _fin():
        m_ref[...] = m_sc[...]
        s_ref[...] = s_sc[...]
        bi_ref[...] = bi_sc[...]


def _fused_pass(logits, C, K1, NSKIP):
    B, V = logits.shape
    NBLK = pl.cdiv(V, C)
    NG = NBLK - NSKIP

    def _in_map(j):
        return (0, jnp.where(j >= K1, j + NSKIP, j))

    return pl.pallas_call(
        functools.partial(_reduce_body, V, C, NG, K1, NSKIP),
        grid=(NG,),
        in_specs=[pl.BlockSpec((B, C), _in_map)],
        out_specs=[pl.BlockSpec((B, 1), lambda j: (0, 0)),
                   pl.BlockSpec((B, 1), lambda j: (0, 0)),
                   pl.BlockSpec((B, 1), lambda j: (0, 0))],
        out_shape=[jax.ShapeDtypeStruct((B, 1), jnp.float32),
                   jax.ShapeDtypeStruct((B, 1), jnp.float32),
                   jax.ShapeDtypeStruct((B, 1), jnp.int32)],
        scratch_shapes=[pltpu.VMEM((B, 1), jnp.float32),
                        pltpu.VMEM((B, 1), jnp.float32),
                        pltpu.VMEM((B, 1), jnp.int32)],
    )(logits)


def _sc_slice_reduce(logits, c0, ncols):
    info = plsc.get_sparse_core_info()
    nc, L = info.num_cores, info.num_lanes
    B, V = logits.shape
    TPG = 4
    cols_pt = ncols // TPG
    q = cols_pt // 1024
    mesh = plsc.VectorSubcoreMesh(core_axis_name="c", subcore_axis_name="s")
    out_sds = (jax.ShapeDtypeStruct((TPG, B, 128), jnp.float32),
               jax.ShapeDtypeStruct((TPG, B, 128), jnp.float32),
               jax.ShapeDtypeStruct((TPG, B, 128), jnp.int32))

    @functools.partial(
        pl.kernel, mesh=mesh, out_type=out_sds,
        scratch_types=[pltpu.VMEM((8, 1024), jnp.float32),
                       pltpu.VMEM((8, 128), jnp.float32),
                       pltpu.VMEM((8, 128), jnp.float32),
                       pltpu.VMEM((8, 128), jnp.int32)],
    )
    def k(x_hbm, pm_hbm, ps_hbm, pi_hbm, buf_v, pm_v, ps_v, pi_v):
        wid = lax.axis_index("s") * nc + lax.axis_index("c")
        g = wid // TPG
        t = lax.rem(wid, TPG)
        r0 = pl.multiple_of(g * 8, 8)
        col0 = c0 + t * cols_pt
        iota = lax.iota(jnp.int32, L)
        init = ([jnp.full((L,), _NEG_INF, jnp.float32)] * 8
                + [jnp.zeros((L,), jnp.float32)] * 8
                + [jnp.zeros((L,), jnp.int32)] * 8)

        def chunk_body(c, carry):
            ms, ss, bis = list(carry[0:8]), list(carry[8:16]), list(carry[16:24])
            off = col0 + c * 1024
            pltpu.sync_copy(
                x_hbm.at[pl.ds(r0, 8), pl.ds(pl.multiple_of(off, 128), 1024)],
                buf_v)
            m_old = list(ms)

            def pass_max(i, ca):
                ms2, bis2 = list(ca[0:8]), list(ca[8:16])
                colv = iota + (off + i * L)
                om, oi = [], []
                for r in range(8):
                    x = buf_v[r, pl.ds(pl.multiple_of(i * L, 8), L)]
                    gt = x > ms2[r]
                    om.append(jnp.where(gt, x, ms2[r]))
                    oi.append(jnp.where(gt, colv, bis2[r]))
                return tuple(om + oi)

            res = lax.fori_loop(0, 1024 // L, pass_max, tuple(ms + bis))
            ms, bis = list(res[0:8]), list(res[8:16])
            ss = [ss[r] * jnp.exp(m_old[r] - ms[r]) for r in range(8)]

            def pass_sum(i, cb):
                out = []
                for r in range(8):
                    x = buf_v[r, pl.ds(pl.multiple_of(i * L, 8), L)]
                    out.append(cb[r] + jnp.exp(x - ms[r]))
                return tuple(out)

            ss = list(lax.fori_loop(0, 1024 // L, pass_sum, tuple(ss)))
            return tuple(ms + ss + bis)

        fin = lax.fori_loop(0, q, chunk_body, tuple(init))
        for r in range(8):
            pm_v[r, pl.ds(0, L)] = fin[r]
            ps_v[r, pl.ds(0, L)] = fin[8 + r]
            pi_v[r, pl.ds(0, L)] = fin[16 + r]
        pltpu.sync_copy(pm_v, pm_hbm.at[t, pl.ds(r0, 8), :])
        pltpu.sync_copy(ps_v, ps_hbm.at[t, pl.ds(r0, 8), :])
        pltpu.sync_copy(pi_v, pi_hbm.at[t, pl.ds(r0, 8), :])

    return k(logits)


def _sc_gather(logits, idx):
    info = plsc.get_sparse_core_info()
    nc, L = info.num_cores, info.num_lanes
    B, V = logits.shape
    nw = B // L
    mesh = plsc.VectorSubcoreMesh(core_axis_name="c", subcore_axis_name="s")

    @functools.partial(
        pl.kernel, mesh=mesh,
        out_type=jax.ShapeDtypeStruct((B, 128), jnp.float32),
        scratch_types=[pltpu.VMEM((L,), jnp.int32),
                       pltpu.VMEM((L, 8, 128), jnp.float32),
                       pltpu.VMEM((L, 128), jnp.float32)],
    )
    def k(x_hbm, idx_hbm, out_hbm, idx_v, buf_v, seg_v):
        wid = lax.axis_index("s") * nc + lax.axis_index("c")

        @pl.when(wid < nw)
        def _():
            row0 = wid * L
            pltpu.sync_copy(idx_hbm.at[pl.ds(row0, L)], idx_v)
            idx_reg = idx_v[...]
            for i in range(L):
                base = pl.multiple_of(lax.bitwise_and(idx_reg[i], -128), 128)
                r0 = pl.multiple_of(row0 + (i & ~7), 8)
                pltpu.sync_copy(x_hbm.at[pl.ds(r0, 8), pl.ds(base, 128)],
                                buf_v.at[i])
                for k16 in range(8):
                    seg_v[i, pl.ds(16 * k16, 16)] = buf_v[i, i & 7, pl.ds(16 * k16, 16)]
            pltpu.sync_copy(
                seg_v, out_hbm.at[pl.ds(pl.multiple_of(row0, 8), L), :])

    return k(logits, idx)


def _merge_body(a_ref, seg_ref, m_ref, s_ref, bi_ref, pm_ref, ps_ref, pi_ref,
                lp_ref, mode_ref):
    B = a_ref.shape[0]
    TPG = pm_ref.shape[0]
    col = lax.broadcasted_iota(jnp.int32, (B, 128), 1)
    valid = col < 16
    m_all = m_ref[...]
    pms = []
    for t in range(TPG):
        pm = jnp.where(valid, pm_ref[t], _NEG_INF)
        pms.append(pm)
        m_all = jnp.maximum(m_all, jnp.max(pm, axis=-1, keepdims=True))
    s_all = s_ref[...] * jnp.exp(m_ref[...] - m_all)
    idx = jnp.where(m_ref[...] == m_all, bi_ref[...], 2**31 - 1)
    for t in range(TPG):
        ps = jnp.where(valid, ps_ref[t], 0.0)
        s_all = s_all + jnp.sum(ps * jnp.exp(pms[t] - m_all), axis=-1,
                                keepdims=True)
        cand = jnp.where(pms[t] == m_all, pi_ref[t], 2**31 - 1)
        idx = jnp.minimum(idx, jnp.min(cand, axis=-1, keepdims=True))
    logz = m_all + jnp.log(s_all)
    c = lax.bitwise_and(a_ref[...], 127)
    g = jnp.sum(jnp.where(col == c, seg_ref[...], 0.0), axis=-1, keepdims=True)
    lp_ref[...] = g - logz
    mode_ref[...] = idx


def _merge(actions, seg, m, s, bi, pm, ps, pi):
    B = actions.shape[0]
    return pl.pallas_call(
        _merge_body,
        out_shape=[jax.ShapeDtypeStruct((B, 1), jnp.float32),
                   jax.ShapeDtypeStruct((B, 1), jnp.int32)],
    )(actions, seg, m, s, bi, pm, ps, pi)


def kernel(logits, actions):
    B, V = logits.shape
    C = 32768
    NBLK = pl.cdiv(V, C)
    NSKIP = 4
    K1 = NBLK - NSKIP - 1
    a = actions.reshape(B).astype(jnp.int32)
    seg = _sc_gather(logits, a)
    pm, ps, pi = _sc_slice_reduce(logits, K1 * C, NSKIP * C)
    m, s, bi = _fused_pass(logits, C, K1, NSKIP)
    log_probs, mode = _merge(actions.astype(jnp.int32), seg, m, s, bi, pm, ps, pi)
    return log_probs, mode

# --- scband reference (transcript-rebuilt; emitter-appended) ---
"""Pipeline reference for scband-fixed-categorical-80659485819433 (READ-ONLY COPY).

The authoritative reference and input builder live on the scoring server;
editing this copy changes nothing except your own understanding.
"""

import jax, jax.numpy as jnp
import numpy as np


def setup_inputs(seed: int = 0) -> dict:
    key = jax.random.key(seed)
    k1, k2 = jax.random.split(key)
    logits = jax.random.normal(k1, (64, 1000000), dtype=jnp.float32)
    actions = jax.random.randint(k2, (64, 1), 0, 1000000, dtype=jnp.int64)
    return {"logits": logits, "actions": actions}


def reference(logits, actions):
    # torch.distributions.Categorical(logits=...) normalizes logits via log_softmax
    log_p = jax.nn.log_softmax(logits, axis=-1)
    # log_probs(actions): log_prob(actions.squeeze(-1)).view(B, -1).sum(-1).unsqueeze(-1)
    lp = jnp.take_along_axis(log_p, actions, axis=-1)  # [B, 1]
    log_probs = lp.reshape(actions.shape[0], -1).sum(axis=-1)[:, None]  # [B, 1]
    # mode(): probs.argmax(dim=-1, keepdim=True)
    probs = jnp.exp(log_p)
    mode = jnp.argmax(probs, axis=-1, keepdims=True)  # [B, 1]
    return log_probs, mode

if __name__ == "__main__":
    import jax
    _d = setup_inputs()
    print(jax.jit(kernel)(*tuple(_d.values())))

</pallas_src>

<mosaic_0001>
#map = affine_map<(d0, d1) -> (0, 0)>
#map1 = affine_map<(d0, d1) -> (0)>
module attributes {stable_mosaic.version = 14 : i64} {
  func.func @k(%arg0: i32, %arg1: i32, %arg2: memref<64x1000000xf32, #tpu.memory_space<hbm>>, %arg3: memref<64xi32, #tpu.memory_space<hbm>>, %arg4: memref<64x128xf32, #tpu.memory_space<hbm>>, %arg5: memref<16xi32, #tpu.memory_space<vmem>>, %arg6: memref<16x8x128xf32, #tpu.memory_space<vmem>>, %arg7: memref<16x128xf32, #tpu.memory_space<vmem>>) attributes {dimension_semantics = [#tpu.dimension_semantics<core_parallel>, #tpu.dimension_semantics<subcore_parallel>], iteration_bounds = array<i64: 2, 16>, scalar_prefetch = 0 : i64, scratch_operands = 3 : i64, tpu.core_type = #tpu.core_type<sc_vector_subcore>, window_params = [{transform_indices = #map}, {transform_indices = #map1}, {transform_indices = #map}]} {
    %mul3A = arith.constant 2 : i32
    %mul3A_0 = arith.muli %arg1, %mul3A : i32
    %add3A = arith.addi %mul3A_0, %arg0 : i32
    %lt3A = arith.constant 4 : i32
    %lt3A_1 = arith.cmpi slt, %add3A, %lt3A : i32
    %convert_element_type3A = arith.extui %lt3A_1 : i1 to i32
    %cond3A = arith.constant 0 : i32
    %cond3A_2 = arith.cmpi ne, %convert_element_type3A, %cond3A : i32
    scf.if %cond3A_2 {
      %mul3A_3 = arith.constant 16 : i32
      %mul3A_4 = arith.muli %add3A, %mul3A_3 : i32
      "tpu.region"() ({
        %run_scoped3A_1810 = tpu.sem_alloc : memref<!tpu.dma_semaphore, #tpu.memory_space<semaphore_mem>>
        %dma_start3A = tpu.memref_slice %arg3[%mul3A_4] : memref<64xi32, #tpu.memory_space<hbm>> -> memref<16xi32, #tpu.memory_space<hbm>>
        %dma_start3A_1811 = tpu.memref_slice %arg3[%mul3A_4] : memref<64xi32, #tpu.memory_space<hbm>> -> memref<16xi32, #tpu.memory_space<hbm>>
        tpu.enqueue_dma source(%dma_start3A_1811 : memref<16xi32, #tpu.memory_space<hbm>>) target(%arg5 : memref<16xi32, #tpu.memory_space<vmem>>) target_semaphore(%run_scoped3A_1810 : memref<!tpu.dma_semaphore, #tpu.memory_space<semaphore_mem>>)
        %dma_wait3A = tpu.memref_slice %arg3[%mul3A_4] : memref<64xi32, #tpu.memory_space<hbm>> -> memref<16xi32, #tpu.memory_space<hbm>>
        %dma_wait3A_1812 = tpu.memref_slice %arg3[%mul3A_4] : memref<64xi32, #tpu.memory_space<hbm>> -> memref<16xi32, #tpu.memory_space<hbm>>
        tpu.wait_dma2 semaphore(%run_scoped3A_1810 : memref<!tpu.dma_semaphore, #tpu.memory_space<semaphore_mem>>) src(%dma_wait3A_1812 : memref<16xi32, #tpu.memory_space<hbm>>) dst(%arg5 : memref<16xi32, #tpu.memory_space<vmem>>)
        tpu.yield
      }) : () -> ()
      %get3A = arith.constant 0 : index
      %get3A_5 = tpu.vector_load %arg5[%get3A] {strides = array<i32>} : memref<16xi32, #tpu.memory_space<vmem>>, vector<16xi32>,
      %get3A_6 = vector.shape_cast %get3A_5 : vector<16xi32> to vector<16xi32>
      %slice3A = vector.extract_strided_slice %get3A_6 {offsets = [0], sizes = [1], strides = [1]} : vector<16xi32> to vector<1xi32>
      %squeeze3A = vector.extract %slice3A[0] : i32 from vector<1xi32>
      %and3A = arith.constant -128 : i32
      %and3A_7 = arith.andi %squeeze3A, %and3A : i32
      %multiple_of3A = tpu.assume_multiple %and3A_7, 128 : i32
      %add3A_8 = arith.constant 0 : i32
      %add3A_9 = arith.addi %mul3A_4, %add3A_8 : i32
      %multiple_of3A_10 = tpu.assume_multiple %add3A_9, 8 : i32
      %run_scoped3A = arith.constant 0 : i32
      "tpu.region"() ({
        %run_scoped3A_1810 = tpu.sem_alloc : memref<!tpu.dma_semaphore, #tpu.memory_space<semaphore_mem>>
        %dma_start3A = arith.constant 0 : i32
        %dma_start3A_1811 = arith.constant 0 : i32
        %dma_start3A_1812 = tpu.memref_slice %arg6[%run_scoped3A, %dma_start3A, %dma_start3A_1811] : memref<16x8x128xf32, #tpu.memory_space<vmem>> -> memref<1x8x128xf32, #tpu.memory_space<vmem>>
        %dma_start3A_1813 = tpu.memref_squeeze %dma_start3A_1812 : memref<1x8x128xf32, #tpu.memory_space<vmem>> -> memref<8x128xf32, #tpu.memory_space<vmem>>
        %dma_start3A_1814 = tpu.memref_slice %arg2[%multiple_of3A_10, %multiple_of3A] : memref<64x1000000xf32, #tpu.memory_space<hbm>> -> memref<8x128xf32, #tpu.memory_space<hbm>>
        %dma_start3A_1815 = arith.constant 0 : i32
        %dma_start3A_1816 = arith.constant 0 : i32
        %dma_start3A_1817 = tpu.memref_slice %arg6[%run_scoped3A, %dma_start3A_1815, %dma_start3A_1816] : memref<16x8x128xf32, #tpu.memory_space<vmem>> -> memref<1x8x128xf32, #tpu.memory_space<vmem>>
        %dma_start3A_1818 = tpu.memref_squeeze %dma_start3A_1817 : memref<1x8x128xf32, #tpu.memory_space<vmem>> -> memref<8x128xf32, #tpu.memory_space<vmem>>
        %dma_start3A_1819 = tpu.memref_slice %arg2[%multiple_of3A_10, %multiple_of3A] : memref<64x1000000xf32, #tpu.memory_space<hbm>> -> memref<8x128xf32, #tpu.memory_space<hbm>>
        tpu.enqueue_dma source(%dma_start3A_1819 : memref<8x128xf32, #tpu.memory_space<hbm>>) target(%dma_start3A_1818 : memref<8x128xf32, #tpu.memory_space<vmem>>) target_semaphore(%run_scoped3A_1810 : memref<!tpu.dma_semaphore, #tpu.memory_space<semaphore_mem>>)
        %dma_wait3A = arith.constant 0 : i32
        %dma_wait3A_1820 = arith.constant 0 : i32
        %dma_wait3A_1821 = tpu.memref_slice %arg6[%run_scoped3A, %dma_wait3A, %dma_wait3A_1820] : memref<16x8x128xf32, #tpu.memory_space<vmem>> -> memref<1x8x128xf32, #tpu.memory_space<vmem>>
        %dma_wait3A_1822 = tpu.memref_squeeze %dma_wait3A_1821 : memref<1x8x128xf32, #tpu.memory_space<vmem>> -> memref<8x128xf32, #tpu.memory_space<vmem>>
        %dma_wait3A_1823 = tpu.memref_slice %arg2[%multiple_of3A_10, %multiple_of3A] : memref<64x1000000xf32, #tpu.memory_space<hbm>> -> memref<8x128xf32, #tpu.memory_space<hbm>>
        %dma_wait3A_1824 = arith.constant 0 : i32
        %dma_wait3A_1825 = arith.constant 0 : i32
        %dma_wait3A_1826 = tpu.memref_slice %arg6[%run_scoped3A, %dma_wait3A_1824, %dma_wait3A_1825] : memref<16x8x128xf32, #tpu.memory_space<vmem>> -> memref<1x8x128xf32, #tpu.memory_space<vmem>>
        %dma_wait3A_1827 = tpu.memref_squeeze %dma_wait3A_1826 : memref<1x8x128xf32, #tpu.memory_space<vmem>> -> memref<8x128xf32, #tpu.memory_space<vmem>>
        %dma_wait3A_1828 = tpu.memref_slice %arg2[%multiple_of3A_10, %multiple_of3A] : memref<64x1000000xf32, #tpu.memory_space<hbm>> -> memref<8x128xf32, #tpu.memory_space<hbm>>
        tpu.wait_dma2 semaphore(%run_scoped3A_1810 : memref<!tpu.dma_semaphore, #tpu.memory_space<semaphore_mem>>) src(%dma_wait3A_1828 : memref<8x128xf32, #tpu.memory_space<hbm>>) dst(%dma_wait3A_1827 : memref<8x128xf32, #tpu.memory_space<vmem>>)
        tpu.yield
      }) : () -> ()
      %get3A_11 = arith.constant 0 : i32
      %get3A_12 = arith.constant 0 : i32
      %get3A_13 = arith.index_cast %get3A_11 : i32 to index
      %get3A_14 = arith.index_cast %get3A_12 : i32 to index
      %get3A_15 = arith.constant 0 : index
      %get3A_16 = tpu.vector_load %arg6[%get3A_13, %get3A_14, %get3A_15] {strides = array<i32>} : memref<16x8x128xf32, #tpu.memory_space<vmem>>, vector<1x1x16xf32>,
      %get3A_17 = vector.shape_cast %get3A_16 : vector<1x1x16xf32> to vector<16xf32>
      %swap3A = arith.constant 0 : i32
      %swap3A_18 = arith.index_cast %swap3A : i32 to index
      %swap3A_19 = arith.constant 0 : index
      %swap3A_20 = tpu.vector_load %arg7[%swap3A_18, %swap3A_19] {strides = array<i32>} : memref<16x128xf32, #tpu.memory_space<vmem>>, vector<1x16xf32>,
      %swap3A_21 = vector.shape_cast %swap3A_20 : vector<1x16xf32> to vector<16xf32>
      %swap3A_22 = vector.shape_cast %get3A_17 : vector<16xf32> to vector<1x16xf32>
      tpu.vector_store %arg7[%swap3A_18, %swap3A_19], %swap3A_22 {strides = array<i32>} : memref<16x128xf32, #tpu.memory_space<vmem>>, vector<1x16xf32>,
      %get3A_23 = arith.constant 0 : i32
      %get3A_24 = arith.constant 0 : i32
      %get3A_25 = arith.index_cast %get3A_23 : i32 to index
      %get3A_26 = arith.index_cast %get3A_24 : i32 to index
      %get3A_27 = arith.constant 16 : index
      %get3A_28 = tpu.vector_load %arg6[%get3A_25, %get3A_26, %get3A_27] {strides = array<i32>} : memref<16x8x128xf32, #tpu.memory_space<vmem>>, vector<1x1x16xf32>,
      %get3A_29 = vector.shape_cast %get3A_28 : vector<1x1x16xf32> to vector<16xf32>
      %swap3A_30 = arith.constant 0 : i32
      %swap3A_31 = arith.index_cast %swap3A_30 : i32 to index
      %swap3A_32 = arith.constant 16 : index
      %swap3A_33 = tpu.vector_load %arg7[%swap3A_31, %swap3A_32] {strides = array<i32>} : memref<16x128xf32, #tpu.memory_space<vmem>>, vector<1x16xf32>,
      %swap3A_34 = vector.shape_cast %swap3A_33 : vector<1x16xf32> to vector<16xf32>
      %swap3A_35 = vector.shape_cast %get3A_29 : vector<16xf32> to vector<1x16xf32>
      tpu.vector_store %arg7[%swap3A_31, %swap3A_32], %swap3A_35 {strides = array<i32>} : memref<16x128xf32, #tpu.memory_space<vmem>>, vector<1x16xf32>,
      %get3A_36 = arith.constant 0 : i32
      %get3A_37 = arith.constant 0 : i32
      %get3A_38 = arith.index_cast %get3A_36 : i32 to index
      %get3A_39 = arith.index_cast %get3A_37 : i32 to index
      %get3A_40 = arith.constant 32 : index
      %get3A_41 = tpu.vector_load %arg6[%get3A_38, %get3A_39, %get3A_40] {strides = array<i32>} : memref<16x8x128xf32, #tpu.memory_space<vmem>>, vector<1x1x16xf32>,
      %get3A_42 = vector.shape_cast %get3A_41 : vector<1x1x16xf32> to vector<16xf32>
      %swap3A_43 = arith.constant 0 : i32
      %swap3A_44 = arith.index_cast %swap3A_43 : i32 to index
      %swap3A_45 = arith.constant 32 : index
      %swap3A_46 = tpu.vector_load %arg7[%swap3A_44, %swap3A_45] {strides = array<i32>} : memref<16x128xf32, #tpu.memory_space<vmem>>, vector<1x16xf32>,
      %swap3A_47 = vector.shape_cast %swap3A_46 : vector<1x16xf32> to vector<16xf32>
      %swap3A_48 = vector.shape_cast %get3A_42 : vector<16xf32> to vector<1x16xf32>
      tpu.vector_store %arg7[%swap3A_44, %swap3A_45], %swap3A_48 {strides = array<i32>} : memref<16x128xf32, #tpu.memory_space<vmem>>, vector<1x16xf32>,
      %get3A_49 = arith.constant 0 : i32
      %get3A_50 = arith.constant 0 : i32
      %get3A_51 = arith.index_cast %get3A_49 : i32 to index
      %get3A_52 = arith.index_cast %get3A_50 : i32 to index
      %get3A_53 = arith.constant 48 : index
      %get3A_54 = tpu.vector_load %arg6[%get3A_51, %get3A_52, %get3A_53] {strides = array<i32>} : memref<16x8x128xf32, #tpu.memory_space<vmem>>, vector<1x1x16xf32>,
      %get3A_55 = vector.shape_cast %get3A_54 : vector<1x1x16xf32> to vector<16xf32>
      %swap3A_56 = arith.constant 0 : i32
      %swap3A_57 = arith.index_cast %swap3A_56 : i32 to index
      %swap3A_58 = arith.constant 48 : index
      %swap3A_59 = tpu.vector_load %arg7[%swap3A_57, %swap3A_58] {strides = array<i32>} : memref<16x128xf32, #tpu.memory_space<vmem>>, vector<1x16xf32>,
      %swap3A_60 = vector.shape_cast %swap3A_59 : vector<1x16xf32> to vector<16xf32>
      %swap3A_61 = vector.shape_cast %get3A_55 : vector<16xf32> to vector<1x16xf32>
      tpu.vector_store %arg7[%swap3A_57, %swap3A_58], %swap3A_61 {strides = array<i32>} : memref<16x128xf32, #tpu.memory_space<vmem>>, vector<1x16xf32>,
      %get3A_62 = arith.constant 0 : i32
      %get3A_63 = arith.constant 0 : i32
      %get3A_64 = arith.index_cast %get3A_62 : i32 to index
      %get3A_65 = arith.index_cast %get3A_63 : i32 to index
      %get3A_66 = arith.constant 64 : index
      %get3A_67 = tpu.vector_load %arg6[%get3A_64, %get3A_65, %get3A_66] {strides = array<i32>} : memref<16x8x128xf32, #tpu.memory_space<vmem>>, vector<1x1x16xf32>,
      %get3A_68 = vector.shape_cast %get3A_67 : vector<1x1x16xf32> to vector<16xf32>
      %swap3A_69 = arith.constant 0 : i32
      %swap3A_70 = arith.index_cast %swap3A_69 : i32 to index
      %swap3A_71 = arith.constant 64 : index
      %swap3A_72 = tpu.vector_load %arg7[%swap3A_70, %swap3A_71] {strides = array<i32>} : memref<16x128xf32, #tpu.memory_space<vmem>>, vector<1x16xf32>,
      %swap3A_73 = vector.shape_cast %swap3A_72 : vector<1x16xf32> to vector<16xf32>
      %swap3A_74 = vector.shape_cast %get3A_68 : vector<16xf32> to vector<1x16xf32>
      tpu.vector_store %arg7[%swap3A_70, %swap3A_71], %swap3A_74 {strides = array<i32>} : memref<16x128xf32, #tpu.memory_space<vmem>>, vector<1x16xf32>,
      %get3A_75 = arith.constant 0 : i32
      %get3A_76 = arith.constant 0 : i32
      %get3A_77 = arith.index_cast %get3A_75 : i32 to index
      %get3A_78 = arith.index_cast %get3A_76 : i32 to index
      %get3A_79 = arith.constant 80 : index
      %get3A_80 = tpu.vector_load %arg6[%get3A_77, %get3A_78, %get3A_79] {strides = array<i32>} : memref<16x8x128xf32, #tpu.memory_space<vmem>>, vector<1x1x16xf32>,
      %get3A_81 = vector.shape_cast %get3A_80 : vector<1x1x16xf32> to vector<16xf32>
      %swap3A_82 = arith.constant 0 : i32
      %swap3A_83 = arith.index_cast %swap3A_82 : i32 to index
      %swap3A_84 = arith.constant 80 : index
      %swap3A_85 = tpu.vector_load %arg7[%swap3A_83, %swap3A_84] {strides = array<i32>} : memref<16x128xf32, #tpu.memory_space<vmem>>, vector<1x16xf32>,
      %swap3A_86 = vector.shape_cast %swap3A_85 : vector<1x16xf32> to vector<16xf32>
      %swap3A_87 = vector.shape_cast %get3A_81 : vector<16xf32> to vector<1x16xf32>
      tpu.vector_store %arg7[%swap3A_83, %swap3A_84], %swap3A_87 {strides = array<i32>} : memref<16x128xf32, #tpu.memory_space<vmem>>, vector<1x16xf32>,
      %get3A_88 = arith.constant 0 : i32
      %get3A_89 = arith.constant 0 : i32
      %get3A_90 = arith.index_cast %get3A_88 : i32 to index
      %get3A_91 = arith.index_cast %get3A_89 : i32 to index
      %get3A_92 = arith.constant 96 : index
      %get3A_93 = tpu.vector_load %arg6[%get3A_90, %get3A_91, %get3A_92] {strides = array<i32>} : memref<16x8x128xf32, #tpu.memory_space<vmem>>, vector<1x1x16xf32>,
      %get3A_94 = vector.shape_cast %get3A_93 : vector<1x1x16xf32> to vector<16xf32>
      %swap3A_95 = arith.constant 0 : i32
      %swap3A_96 = arith.index_cast %swap3A_95 : i32 to index
      %swap3A_97 = arith.constant 96 : index
      %swap3A_98 = tpu.vector_load %arg7[%swap3A_96, %swap3A_97] {strides = array<i32>} : memref<16x128xf32, #tpu.memory_space<vmem>>, vector<1x16xf32>,
      %swap3A_99 = vector.shape_cast %swap3A_98 : vector<1x16xf32> to vector<16xf32>
      %swap3A_100 = vector.shape_cast %get3A_94 : vector<16xf32> to vector<1x16xf32>
      tpu.vector_store %arg7[%swap3A_96, %swap3A_97], %swap3A_100 {strides = array<i32>} : memref<16x128xf32, #tpu.memory_space<vmem>>, vector<1x16xf32>,
      %get3A_101 = arith.constant 0 : i32
      %get3A_102 = arith.constant 0 : i32
      %get3A_103 = arith.index_cast %get3A_101 : i32 to index
      %get3A_104 = arith.index_cast %get3A_102 : i32 to index
      %get3A_105 = arith.constant 112 : index
      %get3A_106 = tpu.vector_load %arg6[%get3A_103, %get3A_104, %get3A_105] {strides = array<i32>} : memref<16x8x128xf32, #tpu.memory_space<vmem>>, vector<1x1x16xf32>,
      %get3A_107 = vector.shape_cast %get3A_106 : vector<1x1x16xf32> to vector<16xf32>
      %swap3A_108 = arith.constant 0 : i32
      %swap3A_109 = arith.index_cast %swap3A_108 : i32 to index
      %swap3A_110 = arith.constant 112 : index
      %swap3A_111 = tpu.vector_load %arg7[%swap3A_109, %swap3A_110] {strides = array<i32>} : memref<16x128xf32, #tpu.memory_space<vmem>>, vector<1x16xf32>,
      %swap3A_112 = vector.shape_cast %swap3A_111 : vector<1x16xf32> to vector<16xf32>
      %swap3A_113 = vector.shape_cast %get3A_107 : vector<16xf32> to vector<1x16xf32>
      tpu.vector_store %arg7[%swap3A_109, %swap3A_110], %swap3A_113 {strides = array<i32>} : memref<16x128xf32, #tpu.memory_space<vmem>>, vector<1x16xf32>,
      %slice3A_114 = vector.extract_strided_slice %get3A_6 {offsets = [1], sizes = [1], strides = [1]} : vector<16xi32> to vector<1xi32>
      %squeeze3A_115 = vector.extract %slice3A_114[0] : i32 from vector<1xi32>
      %and3A_116 = arith.constant -128 : i32
      %and3A_117 = arith.andi %squeeze3A_115, %and3A_116 : i32
      %multiple_of3A_118 = tpu.assume_multiple %and3A_117, 128 : i32
      %add3A_119 = arith.constant 0 : i32
      %add3A_120 = arith.addi %mul3A_4, %add3A_119 : i32
      %multiple_of3A_121 = tpu.assume_multiple %add3A_120, 8 : i32
      %run_scoped3A_122 = arith.constant 1 : i32
      "tpu.region"() ({
        %run_scoped3A_1810 = tpu.sem_alloc : memref<!tpu.dma_semaphore, #tpu.memory_space<semaphore_mem>>
        %dma_start3A = arith.constant 0 : i32
        %dma_start3A_1811 = arith.constant 0 : i32
        %dma_start3A_1812 = tpu.memref_slice %arg6[%run_scoped3A_122, %dma_start3A, %dma_start3A_1811] : memref<16x8x128xf32, #tpu.memory_space<vmem>> -> memref<1x8x128xf32, #tpu.memory_space<vmem>>
        %dma_start3A_1813 = tpu.memref_squeeze %dma_start3A_1812 : memref<1x8x128xf32, #tpu.memory_space<vmem>> -> memref<8x128xf32, #tpu.memory_space<vmem>>
        %dma_start3A_1814 = tpu.memref_slice %arg2[%multiple_of3A_121, %multiple_of3A_118] : memref<64x1000000xf32, #tpu.memory_space<hbm>> -> memref<8x128xf32, #tpu.memory_space<hbm>>
        %dma_start3A_1815 = arith.constant 0 : i32
        %dma_start3A_1816 = arith.constant 0 : i32
        %dma_start3A_1817 = tpu.memref_slice %arg6[%run_scoped3A_122, %dma_start3A_1815, %dma_start3A_1816] : memref<16x8x128xf32, #tpu.memory_space<vmem>> -> memref<1x8x128xf32, #tpu.memory_space<vmem>>
        %dma_start3A_1818 = tpu.memref_squeeze %dma_start3A_1817 : memref<1x8x128xf32, #tpu.memory_space<vmem>> -> memref<8x128xf32, #tpu.memory_space<vmem>>
        %dma_start3A_1819 = tpu.memref_slice %arg2[%multiple_of3A_121, %multiple_of3A_118] : memref<64x1000000xf32, #tpu.memory_space<hbm>> -> memref<8x128xf32, #tpu.memory_space<hbm>>
        tpu.enqueue_dma source(%dma_start3A_1819 : memref<8x128xf32, #tpu.memory_space<hbm>>) target(%dma_start3A_1818 : memref<8x128xf32, #tpu.memory_space<vmem>>) target_semaphore(%run_scoped3A_1810 : memref<!tpu.dma_semaphore, #tpu.memory_space<semaphore_mem>>)
        %dma_wait3A = arith.constant 0 : i32
        %dma_wait3A_1820 = arith.constant 0 : i32
        %dma_wait3A_1821 = tpu.memref_slice %arg6[%run_scoped3A_122, %dma_wait3A, %dma_wait3A_1820] : memref<16x8x128xf32, #tpu.memory_space<vmem>> -> memref<1x8x128xf32, #tpu.memory_space<vmem>>
        %dma_wait3A_1822 = tpu.memref_squeeze %dma_wait3A_1821 : memref<1x8x128xf32, #tpu.memory_space<vmem>> -> memref<8x128xf32, #tpu.memory_space<vmem>>
        %dma_wait3A_1823 = tpu.memref_slice %arg2[%multiple_of3A_121, %multiple_of3A_118] : memref<64x1000000xf32, #tpu.memory_space<hbm>> -> memref<8x128xf32, #tpu.memory_space<hbm>>
        %dma_wait3A_1824 = arith.constant 0 : i32
        %dma_wait3A_1825 = arith.constant 0 : i32
        %dma_wait3A_1826 = tpu.memref_slice %arg6[%run_scoped3A_122, %dma_wait3A_1824, %dma_wait3A_1825] : memref<16x8x128xf32, #tpu.memory_space<vmem>> -> memref<1x8x128xf32, #tpu.memory_space<vmem>>
        %dma_wait3A_1827 = tpu.memref_squeeze %dma_wait3A_1826 : memref<1x8x128xf32, #tpu.memory_space<vmem>> -> memref<8x128xf32, #tpu.memory_space<vmem>>
        %dma_wait3A_1828 = tpu.memref_slice %arg2[%multiple_of3A_121, %multiple_of3A_118] : memref<64x1000000xf32, #tpu.memory_space<hbm>> -> memref<8x128xf32, #tpu.memory_space<hbm>>
        tpu.wait_dma2 semaphore(%run_scoped3A_1810 : memref<!tpu.dma_semaphore, #tpu.memory_space<semaphore_mem>>) src(%dma_wait3A_1828 : memref<8x128xf32, #tpu.memory_space<hbm>>) dst(%dma_wait3A_1827 : memref<8x128xf32, #tpu.memory_space<vmem>>)
        tpu.yield
      }) : () -> ()
      %get3A_123 = arith.constant 1 : i32
      %get3A_124 = arith.constant 1 : i32
      %get3A_125 = arith.index_cast %get3A_123 : i32 to index
      %get3A_126 = arith.index_cast %get3A_124 : i32 to index
      %get3A_127 = arith.constant 0 : index
      %get3A_128 = tpu.vector_load %arg6[%get3A_125, %get3A_126, %get3A_127] {strides = array<i32>} : memref<16x8x128xf32, #tpu.memory_space<vmem>>, vector<1x1x16xf32>,
      %get3A_129 = vector.shape_cast %get3A_128 : vector<1x1x16xf32> to vector<16xf32>
      %swap3A_130 = arith.constant 1 : i32
      %swap3A_131 = arith.index_cast %swap3A_130 : i32 to index
      %swap3A_132 = arith.constant 0 : index
      %swap3A_133 = tpu.vector_load %arg7[%swap3A_131, %swap3A_132] {strides = array<i32>} : memref<16x128xf32, #tpu.memory_space<vmem>>, vector<1x16xf32>,
      %swap3A_134 = vector.shape_cast %swap3A_133 : vector<1x16xf32> to vector<16xf32>
      %swap3A_135 = vector.shape_cast %get3A_129 : vector<16xf32> to vector<1x16xf32>
      tpu.vector_store %arg7[%swap3A_131, %swap3A_132], %swap3A_135 {strides = array<i32>} : memref<16x128xf32, #tpu.memory_space<vmem>>, vector<1x16xf32>,
      %get3A_136 = arith.constant 1 : i32
      %get3A_137 = arith.constant 1 : i32
      %get3A_138 = arith.index_cast %get3A_136 : i32 to index
      %get3A_139 = arith.index_cast %get3A_137 : i32 to index
      %get3A_140 = arith.constant 16 : index
      %get3A_141 = tpu.vector_load %arg6[%get3A_138, %get3A_139, %get3A_140] {strides = array<i32>} : memref<16x8x128xf32, #tpu.memory_space<vmem>>, vector<1x1x16xf32>,
      %get3A_142 = vector.shape_cast %get3A_141 : vector<1x1x16xf32> to vector<16xf32>
      %swap3A_143 = arith.constant 1 : i32
      %swap3A_144 = arith.index_cast %swap3A_143 : i32 to index
      %swap3A_145 = arith.constant 16 : index
      %swap3A_146 = tpu.vector_load %arg7[%swap3A_144, %swap3A_145] {strides = array<i32>} : memref<16x128xf32, #tpu.memory_space<vmem>>, vector<1x16xf32>,
      %swap3A_147 = vector.shape_cast %swap3A_146 : vector<1x16xf32> to vector<16xf32>
      %swap3A_148 = vector.shape_cast %get3A_142 : vector<16xf32> to vector<1x16xf32>
      tpu.vector_store %arg7[%swap3A_144, %swap3A_145], %swap3A_148 {strides = array<i32>} : memref<16x128xf32, #tpu.memory_space<vmem>>, vector<1x16xf32>,
      %get3A_149 = arith.constant 1 : i32
      %get3A_150 = arith.constant 1 : i32
      %get3A_151 = arith.index_cast %get3A_149 : i32 to index
      %get3A_152 = arith.index_cast %get3A_150 : i32 to index
      %get3A_153 = arith.constant 32 : index
      %get3A_154 = tpu.vector_load %arg6[%get3A_151, %get3A_152, %get3A_153] {strides = array<i32>} : memref<16x8x128xf32, #tpu.memory_space<vmem>>, vector<1x1x16xf32>,
      %get3A_155 = vector.shape_cast %get3A_154 : vector<1x1x16xf32> to vector<16xf32>
      %swap3A_156 = arith.constant 1 : i32
      %swap3A_157 = arith.index_cast %swap3A_156 : i32 to index
      %swap3A_158 = arith.constant 32 : index
      %swap3A_159 = tpu.vector_load %arg7[%swap3A_157, %swap3A_158] {strides = array<i32>} : memref<16x128xf32, #tpu.memory_space<vmem>>, vector<1x16xf32>,
      %swap3A_160 = vector.shape_cast %swap3A_159 : vector<1x16xf32> to vector<16xf32>
      %swap3A_161 = vector.shape_cast %get3A_155 : vector<16xf32> to vector<1x16xf32>
      tpu.vector_store %arg7[%swap3A_157, %swap3A_158], %swap3A_161 {strides = array<i32>} : memref<16x128xf32, #tpu.memory_space<vmem>>, vector<1x16xf32>,
      %get3A_162 = arith.constant 1 : i32
      %get3A_163 = arith.constant 1 : i32
      %get3A_164 = arith.index_cast %get3A_162 : i32 to index
      %get3A_165 = arith.index_cast %get3A_163 : i32 to index
      %get3A_166 = arith.constant 48 : index
      %get3A_167 = tpu.vector_load %arg6[%get3A_164, %get3A_165, %get3A_166] {strides = array<i32>} : memref<16x8x128xf32, #tpu.memory_space<vmem>>, vector<1x1x16xf32>,
      %get3A_168 = vector.shape_cast %get3A_167 : vector<1x1x16xf32> to vector<16xf32>
      %swap3A_169 = arith.constant 1 : i32
      %swap3A_170 = arith.index_cast %swap3A_169 : i32 to index
      %swap3A_171 = arith.constant 48 : index
      %swap3A_172 = tpu.vector_load %arg7[%swap3A_170, %swap3A_171] {strides = array<i32>} : memref<16x128xf32, #tpu.memory_space<vmem>>, vector<1x16xf32>,
      %swap3A_173 = vector.shape_cast %swap3A_172 : vector<1x16xf32> to vector<16xf32>
      %swap3A_174 = vector.shape_cast %get3A_168 : vector<16xf32> to vector<1x16xf32>
      tpu.vector_store %arg7[%swap3A_170, %swap3A_171], %swap3A_174 {strides = array<i32>} : memref<16x128xf32, #tpu.memory_space<vmem>>, vector<1x16xf32>,
      %get3A_175 = arith.constant 1 : i32
      %get3A_176 = arith.constant 1 : i32
      %get3A_177 = arith.index_cast %get3A_175 : i32 to index
      %get3A_178 = arith.index_cast %get3A_176 : i32 to index
      %get3A_179 = arith.constant 64 : index
      %get3A_180 = tpu.vector_load %arg6[%get3A_177, %get3A_178, %get3A_179] {strides = array<i32>} : memref<16x8x128xf32, #tpu.memory_space<vmem>>, vector<1x1x16xf32>,
      %get3A_181 = vector.shape_cast %get3A_180 : vector<1x1x16xf32> to vector<16xf32>
      %swap3A_182 = arith.constant 1 : i32
      %swap3A_183 = arith.index_cast %swap3A_182 : i32 to index
      %swap3A_184 = arith.constant 64 : index
      %swap3A_185 = tpu.vector_load %arg7[%swap3A_183, %swap3A_184] {strides = array<i32>} : memref<16x128xf32, #tpu.memory_space<vmem>>, vector<1x16xf32>,
      %swap3A_186 = vector.shape_cast %swap3A_185 : vector<1x16xf32> to vector<16xf32>
      %swap3A_187 = vector.shape_cast %get3A_181 : vector<16xf32> to vector<1x16xf32>
      tpu.vector_store %arg7[%swap3A_183, %swap3A_184], %swap3A_187 {strides = array<i32>} : memref<16x128xf32, #tpu.memory_space<vmem>>, vector<1x16xf32>,
      %get3A_188 = arith.constant 1 : i32
      %get3A_189 = arith.constant 1 : i32
      %get3A_190 = arith.index_cast %get3A_188 : i32 to index
      %get3A_191 = arith.index_cast %get3A_189 : i32 to index
      %get3A_192 = arith.constant 80 : index
      %get3A_193 = tpu.vector_load %arg6[%get3A_190, %get3A_191, %get3A_192] {strides = array<i32>} : memref<16x8x128xf32, #tpu.memory_space<vmem>>, vector<1x1x16xf32>,
      %get3A_194 = vector.shape_cast %get3A_193 : vector<1x1x16xf32> to vector<16xf32>
      %swap3A_195 = arith.constant 1 : i32
      %swap3A_196 = arith.index_cast %swap3A_195 : i32 to index
      %swap3A_197 = arith.constant 80 : index
      %swap3A_198 = tpu.vector_load %arg7[%swap3A_196, %swap3A_197] {strides = array<i32>} : memref<16x128xf32, #tpu.memory_space<vmem>>, vector<1x16xf32>,
      %swap3A_199 = vector.shape_cast %swap3A_198 : vector<1x16xf32> to vector<16xf32>
      %swap3A_200 = vector.shape_cast %get3A_194 : vector<16xf32> to vector<1x16xf32>
      tpu.vector_store %arg7[%swap3A_196, %swap3A_197], %swap3A_200 {strides = array<i32>} : memref<16x128xf32, #tpu.memory_space<vmem>>, vector<1x16xf32>,
      %get3A_201 = arith.constant 1 : i32
      %get3A_202 = arith.constant 1 : i32
      %get3A_203 = arith.index_cast %get3A_201 : i32 to index
      %get3A_204 = arith.index_cast %get3A_202 : i32 to index
      %get3A_205 = arith.constant 96 : index
      %get3A_206 = tpu.vector_load %arg6[%get3A_203, %get3A_204, %get3A_205] {strides = array<i32>} : memref<16x8x128xf32, #tpu.memory_space<vmem>>, vector<1x1x16xf32>,
      %get3A_207 = vector.shape_cast %get3A_206 : vector<1x1x16xf32> to vector<16xf32>
      %swap3A_208 = arith.constant 1 : i32
      %swap3A_209 = arith.index_cast %swap3A_208 : i32 to index
      %swap3A_210 = arith.constant 96 : index
      %swap3A_211 = tpu.vector_load %arg7[%swap3A_209, %swap3A_210] {strides = array<i32>} : memref<16x128xf32, #tpu.memory_space<vmem>>, vector<1x16xf32>,
      %swap3A_212 = vector.shape_cast %swap3A_211 : vector<1x16xf32> to vector<16xf32>
      %swap3A_213 = vector.shape_cast %get3A_207 : vector<16xf32> to vector<1x16xf32>
      tpu.vector_store %arg7[%swap3A_209, %swap3A_210], %swap3A_213 {strides = array<i32>} : memref<16x128xf32, #tpu.memory_space<vmem>>, vector<1x16xf32>,
      %get3A_214 = arith.constant 1 : i32
      %get3A_215 = arith.constant 1 : i32
      %get3A_216 = arith.index_cast %get3A_214 : i32 to index
      %get3A_217 = arith.index_cast %get3A_215 : i32 to index
      %get3A_218 = arith.constant 112 : index
      %get3A_219 = tpu.vector_load %arg6[%get3A_216, %get3A_217, %get3A_218] {strides = array<i32>} : memref<16x8x128xf32, #tpu.memory_space<vmem>>, vector<1x1x16xf32>,
      %get3A_220 = vector.shape_cast %get3A_219 : vector<1x1x16xf32> to vector<16xf32>
      %swap3A_221 = arith.constant 1 : i32
      %swap3A_222 = arith.index_cast %swap3A_221 : i32 to index
      %swap3A_223 = arith.constant 112 : index
      %swap3A_224 = tpu.vector_load %arg7[%swap3A_222, %swap3A_223] {strides = array<i32>} : memref<16x128xf32, #tpu.memory_space<vmem>>, vector<1x16xf32>,
      %swap3A_225 = vector.shape_cast %swap3A_224 : vector<1x16xf32> to vector<16xf32>
      %swap3A_226 = vector.shape_cast %get3A_220 : vector<16xf32> to vector<1x16xf32>
      tpu.vector_store %arg7[%swap3A_222, %swap3A_223], %swap3A_226 {strides = array<i32>} : memref<16x128xf32, #tpu.memory_space<vmem>>, vector<1x16xf32>,
      %slice3A_227 = vector.extract_strided_slice %get3A_6 {offsets = [2], sizes = [1], strides = [1]} : vector<16xi32> to vector<1xi32>
      %squeeze3A_228 = vector.extract %slice3A_227[0] : i32 from vector<1xi32>
      %and3A_229 = arith.constant -128 : i32
      %and3A_230 = arith.andi %squeeze3A_228, %and3A_229 : i32
      %multiple_of3A_231 = tpu.assume_multiple %and3A_230, 128 : i32
      %add3A_232 = arith.constant 0 : i32
      %add3A_233 = arith.addi %mul3A_4, %add3A_232 : i32
      %multiple_of3A_234 = tpu.assume_multiple %add3A_233, 8 : i32
      %run_scoped3A_235 = arith.constant 2 : i32
      "tpu.region"() ({
        %run_scoped3A_1810 = tpu.sem_alloc : memref<!tpu.dma_semaphore, #tpu.memory_space<semaphore_mem>>
        %dma_start3A = arith.constant 0 : i32
        %dma_start3A_1811 = arith.constant 0 : i32
        %dma_start3A_1812 = tpu.memref_slice %arg6[%run_scoped3A_235, %dma_start3A, %dma_start3A_1811] : memref<16x8x128xf32, #tpu.memory_space<vmem>> -> memref<1x8x128xf32, #tpu.memory_space<vmem>>
        %dma_start3A_1813 = tpu.memref_squeeze %dma_start3A_1812 : memref<1x8x128xf32, #tpu.memory_space<vmem>> -> memref<8x128xf32, #tpu.memory_space<vmem>>
        %dma_start3A_1814 = tpu.memref_slice %arg2[%multiple_of3A_234, %multiple_of3A_231] : memref<64x1000000xf32, #tpu.memory_space<hbm>> -> memref<8x128xf32, #tpu.memory_space<hbm>>
        %dma_start3A_1815 = arith.constant 0 : i32
        %dma_start3A_1816 = arith.constant 0 : i32
        %dma_start3A_1817 = tpu.memref_slice %arg6[%run_scoped3A_235, %dma_start3A_1815, %dma_start3A_1816] : memref<16x8x128xf32, #tpu.memory_space<vmem>> -> memref<1x8x128xf32, #tpu.memory_space<vmem>>
        %dma_start3A_1818 = tpu.memref_squeeze %dma_start3A_1817 : memref<1x8x128xf32, #tpu.memory_space<vmem>> -> memref<8x128xf32, #tpu.memory_space<vmem>>
        %dma_start3A_1819 = tpu.memref_slice %arg2[%multiple_of3A_234, %multiple_of3A_231] : memref<64x1000000xf32, #tpu.memory_space<hbm>> -> memref<8x128xf32, #tpu.memory_space<hbm>>
        tpu.enqueue_dma source(%dma_start3A_1819 : memref<8x128xf32, #tpu.memory_space<hbm>>) target(%dma_start3A_1818 : memref<8x128xf32, #tpu.memory_space<vmem>>) target_semaphore(%run_scoped3A_1810 : memref<!tpu.dma_semaphore, #tpu.memory_space<semaphore_mem>>)
        %dma_wait3A = arith.constant 0 : i32
        %dma_wait3A_1820 = arith.constant 0 : i32
        %dma_wait3A_1821 = tpu.memref_slice %arg6[%run_scoped3A_235, %dma_wait3A, %dma_wait3A_1820] : memref<16x8x128xf32, #tpu.memory_space<vmem>> -> memref<1x8x128xf32, #tpu.memory_space<vmem>>
        %dma_wait3A_1822 = tpu.memref_squeeze %dma_wait3A_1821 : memref<1x8x128xf32, #tpu.memory_space<vmem>> -> memref<8x128xf32, #tpu.memory_space<vmem>>
        %dma_wait3A_1823 = tpu.memref_slice %arg2[%multiple_of3A_234, %multiple_of3A_231] : memref<64x1000000xf32, #tpu.memory_space<hbm>> -> memref<8x128xf32, #tpu.memory_space<hbm>>
        %dma_wait3A_1824 = arith.constant 0 : i32
        %dma_wait3A_1825 = arith.constant 0 : i32
        %dma_wait3A_1826 = tpu.memref_slice %arg6[%run_scoped3A_235, %dma_wait3A_1824, %dma_wait3A_1825] : memref<16x8x128xf32, #tpu.memory_space<vmem>> -> memref<1x8x128xf32, #tpu.memory_space<vmem>>
        %dma_wait3A_1827 = tpu.memref_squeeze %dma_wait3A_1826 : memref<1x8x128xf32, #tpu.memory_space<vmem>> -> memref<8x128xf32, #tpu.memory_space<vmem>>
        %dma_wait3A_1828 = tpu.memref_slice %arg2[%multiple_of3A_234, %multiple_of3A_231] : memref<64x1000000xf32, #tpu.memory_space<hbm>> -> memref<8x128xf32, #tpu.memory_space<hbm>>
        tpu.wait_dma2 semaphore(%run_scoped3A_1810 : memref<!tpu.dma_semaphore, #tpu.memory_space<semaphore_mem>>) src(%dma_wait3A_1828 : memref<8x128xf32, #tpu.memory_space<hbm>>) dst(%dma_wait3A_1827 : memref<8x128xf32, #tpu.memory_space<vmem>>)
        tpu.yield
      }) : () -> ()
      %get3A_236 = arith.constant 2 : i32
      %get3A_237 = arith.constant 2 : i32
      %get3A_238 = arith.index_cast %get3A_236 : i32 to index
      %get3A_239 = arith.index_cast %get3A_237 : i32 to index
      %get3A_240 = arith.constant 0 : index
      %get3A_241 = tpu.vector_load %arg6[%get3A_238, %get3A_239, %get3A_240] {strides = array<i32>} : memref<16x8x128xf32, #tpu.memory_space<vmem>>, vector<1x1x16xf32>,
      %get3A_242 = vector.shape_cast %get3A_241 : vector<1x1x16xf32> to vector<16xf32>
      %swap3A_243 = arith.constant 2 : i32
      %swap3A_244 = arith.index_cast %swap3A_243 : i32 to index
      %swap3A_245 = arith.constant 0 : index
      %swap3A_246 = tpu.vector_load %arg7[%swap3A_244, %swap3A_245] {strides = array<i32>} : memref<16x128xf32, #tpu.memory_space<vmem>>, vector<1x16xf32>,
      %swap3A_247 = vector.shape_cast %swap3A_246 : vector<1x16xf32> to vector<16xf32>
      %swap3A_248 = vector.shape_cast %get3A_242 : vector<16xf32> to vector<1x16xf32>
      tpu.vector_store %arg7[%swap3A_244, %swap3A_245], %swap3A_248 {strides = array<i32>} : memref<16x128xf32, #tpu.memory_space<vmem>>, vector<1x16xf32>,
      %get3A_249 = arith.constant 2 : i32
      %get3A_250 = arith.constant 2 : i32
      %get3A_251 = arith.index_cast %get3A_249 : i32 to index
      %get3A_252 = arith.index_cast %get3A_250 : i32 to index
      %get3A_253 = arith.constant 16 : index
      %get3A_254 = tpu.vector_load %arg6[%get3A_251, %get3A_252, %get3A_253] {strides = array<i32>} : memref<16x8x128xf32, #tpu.memory_space<vmem>>, vector<1x1x16xf32>,
      %get3A_255 = vector.shape_cast %get3A_254 : vector<1x1x16xf32> to vector<16xf32>
      %swap3A_256 = arith.constant 2 : i32
      %swap3A_257 = arith.index_cast %swap3A_256 : i32 to index
      %swap3A_258 = arith.constant 16 : index
      %swap3A_259 = tpu.vector_load %arg7[%swap3A_257, %swap3A_258] {strides = array<i32>} : memref<16x128xf32, #tpu.memory_space<vmem>>, vector<1x16xf32>,
      %swap3A_260 = vector.shape_cast %swap3A_259 : vector<1x16xf32> to vector<16xf32>
      %swap3A_261 = vector.shape_cast %get3A_255 : vector<16xf32> to vector<1x16xf32>
      tpu.vector_store %arg7[%swap3A_257, %swap3A_258], %swap3A_261 {strides = array<i32>} : memref<16x128xf32, #tpu.memory_space<vmem>>, vector<1x16xf32>,
      %get3A_262 = arith.constant 2 : i32
      %get3A_263 = arith.constant 2 : i32
      %get3A_264 = arith.index_cast %get3A_262 : i32 to index
      %get3A_265 = arith.index_cast %get3A_263 : i32 to index
      %get3A_266 = arith.constant 32 : index
      %get3A_267 = tpu.vector_load %arg6[%get3A_264, %get3A_265, %get3A_266] {strides = array<i32>} : memref<16x8x128xf32, #tpu.memory_space<vmem>>, vector<1x1x16xf32>,
      %get3A_268 = vector.shape_cast %get3A_267 : vector<1x1x16xf32> to vector<16xf32>
      %swap3A_269 = arith.constant 2 : i32
      %swap3A_270 = arith.index_cast %swap3A_269 : i32 to index
      %swap3A_271 = arith.constant 32 : index
      %swap3A_272 = tpu.vector_load %arg7[%swap3A_270, %swap3A_271] {strides = array<i32>} : memref<16x128xf32, #tpu.memory_space<vmem>>, vector<1x16xf32>,
      %swap3A_273 = vector.shape_cast %swap3A_272 : vector<1x16xf32> to vector<16xf32>
      %swap3A_274 = vector.shape_cast %get3A_268 : vector<16xf32> to vector<1x16xf32>
      tpu.vector_store %arg7[%swap3A_270, %swap3A_271], %swap3A_274 {strides = array<i32>} : memref<16x128xf32, #tpu.memory_space<vmem>>, vector<1x16xf32>,
      %get3A_275 = arith.constant 2 : i32
      %get3A_276 = arith.constant 2 : i32
      %get3A_277 = arith.index_cast %get3A_275 : i32 to index
      %get3A_278 = arith.index_cast %get3A_276 : i32 to index
      %get3A_279 = arith.constant 48 : index
      %get3A_280 = tpu.vector_load %arg6[%get3A_277, %get3A_278, %get3A_279] {strides = array<i32>} : memref<16x8x128xf32, #tpu.memory_space<vmem>>, vector<1x1x16xf32>,
      %get3A_281 = vector.shape_cast %get3A_280 : vector<1x1x16xf32> to vector<16xf32>
      %swap3A_282 = arith.constant 2 : i32
      %swap3A_283 = arith.index_cast %swap3A_282 : i32 to index
      %swap3A_284 = arith.constant 48 : index
      %swap3A_285 = tpu.vector_load %arg7[%swap3A_283, %swap3A_284] {strides = array<i32>} : memref<16x128xf32, #tpu.memory_space<vmem>>, vector<1x16xf32>,
      %swap3A_286 = vector.shape_cast %swap3A_285 : vector<1x16xf32> to vector<16xf32>
      %swap3A_287 = vector.shape_cast %get3A_281 : vector<16xf32> to vector<1x16xf32>
      tpu.vector_store %arg7[%swap3A_283, %swap3A_284], %swap3A_287 {strides = array<i32>} : memref<16x128xf32, #tpu.memory_space<vmem>>, vector<1x16xf32>,
      %get3A_288 = arith.constant 2 : i32
      %get3A_289 = arith.constant 2 : i32
      %get3A_290 = arith.index_cast %get3A_288 : i32 to index
      %get3A_291 = arith.index_cast %get3A_289 : i32 to index
      %get3A_292 = arith.constant 64 : index
      %get3A_293 = tpu.vector_load %arg6[%get3A_290, %get3A_291, %get3A_292] {strides = array<i32>} : memref<16x8x128xf32, #tpu.memory_space<vmem>>, vector<1x1x16xf32>,
      %get3A_294 = vector.shape_cast %get3A_293 : vector<1x1x16xf32> to vector<16xf32>
      %swap3A_295 = arith.constant 2 : i32
      %swap3A_296 = arith.index_cast %swap3A_295 : i32 to index
      %swap3A_297 = arith.constant 64 : index
      %swap3A_298 = tpu.vector_load %arg7[%swap3A_296, %swap3A_297] {strides = array<i32>} : memref<16x128xf32, #tpu.memory_space<vmem>>, vector<1x16xf32>,
      %swap3A_299 = vector.shape_cast %swap3A_298 : vector<1x16xf32> to vector<16xf32>
      %swap3A_300 = vector.shape_cast %get3A_294 : vector<16xf32> to vector<1x16xf32>
      tpu.vector_store %arg7[%swap3A_296, %swap3A_297], %swap3A_300 {strides = array<i32>} : memref<16x128xf32, #tpu.memory_space<vmem>>, vector<1x16xf32>,
      %get3A_301 = arith.constant 2 : i32
      %get3A_302 = arith.constant 2 : i32
      %get3A_303 = arith.index_cast %get3A_301 : i32 to index
      %get3A_304 = arith.index_cast %get3A_302 : i32 to index
      %get3A_305 = arith.constant 80 : index
      %get3A_306 = tpu.vector_load %arg6[%get3A_303, %get3A_304, %get3A_305] {strides = array<i32>} : memref<16x8x128xf32, #tpu.memory_space<vmem>>, vector<1x1x16xf32>,
      %get3A_307 = vector.shape_cast %get3A_306 : vector<1x1x16xf32> to vector<16xf32>
      %swap3A_308 = arith.constant 2 : i32
      %swap3A_309 = arith.index_cast %swap3A_308 : i32 to index
      %swap3A_310 = arith.constant 80 : index
      %swap3A_311 = tpu.vector_load %arg7[%swap3A_309, %swap3A_310] {strides = array<i32>} : memref<16x128xf32, #tpu.memory_space<vmem>>, vector<1x16xf32>,
      %swap3A_312 = vector.shape_cast %swap3A_311 : vector<1x16xf32> to vector<16xf32>
      %swap3A_313 = vector.shape_cast %get3A_307 : vector<16xf32> to vector<1x16xf32>
      tpu.vector_store %arg7[%swap3A_309, %swap3A_310], %swap3A_313 {strides = array<i32>} : memref<16x128xf32, #tpu.memory_space<vmem>>, vector<1x16xf32>,
      %get3A_314 = arith.constant 2 : i32
      %get3A_315 = arith.constant 2 : i32
      %get3A_316 = arith.index_cast %get3A_314 : i32 to index
      %get3A_317 = arith.index_cast %get3A_315 : i32 to index
      %get3A_318 = arith.constant 96 : index
      %get3A_319 = tpu.vector_load %arg6[%get3A_316, %get3A_317, %get3A_318] {strides = array<i32>} : memref<16x8x128xf32, #tpu.memory_space<vmem>>, vector<1x1x16xf32>,
      %get3A_320 = vector.shape_cast %get3A_319 : vector<1x1x16xf32> to vector<16xf32>
      %swap3A_321 = arith.constant 2 : i32
      %swap3A_322 = arith.index_cast %swap3A_321 : i32 to index
      %swap3A_323 = arith.constant 96 : index
      %swap3A_324 = tpu.vector_load %arg7[%swap3A_322, %swap3A_323] {strides = array<i32>} : memref<16x128xf32, #tpu.memory_space<vmem>>, vector<1x16xf32>,
      %swap3A_325 = vector.shape_cast %swap3A_324 : vector<1x16xf32> to vector<16xf32>
      %swap3A_326 = vector.shape_cast %get3A_320 : vector<16xf32> to vector<1x16xf32>
      tpu.vector_store %arg7[%swap3A_322, %swap3A_323], %swap3A_326 {strides = array<i32>} : memref<16x128xf32, #tpu.memory_space<vmem>>, vector<1x16xf32>,
      %get3A_327 = arith.constant 2 : i32
      %get3A_328 = arith.constant 2 : i32
      %get3A_329 = arith.index_cast %get3A_327 : i32 to index
      %get3A_330 = arith.index_cast %get3A_328 : i32 to index
      %get3A_331 = arith.constant 112 : index
      %get3A_332 = tpu.vector_load %arg6[%get3A_329, %get3A_330, %get3A_331] {strides = array<i32>} : memref<16x8x128xf32, #tpu.memory_space<vmem>>, vector<1x1x16xf32>,
      %get3A_333 = vector.shape_cast %get3A_332 : vector<1x1x16xf32> to vector<16xf32>
      %swap3A_334 = arith.constant 2 : i32
      %swap3A_335 = arith.index_cast %swap3A_334 : i32 to index
      %swap3A_336 = arith.constant 112 : index
      %swap3A_337 = tpu.vector_load %arg7[%swap3A_335, %swap3A_336] {strides = array<i32>} : memref<16x128xf32, #tpu.memory_space<vmem>>, vector<1x16xf32>,
      %swap3A_338 = vector.shape_cast %swap3A_337 : vector<1x16xf32> to vector<16xf32>
      %swap3A_339 = vector.shape_cast %get3A_333 : vector<16xf32> to vector<1x16xf32>
      tpu.vector_store %arg7[%swap3A_335, %swap3A_336], %swap3A_339 {strides = array<i32>} : memref<16x128xf32, #tpu.memory_space<vmem>>, vector<1x16xf32>,
      %slice3A_340 = vector.extract_strided_slice %get3A_6 {offsets = [3], sizes = [1], strides = [1]} : vector<16xi32> to vector<1xi32>
      %squeeze3A_341 = vector.extract %slice3A_340[0] : i32 from vector<1xi32>
      %and3A_342 = arith.constant -128 : i32
      %and3A_343 = arith.andi %squeeze3A_341, %and3A_342 : i32
      %multiple_of3A_344 = tpu.assume_multiple %and3A_343, 128 : i32
      %add3A_345 = arith.constant 0 : i32
      %add3A_346 = arith.addi %mul3A_4, %add3A_345 : i32
      %multiple_of3A_347 = tpu.assume_multiple %add3A_346, 8 : i32
      %run_scoped3A_348 = arith.constant 3 : i32
      "tpu.region"() ({
        %run_scoped3A_1810 = tpu.sem_alloc : memref<!tpu.dma_semaphore, #tpu.memory_space<semaphore_mem>>
        %dma_start3A = arith.constant 0 : i32
        %dma_start3A_1811 = arith.constant 0 : i32
        %dma_start3A_1812 = tpu.memref_slice %arg6[%run_scoped3A_348, %dma_start3A, %dma_start3A_1811] : memref<16x8x128xf32, #tpu.memory_space<vmem>> -> memref<1x8x128xf32, #tpu.memory_space<vmem>>
        %dma_start3A_1813 = tpu.memref_squeeze %dma_start3A_1812 : memref<1x8x128xf32, #tpu.memory_space<vmem>> -> memref<8x128xf32, #tpu.memory_space<vmem>>
        %dma_start3A_1814 = tpu.memref_slice %arg2[%multiple_of3A_347, %multiple_of3A_344] : memref<64x1000000xf32, #tpu.memory_space<hbm>> -> memref<8x128xf32, #tpu.memory_space<hbm>>
        %dma_start3A_1815 = arith.constant 0 : i32
        %dma_start3A_1816 = arith.constant 0 : i32
        %dma_start3A_1817 = tpu.memref_slice %arg6[%run_scoped3A_348, %dma_start3A_1815, %dma_start3A_1816] : memref<16x8x128xf32, #tpu.memory_space<vmem>> -> memref<1x8x128xf32, #tpu.memory_space<vmem>>
        %dma_start3A_1818 = tpu.memref_squeeze %dma_start3A_1817 : memref<1x8x128xf32, #tpu.memory_space<vmem>> -> memref<8x128xf32, #tpu.memory_space<vmem>>
        %dma_start3A_1819 = tpu.memref_slice %arg2[%multiple_of3A_347, %multiple_of3A_344] : memref<64x1000000xf32, #tpu.memory_space<hbm>> -> memref<8x128xf32, #tpu.memory_space<hbm>>
        tpu.enqueue_dma source(%dma_start3A_1819 : memref<8x128xf32, #tpu.memory_space<hbm>>) target(%dma_start3A_1818 : memref<8x128xf32, #tpu.memory_space<vmem>>) target_semaphore(%run_scoped3A_1810 : memref<!tpu.dma_semaphore, #tpu.memory_space<semaphore_mem>>)
        %dma_wait3A = arith.constant 0 : i32
        %dma_wait3A_1820 = arith.constant 0 : i32
        %dma_wait3A_1821 = tpu.memref_slice %arg6[%run_scoped3A_348, %dma_wait3A, %dma_wait3A_1820] : memref<16x8x128xf32, #tpu.memory_space<vmem>> -> memref<1x8x128xf32, #tpu.memory_space<vmem>>
        %dma_wait3A_1822 = tpu.memref_squeeze %dma_wait3A_1821 : memref<1x8x128xf32, #tpu.memory_space<vmem>> -> memref<8x128xf32, #tpu.memory_space<vmem>>
        %dma_wait3A_1823 = tpu.memref_slice %arg2[%multiple_of3A_347, %multiple_of3A_344] : memref<64x1000000xf32, #tpu.memory_space<hbm>> -> memref<8x128xf32, #tpu.memory_space<hbm>>
        %dma_wait3A_1824 = arith.constant 0 : i32
        %dma_wait3A_1825 = arith.constant 0 : i32
        %dma_wait3A_1826 = tpu.memref_slice %arg6[%run_scoped3A_348, %dma_wait3A_1824, %dma_wait3A_1825] : memref<16x8x128xf32, #tpu.memory_space<vmem>> -> memref<1x8x128xf32, #tpu.memory_space<vmem>>
        %dma_wait3A_1827 = tpu.memref_squeeze %dma_wait3A_1826 : memref<1x8x128xf32, #tpu.memory_space<vmem>> -> memref<8x128xf32, #tpu.memory_space<vmem>>
        %dma_wait3A_1828 = tpu.memref_slice %arg2[%multiple_of3A_347, %multiple_of3A_344] : memref<64x1000000xf32, #tpu.memory_space<hbm>> -> memref<8x128xf32, #tpu.memory_space<hbm>>
        tpu.wait_dma2 semaphore(%run_scoped3A_1810 : memref<!tpu.dma_semaphore, #tpu.memory_space<semaphore_mem>>) src(%dma_wait3A_1828 : memref<8x128xf32, #tpu.memory_space<hbm>>) dst(%dma_wait3A_1827 : memref<8x128xf32, #tpu.memory_space<vmem>>)
        tpu.yield
      }) : () -> ()
      %get3A_349 = arith.constant 3 : i32
      %get3A_350 = arith.constant 3 : i32
      %get3A_351 = arith.index_cast %get3A_349 : i32 to index
      %get3A_352 = arith.index_cast %get3A_350 : i32 to index
      %get3A_353 = arith.constant 0 : index
      %get3A_354 = tpu.vector_load %arg6[%get3A_351, %get3A_352, %get3A_353] {strides = array<i32>} : memref<16x8x128xf32, #tpu.memory_space<vmem>>, vector<1x1x16xf32>,
      %get3A_355 = vector.shape_cast %get3A_354 : vector<1x1x16xf32> to vector<16xf32>
      %swap3A_356 = arith.constant 3 : i32
      %swap3A_357 = arith.index_cast %swap3A_356 : i32 to index
      %swap3A_358 = arith.constant 0 : index
      %swap3A_359 = tpu.vector_load %arg7[%swap3A_357, %swap3A_358] {strides = array<i32>} : memref<16x128xf32, #tpu.memory_space<vmem>>, vector<1x16xf32>,
      %swap3A_360 = vector.shape_cast %swap3A_359 : vector<1x16xf32> to vector<16xf32>
      %swap3A_361 = vector.shape_cast %get3A_355 : vector<16xf32> to vector<1x16xf32>
      tpu.vector_store %arg7[%swap3A_357, %swap3A_358], %swap3A_361 {strides = array<i32>} : memref<16x128xf32, #tpu.memory_space<vmem>>, vector<1x16xf32>,
      %get3A_362 = arith.constant 3 : i32
      %get3A_363 = arith.constant 3 : i32
      %get3A_364 = arith.index_cast %get3A_362 : i32 to index
      %get3A_365 = arith.index_cast %get3A_363 : i32 to index
      %get3A_366 = arith.constant 16 : index
      %get3A_367 = tpu.vector_load %arg6[%get3A_364, %get3A_365, %get3A_366] {strides = array<i32>} : memref<16x8x128xf32, #tpu.memory_space<vmem>>, vector<1x1x16xf32>,
      %get3A_368 = vector.shape_cast %get3A_367 : vector<1x1x16xf32> to vector<16xf32>
      %swap3A_369 = arith.constant 3 : i32
      %swap3A_370 = arith.index_cast %swap3A_369 : i32 to index
      %swap3A_371 = arith.constant 16 : index
      %swap3A_372 = tpu.vector_load %arg7[%swap3A_370, %swap3A_371] {strides = array<i32>} : memref<16x128xf32, #tpu.memory_space<vmem>>, vector<1x16xf32>,
      %swap3A_373 = vector.shape_cast %swap3A_372 : vector<1x16xf32> to vector<16xf32>
      %swap3A_374 = vector.shape_cast %get3A_368 : vector<16xf32> to vector<1x16xf32>
      tpu.vector_store %arg7[%swap3A_370, %swap3A_371], %swap3A_374 {strides = array<i32>} : memref<16x128xf32, #tpu.memory_space<vmem>>, vector<1x16xf32>,
      %get3A_375 = arith.constant 3 : i32
      %get3A_376 = arith.constant 3 : i32
      %get3A_377 = arith.index_cast %get3A_375 : i32 to index
      %get3A_378 = arith.index_cast %get3A_376 : i32 to index
      %get3A_379 = arith.constant 32 : index
      %get3A_380 = tpu.vector_load %arg6[%get3A_377, %get3A_378, %get3A_379] {strides = array<i32>} : memref<16x8x128xf32, #tpu.memory_space<vmem>>, vector<1x1x16xf32>,
      %get3A_381 = vector.shape_cast %get3A_380 : vector<1x1x16xf32> to vector<16xf32>
      %swap3A_382 = arith.constant 3 : i32
      %swap3A_383 = arith.index_cast %swap3A_382 : i32 to index
      %swap3A_384 = arith.constant 32 : index
      %swap3A_385 = tpu.vector_load %arg7[%swap3A_383, %swap3A_384] {strides = array<i32>} : memref<16x128xf32, #tpu.memory_space<vmem>>, vector<1x16xf32>,
      %swap3A_386 = vector.shape_cast %swap3A_385 : vector<1x16xf32> to vector<16xf32>
      %swap3A_387 = vector.shape_cast %get3A_381 : vector<16xf32> to vector<1x16xf32>
      tpu.vector_store %arg7[%swap3A_383, %swap3A_384], %swap3A_387 {strides = array<i32>} : memref<16x128xf32, #tpu.memory_space<vmem>>, vector<1x16xf32>,
      %get3A_388 = arith.constant 3 : i32
      %get3A_389 = arith.constant 3 : i32
      %get3A_390 = arith.index_cast %get3A_388 : i32 to index
      %get3A_391 = arith.index_cast %get3A_389 : i32 to index
      %get3A_392 = arith.constant 48 : index
      %get3A_393 = tpu.vector_load %arg6[%get3A_390, %get3A_391, %get3A_392] {strides = array<i32>} : memref<16x8x128xf32, #tpu.memory_space<vmem>>, vector<1x1x16xf32>,
      %get3A_394 = vector.shape_cast %get3A_393 : vector<1x1x16xf32> to vector<16xf32>
      %swap3A_395 = arith.constant 3 : i32
      %swap3A_396 = arith.index_cast %swap3A_395 : i32 to index
      %swap3A_397 = arith.constant 48 : index
      %swap3A_398 = tpu.vector_load %arg7[%swap3A_396, %swap3A_397] {strides = array<i32>} : memref<16x128xf32, #tpu.memory_space<vmem>>, vector<1x16xf32>,
      %swap3A_399 = vector.shape_cast %swap3A_398 : vector<1x16xf32> to vector<16xf32>
      %swap3A_400 = vector.shape_cast %get3A_394 : vector<16xf32> to vector<1x16xf32>
      tpu.vector_store %arg7[%swap3A_396, %swap3A_397], %swap3A_400 {strides = array<i32>} : memref<16x128xf32, #tpu.memory_space<vmem>>, vector<1x16xf32>,
      %get3A_401 = arith.constant 3 : i32
      %get3A_402 = arith.constant 3 : i32
      %get3A_403 = arith.index_cast %get3A_401 : i32 to index
      %get3A_404 = arith.index_cast %get3A_402 : i32 to index
      %get3A_405 = arith.constant 64 : index
      %get3A_406 = tpu.vector_load %arg6[%get3A_403, %get3A_404, %get3A_405] {strides = array<i32>} : memref<16x8x128xf32, #tpu.memory_space<vmem>>, vector<1x1x16xf32>,
      %get3A_407 = vector.shape_cast %get3A_406 : vector<1x1x16xf32> to vector<16xf32>
      %swap3A_408 = arith.constant 3 : i32
      %swap3A_409 = arith.index_cast %swap3A_408 : i32 to index
      %swap3A_410 = arith.constant 64 : index
      %swap3A_411 = tpu.vector_load %arg7[%swap3A_409, %swap3A_410] {strides = array<i32>} : memref<16x128xf32, #tpu.memory_space<vmem>>, vector<1x16xf32>,
      %swap3A_412 = vector.shape_cast %swap3A_411 : vector<1x16xf32> to vector<16xf32>
      %swap3A_413 = vector.shape_cast %get3A_407 : vector<16xf32> to vector<1x16xf32>
      tpu.vector_store %arg7[%swap3A_409, %swap3A_410], %swap3A_413 {strides = array<i32>} : memref<16x128xf32, #tpu.memory_space<vmem>>, vector<1x16xf32>,
      %get3A_414 = arith.constant 3 : i32
      %get3A_415 = arith.constant 3 : i32
      %get3A_416 = arith.index_cast %get3A_414 : i32 to index
      %get3A_417 = arith.index_cast %get3A_415 : i32 to index
      %get3A_418 = arith.constant 80 : index
      %get3A_419 = tpu.vector_load %arg6[%get3A_416, %get3A_417, %get3A_418] {strides = array<i32>} : memref<16x8x128xf32, #tpu.memory_space<vmem>>, vector<1x1x16xf32>,
      %get3A_420 = vector.shape_cast %get3A_419 : vector<1x1x16xf32> to vector<16xf32>
      %swap3A_421 = arith.constant 3 : i32
      %swap3A_422 = arith.index_cast %swap3A_421 : i32 to index
      %swap3A_423 = arith.constant 80 : index
      %swap3A_424 = tpu.vector_load %arg7[%swap3A_422, %swap3A_423] {strides = array<i32>} : memref<16x128xf32, #tpu.memory_space<vmem>>, vector<1x16xf32>,
      %swap3A_425 = vector.shape_cast %swap3A_424 : vector<1x16xf32> to vector<16xf32>
      %swap3A_426 = vector.shape_cast %get3A_420 : vector<16xf32> to vector<1x16xf32>
      tpu.vector_store %arg7[%swap3A_422, %swap3A_423], %swap3A_426 {strides = array<i32>} : memref<16x128xf32, #tpu.memory_space<vmem>>, vector<1x16xf32>,
      %get3A_427 = arith.constant 3 : i32
      %get3A_428 = arith.constant 3 : i32
      %get3A_429 = arith.index_cast %get3A_427 : i32 to index
      %get3A_430 = arith.index_cast %get3A_428 : i32 to index
      %get3A_431 = arith.constant 96 : index
      %get3A_432 = tpu.vector_load %arg6[%get3A_429, %get3A_430, %get3A_431] {strides = array<i32>} : memref<16x8x128xf32, #tpu.memory_space<vmem>>, vector<1x1x16xf32>,
      %get3A_433 = vector.shape_cast %get3A_432 : vector<1x1x16xf32> to vector<16xf32>
      %swap3A_434 = arith.constant 3 : i32
      %swap3A_435 = arith.index_cast %swap3A_434 : i32 to index
      %swap3A_436 = arith.constant 96 : index
      %swap3A_437 = tpu.vector_load %arg7[%swap3A_435, %swap3A_436] {strides = array<i32>} : memref<16x128xf32, #tpu.memory_space<vmem>>, vector<1x16xf32>,
      %swap3A_438 = vector.shape_cast %swap3A_437 : vector<1x16xf32> to vector<16xf32>
      %swap3A_439 = vector.shape_cast %get3A_433 : vector<16xf32> to vector<1x16xf32>
      tpu.vector_store %arg7[%swap3A_435, %swap3A_436], %swap3A_439 {strides = array<i32>} : memref<16x128xf32, #tpu.memory_space<vmem>>, vector<1x16xf32>,
      %get3A_440 = arith.constant 3 : i32
      %get3A_441 = arith.constant 3 : i32
      %get3A_442 = arith.index_cast %get3A_440 : i32 to index
      %get3A_443 = arith.index_cast %get3A_441 : i32 to index
      %get3A_444 = arith.constant 112 : index
      %get3A_445 = tpu.vector_load %arg6[%get3A_442, %get3A_443, %get3A_444] {strides = array<i32>} : memref<16x8x128xf32, #tpu.memory_space<vmem>>, vector<1x1x16xf32>,
      %get3A_446 = vector.shape_cast %get3A_445 : vector<1x1x16xf32> to vector<16xf32>
      %swap3A_447 = arith.constant 3 : i32
      %swap3A_448 = arith.index_cast %swap3A_447 : i32 to index
      %swap3A_449 = arith.constant 112 : index
      %swap3A_450 = tpu.vector_load %arg7[%swap3A_448, %swap3A_449] {strides = array<i32>} : memref<16x128xf32, #tpu.memory_space<vmem>>, vector<1x16xf32>,
      %swap3A_451 = vector.shape_cast %swap3A_450 : vector<1x16xf32> to vector<16xf32>
      %swap3A_452 = vector.shape_cast %get3A_446 : vector<16xf32> to vector<1x16xf32>
      tpu.vector_store %arg7[%swap3A_448, %swap3A_449], %swap3A_452 {strides = array<i32>} : memref<16x128xf32, #tpu.memory_space<vmem>>, vector<1x16xf32>,
      %slice3A_453 = vector.extract_strided_slice %get3A_6 {offsets = [4], sizes = [1], strides = [1]} : vector<16xi32> to vector<1xi32>
      %squeeze3A_454 = vector.extract %slice3A_453[0] : i32 from vector<1xi32>
      %and3A_455 = arith.constant -128 : i32
      %and3A_456 = arith.andi %squeeze3A_454, %and3A_455 : i32
      %multiple_of3A_457 = tpu.assume_multiple %and3A_456, 128 : i32
      %add3A_458 = arith.constant 0 : i32
      %add3A_459 = arith.addi %mul3A_4, %add3A_458 : i32
      %multiple_of3A_460 = tpu.assume_multiple %add3A_459, 8 : i32
      %run_scoped3A_461 = arith.constant 4 : i32
      "tpu.region"() ({
        %run_scoped3A_1810 = tpu.sem_alloc : memref<!tpu.dma_semaphore, #tpu.memory_space<semaphore_mem>>
        %dma_start3A = arith.constant 0 : i32
        %dma_start3A_1811 = arith.constant 0 : i32
        %dma_start3A_1812 = tpu.memref_slice %arg6[%run_scoped3A_461, %dma_start3A, %dma_start3A_1811] : memref<16x8x128xf32, #tpu.memory_space<vmem>> -> memref<1x8x128xf32, #tpu.memory_space<vmem>>
        %dma_start3A_1813 = tpu.memref_squeeze %dma_start3A_1812 : memref<1x8x128xf32, #tpu.memory_space<vmem>> -> memref<8x128xf32, #tpu.memory_space<vmem>>
        %dma_start3A_1814 = tpu.memref_slice %arg2[%multiple_of3A_460, %multiple_of3A_457] : memref<64x1000000xf32, #tpu.memory_space<hbm>> -> memref<8x128xf32, #tpu.memory_space<hbm>>
        %dma_start3A_1815 = arith.constant 0 : i32
        %dma_start3A_1816 = arith.constant 0 : i32
        %dma_start3A_1817 = tpu.memref_slice %arg6[%run_scoped3A_461, %dma_start3A_1815, %dma_start3A_1816] : memref<16x8x128xf32, #tpu.memory_space<vmem>> -> memref<1x8x128xf32, #tpu.memory_space<vmem>>
        %dma_start3A_1818 = tpu.memref_squeeze %dma_start3A_1817 : memref<1x8x128xf32, #tpu.memory_space<vmem>> -> memref<8x128xf32, #tpu.memory_space<vmem>>
        %dma_start3A_1819 = tpu.memref_slice %arg2[%multiple_of3A_460, %multiple_of3A_457] : memref<64x1000000xf32, #tpu.memory_space<hbm>> -> memref<8x128xf32, #tpu.memory_space<hbm>>
        tpu.enqueue_dma source(%dma_start3A_1819 : memref<8x128xf32, #tpu.memory_space<hbm>>) target(%dma_start3A_1818 : memref<8x128xf32, #tpu.memory_space<vmem>>) target_semaphore(%run_scoped3A_1810 : memref<!tpu.dma_semaphore, #tpu.memory_space<semaphore_mem>>)
        %dma_wait3A = arith.constant 0 : i32
        %dma_wait3A_1820 = arith.constant 0 : i32
        %dma_wait3A_1821 = tpu.memref_slice %arg6[%run_scoped3A_461, %dma_wait3A, %dma_wait3A_1820] : memref<16x8x128xf32, #tpu.memory_space<vmem>> -> memref<1x8x128xf32, #tpu.memory_space<vmem>>
        %dma_wait3A_1822 = tpu.memref_squeeze %dma_wait3A_1821 : memref<1x8x128xf32, #tpu.memory_space<vmem>> -> memref<8x128xf32, #tpu.memory_space<vmem>>
        %dma_wait3A_1823 = tpu.memref_slice %arg2[%multiple_of3A_460, %multiple_of3A_457] : memref<64x1000000xf32, #tpu.memory_space<hbm>> -> memref<8x128xf32, #tpu.memory_space<hbm>>
        %dma_wait3A_1824 = arith.constant 0 : i32
        %dma_wait3A_1825 = arith.constant 0 : i32
        %dma_wait3A_1826 = tpu.memref_slice %arg6[%run_scoped3A_461, %dma_wait3A_1824, %dma_wait3A_1825] : memref<16x8x128xf32, #tpu.memory_space<vmem>> -> memref<1x8x128xf32, #tpu.memory_space<vmem>>
        %dma_wait3A_1827 = tpu.memref_squeeze %dma_wait3A_1826 : memref<1x8x128xf32, #tpu.memory_space<vmem>> -> memref<8x128xf32, #tpu.memory_space<vmem>>
        %dma_wait3A_1828 = tpu.memref_slice %arg2[%multiple_of3A_460, %multiple_of3A_457] : memref<64x1000000xf32, #tpu.memory_space<hbm>> -> memref<8x128xf32, #tpu.memory_space<hbm>>
        tpu.wait_dma2 semaphore(%run_scoped3A_1810 : memref<!tpu.dma_semaphore, #tpu.memory_space<semaphore_mem>>) src(%dma_wait3A_1828 : memref<8x128xf32, #tpu.memory_space<hbm>>) dst(%dma_wait3A_1827 : memref<8x128xf32, #tpu.memory_space<vmem>>)
        tpu.yield
      }) : () -> ()
      %get3A_462 = arith.constant 4 : i32
      %get3A_463 = arith.constant 4 : i32
      %get3A_464 = arith.index_cast %get3A_462 : i32 to index
      %get3A_465 = arith.index_cast %get3A_463 : i32 to index
      %get3A_466 = arith.constant 0 : index
      %get3A_467 = tpu.vector_load %arg6[%get3A_464, %get3A_465, %get3A_466] {strides = array<i32>} : memref<16x8x128xf32, #tpu.memory_space<vmem>>, vector<1x1x16xf32>,
      %get3A_468 = vector.shape_cast %get3A_467 : vector<1x1x16xf32> to vector<16xf32>
      %swap3A_469 = arith.constant 4 : i32
      %swap3A_470 = arith.index_cast %swap3A_469 : i32 to index
      %swap3A_471 = arith.constant 0 : index
      %swap3A_472 = tpu.vector_load %arg7[%swap3A_470, %swap3A_471] {strides = array<i32>} : memref<16x128xf32, #tpu.memory_space<vmem>>, vector<1x16xf32>,
      %swap3A_473 = vector.shape_cast %swap3A_472 : vector<1x16xf32> to vector<16xf32>
      %swap3A_474 = vector.shape_cast %get3A_468 : vector<16xf32> to vector<1x16xf32>
      tpu.vector_store %arg7[%swap3A_470, %swap3A_471], %swap3A_474 {strides = array<i32>} : memref<16x128xf32, #tpu.memory_space<vmem>>, vector<1x16xf32>,
      %get3A_475 = arith.constant 4 : i32
      %get3A_476 = arith.constant 4 : i32
      %get3A_477 = arith.index_cast %get3A_475 : i32 to index
      %get3A_478 = arith.index_cast %get3A_476 : i32 to index
      %get3A_479 = arith.constant 16 : index
      %get3A_480 = tpu.vector_load %arg6[%get3A_477, %get3A_478, %get3A_479] {strides = array<i32>} : memref<16x8x128xf32, #tpu.memory_space<vmem>>, vector<1x1x16xf32>,
      %get3A_481 = vector.shape_cast %get3A_480 : vector<1x1x16xf32> to vector<16xf32>
      %swap3A_482 = arith.constant 4 : i32
      %swap3A_483 = arith.index_cast %swap3A_482 : i32 to index
      %swap3A_484 = arith.constant 16 : index
      %swap3A_485 = tpu.vector_load %arg7[%swap3A_483, %swap3A_484] {strides = array<i32>} : memref<16x128xf32, #tpu.memory_space<vmem>>, vector<1x16xf32>,
      %swap3A_486 = vector.shape_cast %swap3A_485 : vector<1x16xf32> to vector<16xf32>
      %swap3A_487 = vector.shape_cast %get3A_481 : vector<16xf32> to vector<1x16xf32>
      tpu.vector_store %arg7[%swap3A_483, %swap3A_484], %swap3A_487 {strides = array<i32>} : memref<16x128xf32, #tpu.memory_space<vmem>>, vector<1x16xf32>,
      %get3A_488 = arith.constant 4 : i32
      %get3A_489 = arith.constant 4 : i32
      %get3A_490 = arith.index_cast %get3A_488 : i32 to index
      %get3A_491 = arith.index_cast %get3A_489 : i32 to index
      %get3A_492 = arith.constant 32 : index
      %get3A_493 = tpu.vector_load %arg6[%get3A_490, %get3A_491, %get3A_492] {strides = array<i32>} : memref<16x8x128xf32, #tpu.memory_space<vmem>>, vector<1x1x16xf32>,
      %get3A_494 = vector.shape_cast %get3A_493 : vector<1x1x16xf32> to vector<16xf32>
      %swap3A_495 = arith.constant 4 : i32
      %swap3A_496 = arith.index_cast %swap3A_495 : i32 to index
      %swap3A_497 = arith.constant 32 : index
      %swap3A_498 = tpu.vector_load %arg7[%swap3A_496, %swap3A_497] {strides = array<i32>} : memref<16x128xf32, #tpu.memory_space<vmem>>, vector<1x16xf32>,
      %swap3A_499 = vector.shape_cast %swap3A_498 : vector<1x16xf32> to vector<16xf32>
      %swap3A_500 = vector.shape_cast %get3A_494 : vector<16xf32> to vector<1x16xf32>
      tpu.vector_store %arg7[%swap3A_496, %swap3A_497], %swap3A_500 {strides = array<i32>} : memref<16x128xf32, #tpu.memory_space<vmem>>, vector<1x16xf32>,
      %get3A_501 = arith.constant 4 : i32
      %get3A_502 = arith.constant 4 : i32
      %get3A_503 = arith.index_cast %get3A_501 : i32 to index
      %get3A_504 = arith.index_cast %get3A_502 : i32 to index
      %get3A_505 = arith.constant 48 : index
      %get3A_506 = tpu.vector_load %arg6[%get3A_503, %get3A_504, %get3A_505] {strides = array<i32>} : memref<16x8x128xf32, #tpu.memory_space<vmem>>, vector<1x1x16xf32>,
      %get3A_507 = vector.shape_cast %get3A_506 : vector<1x1x16xf32> to vector<16xf32>
      %swap3A_508 = arith.constant 4 : i32
      %swap3A_509 = arith.index_cast %swap3A_508 : i32 to index
      %swap3A_510 = arith.constant 48 : index
      %swap3A_511 = tpu.vector_load %arg7[%swap3A_509, %swap3A_510] {strides = array<i32>} : memref<16x128xf32, #tpu.memory_space<vmem>>, vector<1x16xf32>,
      %swap3A_512 = vector.shape_cast %swap3A_511 : vector<1x16xf32> to vector<16xf32>
      %swap3A_513 = vector.shape_cast %get3A_507 : vector<16xf32> to vector<1x16xf32>
      tpu.vector_store %arg7[%swap3A_509, %swap3A_510], %swap3A_513 {strides = array<i32>} : memref<16x128xf32, #tpu.memory_space<vmem>>, vector<1x16xf32>,
      %get3A_514 = arith.constant 4 : i32
      %get3A_515 = arith.constant 4 : i32
      %get3A_516 = arith.index_cast %get3A_514 : i32 to index
      %get3A_517 = arith.index_cast %get3A_515 : i32 to index
      %get3A_518 = arith.constant 64 : index
      %get3A_519 = tpu.vector_load %arg6[%get3A_516, %get3A_517, %get3A_518] {strides = array<i32>} : memref<16x8x128xf32, #tpu.memory_space<vmem>>, vector<1x1x16xf32>,
      %get3A_520 = vector.shape_cast %get3A_519 : vector<1x1x16xf32> to vector<16xf32>
      %swap3A_521 = arith.constant 4 : i32
      %swap3A_522 = arith.index_cast %swap3A_521 : i32 to index
      %swap3A_523 = arith.constant 64 : index
      %swap3A_524 = tpu.vector_load %arg7[%swap3A_522, %swap3A_523] {strides = array<i32>} : memref<16x128xf32, #tpu.memory_space<vmem>>, vector<1x16xf32>,
      %swap3A_525 = vector.shape_cast %swap3A_524 : vector<1x16xf32> to vector<16xf32>
      %swap3A_526 = vector.shape_cast %get3A_520 : vector<16xf32> to vector<1x16xf32>
      tpu.vector_store %arg7[%swap3A_522, %swap3A_523], %swap3A_526 {strides = array<i32>} : memref<16x128xf32, #tpu.memory_space<vmem>>, vector<1x16xf32>,
      %get3A_527 = arith.constant 4 : i32
      %get3A_528 = arith.constant 4 : i32
      %get3A_529 = arith.index_cast %get3A_527 : i32 to index
      %get3A_530 = arith.index_cast %get3A_528 : i32 to index
      %get3A_531 = arith.constant 80 : index
      %get3A_532 = tpu.vector_load %arg6[%get3A_529, %get3A_530, %get3A_531] {strides = array<i32>} : memref<16x8x128xf32, #tpu.memory_space<vmem>>, vector<1x1x16xf32>,
      %get3A_533 = vector.shape_cast %get3A_532 : vector<1x1x16xf32> to vector<16xf32>
      %swap3A_534 = arith.constant 4 : i32
      %swap3A_535 = arith.index_cast %swap3A_534 : i32 to index
      %swap3A_536 = arith.constant 80 : index
      %swap3A_537 = tpu.vector_load %arg7[%swap3A_535, %swap3A_536] {strides = array<i32>} : memref<16x128xf32, #tpu.memory_space<vmem>>, vector<1x16xf32>,
      %swap3A_538 = vector.shape_cast %swap3A_537 : vector<1x16xf32> to vector<16xf32>
      %swap3A_539 = vector.shape_cast %get3A_533 : vector<16xf32> to vector<1x16xf32>
      tpu.vector_store %arg7[%swap3A_535, %swap3A_536], %swap3A_539 {strides = array<i32>} : memref<16x128xf32, #tpu.memory_space<vmem>>, vector<1x16xf32>,
      %get3A_540 = arith.constant 4 : i32
      %get3A_541 = arith.constant 4 : i32
      %get3A_542 = arith.index_cast %get3A_540 : i32 to index
      %get3A_543 = arith.index_cast %get3A_541 : i32 to index
      %get3A_544 = arith.constant 96 : index
      %get3A_545 = tpu.vector_load %arg6[%get3A_542, %get3A_543, %get3A_544] {strides = array<i32>} : memref<16x8x128xf32, #tpu.memory_space<vmem>>, vector<1x1x16xf32>,
      %get3A_546 = vector.shape_cast %get3A_545 : vector<1x1x16xf32> to vector<16xf32>
      %swap3A_547 = arith.constant 4 : i32
      %swap3A_548 = arith.index_cast %swap3A_547 : i32 to index
      %swap3A_549 = arith.constant 96 : index
      %swap3A_550 = tpu.vector_load %arg7[%swap3A_548, %swap3A_549] {strides = array<i32>} : memref<16x128xf32, #tpu.memory_space<vmem>>, vector<1x16xf32>,
      %swap3A_551 = vector.shape_cast %swap3A_550 : vector<1x16xf32> to vector<16xf32>
      %swap3A_552 = vector.shape_cast %get3A_546 : vector<16xf32> to vector<1x16xf32>
      tpu.vector_store %arg7[%swap3A_548, %swap3A_549], %swap3A_552 {strides = array<i32>} : memref<16x128xf32, #tpu.memory_space<vmem>>, vector<1x16xf32>,
      %get3A_553 = arith.constant 4 : i32
      %get3A_554 = arith.constant 4 : i32
      %get3A_555 = arith.index_cast %get3A_553 : i32 to index
      %get3A_556 = arith.index_cast %get3A_554 : i32 to index
      %get3A_557 = arith.constant 112 : index
      %get3A_558 = tpu.vector_load %arg6[%get3A_555, %get3A_556, %get3A_557] {strides = array<i32>} : memref<16x8x128xf32, #tpu.memory_space<vmem>>, vector<1x1x16xf32>,
      %get3A_559 = vector.shape_cast %get3A_558 : vector<1x1x16xf32> to vector<16xf32>
      %swap3A_560 = arith.constant 4 : i32
      %swap3A_561 = arith.index_cast %swap3A_560 : i32 to index
      %swap3A_562 = arith.constant 112 : index
      %swap3A_563 = tpu.vector_load %arg7[%swap3A_561, %swap3A_562] {strides = array<i32>} : memref<16x128xf32, #tpu.memory_space<vmem>>, vector<1x16xf32>,
      %swap3A_564 = vector.shape_cast %swap3A_563 : vector<1x16xf32> to vector<16xf32>
      %swap3A_565 = vector.shape_cast %get3A_559 : vector<16xf32> to vector<1x16xf32>
      tpu.vector_store %arg7[%swap3A_561, %swap3A_562], %swap3A_565 {strides = array<i32>} : memref<16x128xf32, #tpu.memory_space<vmem>>, vector<1x16xf32>,
      %slice3A_566 = vector.extract_strided_slice %get3A_6 {offsets = [5], sizes = [1], strides = [1]} : vector<16xi32> to vector<1xi32>
      %squeeze3A_567 = vector.extract %slice3A_566[0] : i32 from vector<1xi32>
      %and3A_568 = arith.constant -128 : i32
      %and3A_569 = arith.andi %squeeze3A_567, %and3A_568 : i32
      %multiple_of3A_570 = tpu.assume_multiple %and3A_569, 128 : i32
      %add3A_571 = arith.constant 0 : i32
      %add3A_572 = arith.addi %mul3A_4, %add3A_571 : i32
      %multiple_of3A_573 = tpu.assume_multiple %add3A_572, 8 : i32
      %run_scoped3A_574 = arith.constant 5 : i32
      "tpu.region"() ({
        %run_scoped3A_1810 = tpu.sem_alloc : memref<!tpu.dma_semaphore, #tpu.memory_space<semaphore_mem>>
        %dma_start3A = arith.constant 0 : i32
        %dma_start3A_1811 = arith.constant 0 : i32
        %dma_start3A_1812 = tpu.memref_slice %arg6[%run_scoped3A_574, %dma_start3A, %dma_start3A_1811] : memref<16x8x128xf32, #tpu.memory_space<vmem>> -> memref<1x8x128xf32, #tpu.memory_space<vmem>>
        %dma_start3A_1813 = tpu.memref_squeeze %dma_start3A_1812 : memref<1x8x128xf32, #tpu.memory_space<vmem>> -> memref<8x128xf32, #tpu.memory_space<vmem>>
        %dma_start3A_1814 = tpu.memref_slice %arg2[%multiple_of3A_573, %multiple_of3A_570] : memref<64x1000000xf32, #tpu.memory_space<hbm>> -> memref<8x128xf32, #tpu.memory_space<hbm>>
        %dma_start3A_1815 = arith.constant 0 : i32
        %dma_start3A_1816 = arith.constant 0 : i32
        %dma_start3A_1817 = tpu.memref_slice %arg6[%run_scoped3A_574, %dma_start3A_1815, %dma_start3A_1816] : memref<16x8x128xf32, #tpu.memory_space<vmem>> -> memref<1x8x128xf32, #tpu.memory_space<vmem>>
        %dma_start3A_1818 = tpu.memref_squeeze %dma_start3A_1817 : memref<1x8x128xf32, #tpu.memory_space<vmem>> -> memref<8x128xf32, #tpu.memory_space<vmem>>
        %dma_start3A_1819 = tpu.memref_slice %arg2[%multiple_of3A_573, %multiple_of3A_570] : memref<64x1000000xf32, #tpu.memory_space<hbm>> -> memref<8x128xf32, #tpu.memory_space<hbm>>
        tpu.enqueue_dma source(%dma_start3A_1819 : memref<8x128xf32, #tpu.memory_space<hbm>>) target(%dma_start3A_1818 : memref<8x128xf32, #tpu.memory_space<vmem>>) target_semaphore(%run_scoped3A_1810 : memref<!tpu.dma_semaphore, #tpu.memory_space<semaphore_mem>>)
        %dma_wait3A = arith.constant 0 : i32
        %dma_wait3A_1820 = arith.constant 0 : i32
        %dma_wait3A_1821 = tpu.memref_slice %arg6[%run_scoped3A_574, %dma_wait3A, %dma_wait3A_1820] : memref<16x8x128xf32, #tpu.memory_space<vmem>> -> memref<1x8x128xf32, #tpu.memory_space<vmem>>
        %dma_wait3A_1822 = tpu.memref_squeeze %dma_wait3A_1821 : memref<1x8x128xf32, #tpu.memory_space<vmem>> -> memref<8x128xf32, #tpu.memory_space<vmem>>
        %dma_wait3A_1823 = tpu.memref_slice %arg2[%multiple_of3A_573, %multiple_of3A_570] : memref<64x1000000xf32, #tpu.memory_space<hbm>> -> memref<8x128xf32, #tpu.memory_space<hbm>>
        %dma_wait3A_1824 = arith.constant 0 : i32
        %dma_wait3A_1825 = arith.constant 0 : i32
        %dma_wait3A_1826 = tpu.memref_slice %arg6[%run_scoped3A_574, %dma_wait3A_1824, %dma_wait3A_1825] : memref<16x8x128xf32, #tpu.memory_space<vmem>> -> memref<1x8x128xf32, #tpu.memory_space<vmem>>
        %dma_wait3A_1827 = tpu.memref_squeeze %dma_wait3A_1826 : memref<1x8x128xf32, #tpu.memory_space<vmem>> -> memref<8x128xf32, #tpu.memory_space<vmem>>
        %dma_wait3A_1828 = tpu.memref_slice %arg2[%multiple_of3A_573, %multiple_of3A_570] : memref<64x1000000xf32, #tpu.memory_space<hbm>> -> memref<8x128xf32, #tpu.memory_space<hbm>>
        tpu.wait_dma2 semaphore(%run_scoped3A_1810 : memref<!tpu.dma_semaphore, #tpu.memory_space<semaphore_mem>>) src(%dma_wait3A_1828 : memref<8x128xf32, #tpu.memory_space<hbm>>) dst(%dma_wait3A_1827 : memref<8x128xf32, #tpu.memory_space<vmem>>)
        tpu.yield
      }) : () -> ()
      %get3A_575 = arith.constant 5 : i32
      %get3A_576 = arith.constant 5 : i32
      %get3A_577 = arith.index_cast %get3A_575 : i32 to index
      %get3A_578 = arith.index_cast %get3A_576 : i32 to index
      %get3A_579 = arith.constant 0 : index
      %get3A_580 = tpu.vector_load %arg6[%get3A_577, %get3A_578, %get3A_579] {strides = array<i32>} : memref<16x8x128xf32, #tpu.memory_space<vmem>>, vector<1x1x16xf32>,
      %get3A_581 = vector.shape_cast %get3A_580 : vector<1x1x16xf32> to vector<16xf32>
      %swap3A_582 = arith.constant 5 : i32
      %swap3A_583 = arith.index_cast %swap3A_582 : i32 to index
      %swap3A_584 = arith.constant 0 : index
      %swap3A_585 = tpu.vector_load %arg7[%swap3A_583, %swap3A_584] {strides = array<i32>} : memref<16x128xf32, #tpu.memory_space<vmem>>, vector<1x16xf32>,
      %swap3A_586 = vector.shape_cast %swap3A_585 : vector<1x16xf32> to vector<16xf32>
      %swap3A_587 = vector.shape_cast %get3A_581 : vector<16xf32> to vector<1x16xf32>
      tpu.vector_store %arg7[%swap3A_583, %swap3A_584], %swap3A_587 {strides = array<i32>} : memref<16x128xf32, #tpu.memory_space<vmem>>, vector<1x16xf32>,
      %get3A_588 = arith.constant 5 : i32
      %get3A_589 = arith.constant 5 : i32
      %get3A_590 = arith.index_cast %get3A_588 : i32 to index
      %get3A_591 = arith.index_cast %get3A_589 : i32 to index
      %get3A_592 = arith.constant 16 : index
      %get3A_593 = tpu.vector_load %arg6[%get3A_590, %get3A_591, %get3A_592] {strides = array<i32>} : memref<16x8x128xf32, #tpu.memory_space<vmem>>, vector<1x1x16xf32>,
      %get3A_594 = vector.shape_cast %get3A_593 : vector<1x1x16xf32> to vector<16xf32>
      %swap3A_595 = arith.constant 5 : i32
      %swap3A_596 = arith.index_cast %swap3A_595 : i32 to index
      %swap3A_597 = arith.constant 16 : index
      %swap3A_598 = tpu.vector_load %arg7[%swap3A_596, %swap3A_597] {strides = array<i32>} : memref<16x128xf32, #tpu.memory_space<vmem>>, vector<1x16xf32>,
      %swap3A_599 = vector.shape_cast %swap3A_598 : vector<1x16xf32> to vector<16xf32>
      %swap3A_600 = vector.shape_cast %get3A_594 : vector<16xf32> to vector<1x16xf32>
      tpu.vector_store %arg7[%swap3A_596, %swap3A_597], %swap3A_600 {strides = array<i32>} : memref<16x128xf32, #tpu.memory_space<vmem>>, vector<1x16xf32>,
      %get3A_601 = arith.constant 5 : i32
      %get3A_602 = arith.constant 5 : i32
      %get3A_603 = arith.index_cast %get3A_601 : i32 to index
      %get3A_604 = arith.index_cast %get3A_602 : i32 to index
      %get3A_605 = arith.constant 32 : index
      %get3A_606 = tpu.vector_load %arg6[%get3A_603, %get3A_604, %get3A_605] {strides = array<i32>} : memref<16x8x128xf32, #tpu.memory_space<vmem>>, vector<1x1x16xf32>,
      %get3A_607 = vector.shape_cast %get3A_606 : vector<1x1x16xf32> to vector<16xf32>
      %swap3A_608 = arith.constant 5 : i32
      %swap3A_609 = arith.index_cast %swap3A_608 : i32 to index
      %swap3A_610 = arith.constant 32 : index
      %swap3A_611 = tpu.vector_load %arg7[%swap3A_609, %swap3A_610] {strides = array<i32>} : memref<16x128xf32, #tpu.memory_space<vmem>>, vector<1x16xf32>,
      %swap3A_612 = vector.shape_cast %swap3A_611 : vector<1x16xf32> to vector<16xf32>
      %swap3A_613 = vector.shape_cast %get3A_607 : vector<16xf32> to vector<1x16xf32>
      tpu.vector_store %arg7[%swap3A_609, %swap3A_610], %swap3A_613 {strides = array<i32>} : memref<16x128xf32, #tpu.memory_space<vmem>>, vector<1x16xf32>,
      %get3A_614 = arith.constant 5 : i32
      %get3A_615 = arith.constant 5 : i32
      %get3A_616 = arith.index_cast %get3A_614 : i32 to index
      %get3A_617 = arith.index_cast %get3A_615 : i32 to index
      %get3A_618 = arith.constant 48 : index
      %get3A_619 = tpu.vector_load %arg6[%get3A_616, %get3A_617, %get3A_618] {strides = array<i32>} : memref<16x8x128xf32, #tpu.memory_space<vmem>>, vector<1x1x16xf32>,
      %get3A_620 = vector.shape_cast %get3A_619 : vector<1x1x16xf32> to vector<16xf32>
      %swap3A_621 = arith.constant 5 : i32
      %swap3A_622 = arith.index_cast %swap3A_621 : i32 to index
      %swap3A_623 = arith.constant 48 : index
      %swap3A_624 = tpu.vector_load %arg7[%swap3A_622, %swap3A_623] {strides = array<i32>} : memref<16x128xf32, #tpu.memory_space<vmem>>, vector<1x16xf32>,
      %swap3A_625 = vector.shape_cast %swap3A_624 : vector<1x16xf32> to vector<16xf32>
      %swap3A_626 = vector.shape_cast %get3A_620 : vector<16xf32> to vector<1x16xf32>
      tpu.vector_store %arg7[%swap3A_622, %swap3A_623], %swap3A_626 {strides = array<i32>} : memref<16x128xf32, #tpu.memory_space<vmem>>, vector<1x16xf32>,
      %get3A_627 = arith.constant 5 : i32
      %get3A_628 = arith.constant 5 : i32
      %get3A_629 = arith.index_cast %get3A_627 : i32 to index
      %get3A_630 = arith.index_cast %get3A_628 : i32 to index
      %get3A_631 = arith.constant 64 : index
      %get3A_632 = tpu.vector_load %arg6[%get3A_629, %get3A_630, %get3A_631] {strides = array<i32>} : memref<16x8x128xf32, #tpu.memory_space<vmem>>, vector<1x1x16xf32>,
      %get3A_633 = vector.shape_cast %get3A_632 : vector<1x1x16xf32> to vector<16xf32>
      %swap3A_634 = arith.constant 5 : i32
      %swap3A_635 = arith.index_cast %swap3A_634 : i32 to index
      %swap3A_636 = arith.constant 64 : index
      %swap3A_637 = tpu.vector_load %arg7[%swap3A_635, %swap3A_636] {strides = array<i32>} : memref<16x128xf32, #tpu.memory_space<vmem>>, vector<1x16xf32>,
      %swap3A_638 = vector.shape_cast %swap3A_637 : vector<1x16xf32> to vector<16xf32>
      %swap3A_639 = vector.shape_cast %get3A_633 : vector<16xf32> to vector<1x16xf32>
      tpu.vector_store %arg7[%swap3A_635, %swap3A_636], %swap3A_639 {strides = array<i32>} : memref<16x128xf32, #tpu.memory_space<vmem>>, vector<1x16xf32>,
      %get3A_640 = arith.constant 5 : i32
      %get3A_641 = arith.constant 5 : i32
      %get3A_642 = arith.index_cast %get3A_640 : i32 to index
      %get3A_643 = arith.index_cast %get3A_641 : i32 to index
      %get3A_644 = arith.constant 80 : index
      %get3A_645 = tpu.vector_load %arg6[%get3A_642, %get3A_643, %get3A_644] {strides = array<i32>} : memref<16x8x128xf32, #tpu.memory_space<vmem>>, vector<1x1x16xf32>,
      %get3A_646 = vector.shape_cast %get3A_645 : vector<1x1x16xf32> to vector<16xf32>
      %swap3A_647 = arith.constant 5 : i32
      %swap3A_648 = arith.index_cast %swap3A_647 : i32 to index
      %swap3A_649 = arith.constant 80 : index
      %swap3A_650 = tpu.vector_load %arg7[%swap3A_648, %swap3A_649] {strides = array<i32>} : memref<16x128xf32, #tpu.memory_space<vmem>>, vector<1x16xf32>,
      %swap3A_651 = vector.shape_cast %swap3A_650 : vector<1x16xf32> to vector<16xf32>
      %swap3A_652 = vector.shape_cast %get3A_646 : vector<16xf32> to vector<1x16xf32>
      tpu.vector_store %arg7[%swap3A_648, %swap3A_649], %swap3A_652 {strides = array<i32>} : memref<16x128xf32, #tpu.memory_space<vmem>>, vector<1x16xf32>,
      %get3A_653 = arith.constant 5 : i32
      %get3A_654 = arith.constant 5 : i32
      %get3A_655 = arith.index_cast %get3A_653 : i32 to index
      %get3A_656 = arith.index_cast %get3A_654 : i32 to index
      %get3A_657 = arith.constant 96 : index
      %get3A_658 = tpu.vector_load %arg6[%get3A_655, %get3A_656, %get3A_657] {strides = array<i32>} : memref<16x8x128xf32, #tpu.memory_space<vmem>>, vector<1x1x16xf32>,
      %get3A_659 = vector.shape_cast %get3A_658 : vector<1x1x16xf32> to vector<16xf32>
      %swap3A_660 = arith.constant 5 : i32
      %swap3A_661 = arith.index_cast %swap3A_660 : i32 to index
      %swap3A_662 = arith.constant 96 : index
      %swap3A_663 = tpu.vector_load %arg7[%swap3A_661, %swap3A_662] {strides = array<i32>} : memref<16x128xf32, #tpu.memory_space<vmem>>, vector<1x16xf32>,
      %swap3A_664 = vector.shape_cast %swap3A_663 : vector<1x16xf32> to vector<16xf32>
      %swap3A_665 = vector.shape_cast %get3A_659 : vector<16xf32> to vector<1x16xf32>
      tpu.vector_store %arg7[%swap3A_661, %swap3A_662], %swap3A_665 {strides = array<i32>} : memref<16x128xf32, #tpu.memory_space<vmem>>, vector<1x16xf32>,
      %get3A_666 = arith.constant 5 : i32
      %get3A_667 = arith.constant 5 : i32
      %get3A_668 = arith.index_cast %get3A_666 : i32 to index
      %get3A_669 = arith.index_cast %get3A_667 : i32 to index
      %get3A_670 = arith.constant 112 : index
      %get3A_671 = tpu.vector_load %arg6[%get3A_668, %get3A_669, %get3A_670] {strides = array<i32>} : memref<16x8x128xf32, #tpu.memory_space<vmem>>, vector<1x1x16xf32>,
      %get3A_672 = vector.shape_cast %get3A_671 : vector<1x1x16xf32> to vector<16xf32>
      %swap3A_673 = arith.constant 5 : i32
      %swap3A_674 = arith.index_cast %swap3A_673 : i32 to index
      %swap3A_675 = arith.constant 112 : index
      %swap3A_676 = tpu.vector_load %arg7[%swap3A_674, %swap3A_675] {strides = array<i32>} : memref<16x128xf32, #tpu.memory_space<vmem>>, vector<1x16xf32>,
      %swap3A_677 = vector.shape_cast %swap3A_676 : vector<1x16xf32> to vector<16xf32>
      %swap3A_678 = vector.shape_cast %get3A_672 : vector<16xf32> to vector<1x16xf32>
      tpu.vector_store %arg7[%swap3A_674, %swap3A_675], %swap3A_678 {strides = array<i32>} : memref<16x128xf32, #tpu.memory_space<vmem>>, vector<1x16xf32>,
      %slice3A_679 = vector.extract_strided_slice %get3A_6 {offsets = [6], sizes = [1], strides = [1]} : vector<16xi32> to vector<1xi32>
      %squeeze3A_680 = vector.extract %slice3A_679[0] : i32 from vector<1xi32>
      %and3A_681 = arith.constant -128 : i32
      %and3A_682 = arith.andi %squeeze3A_680, %and3A_681 : i32
      %multiple_of3A_683 = tpu.assume_multiple %and3A_682, 128 : i32
      %add3A_684 = arith.constant 0 : i32
      %add3A_685 = arith.addi %mul3A_4, %add3A_684 : i32
      %multiple_of3A_686 = tpu.assume_multiple %add3A_685, 8 : i32
      %run_scoped3A_687 = arith.constant 6 : i32
      "tpu.region"() ({
        %run_scoped3A_1810 = tpu.sem_alloc : memref<!tpu.dma_semaphore, #tpu.memory_space<semaphore_mem>>
        %dma_start3A = arith.constant 0 : i32
        %dma_start3A_1811 = arith.constant 0 : i32
        %dma_start3A_1812 = tpu.memref_slice %arg6[%run_scoped3A_687, %dma_start3A, %dma_start3A_1811] : memref<16x8x128xf32, #tpu.memory_space<vmem>> -> memref<1x8x128xf32, #tpu.memory_space<vmem>>
        %dma_start3A_1813 = tpu.memref_squeeze %dma_start3A_1812 : memref<1x8x128xf32, #tpu.memory_space<vmem>> -> memref<8x128xf32, #tpu.memory_space<vmem>>
        %dma_start3A_1814 = tpu.memref_slice %arg2[%multiple_of3A_686, %multiple_of3A_683] : memref<64x1000000xf32, #tpu.memory_space<hbm>> -> memref<8x128xf32, #tpu.memory_space<hbm>>
        %dma_start3A_1815 = arith.constant 0 : i32
        %dma_start3A_1816 = arith.constant 0 : i32
        %dma_start3A_1817 = tpu.memref_slice %arg6[%run_scoped3A_687, %dma_start3A_1815, %dma_start3A_1816] : memref<16x8x128xf32, #tpu.memory_space<vmem>> -> memref<1x8x128xf32, #tpu.memory_space<vmem>>
        %dma_start3A_1818 = tpu.memref_squeeze %dma_start3A_1817 : memref<1x8x128xf32, #tpu.memory_space<vmem>> -> memref<8x128xf32, #tpu.memory_space<vmem>>
        %dma_start3A_1819 = tpu.memref_slice %arg2[%multiple_of3A_686, %multiple_of3A_683] : memref<64x1000000xf32, #tpu.memory_space<hbm>> -> memref<8x128xf32, #tpu.memory_space<hbm>>
        tpu.enqueue_dma source(%dma_start3A_1819 : memref<8x128xf32, #tpu.memory_space<hbm>>) target(%dma_start3A_1818 : memref<8x128xf32, #tpu.memory_space<vmem>>) target_semaphore(%run_scoped3A_1810 : memref<!tpu.dma_semaphore, #tpu.memory_space<semaphore_mem>>)
        %dma_wait3A = arith.constant 0 : i32
        %dma_wait3A_1820 = arith.constant 0 : i32
        %dma_wait3A_1821 = tpu.memref_slice %arg6[%run_scoped3A_687, %dma_wait3A, %dma_wait3A_1820] : memref<16x8x128xf32, #tpu.memory_space<vmem>> -> memref<1x8x128xf32, #tpu.memory_space<vmem>>
        %dma_wait3A_1822 = tpu.memref_squeeze %dma_wait3A_1821 : memref<1x8x128xf32, #tpu.memory_space<vmem>> -> memref<8x128xf32, #tpu.memory_space<vmem>>
        %dma_wait3A_1823 = tpu.memref_slice %arg2[%multiple_of3A_686, %multiple_of3A_683] : memref<64x1000000xf32, #tpu.memory_space<hbm>> -> memref<8x128xf32, #tpu.memory_space<hbm>>
        %dma_wait3A_1824 = arith.constant 0 : i32
        %dma_wait3A_1825 = arith.constant 0 : i32
        %dma_wait3A_1826 = tpu.memref_slice %arg6[%run_scoped3A_687, %dma_wait3A_1824, %dma_wait3A_1825] : memref<16x8x128xf32, #tpu.memory_space<vmem>> -> memref<1x8x128xf32, #tpu.memory_space<vmem>>
        %dma_wait3A_1827 = tpu.memref_squeeze %dma_wait3A_1826 : memref<1x8x128xf32, #tpu.memory_space<vmem>> -> memref<8x128xf32, #tpu.memory_space<vmem>>
        %dma_wait3A_1828 = tpu.memref_slice %arg2[%multiple_of3A_686, %multiple_of3A_683] : memref<64x1000000xf32, #tpu.memory_space<hbm>> -> memref<8x128xf32, #tpu.memory_space<hbm>>
        tpu.wait_dma2 semaphore(%run_scoped3A_1810 : memref<!tpu.dma_semaphore, #tpu.memory_space<semaphore_mem>>) src(%dma_wait3A_1828 : memref<8x128xf32, #tpu.memory_space<hbm>>) dst(%dma_wait3A_1827 : memref<8x128xf32, #tpu.memory_space<vmem>>)
        tpu.yield
      }) : () -> ()
      %get3A_688 = arith.constant 6 : i32
      %get3A_689 = arith.constant 6 : i32
      %get3A_690 = arith.index_cast %get3A_688 : i32 to index
      %get3A_691 = arith.index_cast %get3A_689 : i32 to index
      %get3A_692 = arith.constant 0 : index
      %get3A_693 = tpu.vector_load %arg6[%get3A_690, %get3A_691, %get3A_692] {strides = array<i32>} : memref<16x8x128xf32, #tpu.memory_space<vmem>>, vector<1x1x16xf32>,
      %get3A_694 = vector.shape_cast %get3A_693 : vector<1x1x16xf32> to vector<16xf32>
      %swap3A_695 = arith.constant 6 : i32
      %swap3A_696 = arith.index_cast %swap3A_695 : i32 to index
      %swap3A_697 = arith.constant 0 : index
      %swap3A_698 = tpu.vector_load %arg7[%swap3A_696, %swap3A_697] {strides = array<i32>} : memref<16x128xf32, #tpu.memory_space<vmem>>, vector<1x16xf32>,
      %swap3A_699 = vector.shape_cast %swap3A_698 : vector<1x16xf32> to vector<16xf32>
      %swap3A_700 = vector.shape_cast %get3A_694 : vector<16xf32> to vector<1x16xf32>
      tpu.vector_store %arg7[%swap3A_696, %swap3A_697], %swap3A_700 {strides = array<i32>} : memref<16x128xf32, #tpu.memory_space<vmem>>, vector<1x16xf32>,
      %get3A_701 = arith.constant 6 : i32
      %get3A_702 = arith.constant 6 : i32
      %get3A_703 = arith.index_cast %get3A_701 : i32 to index
      %get3A_704 = arith.index_cast %get3A_702 : i32 to index
      %get3A_705 = arith.constant 16 : index
      %get3A_706 = tpu.vector_load %arg6[%get3A_703, %get3A_704, %get3A_705] {strides = array<i32>} : memref<16x8x128xf32, #tpu.memory_space<vmem>>, vector<1x1x16xf32>,
      %get3A_707 = vector.shape_cast %get3A_706 : vector<1x1x16xf32> to vector<16xf32>
      %swap3A_708 = arith.constant 6 : i32
      %swap3A_709 = arith.index_cast %swap3A_708 : i32 to index
      %swap3A_710 = arith.constant 16 : index
      %swap3A_711 = tpu.vector_load %arg7[%swap3A_709, %swap3A_710] {strides = array<i32>} : memref<16x128xf32, #tpu.memory_space<vmem>>, vector<1x16xf32>,
      %swap3A_712 = vector.shape_cast %swap3A_711 : vector<1x16xf32> to vector<16xf32>
      %swap3A_713 = vector.shape_cast %get3A_707 : vector<16xf32> to vector<1x16xf32>
      tpu.vector_store %arg7[%swap3A_709, %swap3A_710], %swap3A_713 {strides = array<i32>} : memref<16x128xf32, #tpu.memory_space<vmem>>, vector<1x16xf32>,
      %get3A_714 = arith.constant 6 : i32
      %get3A_715 = arith.constant 6 : i32
      %get3A_716 = arith.index_cast %get3A_714 : i32 to index
      %get3A_717 = arith.index_cast %get3A_715 : i32 to index
      %get3A_718 = arith.constant 32 : index
      %get3A_719 = tpu.vector_load %arg6[%get3A_716, %get3A_717, %get3A_718] {strides = array<i32>} : memref<16x8x128xf32, #tpu.memory_space<vmem>>, vector<1x1x16xf32>,
      %get3A_720 = vector.shape_cast %get3A_719 : vector<1x1x16xf32> to vector<16xf32>
      %swap3A_721 = arith.constant 6 : i32
      %swap3A_722 = arith.index_cast %swap3A_721 : i32 to index
      %swap3A_723 = arith.constant 32 : index
      %swap3A_724 = tpu.vector_load %arg7[%swap3A_722, %swap3A_723] {strides = array<i32>} : memref<16x128xf32, #tpu.memory_space<vmem>>, vector<1x16xf32>,
      %swap3A_725 = vector.shape_cast %swap3A_724 : vector<1x16xf32> to vector<16xf32>
      %swap3A_726 = vector.shape_cast %get3A_720 : vector<16xf32> to vector<1x16xf32>
      tpu.vector_store %arg7[%swap3A_722, %swap3A_723], %swap3A_726 {strides = array<i32>} : memref<16x128xf32, #tpu.memory_space<vmem>>, vector<1x16xf32>,
      %get3A_727 = arith.constant 6 : i32
      %get3A_728 = arith.constant 6 : i32
      %get3A_729 = arith.index_cast %get3A_727 : i32 to index
      %get3A_730 = arith.index_cast %get3A_728 : i32 to index
      %get3A_731 = arith.constant 48 : index
      %get3A_732 = tpu.vector_load %arg6[%get3A_729, %get3A_730, %get3A_731] {strides = array<i32>} : memref<16x8x128xf32, #tpu.memory_space<vmem>>, vector<1x1x16xf32>,
      %get3A_733 = vector.shape_cast %get3A_732 : vector<1x1x16xf32> to vector<16xf32>
      %swap3A_734 = arith.constant 6 : i32
      %swap3A_735 = arith.index_cast %swap3A_734 : i32 to index
      %swap3A_736 = arith.constant 48 : index
      %swap3A_737 = tpu.vector_load %arg7[%swap3A_735, %swap3A_736] {strides = array<i32>} : memref<16x128xf32, #tpu.memory_space<vmem>>, vector<1x16xf32>,
      %swap3A_738 = vector.shape_cast %swap3A_737 : vector<1x16xf32> to vector<16xf32>
      %swap3A_739 = vector.shape_cast %get3A_733 : vector<16xf32> to vector<1x16xf32>
      tpu.vector_store %arg7[%swap3A_735, %swap3A_736], %swap3A_739 {strides = array<i32>} : memref<16x128xf32, #tpu.memory_space<vmem>>, vector<1x16xf32>,
      %get3A_740 = arith.constant 6 : i32
      %get3A_741 = arith.constant 6 : i32
      %get3A_742 = arith.index_cast %get3A_740 : i32 to index
      %get3A_743 = arith.index_cast %get3A_741 : i32 to index
      %get3A_744 = arith.constant 64 : index
      %get3A_745 = tpu.vector_load %arg6[%get3A_742, %get3A_743, %get3A_744] {strides = array<i32>} : memref<16x8x128xf32, #tpu.memory_space<vmem>>, vector<1x1x16xf32>,
      %get3A_746 = vector.shape_cast %get3A_745 : vector<1x1x16xf32> to vector<16xf32>
      %swap3A_747 = arith.constant 6 : i32
      %swap3A_748 = arith.index_cast %swap3A_747 : i32 to index
      %swap3A_749 = arith.constant 64 : index
      %swap3A_750 = tpu.vector_load %arg7[%swap3A_748, %swap3A_749] {strides = array<i32>} : memref<16x128xf32, #tpu.memory_space<vmem>>, vector<1x16xf32>,
      %swap3A_751 = vector.shape_cast %swap3A_750 : vector<1x16xf32> to vector<16xf32>
      %swap3A_752 = vector.shape_cast %get3A_746 : vector<16xf32> to vector<1x16xf32>
      tpu.vector_store %arg7[%swap3A_748, %swap3A_749], %swap3A_752 {strides = array<i32>} : memref<16x128xf32, #tpu.memory_space<vmem>>, vector<1x16xf32>,
      %get3A_753 = arith.constant 6 : i32
      %get3A_754 = arith.constant 6 : i32
      %get3A_755 = arith.index_cast %get3A_753 : i32 to index
      %get3A_756 = arith.index_cast %get3A_754 : i32 to index
      %get3A_757 = arith.constant 80 : index
      %get3A_758 = tpu.vector_load %arg6[%get3A_755, %get3A_756, %get3A_757] {strides = array<i32>} : memref<16x8x128xf32, #tpu.memory_space<vmem>>, vector<1x1x16xf32>,
      %get3A_759 = vector.shape_cast %get3A_758 : vector<1x1x16xf32> to vector<16xf32>
      %swap3A_760 = arith.constant 6 : i32
      %swap3A_761 = arith.index_cast %swap3A_760 : i32 to index
      %swap3A_762 = arith.constant 80 : index
      %swap3A_763 = tpu.vector_load %arg7[%swap3A_761, %swap3A_762] {strides = array<i32>} : memref<16x128xf32, #tpu.memory_space<vmem>>, vector<1x16xf32>,
      %swap3A_764 = vector.shape_cast %swap3A_763 : vector<1x16xf32> to vector<16xf32>
      %swap3A_765 = vector.shape_cast %get3A_759 : vector<16xf32> to vector<1x16xf32>
      tpu.vector_store %arg7[%swap3A_761, %swap3A_762], %swap3A_765 {strides = array<i32>} : memref<16x128xf32, #tpu.memory_space<vmem>>, vector<1x16xf32>,
      %get3A_766 = arith.constant 6 : i32
      %get3A_767 = arith.constant 6 : i32
      %get3A_768 = arith.index_cast %get3A_766 : i32 to index
      %get3A_769 = arith.index_cast %get3A_767 : i32 to index
      %get3A_770 = arith.constant 96 : index
      %get3A_771 = tpu.vector_load %arg6[%get3A_768, %get3A_769, %get3A_770] {strides = array<i32>} : memref<16x8x128xf32, #tpu.memory_space<vmem>>, vector<1x1x16xf32>,
      %get3A_772 = vector.shape_cast %get3A_771 : vector<1x1x16xf32> to vector<16xf32>
      %swap3A_773 = arith.constant 6 : i32
      %swap3A_774 = arith.index_cast %swap3A_773 : i32 to index
      %swap3A_775 = arith.constant 96 : index
      %swap3A_776 = tpu.vector_load %arg7[%swap3A_774, %swap3A_775] {strides = array<i32>} : memref<16x128xf32, #tpu.memory_space<vmem>>, vector<1x16xf32>,
      %swap3A_777 = vector.shape_cast %swap3A_776 : vector<1x16xf32> to vector<16xf32>
      %swap3A_778 = vector.shape_cast %get3A_772 : vector<16xf32> to vector<1x16xf32>
      tpu.vector_store %arg7[%swap3A_774, %swap3A_775], %swap3A_778 {strides = array<i32>} : memref<16x128xf32, #tpu.memory_space<vmem>>, vector<1x16xf32>,
      %get3A_779 = arith.constant 6 : i32
      %get3A_780 = arith.constant 6 : i32
      %get3A_781 = arith.index_cast %get3A_779 : i32 to index
      %get3A_782 = arith.index_cast %get3A_780 : i32 to index
      %get3A_783 = arith.constant 112 : index
      %get3A_784 = tpu.vector_load %arg6[%get3A_781, %get3A_782, %get3A_783] {strides = array<i32>} : memref<16x8x128xf32, #tpu.memory_space<vmem>>, vector<1x1x16xf32>,
      %get3A_785 = vector.shape_cast %get3A_784 : vector<1x1x16xf32> to vector<16xf32>
      %swap3A_786 = arith.constant 6 : i32
      %swap3A_787 = arith.index_cast %swap3A_786 : i32 to index
      %swap3A_788 = arith.constant 112 : index
      %swap3A_789 = tpu.vector_load %arg7[%swap3A_787, %swap3A_788] {strides = array<i32>} : memref<16x128xf32, #tpu.memory_space<vmem>>, vector<1x16xf32>,
      %swap3A_790 = vector.shape_cast %swap3A_789 : vector<1x16xf32> to vector<16xf32>
      %swap3A_791 = vector.shape_cast %get3A_785 : vector<16xf32> to vector<1x16xf32>
      tpu.vector_store %arg7[%swap3A_787, %swap3A_788], %swap3A_791 {strides = array<i32>} : memref<16x128xf32, #tpu.memory_space<vmem>>, vector<1x16xf32>,
      %slice3A_792 = vector.extract_strided_slice %get3A_6 {offsets = [7], sizes = [1], strides = [1]} : vector<16xi32> to vector<1xi32>
      %squeeze3A_793 = vector.extract %slice3A_792[0] : i32 from vector<1xi32>
      %and3A_794 = arith.constant -128 : i32
      %and3A_795 = arith.andi %squeeze3A_793, %and3A_794 : i32
      %multiple_of3A_796 = tpu.assume_multiple %and3A_795, 128 : i32
      %add3A_797 = arith.constant 0 : i32
      %add3A_798 = arith.addi %mul3A_4, %add3A_797 : i32
      %multiple_of3A_799 = tpu.assume_multiple %add3A_798, 8 : i32
      %run_scoped3A_800 = arith.constant 7 : i32
      "tpu.region"() ({
        %run_scoped3A_1810 = tpu.sem_alloc : memref<!tpu.dma_semaphore, #tpu.memory_space<semaphore_mem>>
        %dma_start3A = arith.constant 0 : i32
        %dma_start3A_1811 = arith.constant 0 : i32
        %dma_start3A_1812 = tpu.memref_slice %arg6[%run_scoped3A_800, %dma_start3A, %dma_start3A_1811] : memref<16x8x128xf32, #tpu.memory_space<vmem>> -> memref<1x8x128xf32, #tpu.memory_space<vmem>>
        %dma_start3A_1813 = tpu.memref_squeeze %dma_start3A_1812 : memref<1x8x128xf32, #tpu.memory_space<vmem>> -> memref<8x128xf32, #tpu.memory_space<vmem>>
        %dma_start3A_1814 = tpu.memref_slice %arg2[%multiple_of3A_799, %multiple_of3A_796] : memref<64x1000000xf32, #tpu.memory_space<hbm>> -> memref<8x128xf32, #tpu.memory_space<hbm>>
        %dma_start3A_1815 = arith.constant 0 : i32
        %dma_start3A_1816 = arith.constant 0 : i32
        %dma_start3A_1817 = tpu.memref_slice %arg6[%run_scoped3A_800, %dma_start3A_1815, %dma_start3A_1816] : memref<16x8x128xf32, #tpu.memory_space<vmem>> -> memref<1x8x128xf32, #tpu.memory_space<vmem>>
        %dma_start3A_1818 = tpu.memref_squeeze %dma_start3A_1817 : memref<1x8x128xf32, #tpu.memory_space<vmem>> -> memref<8x128xf32, #tpu.memory_space<vmem>>
        %dma_start3A_1819 = tpu.memref_slice %arg2[%multiple_of3A_799, %multiple_of3A_796] : memref<64x1000000xf32, #tpu.memory_space<hbm>> -> memref<8x128xf32, #tpu.memory_space<hbm>>
        tpu.enqueue_dma source(%dma_start3A_1819 : memref<8x128xf32, #tpu.memory_space<hbm>>) target(%dma_start3A_1818 : memref<8x128xf32, #tpu.memory_space<vmem>>) target_semaphore(%run_scoped3A_1810 : memref<!tpu.dma_semaphore, #tpu.memory_space<semaphore_mem>>)
        %dma_wait3A = arith.constant 0 : i32
        %dma_wait3A_1820 = arith.constant 0 : i32
        %dma_wait3A_1821 = tpu.memref_slice %arg6[%run_scoped3A_800, %dma_wait3A, %dma_wait3A_1820] : memref<16x8x128xf32, #tpu.memory_space<vmem>> -> memref<1x8x128xf32, #tpu.memory_space<vmem>>
        %dma_wait3A_1822 = tpu.memref_squeeze %dma_wait3A_1821 : memref<1x8x128xf32, #tpu.memory_space<vmem>> -> memref<8x128xf32, #tpu.memory_space<vmem>>
        %dma_wait3A_1823 = tpu.memref_slice %arg2[%multiple_of3A_799, %multiple_of3A_796] : memref<64x1000000xf32, #tpu.memory_space<hbm>> -> memref<8x128xf32, #tpu.memory_space<hbm>>
        %dma_wait3A_1824 = arith.constant 0 : i32
        %dma_wait3A_1825 = arith.constant 0 : i32
        %dma_wait3A_1826 = tpu.memref_slice %arg6[%run_scoped3A_800, %dma_wait3A_1824, %dma_wait3A_1825] : memref<16x8x128xf32, #tpu.memory_space<vmem>> -> memref<1x8x128xf32, #tpu.memory_space<vmem>>
        %dma_wait3A_1827 = tpu.memref_squeeze %dma_wait3A_1826 : memref<1x8x128xf32, #tpu.memory_space<vmem>> -> memref<8x128xf32, #tpu.memory_space<vmem>>
        %dma_wait3A_1828 = tpu.memref_slice %arg2[%multiple_of3A_799, %multiple_of3A_796] : memref<64x1000000xf32, #tpu.memory_space<hbm>> -> memref<8x128xf32, #tpu.memory_space<hbm>>
        tpu.wait_dma2 semaphore(%run_scoped3A_1810 : memref<!tpu.dma_semaphore, #tpu.memory_space<semaphore_mem>>) src(%dma_wait3A_1828 : memref<8x128xf32, #tpu.memory_space<hbm>>) dst(%dma_wait3A_1827 : memref<8x128xf32, #tpu.memory_space<vmem>>)
        tpu.yield
      }) : () -> ()
      %get3A_801 = arith.constant 7 : i32
      %get3A_802 = arith.constant 7 : i32
      %get3A_803 = arith.index_cast %get3A_801 : i32 to index
      %get3A_804 = arith.index_cast %get3A_802 : i32 to index
      %get3A_805 = arith.constant 0 : index
      %get3A_806 = tpu.vector_load %arg6[%get3A_803, %get3A_804, %get3A_805] {strides = array<i32>} : memref<16x8x128xf32, #tpu.memory_space<vmem>>, vector<1x1x16xf32>,
      %get3A_807 = vector.shape_cast %get3A_806 : vector<1x1x16xf32> to vector<16xf32>
      %swap3A_808 = arith.constant 7 : i32
      %swap3A_809 = arith.index_cast %swap3A_808 : i32 to index
      %swap3A_810 = arith.constant 0 : index
      %swap3A_811 = tpu.vector_load %arg7[%swap3A_809, %swap3A_810] {strides = array<i32>} : memref<16x128xf32, #tpu.memory_space<vmem>>, vector<1x16xf32>,
      %swap3A_812 = vector.shape_cast %swap3A_811 : vector<1x16xf32> to vector<16xf32>
      %swap3A_813 = vector.shape_cast %get3A_807 : vector<16xf32> to vector<1x16xf32>
      tpu.vector_store %arg7[%swap3A_809, %swap3A_810], %swap3A_813 {strides = array<i32>} : memref<16x128xf32, #tpu.memory_space<vmem>>, vector<1x16xf32>,
      %get3A_814 = arith.constant 7 : i32
      %get3A_815 = arith.constant 7 : i32
      %get3A_816 = arith.index_cast %get3A_814 : i32 to index
      %get3A_817 = arith.index_cast %get3A_815 : i32 to index
      %get3A_818 = arith.constant 16 : index
      %get3A_819 = tpu.vector_load %arg6[%get3A_816, %get3A_817, %get3A_818] {strides = array<i32>} : memref<16x8x128xf32, #tpu.memory_space<vmem>>, vector<1x1x16xf32>,
      %get3A_820 = vector.shape_cast %get3A_819 : vector<1x1x16xf32> to vector<16xf32>
      %swap3A_821 = arith.constant 7 : i32
      %swap3A_822 = arith.index_cast %swap3A_821 : i32 to index
      %swap3A_823 = arith.constant 16 : index
      %swap3A_824 = tpu.vector_load %arg7[%swap3A_822, %swap3A_823] {strides = array<i32>} : memref<16x128xf32, #tpu.memory_space<vmem>>, vector<1x16xf32>,
      %swap3A_825 = vector.shape_cast %swap3A_824 : vector<1x16xf32> to vector<16xf32>
      %swap3A_826 = vector.shape_cast %get3A_820 : vector<16xf32> to vector<1x16xf32>
      tpu.vector_store %arg7[%swap3A_822, %swap3A_823], %swap3A_826 {strides = array<i32>} : memref<16x128xf32, #tpu.memory_space<vmem>>, vector<1x16xf32>,
      %get3A_827 = arith.constant 7 : i32
      %get3A_828 = arith.constant 7 : i32
      %get3A_829 = arith.index_cast %get3A_827 : i32 to index
      %get3A_830 = arith.index_cast %get3A_828 : i32 to index
      %get3A_831 = arith.constant 32 : index
      %get3A_832 = tpu.vector_load %arg6[%get3A_829, %get3A_830, %get3A_831] {strides = array<i32>} : memref<16x8x128xf32, #tpu.memory_space<vmem>>, vector<1x1x16xf32>,
      %get3A_833 = vector.shape_cast %get3A_832 : vector<1x1x16xf32> to vector<16xf32>
      %swap3A_834 = arith.constant 7 : i32
      %swap3A_835 = arith.index_cast %swap3A_834 : i32 to index
      %swap3A_836 = arith.constant 32 : index
      %swap3A_837 = tpu.vector_load %arg7[%swap3A_835, %swap3A_836] {strides = array<i32>} : memref<16x128xf32, #tpu.memory_space<vmem>>, vector<1x16xf32>,
      %swap3A_838 = vector.shape_cast %swap3A_837 : vector<1x16xf32> to vector<16xf32>
      %swap3A_839 = vector.shape_cast %get3A_833 : vector<16xf32> to vector<1x16xf32>
      tpu.vector_store %arg7[%swap3A_835, %swap3A_836], %swap3A_839 {strides = array<i32>} : memref<16x128xf32, #tpu.memory_space<vmem>>, vector<1x16xf32>,
      %get3A_840 = arith.constant 7 : i32
      %get3A_841 = arith.constant 7 : i32
      %get3A_842 = arith.index_cast %get3A_840 : i32 to index
      %get3A_843 = arith.index_cast %get3A_841 : i32 to index
      %get3A_844 = arith.constant 48 : index
      %get3A_845 = tpu.vector_load %arg6[%get3A_842, %get3A_843, %get3A_844] {strides = array<i32>} : memref<16x8x128xf32, #tpu.memory_space<vmem>>, vector<1x1x16xf32>,
      %get3A_846 = vector.shape_cast %get3A_845 : vector<1x1x16xf32> to vector<16xf32>
      %swap3A_847 = arith.constant 7 : i32
      %swap3A_848 = arith.index_cast %swap3A_847 : i32 to index
      %swap3A_849 = arith.constant 48 : index
      %swap3A_850 = tpu.vector_load %arg7[%swap3A_848, %swap3A_849] {strides = array<i32>} : memref<16x128xf32, #tpu.memory_space<vmem>>, vector<1x16xf32>,
      %swap3A_851 = vector.shape_cast %swap3A_850 : vector<1x16xf32> to vector<16xf32>
      %swap3A_852 = vector.shape_cast %get3A_846 : vector<16xf32> to vector<1x16xf32>
      tpu.vector_store %arg7[%swap3A_848, %swap3A_849], %swap3A_852 {strides = array<i32>} : memref<16x128xf32, #tpu.memory_space<vmem>>, vector<1x16xf32>,
      %get3A_853 = arith.constant 7 : i32
      %get3A_854 = arith.constant 7 : i32
      %get3A_855 = arith.index_cast %get3A_853 : i32 to index
      %get3A_856 = arith.index_cast %get3A_854 : i32 to index
      %get3A_857 = arith.constant 64 : index
      %get3A_858 = tpu.vector_load %arg6[%get3A_855, %get3A_856, %get3A_857] {strides = array<i32>} : memref<16x8x128xf32, #tpu.memory_space<vmem>>, vector<1x1x16xf32>,
      %get3A_859 = vector.shape_cast %get3A_858 : vector<1x1x16xf32> to vector<16xf32>
      %swap3A_860 = arith.constant 7 : i32
      %swap3A_861 = arith.index_cast %swap3A_860 : i32 to index
      %swap3A_862 = arith.constant 64 : index
      %swap3A_863 = tpu.vector_load %arg7[%swap3A_861, %swap3A_862] {strides = array<i32>} : memref<16x128xf32, #tpu.memory_space<vmem>>, vector<1x16xf32>,
      %swap3A_864 = vector.shape_cast %swap3A_863 : vector<1x16xf32> to vector<16xf32>
      %swap3A_865 = vector.shape_cast %get3A_859 : vector<16xf32> to vector<1x16xf32>
      tpu.vector_store %arg7[%swap3A_861, %swap3A_862], %swap3A_865 {strides = array<i32>} : memref<16x128xf32, #tpu.memory_space<vmem>>, vector<1x16xf32>,
      %get3A_866 = arith.constant 7 : i32
      %get3A_867 = arith.constant 7 : i32
      %get3A_868 = arith.index_cast %get3A_866 : i32 to index
      %get3A_869 = arith.index_cast %get3A_867 : i32 to index
      %get3A_870 = arith.constant 80 : index
      %get3A_871 = tpu.vector_load %arg6[%get3A_868, %get3A_869, %get3A_870] {strides = array<i32>} : memref<16x8x128xf32, #tpu.memory_space<vmem>>, vector<1x1x16xf32>,
      %get3A_872 = vector.shape_cast %get3A_871 : vector<1x1x16xf32> to vector<16xf32>
      %swap3A_873 = arith.constant 7 : i32
      %swap3A_874 = arith.index_cast %swap3A_873 : i32 to index
      %swap3A_875 = arith.constant 80 : index
      %swap3A_876 = tpu.vector_load %arg7[%swap3A_874, %swap3A_875] {strides = array<i32>} : memref<16x128xf32, #tpu.memory_space<vmem>>, vector<1x16xf32>,
      %swap3A_877 = vector.shape_cast %swap3A_876 : vector<1x16xf32> to vector<16xf32>
      %swap3A_878 = vector.shape_cast %get3A_872 : vector<16xf32> to vector<1x16xf32>
      tpu.vector_store %arg7[%swap3A_874, %swap3A_875], %swap3A_878 {strides = array<i32>} : memref<16x128xf32, #tpu.memory_space<vmem>>, vector<1x16xf32>,
      %get3A_879 = arith.constant 7 : i32
      %get3A_880 = arith.constant 7 : i32
      %get3A_881 = arith.index_cast %get3A_879 : i32 to index
      %get3A_882 = arith.index_cast %get3A_880 : i32 to index
      %get3A_883 = arith.constant 96 : index
      %get3A_884 = tpu.vector_load %arg6[%get3A_881, %get3A_882, %get3A_883] {strides = array<i32>} : memref<16x8x128xf32, #tpu.memory_space<vmem>>, vector<1x1x16xf32>,
      %get3A_885 = vector.shape_cast %get3A_884 : vector<1x1x16xf32> to vector<16xf32>
      %swap3A_886 = arith.constant 7 : i32
      %swap3A_887 = arith.index_cast %swap3A_886 : i32 to index
      %swap3A_888 = arith.constant 96 : index
      %swap3A_889 = tpu.vector_load %arg7[%swap3A_887, %swap3A_888] {strides = array<i32>} : memref<16x128xf32, #tpu.memory_space<vmem>>, vector<1x16xf32>,
      %swap3A_890 = vector.shape_cast %swap3A_889 : vector<1x16xf32> to vector<16xf32>
      %swap3A_891 = vector.shape_cast %get3A_885 : vector<16xf32> to vector<1x16xf32>
      tpu.vector_store %arg7[%swap3A_887, %swap3A_888], %swap3A_891 {strides = array<i32>} : memref<16x128xf32, #tpu.memory_space<vmem>>, vector<1x16xf32>,
      %get3A_892 = arith.constant 7 : i32
      %get3A_893 = arith.constant 7 : i32
      %get3A_894 = arith.index_cast %get3A_892 : i32 to index
      %get3A_895 = arith.index_cast %get3A_893 : i32 to index
      %get3A_896 = arith.constant 112 : index
      %get3A_897 = tpu.vector_load %arg6[%get3A_894, %get3A_895, %get3A_896] {strides = array<i32>} : memref<16x8x128xf32, #tpu.memory_space<vmem>>, vector<1x1x16xf32>,
      %get3A_898 = vector.shape_cast %get3A_897 : vector<1x1x16xf32> to vector<16xf32>
      %swap3A_899 = arith.constant 7 : i32
      %swap3A_900 = arith.index_cast %swap3A_899 : i32 to index
      %swap3A_901 = arith.constant 112 : index
      %swap3A_902 = tpu.vector_load %arg7[%swap3A_900, %swap3A_901] {strides = array<i32>} : memref<16x128xf32, #tpu.memory_space<vmem>>, vector<1x16xf32>,
      %swap3A_903 = vector.shape_cast %swap3A_902 : vector<1x16xf32> to vector<16xf32>
      %swap3A_904 = vector.shape_cast %get3A_898 : vector<16xf32> to vector<1x16xf32>
      tpu.vector_store %arg7[%swap3A_900, %swap3A_901], %swap3A_904 {strides = array<i32>} : memref<16x128xf32, #tpu.memory_space<vmem>>, vector<1x16xf32>,
      %slice3A_905 = vector.extract_strided_slice %get3A_6 {offsets = [8], sizes = [1], strides = [1]} : vector<16xi32> to vector<1xi32>
      %squeeze3A_906 = vector.extract %slice3A_905[0] : i32 from vector<1xi32>
      %and3A_907 = arith.constant -128 : i32
      %and3A_908 = arith.andi %squeeze3A_906, %and3A_907 : i32
      %multiple_of3A_909 = tpu.assume_multiple %and3A_908, 128 : i32
      %add3A_910 = arith.constant 8 : i32
      %add3A_911 = arith.addi %mul3A_4, %add3A_910 : i32
      %multiple_of3A_912 = tpu.assume_multiple %add3A_911, 8 : i32
      %run_scoped3A_913 = arith.constant 8 : i32
      "tpu.region"() ({
        %run_scoped3A_1810 = tpu.sem_alloc : memref<!tpu.dma_semaphore, #tpu.memory_space<semaphore_mem>>
        %dma_start3A = arith.constant 0 : i32
        %dma_start3A_1811 = arith.constant 0 : i32
        %dma_start3A_1812 = tpu.memref_slice %arg6[%run_scoped3A_913, %dma_start3A, %dma_start3A_1811] : memref<16x8x128xf32, #tpu.memory_space<vmem>> -> memref<1x8x128xf32, #tpu.memory_space<vmem>>
        %dma_start3A_1813 = tpu.memref_squeeze %dma_start3A_1812 : memref<1x8x128xf32, #tpu.memory_space<vmem>> -> memref<8x128xf32, #tpu.memory_space<vmem>>
        %dma_start3A_1814 = tpu.memref_slice %arg2[%multiple_of3A_912, %multiple_of3A_909] : memref<64x1000000xf32, #tpu.memory_space<hbm>> -> memref<8x128xf32, #tpu.memory_space<hbm>>
        %dma_start3A_1815 = arith.constant 0 : i32
        %dma_start3A_1816 = arith.constant 0 : i32
        %dma_start3A_1817 = tpu.memref_slice %arg6[%run_scoped3A_913, %dma_start3A_1815, %dma_start3A_1816] : memref<16x8x128xf32, #tpu.memory_space<vmem>> -> memref<1x8x128xf32, #tpu.memory_space<vmem>>
        %dma_start3A_1818 = tpu.memref_squeeze %dma_start3A_1817 : memref<1x8x128xf32, #tpu.memory_space<vmem>> -> memref<8x128xf32, #tpu.memory_space<vmem>>
        %dma_start3A_1819 = tpu.memref_slice %arg2[%multiple_of3A_912, %multiple_of3A_909] : memref<64x1000000xf32, #tpu.memory_space<hbm>> -> memref<8x128xf32, #tpu.memory_space<hbm>>
        tpu.enqueue_dma source(%dma_start3A_1819 : memref<8x128xf32, #tpu.memory_space<hbm>>) target(%dma_start3A_1818 : memref<8x128xf32, #tpu.memory_space<vmem>>) target_semaphore(%run_scoped3A_1810 : memref<!tpu.dma_semaphore, #tpu.memory_space<semaphore_mem>>)
        %dma_wait3A = arith.constant 0 : i32
        %dma_wait3A_1820 = arith.constant 0 : i32
        %dma_wait3A_1821 = tpu.memref_slice %arg6[%run_scoped3A_913, %dma_wait3A, %dma_wait3A_1820] : memref<16x8x128xf32, #tpu.memory_space<vmem>> -> memref<1x8x128xf32, #tpu.memory_space<vmem>>
        %dma_wait3A_1822 = tpu.memref_squeeze %dma_wait3A_1821 : memref<1x8x128xf32, #tpu.memory_space<vmem>> -> memref<8x128xf32, #tpu.memory_space<vmem>>
        %dma_wait3A_1823 = tpu.memref_slice %arg2[%multiple_of3A_912, %multiple_of3A_909] : memref<64x1000000xf32, #tpu.memory_space<hbm>> -> memref<8x128xf32, #tpu.memory_space<hbm>>
        %dma_wait3A_1824 = arith.constant 0 : i32
        %dma_wait3A_1825 = arith.constant 0 : i32
        %dma_wait3A_1826 = tpu.memref_slice %arg6[%run_scoped3A_913, %dma_wait3A_1824, %dma_wait3A_1825] : memref<16x8x128xf32, #tpu.memory_space<vmem>> -> memref<1x8x128xf32, #tpu.memory_space<vmem>>
        %dma_wait3A_1827 = tpu.memref_squeeze %dma_wait3A_1826 : memref<1x8x128xf32, #tpu.memory_space<vmem>> -> memref<8x128xf32, #tpu.memory_space<vmem>>
        %dma_wait3A_1828 = tpu.memref_slice %arg2[%multiple_of3A_912, %multiple_of3A_909] : memref<64x1000000xf32, #tpu.memory_space<hbm>> -> memref<8x128xf32, #tpu.memory_space<hbm>>
        tpu.wait_dma2 semaphore(%run_scoped3A_1810 : memref<!tpu.dma_semaphore, #tpu.memory_space<semaphore_mem>>) src(%dma_wait3A_1828 : memref<8x128xf32, #tpu.memory_space<hbm>>) dst(%dma_wait3A_1827 : memref<8x128xf32, #tpu.memory_space<vmem>>)
        tpu.yield
      }) : () -> ()
      %get3A_914 = arith.constant 8 : i32
      %get3A_915 = arith.constant 0 : i32
      %get3A_916 = arith.index_cast %get3A_914 : i32 to index
      %get3A_917 = arith.index_cast %get3A_915 : i32 to index
      %get3A_918 = arith.constant 0 : index
      %get3A_919 = tpu.vector_load %arg6[%get3A_916, %get3A_917, %get3A_918] {strides = array<i32>} : memref<16x8x128xf32, #tpu.memory_space<vmem>>, vector<1x1x16xf32>,
      %get3A_920 = vector.shape_cast %get3A_919 : vector<1x1x16xf32> to vector<16xf32>
      %swap3A_921 = arith.constant 8 : i32
      %swap3A_922 = arith.index_cast %swap3A_921 : i32 to index
      %swap3A_923 = arith.constant 0 : index
      %swap3A_924 = tpu.vector_load %arg7[%swap3A_922, %swap3A_923] {strides = array<i32>} : memref<16x128xf32, #tpu.memory_space<vmem>>, vector<1x16xf32>,
      %swap3A_925 = vector.shape_cast %swap3A_924 : vector<1x16xf32> to vector<16xf32>
      %swap3A_926 = vector.shape_cast %get3A_920 : vector<16xf32> to vector<1x16xf32>
      tpu.vector_store %arg7[%swap3A_922, %swap3A_923], %swap3A_926 {strides = array<i32>} : memref<16x128xf32, #tpu.memory_space<vmem>>, vector<1x16xf32>,
      %get3A_927 = arith.constant 8 : i32
      %get3A_928 = arith.constant 0 : i32
      %get3A_929 = arith.index_cast %get3A_927 : i32 to index
      %get3A_930 = arith.index_cast %get3A_928 : i32 to index
      %get3A_931 = arith.constant 16 : index
      %get3A_932 = tpu.vector_load %arg6[%get3A_929, %get3A_930, %get3A_931] {strides = array<i32>} : memref<16x8x128xf32, #tpu.memory_space<vmem>>, vector<1x1x16xf32>,
      %get3A_933 = vector.shape_cast %get3A_932 : vector<1x1x16xf32> to vector<16xf32>
      %swap3A_934 = arith.constant 8 : i32
      %swap3A_935 = arith.index_cast %swap3A_934 : i32 to index
      %swap3A_936 = arith.constant 16 : index
      %swap3A_937 = tpu.vector_load %arg7[%swap3A_935, %swap3A_936] {strides = array<i32>} : memref<16x128xf32, #tpu.memory_space<vmem>>, vector<1x16xf32>,
      %swap3A_938 = vector.shape_cast %swap3A_937 : vector<1x16xf32> to vector<16xf32>
      %swap3A_939 = vector.shape_cast %get3A_933 : vector<16xf32> to vector<1x16xf32>
      tpu.vector_store %arg7[%swap3A_935, %swap3A_936], %swap3A_939 {strides = array<i32>} : memref<16x128xf32, #tpu.memory_space<vmem>>, vector<1x16xf32>,
      %get3A_940 = arith.constant 8 : i32
      %get3A_941 = arith.constant 0 : i32
      %get3A_942 = arith.index_cast %get3A_940 : i32 to index
      %get3A_943 = arith.index_cast %get3A_941 : i32 to index
      %get3A_944 = arith.constant 32 : index
      %get3A_945 = tpu.vector_load %arg6[%get3A_942, %get3A_943, %get3A_944] {strides = array<i32>} : memref<16x8x128xf32, #tpu.memory_space<vmem>>, vector<1x1x16xf32>,
      %get3A_946 = vector.shape_cast %get3A_945 : vector<1x1x16xf32> to vector<16xf32>
      %swap3A_947 = arith.constant 8 : i32
      %swap3A_948 = arith.index_cast %swap3A_947 : i32 to index
      %swap3A_949 = arith.constant 32 : index
      %swap3A_950 = tpu.vector_load %arg7[%swap3A_948, %swap3A_949] {strides = array<i32>} : memref<16x128xf32, #tpu.memory_space<vmem>>, vector<1x16xf32>,
      %swap3A_951 = vector.shape_cast %swap3A_950 : vector<1x16xf32> to vector<16xf32>
      %swap3A_952 = vector.shape_cast %get3A_946 : vector<16xf32> to vector<1x16xf32>
      tpu.vector_store %arg7[%swap3A_948, %swap3A_949], %swap3A_952 {strides = array<i32>} : memref<16x128xf32, #tpu.memory_space<vmem>>, vector<1x16xf32>,
      %get3A_953 = arith.constant 8 : i32
      %get3A_954 = arith.constant 0 : i32
      %get3A_955 = arith.index_cast %get3A_953 : i32 to index
      %get3A_956 = arith.index_cast %get3A_954 : i32 to index
      %get3A_957 = arith.constant 48 : index
      %get3A_958 = tpu.vector_load %arg6[%get3A_955, %get3A_956, %get3A_957] {strides = array<i32>} : memref<16x8x128xf32, #tpu.memory_space<vmem>>, vector<1x1x16xf32>,
      %get3A_959 = vector.shape_cast %get3A_958 : vector<1x1x16xf32> to vector<16xf32>
      %swap3A_960 = arith.constant 8 : i32
      %swap3A_961 = arith.index_cast %swap3A_960 : i32 to index
      %swap3A_962 = arith.constant 48 : index
      %swap3A_963 = tpu.vector_load %arg7[%swap3A_961, %swap3A_962] {strides = array<i32>} : memref<16x128xf32, #tpu.memory_space<vmem>>, vector<1x16xf32>,
      %swap3A_964 = vector.shape_cast %swap3A_963 : vector<1x16xf32> to vector<16xf32>
      %swap3A_965 = vector.shape_cast %get3A_959 : vector<16xf32> to vector<1x16xf32>
      tpu.vector_store %arg7[%swap3A_961, %swap3A_962], %swap3A_965 {strides = array<i32>} : memref<16x128xf32, #tpu.memory_space<vmem>>, vector<1x16xf32>,
      %get3A_966 = arith.constant 8 : i32
      %get3A_967 = arith.constant 0 : i32
      %get3A_968 = arith.index_cast %get3A_966 : i32 to index
      %get3A_969 = arith.index_cast %get3A_967 : i32 to index
      %get3A_970 = arith.constant 64 : index
      %get3A_971 = tpu.vector_load %arg6[%get3A_968, %get3A_969, %get3A_970] {strides = array<i32>} : memref<16x8x128xf32, #tpu.memory_space<vmem>>, vector<1x1x16xf32>,
      %get3A_972 = vector.shape_cast %get3A_971 : vector<1x1x16xf32> to vector<16xf32>
      %swap3A_973 = arith.constant 8 : i32
      %swap3A_974 = arith.index_cast %swap3A_973 : i32 to index
      %swap3A_975 = arith.constant 64 : index
      %swap3A_976 = tpu.vector_load %arg7[%swap3A_974, %swap3A_975] {strides = array<i32>} : memref<16x128xf32, #tpu.memory_space<vmem>>, vector<1x16xf32>,
      %swap3A_977 = vector.shape_cast %swap3A_976 : vector<1x16xf32> to vector<16xf32>
      %swap3A_978 = vector.shape_cast %get3A_972 : vector<16xf32> to vector<1x16xf32>
      tpu.vector_store %arg7[%swap3A_974, %swap3A_975], %swap3A_978 {strides = array<i32>} : memref<16x128xf32, #tpu.memory_space<vmem>>, vector<1x16xf32>,
      %get3A_979 = arith.constant 8 : i32
      %get3A_980 = arith.constant 0 : i32
      %get3A_981 = arith.index_cast %get3A_979 : i32 to index
      %get3A_982 = arith.index_cast %get3A_980 : i32 to index
      %get3A_983 = arith.constant 80 : index
      %get3A_984 = tpu.vector_load %arg6[%get3A_981, %get3A_982, %get3A_983] {strides = array<i32>} : memref<16x8x128xf32, #tpu.memory_space<vmem>>, vector<1x1x16xf32>,
      %get3A_985 = vector.shape_cast %get3A_984 : vector<1x1x16xf32> to vector<16xf32>
      %swap3A_986 = arith.constant 8 : i32
      %swap3A_987 = arith.index_cast %swap3A_986 : i32 to index
      %swap3A_988 = arith.constant 80 : index
      %swap3A_989 = tpu.vector_load %arg7[%swap3A_987, %swap3A_988] {strides = array<i32>} : memref<16x128xf32, #tpu.memory_space<vmem>>, vector<1x16xf32>,
      %swap3A_990 = vector.shape_cast %swap3A_989 : vector<1x16xf32> to vector<16xf32>
      %swap3A_991 = vector.shape_cast %get3A_985 : vector<16xf32> to vector<1x16xf32>
      tpu.vector_store %arg7[%swap3A_987, %swap3A_988], %swap3A_991 {strides = array<i32>} : memref<16x128xf32, #tpu.memory_space<vmem>>, vector<1x16xf32>,
      %get3A_992 = arith.constant 8 : i32
      %get3A_993 = arith.constant 0 : i32
      %get3A_994 = arith.index_cast %get3A_992 : i32 to index
      %get3A_995 = arith.index_cast %get3A_993 : i32 to index
      %get3A_996 = arith.constant 96 : index
      %get3A_997 = tpu.vector_load %arg6[%get3A_994, %get3A_995, %get3A_996] {strides = array<i32>} : memref<16x8x128xf32, #tpu.memory_space<vmem>>, vector<1x1x16xf32>,
      %get3A_998 = vector.shape_cast %get3A_997 : vector<1x1x16xf32> to vector<16xf32>
      %swap3A_999 = arith.constant 8 : i32
      %swap3A_1000 = arith.index_cast %swap3A_999 : i32 to index
      %swap3A_1001 = arith.constant 96 : index
      %swap3A_1002 = tpu.vector_load %arg7[%swap3A_1000, %swap3A_1001] {strides = array<i32>} : memref<16x128xf32, #tpu.memory_space<vmem>>, vector<1x16xf32>,
      %swap3A_1003 = vector.shape_cast %swap3A_1002 : vector<1x16xf32> to vector<16xf32>
      %swap3A_1004 = vector.shape_cast %get3A_998 : vector<16xf32> to vector<1x16xf32>
      tpu.vector_store %arg7[%swap3A_1000, %swap3A_1001], %swap3A_1004 {strides = array<i32>} : memref<16x128xf32, #tpu.memory_space<vmem>>, vector<1x16xf32>,
      %get3A_1005 = arith.constant 8 : i32
      %get3A_1006 = arith.constant 0 : i32
      %get3A_1007 = arith.index_cast %get3A_1005 : i32 to index
      %get3A_1008 = arith.index_cast %get3A_1006 : i32 to index
      %get3A_1009 = arith.constant 112 : index
      %get3A_1010 = tpu.vector_load %arg6[%get3A_1007, %get3A_1008, %get3A_1009] {strides = array<i32>} : memref<16x8x128xf32, #tpu.memory_space<vmem>>, vector<1x1x16xf32>,
      %get3A_1011 = vector.shape_cast %get3A_1010 : vector<1x1x16xf32> to vector<16xf32>
      %swap3A_1012 = arith.constant 8 : i32
      %swap3A_1013 = arith.index_cast %swap3A_1012 : i32 to index
      %swap3A_1014 = arith.constant 112 : index
      %swap3A_1015 = tpu.vector_load %arg7[%swap3A_1013, %swap3A_1014] {strides = array<i32>} : memref<16x128xf32, #tpu.memory_space<vmem>>, vector<1x16xf32>,
      %swap3A_1016 = vector.shape_cast %swap3A_1015 : vector<1x16xf32> to vector<16xf32>
      %swap3A_1017 = vector.shape_cast %get3A_1011 : vector<16xf32> to vector<1x16xf32>
      tpu.vector_store %arg7[%swap3A_1013, %swap3A_1014], %swap3A_1017 {strides = array<i32>} : memref<16x128xf32, #tpu.memory_space<vmem>>, vector<1x16xf32>,
      %slice3A_1018 = vector.extract_strided_slice %get3A_6 {offsets = [9], sizes = [1], strides = [1]} : vector<16xi32> to vector<1xi32>
      %squeeze3A_1019 = vector.extract %slice3A_1018[0] : i32 from vector<1xi32>
      %and3A_1020 = arith.constant -128 : i32
      %and3A_1021 = arith.andi %squeeze3A_1019, %and3A_1020 : i32
      %multiple_of3A_1022 = tpu.assume_multiple %and3A_1021, 128 : i32
      %add3A_1023 = arith.constant 8 : i32
      %add3A_1024 = arith.addi %mul3A_4, %add3A_1023 : i32
      %multiple_of3A_1025 = tpu.assume_multiple %add3A_1024, 8 : i32
      %run_scoped3A_1026 = arith.constant 9 : i32
      "tpu.region"() ({
        %run_scoped3A_1810 = tpu.sem_alloc : memref<!tpu.dma_semaphore, #tpu.memory_space<semaphore_mem>>
        %dma_start3A = arith.constant 0 : i32
        %dma_start3A_1811 = arith.constant 0 : i32
        %dma_start3A_1812 = tpu.memref_slice %arg6[%run_scoped3A_1026, %dma_start3A, %dma_start3A_1811] : memref<16x8x128xf32, #tpu.memory_space<vmem>> -> memref<1x8x128xf32, #tpu.memory_space<vmem>>
        %dma_start3A_1813 = tpu.memref_squeeze %dma_start3A_1812 : memref<1x8x128xf32, #tpu.memory_space<vmem>> -> memref<8x128xf32, #tpu.memory_space<vmem>>
        %dma_start3A_1814 = tpu.memref_slice %arg2[%multiple_of3A_1025, %multiple_of3A_1022] : memref<64x1000000xf32, #tpu.memory_space<hbm>> -> memref<8x128xf32, #tpu.memory_space<hbm>>
        %dma_start3A_1815 = arith.constant 0 : i32
        %dma_start3A_1816 = arith.constant 0 : i32
        %dma_start3A_1817 = tpu.memref_slice %arg6[%run_scoped3A_1026, %dma_start3A_1815, %dma_start3A_1816] : memref<16x8x128xf32, #tpu.memory_space<vmem>> -> memref<1x8x128xf32, #tpu.memory_space<vmem>>
        %dma_start3A_1818 = tpu.memref_squeeze %dma_start3A_1817 : memref<1x8x128xf32, #tpu.memory_space<vmem>> -> memref<8x128xf32, #tpu.memory_space<vmem>>
        %dma_start3A_1819 = tpu.memref_slice %arg2[%multiple_of3A_1025, %multiple_of3A_1022] : memref<64x1000000xf32, #tpu.memory_space<hbm>> -> memref<8x128xf32, #tpu.memory_space<hbm>>
        tpu.enqueue_dma source(%dma_start3A_1819 : memref<8x128xf32, #tpu.memory_space<hbm>>) target(%dma_start3A_1818 : memref<8x128xf32, #tpu.memory_space<vmem>>) target_semaphore(%run_scoped3A_1810 : memref<!tpu.dma_semaphore, #tpu.memory_space<semaphore_mem>>)
        %dma_wait3A = arith.constant 0 : i32
        %dma_wait3A_1820 = arith.constant 0 : i32
        %dma_wait3A_1821 = tpu.memref_slice %arg6[%run_scoped3A_1026, %dma_wait3A, %dma_wait3A_1820] : memref<16x8x128xf32, #tpu.memory_space<vmem>> -> memref<1x8x128xf32, #tpu.memory_space<vmem>>
        %dma_wait3A_1822 = tpu.memref_squeeze %dma_wait3A_1821 : memref<1x8x128xf32, #tpu.memory_space<vmem>> -> memref<8x128xf32, #tpu.memory_space<vmem>>
        %dma_wait3A_1823 = tpu.memref_slice %arg2[%multiple_of3A_1025, %multiple_of3A_1022] : memref<64x1000000xf32, #tpu.memory_space<hbm>> -> memref<8x128xf32, #tpu.memory_space<hbm>>
        %dma_wait3A_1824 = arith.constant 0 : i32
        %dma_wait3A_1825 = arith.constant 0 : i32
        %dma_wait3A_1826 = tpu.memref_slice %arg6[%run_scoped3A_1026, %dma_wait3A_1824, %dma_wait3A_1825] : memref<16x8x128xf32, #tpu.memory_space<vmem>> -> memref<1x8x128xf32, #tpu.memory_space<vmem>>
        %dma_wait3A_1827 = tpu.memref_squeeze %dma_wait3A_1826 : memref<1x8x128xf32, #tpu.memory_space<vmem>> -> memref<8x128xf32, #tpu.memory_space<vmem>>
        %dma_wait3A_1828 = tpu.memref_slice %arg2[%multiple_of3A_1025, %multiple_of3A_1022] : memref<64x1000000xf32, #tpu.memory_space<hbm>> -> memref<8x128xf32, #tpu.memory_space<hbm>>
        tpu.wait_dma2 semaphore(%run_scoped3A_1810 : memref<!tpu.dma_semaphore, #tpu.memory_space<semaphore_mem>>) src(%dma_wait3A_1828 : memref<8x128xf32, #tpu.memory_space<hbm>>) dst(%dma_wait3A_1827 : memref<8x128xf32, #tpu.memory_space<vmem>>)
        tpu.yield
      }) : () -> ()
      %get3A_1027 = arith.constant 9 : i32
      %get3A_1028 = arith.constant 1 : i32
      %get3A_1029 = arith.index_cast %get3A_1027 : i32 to index
      %get3A_1030 = arith.index_cast %get3A_1028 : i32 to index
      %get3A_1031 = arith.constant 0 : index
      %get3A_1032 = tpu.vector_load %arg6[%get3A_1029, %get3A_1030, %get3A_1031] {strides = array<i32>} : memref<16x8x128xf32, #tpu.memory_space<vmem>>, vector<1x1x16xf32>,
      %get3A_1033 = vector.shape_cast %get3A_1032 : vector<1x1x16xf32> to vector<16xf32>
      %swap3A_1034 = arith.constant 9 : i32
      %swap3A_1035 = arith.index_cast %swap3A_1034 : i32 to index
      %swap3A_1036 = arith.constant 0 : index
      %swap3A_1037 = tpu.vector_load %arg7[%swap3A_1035, %swap3A_1036] {strides = array<i32>} : memref<16x128xf32, #tpu.memory_space<vmem>>, vector<1x16xf32>,
      %swap3A_1038 = vector.shape_cast %swap3A_1037 : vector<1x16xf32> to vector<16xf32>
      %swap3A_1039 = vector.shape_cast %get3A_1033 : vector<16xf32> to vector<1x16xf32>
      tpu.vector_store %arg7[%swap3A_1035, %swap3A_1036], %swap3A_1039 {strides = array<i32>} : memref<16x128xf32, #tpu.memory_space<vmem>>, vector<1x16xf32>,
      %get3A_1040 = arith.constant 9 : i32
      %get3A_1041 = arith.constant 1 : i32
      %get3A_1042 = arith.index_cast %get3A_1040 : i32 to index
      %get3A_1043 = arith.index_cast %get3A_1041 : i32 to index
      %get3A_1044 = arith.constant 16 : index
      %get3A_1045 = tpu.vector_load %arg6[%get3A_1042, %get3A_1043, %get3A_1044] {strides = array<i32>} : memref<16x8x128xf32, #tpu.memory_space<vmem>>, vector<1x1x16xf32>,
      %get3A_1046 = vector.shape_cast %get3A_1045 : vector<1x1x16xf32> to vector<16xf32>
      %swap3A_1047 = arith.constant 9 : i32
      %swap3A_1048 = arith.index_cast %swap3A_1047 : i32 to index
      %swap3A_1049 = arith.constant 16 : index
      %swap3A_1050 = tpu.vector_load %arg7[%swap3A_1048, %swap3A_1049] {strides = array<i32>} : memref<16x128xf32, #tpu.memory_space<vmem>>, vector<1x16xf32>,
      %swap3A_1051 = vector.shape_cast %swap3A_1050 : vector<1x16xf32> to vector<16xf32>
      %swap3A_1052 = vector.shape_cast %get3A_1046 : vector<16xf32> to vector<1x16xf32>
      tpu.vector_store %arg7[%swap3A_1048, %swap3A_1049], %swap3A_1052 {strides = array<i32>} : memref<16x128xf32, #tpu.memory_space<vmem>>, vector<1x16xf32>,
      %get3A_1053 = arith.constant 9 : i32
      %get3A_1054 = arith.constant 1 : i32
      %get3A_1055 = arith.index_cast %get3A_1053 : i32 to index
      %get3A_1056 = arith.index_cast %get3A_1054 : i32 to index
      %get3A_1057 = arith.constant 32 : index
      %get3A_1058 = tpu.vector_load %arg6[%get3A_1055, %get3A_1056, %get3A_1057] {strides = array<i32>} : memref<16x8x128xf32, #tpu.memory_space<vmem>>, vector<1x1x16xf32>,
      %get3A_1059 = vector.shape_cast %get3A_1058 : vector<1x1x16xf32> to vector<16xf32>
      %swap3A_1060 = arith.constant 9 : i32
      %swap3A_1061 = arith.index_cast %swap3A_1060 : i32 to index
      %swap3A_1062 = arith.constant 32 : index
      %swap3A_1063 = tpu.vector_load %arg7[%swap3A_1061, %swap3A_1062] {strides = array<i32>} : memref<16x128xf32, #tpu.memory_space<vmem>>, vector<1x16xf32>,
      %swap3A_1064 = vector.shape_cast %swap3A_1063 : vector<1x16xf32> to vector<16xf32>
      %swap3A_1065 = vector.shape_cast %get3A_1059 : vector<16xf32> to vector<1x16xf32>
      tpu.vector_store %arg7[%swap3A_1061, %swap3A_1062], %swap3A_1065 {strides = array<i32>} : memref<16x128xf32, #tpu.memory_space<vmem>>, vector<1x16xf32>,
      %get3A_1066 = arith.constant 9 : i32
      %get3A_1067 = arith.constant 1 : i32
      %get3A_1068 = arith.index_cast %get3A_1066 : i32 to index
      %get3A_1069 = arith.index_cast %get3A_1067 : i32 to index
      %get3A_1070 = arith.constant 48 : index
      %get3A_1071 = tpu.vector_load %arg6[%get3A_1068, %get3A_1069, %get3A_1070] {strides = array<i32>} : memref<16x8x128xf32, #tpu.memory_space<vmem>>, vector<1x1x16xf32>,
      %get3A_1072 = vector.shape_cast %get3A_1071 : vector<1x1x16xf32> to vector<16xf32>
      %swap3A_1073 = arith.constant 9 : i32
      %swap3A_1074 = arith.index_cast %swap3A_1073 : i32 to index
      %swap3A_1075 = arith.constant 48 : index
      %swap3A_1076 = tpu.vector_load %arg7[%swap3A_1074, %swap3A_1075] {strides = array<i32>} : memref<16x128xf32, #tpu.memory_space<vmem>>, vector<1x16xf32>,
      %swap3A_1077 = vector.shape_cast %swap3A_1076 : vector<1x16xf32> to vector<16xf32>
      %swap3A_1078 = vector.shape_cast %get3A_1072 : vector<16xf32> to vector<1x16xf32>
      tpu.vector_store %arg7[%swap3A_1074, %swap3A_1075], %swap3A_1078 {strides = array<i32>} : memref<16x128xf32, #tpu.memory_space<vmem>>, vector<1x16xf32>,
      %get3A_1079 = arith.constant 9 : i32
      %get3A_1080 = arith.constant 1 : i32
      %get3A_1081 = arith.index_cast %get3A_1079 : i32 to index
      %get3A_1082 = arith.index_cast %get3A_1080 : i32 to index
      %get3A_1083 = arith.constant 64 : index
      %get3A_1084 = tpu.vector_load %arg6[%get3A_1081, %get3A_1082, %get3A_1083] {strides = array<i32>} : memref<16x8x128xf32, #tpu.memory_space<vmem>>, vector<1x1x16xf32>,
      %get3A_1085 = vector.shape_cast %get3A_1084 : vector<1x1x16xf32> to vector<16xf32>
      %swap3A_1086 = arith.constant 9 : i32
      %swap3A_1087 = arith.index_cast %swap3A_1086 : i32 to index
      %swap3A_1088 = arith.constant 64 : index
      %swap3A_1089 = tpu.vector_load %arg7[%swap3A_1087, %swap3A_1088] {strides = array<i32>} : memref<16x128xf32, #tpu.memory_space<vmem>>, vector<1x16xf32>,
      %swap3A_1090 = vector.shape_cast %swap3A_1089 : vector<1x16xf32> to vector<16xf32>
      %swap3A_1091 = vector.shape_cast %get3A_1085 : vector<16xf32> to vector<1x16xf32>
      tpu.vector_store %arg7[%swap3A_1087, %swap3A_1088], %swap3A_1091 {strides = array<i32>} : memref<16x128xf32, #tpu.memory_space<vmem>>, vector<1x16xf32>,
      %get3A_1092 = arith.constant 9 : i32
      %get3A_1093 = arith.constant 1 : i32
      %get3A_1094 = arith.index_cast %get3A_1092 : i32 to index
      %get3A_1095 = arith.index_cast %get3A_1093 : i32 to index
      %get3A_1096 = arith.constant 80 : index
      %get3A_1097 = tpu.vector_load %arg6[%get3A_1094, %get3A_1095, %get3A_1096] {strides = array<i32>} : memref<16x8x128xf32, #tpu.memory_space<vmem>>, vector<1x1x16xf32>,
      %get3A_1098 = vector.shape_cast %get3A_1097 : vector<1x1x16xf32> to vector<16xf32>
      %swap3A_1099 = arith.constant 9 : i32
      %swap3A_1100 = arith.index_cast %swap3A_1099 : i32 to index
      %swap3A_1101 = arith.constant 80 : index
      %swap3A_1102 = tpu.vector_load %arg7[%swap3A_1100, %swap3A_1101] {strides = array<i32>} : memref<16x128xf32, #tpu.memory_space<vmem>>, vector<1x16xf32>,
      %swap3A_1103 = vector.shape_cast %swap3A_1102 : vector<1x16xf32> to vector<16xf32>
      %swap3A_1104 = vector.shape_cast %get3A_1098 : vector<16xf32> to vector<1x16xf32>
      tpu.vector_store %arg7[%swap3A_1100, %swap3A_1101], %swap3A_1104 {strides = array<i32>} : memref<16x128xf32, #tpu.memory_space<vmem>>, vector<1x16xf32>,
      %get3A_1105 = arith.constant 9 : i32
      %get3A_1106 = arith.constant 1 : i32
      %get3A_1107 = arith.index_cast %get3A_1105 : i32 to index
      %get3A_1108 = arith.index_cast %get3A_1106 : i32 to index
      %get3A_1109 = arith.constant 96 : index
      %get3A_1110 = tpu.vector_load %arg6[%get3A_1107, %get3A_1108, %get3A_1109] {strides = array<i32>} : memref<16x8x128xf32, #tpu.memory_space<vmem>>, vector<1x1x16xf32>,
      %get3A_1111 = vector.shape_cast %get3A_1110 : vector<1x1x16xf32> to vector<16xf32>
      %swap3A_1112 = arith.constant 9 : i32
      %swap3A_1113 = arith.index_cast %swap3A_1112 : i32 to index
      %swap3A_1114 = arith.constant 96 : index
      %swap3A_1115 = tpu.vector_load %arg7[%swap3A_1113, %swap3A_1114] {strides = array<i32>} : memref<16x128xf32, #tpu.memory_space<vmem>>, vector<1x16xf32>,
      %swap3A_1116 = vector.shape_cast %swap3A_1115 : vector<1x16xf32> to vector<16xf32>
      %swap3A_1117 = vector.shape_cast %get3A_1111 : vector<16xf32> to vector<1x16xf32>
      tpu.vector_store %arg7[%swap3A_1113, %swap3A_1114], %swap3A_1117 {strides = array<i32>} : memref<16x128xf32, #tpu.memory_space<vmem>>, vector<1x16xf32>,
      %get3A_1118 = arith.constant 9 : i32
      %get3A_1119 = arith.constant 1 : i32
      %get3A_1120 = arith.index_cast %get3A_1118 : i32 to index
      %get3A_1121 = arith.index_cast %get3A_1119 : i32 to index
      %get3A_1122 = arith.constant 112 : index
      %get3A_1123 = tpu.vector_load %arg6[%get3A_1120, %get3A_1121, %get3A_1122] {strides = array<i32>} : memref<16x8x128xf32, #tpu.memory_space<vmem>>, vector<1x1x16xf32>,
      %get3A_1124 = vector.shape_cast %get3A_1123 : vector<1x1x16xf32> to vector<16xf32>
      %swap3A_1125 = arith.constant 9 : i32
      %swap3A_1126 = arith.index_cast %swap3A_1125 : i32 to index
      %swap3A_1127 = arith.constant 112 : index
      %swap3A_1128 = tpu.vector_load %arg7[%swap3A_1126, %swap3A_1127] {strides = array<i32>} : memref<16x128xf32, #tpu.memory_space<vmem>>, vector<1x16xf32>,
      %swap3A_1129 = vector.shape_cast %swap3A_1128 : vector<1x16xf32> to vector<16xf32>
      %swap3A_1130 = vector.shape_cast %get3A_1124 : vector<16xf32> to vector<1x16xf32>
      tpu.vector_store %arg7[%swap3A_1126, %swap3A_1127], %swap3A_1130 {strides = array<i32>} : memref<16x128xf32, #tpu.memory_space<vmem>>, vector<1x16xf32>,
      %slice3A_1131 = vector.extract_strided_slice %get3A_6 {offsets = [10], sizes = [1], strides = [1]} : vector<16xi32> to vector<1xi32>
      %squeeze3A_1132 = vector.extract %slice3A_1131[0] : i32 from vector<1xi32>
      %and3A_1133 = arith.constant -128 : i32
      %and3A_1134 = arith.andi %squeeze3A_1132, %and3A_1133 : i32
      %multiple_of3A_1135 = tpu.assume_multiple %and3A_1134, 128 : i32
      %add3A_1136 = arith.constant 8 : i32
      %add3A_1137 = arith.addi %mul3A_4, %add3A_1136 : i32
      %multiple_of3A_1138 = tpu.assume_multiple %add3A_1137, 8 : i32
      %run_scoped3A_1139 = arith.constant 10 : i32
      "tpu.region"() ({
        %run_scoped3A_1810 = tpu.sem_alloc : memref<!tpu.dma_semaphore, #tpu.memory_space<semaphore_mem>>
        %dma_start3A = arith.constant 0 : i32
        %dma_start3A_1811 = arith.constant 0 : i32
        %dma_start3A_1812 = tpu.memref_slice %arg6[%run_scoped3A_1139, %dma_start3A, %dma_start3A_1811] : memref<16x8x128xf32, #tpu.memory_space<vmem>> -> memref<1x8x128xf32, #tpu.memory_space<vmem>>
        %dma_start3A_1813 = tpu.memref_squeeze %dma_start3A_1812 : memref<1x8x128xf32, #tpu.memory_space<vmem>> -> memref<8x128xf32, #tpu.memory_space<vmem>>
        %dma_start3A_1814 = tpu.memref_slice %arg2[%multiple_of3A_1138, %multiple_of3A_1135] : memref<64x1000000xf32, #tpu.memory_space<hbm>> -> memref<8x128xf32, #tpu.memory_space<hbm>>
        %dma_start3A_1815 = arith.constant 0 : i32
        %dma_start3A_1816 = arith.constant 0 : i32
        %dma_start3A_1817 = tpu.memref_slice %arg6[%run_scoped3A_1139, %dma_start3A_1815, %dma_start3A_1816] : memref<16x8x128xf32, #tpu.memory_space<vmem>> -> memref<1x8x128xf32, #tpu.memory_space<vmem>>
        %dma_start3A_1818 = tpu.memref_squeeze %dma_start3A_1817 : memref<1x8x128xf32, #tpu.memory_space<vmem>> -> memref<8x128xf32, #tpu.memory_space<vmem>>
        %dma_start3A_1819 = tpu.memref_slice %arg2[%multiple_of3A_1138, %multiple_of3A_1135] : memref<64x1000000xf32, #tpu.memory_space<hbm>> -> memref<8x128xf32, #tpu.memory_space<hbm>>
        tpu.enqueue_dma source(%dma_start3A_1819 : memref<8x128xf32, #tpu.memory_space<hbm>>) target(%dma_start3A_1818 : memref<8x128xf32, #tpu.memory_space<vmem>>) target_semaphore(%run_scoped3A_1810 : memref<!tpu.dma_semaphore, #tpu.memory_space<semaphore_mem>>)
        %dma_wait3A = arith.constant 0 : i32
        %dma_wait3A_1820 = arith.constant 0 : i32
        %dma_wait3A_1821 = tpu.memref_slice %arg6[%run_scoped3A_1139, %dma_wait3A, %dma_wait3A_1820] : memref<16x8x128xf32, #tpu.memory_space<vmem>> -> memref<1x8x128xf32, #tpu.memory_space<vmem>>
        %dma_wait3A_1822 = tpu.memref_squeeze %dma_wait3A_1821 : memref<1x8x128xf32, #tpu.memory_space<vmem>> -> memref<8x128xf32, #tpu.memory_space<vmem>>
        %dma_wait3A_1823 = tpu.memref_slice %arg2[%multiple_of3A_1138, %multiple_of3A_1135] : memref<64x1000000xf32, #tpu.memory_space<hbm>> -> memref<8x128xf32, #tpu.memory_space<hbm>>
        %dma_wait3A_1824 = arith.constant 0 : i32
        %dma_wait3A_1825 = arith.constant 0 : i32
        %dma_wait3A_1826 = tpu.memref_slice %arg6[%run_scoped3A_1139, %dma_wait3A_1824, %dma_wait3A_1825] : memref<16x8x128xf32, #tpu.memory_space<vmem>> -> memref<1x8x128xf32, #tpu.memory_space<vmem>>
        %dma_wait3A_1827 = tpu.memref_squeeze %dma_wait3A_1826 : memref<1x8x128xf32, #tpu.memory_space<vmem>> -> memref<8x128xf32, #tpu.memory_space<vmem>>
        %dma_wait3A_1828 = tpu.memref_slice %arg2[%multiple_of3A_1138, %multiple_of3A_1135] : memref<64x1000000xf32, #tpu.memory_space<hbm>> -> memref<8x128xf32, #tpu.memory_space<hbm>>
        tpu.wait_dma2 semaphore(%run_scoped3A_1810 : memref<!tpu.dma_semaphore, #tpu.memory_space<semaphore_mem>>) src(%dma_wait3A_1828 : memref<8x128xf32, #tpu.memory_space<hbm>>) dst(%dma_wait3A_1827 : memref<8x128xf32, #tpu.memory_space<vmem>>)
        tpu.yield
      }) : () -> ()
      %get3A_1140 = arith.constant 10 : i32
      %get3A_1141 = arith.constant 2 : i32
      %get3A_1142 = arith.index_cast %get3A_1140 : i32 to index
      %get3A_1143 = arith.index_cast %get3A_1141 : i32 to index
      %get3A_1144 = arith.constant 0 : index
      %get3A_1145 = tpu.vector_load %arg6[%get3A_1142, %get3A_1143, %get3A_1144] {strides = array<i32>} : memref<16x8x128xf32, #tpu.memory_space<vmem>>, vector<1x1x16xf32>,
      %get3A_1146 = vector.shape_cast %get3A_1145 : vector<1x1x16xf32> to vector<16xf32>
      %swap3A_1147 = arith.constant 10 : i32
      %swap3A_1148 = arith.index_cast %swap3A_1147 : i32 to index
      %swap3A_1149 = arith.constant 0 : index
      %swap3A_1150 = tpu.vector_load %arg7[%swap3A_1148, %swap3A_1149] {strides = array<i32>} : memref<16x128xf32, #tpu.memory_space<vmem>>, vector<1x16xf32>,
      %swap3A_1151 = vector.shape_cast %swap3A_1150 : vector<1x16xf32> to vector<16xf32>
      %swap3A_1152 = vector.shape_cast %get3A_1146 : vector<16xf32> to vector<1x16xf32>
      tpu.vector_store %arg7[%swap3A_1148, %swap3A_1149], %swap3A_1152 {strides = array<i32>} : memref<16x128xf32, #tpu.memory_space<vmem>>, vector<1x16xf32>,
      %get3A_1153 = arith.constant 10 : i32
      %get3A_1154 = arith.constant 2 : i32
      %get3A_1155 = arith.index_cast %get3A_1153 : i32 to index
      %get3A_1156 = arith.index_cast %get3A_1154 : i32 to index
      %get3A_1157 = arith.constant 16 : index
      %get3A_1158 = tpu.vector_load %arg6[%get3A_1155, %get3A_1156, %get3A_1157] {strides = array<i32>} : memref<16x8x128xf32, #tpu.memory_space<vmem>>, vector<1x1x16xf32>,
      %get3A_1159 = vector.shape_cast %get3A_1158 : vector<1x1x16xf32> to vector<16xf32>
      %swap3A_1160 = arith.constant 10 : i32
      %swap3A_1161 = arith.index_cast %swap3A_1160 : i32 to index
      %swap3A_1162 = arith.constant 16 : index
      %swap3A_1163 = tpu.vector_load %arg7[%swap3A_1161, %swap3A_1162] {strides = array<i32>} : memref<16x128xf32, #tpu.memory_space<vmem>>, vector<1x16xf32>,
      %swap3A_1164 = vector.shape_cast %swap3A_1163 : vector<1x16xf32> to vector<16xf32>
      %swap3A_1165 = vector.shape_cast %get3A_1159 : vector<16xf32> to vector<1x16xf32>
      tpu.vector_store %arg7[%swap3A_1161, %swap3A_1162], %swap3A_1165 {strides = array<i32>} : memref<16x128xf32, #tpu.memory_space<vmem>>, vector<1x16xf32>,
      %get3A_1166 = arith.constant 10 : i32
      %get3A_1167 = arith.constant 2 : i32
      %get3A_1168 = arith.index_cast %get3A_1166 : i32 to index
      %get3A_1169 = arith.index_cast %get3A_1167 : i32 to index
      %get3A_1170 = arith.constant 32 : index
      %get3A_1171 = tpu.vector_load %arg6[%get3A_1168, %get3A_1169, %get3A_1170] {strides = array<i32>} : memref<16x8x128xf32, #tpu.memory_space<vmem>>, vector<1x1x16xf32>,
      %get3A_1172 = vector.shape_cast %get3A_1171 : vector<1x1x16xf32> to vector<16xf32>
      %swap3A_1173 = arith.constant 10 : i32
      %swap3A_1174 = arith.index_cast %swap3A_1173 : i32 to index
      %swap3A_1175 = arith.constant 32 : index
      %swap3A_1176 = tpu.vector_load %arg7[%swap3A_1174, %swap3A_1175] {strides = array<i32>} : memref<16x128xf32, #tpu.memory_space<vmem>>, vector<1x16xf32>,
      %swap3A_1177 = vector.shape_cast %swap3A_1176 : vector<1x16xf32> to vector<16xf32>
      %swap3A_1178 = vector.shape_cast %get3A_1172 : vector<16xf32> to vector<1x16xf32>
      tpu.vector_store %arg7[%swap3A_1174, %swap3A_1175], %swap3A_1178 {strides = array<i32>} : memref<16x128xf32, #tpu.memory_space<vmem>>, vector<1x16xf32>,
      %get3A_1179 = arith.constant 10 : i32
      %get3A_1180 = arith.constant 2 : i32
      %get3A_1181 = arith.index_cast %get3A_1179 : i32 to index
      %get3A_1182 = arith.index_cast %get3A_1180 : i32 to index
      %get3A_1183 = arith.constant 48 : index
      %get3A_1184 = tpu.vector_load %arg6[%get3A_1181, %get3A_1182, %get3A_1183] {strides = array<i32>} : memref<16x8x128xf32, #tpu.memory_space<vmem>>, vector<1x1x16xf32>,
      %get3A_1185 = vector.shape_cast %get3A_1184 : vector<1x1x16xf32> to vector<16xf32>
      %swap3A_1186 = arith.constant 10 : i32
      %swap3A_1187 = arith.index_cast %swap3A_1186 : i32 to index
      %swap3A_1188 = arith.constant 48 : index
      %swap3A_1189 = tpu.vector_load %arg7[%swap3A_1187, %swap3A_1188] {strides = array<i32>} : memref<16x128xf32, #tpu.memory_space<vmem>>, vector<1x16xf32>,
      %swap3A_1190 = vector.shape_cast %swap3A_1189 : vector<1x16xf32> to vector<16xf32>
      %swap3A_1191 = vector.shape_cast %get3A_1185 : vector<16xf32> to vector<1x16xf32>
      tpu.vector_store %arg7[%swap3A_1187, %swap3A_1188], %swap3A_1191 {strides = array<i32>} : memref<16x128xf32, #tpu.memory_space<vmem>>, vector<1x16xf32>,
      %get3A_1192 = arith.constant 10 : i32
      %get3A_1193 = arith.constant 2 : i32
      %get3A_1194 = arith.index_cast %get3A_1192 : i32 to index
      %get3A_1195 = arith.index_cast %get3A_1193 : i32 to index
      %get3A_1196 = arith.constant 64 : index
      %get3A_1197 = tpu.vector_load %arg6[%get3A_1194, %get3A_1195, %get3A_1196] {strides = array<i32>} : memref<16x8x128xf32, #tpu.memory_space<vmem>>, vector<1x1x16xf32>,
      %get3A_1198 = vector.shape_cast %get3A_1197 : vector<1x1x16xf32> to vector<16xf32>
      %swap3A_1199 = arith.constant 10 : i32
      %swap3A_1200 = arith.index_cast %swap3A_1199 : i32 to index
      %swap3A_1201 = arith.constant 64 : index
      %swap3A_1202 = tpu.vector_load %arg7[%swap3A_1200, %swap3A_1201] {strides = array<i32>} : memref<16x128xf32, #tpu.memory_space<vmem>>, vector<1x16xf32>,
      %swap3A_1203 = vector.shape_cast %swap3A_1202 : vector<1x16xf32> to vector<16xf32>
      %swap3A_1204 = vector.shape_cast %get3A_1198 : vector<16xf32> to vector<1x16xf32>
      tpu.vector_store %arg7[%swap3A_1200, %swap3A_1201], %swap3A_1204 {strides = array<i32>} : memref<16x128xf32, #tpu.memory_space<vmem>>, vector<1x16xf32>,
      %get3A_1205 = arith.constant 10 : i32
      %get3A_1206 = arith.constant 2 : i32
      %get3A_1207 = arith.index_cast %get3A_1205 : i32 to index
      %get3A_1208 = arith.index_cast %get3A_1206 : i32 to index
      %get3A_1209 = arith.constant 80 : index
      %get3A_1210 = tpu.vector_load %arg6[%get3A_1207, %get3A_1208, %get3A_1209] {strides = array<i32>} : memref<16x8x128xf32, #tpu.memory_space<vmem>>, vector<1x1x16xf32>,
      %get3A_1211 = vector.shape_cast %get3A_1210 : vector<1x1x16xf32> to vector<16xf32>
      %swap3A_1212 = arith.constant 10 : i32
      %swap3A_1213 = arith.index_cast %swap3A_1212 : i32 to index
      %swap3A_1214 = arith.constant 80 : index
      %swap3A_1215 = tpu.vector_load %arg7[%swap3A_1213, %swap3A_1214] {strides = array<i32>} : memref<16x128xf32, #tpu.memory_space<vmem>>, vector<1x16xf32>,
      %swap3A_1216 = vector.shape_cast %swap3A_1215 : vector<1x16xf32> to vector<16xf32>
      %swap3A_1217 = vector.shape_cast %get3A_1211 : vector<16xf32> to vector<1x16xf32>
      tpu.vector_store %arg7[%swap3A_1213, %swap3A_1214], %swap3A_1217 {strides = array<i32>} : memref<16x128xf32, #tpu.memory_space<vmem>>, vector<1x16xf32>,
      %get3A_1218 = arith.constant 10 : i32
      %get3A_1219 = arith.constant 2 : i32
      %get3A_1220 = arith.index_cast %get3A_1218 : i32 to index
      %get3A_1221 = arith.index_cast %get3A_1219 : i32 to index
      %get3A_1222 = arith.constant 96 : index
      %get3A_1223 = tpu.vector_load %arg6[%get3A_1220, %get3A_1221, %get3A_1222] {strides = array<i32>} : memref<16x8x128xf32, #tpu.memory_space<vmem>>, vector<1x1x16xf32>,
      %get3A_1224 = vector.shape_cast %get3A_1223 : vector<1x1x16xf32> to vector<16xf32>
      %swap3A_1225 = arith.constant 10 : i32
      %swap3A_1226 = arith.index_cast %swap3A_1225 : i32 to index
      %swap3A_1227 = arith.constant 96 : index
      %swap3A_1228 = tpu.vector_load %arg7[%swap3A_1226, %swap3A_1227] {strides = array<i32>} : memref<16x128xf32, #tpu.memory_space<vmem>>, vector<1x16xf32>,
      %swap3A_1229 = vector.shape_cast %swap3A_1228 : vector<1x16xf32> to vector<16xf32>
      %swap3A_1230 = vector.shape_cast %get3A_1224 : vector<16xf32> to vector<1x16xf32>
      tpu.vector_store %arg7[%swap3A_1226, %swap3A_1227], %swap3A_1230 {strides = array<i32>} : memref<16x128xf32, #tpu.memory_space<vmem>>, vector<1x16xf32>,
      %get3A_1231 = arith.constant 10 : i32
      %get3A_1232 = arith.constant 2 : i32
      %get3A_1233 = arith.index_cast %get3A_1231 : i32 to index
      %get3A_1234 = arith.index_cast %get3A_1232 : i32 to index
      %get3A_1235 = arith.constant 112 : index
      %get3A_1236 = tpu.vector_load %arg6[%get3A_1233, %get3A_1234, %get3A_1235] {strides = array<i32>} : memref<16x8x128xf32, #tpu.memory_space<vmem>>, vector<1x1x16xf32>,
      %get3A_1237 = vector.shape_cast %get3A_1236 : vector<1x1x16xf32> to vector<16xf32>
      %swap3A_1238 = arith.constant 10 : i32
      %swap3A_1239 = arith.index_cast %swap3A_1238 : i32 to index
      %swap3A_1240 = arith.constant 112 : index
      %swap3A_1241 = tpu.vector_load %arg7[%swap3A_1239, %swap3A_1240] {strides = array<i32>} : memref<16x128xf32, #tpu.memory_space<vmem>>, vector<1x16xf32>,
      %swap3A_1242 = vector.shape_cast %swap3A_1241 : vector<1x16xf32> to vector<16xf32>
      %swap3A_1243 = vector.shape_cast %get3A_1237 : vector<16xf32> to vector<1x16xf32>
      tpu.vector_store %arg7[%swap3A_1239, %swap3A_1240], %swap3A_1243 {strides = array<i32>} : memref<16x128xf32, #tpu.memory_space<vmem>>, vector<1x16xf32>,
      %slice3A_1244 = vector.extract_strided_slice %get3A_6 {offsets = [11], sizes = [1], strides = [1]} : vector<16xi32> to vector<1xi32>
      %squeeze3A_1245 = vector.extract %slice3A_1244[0] : i32 from vector<1xi32>
      %and3A_1246 = arith.constant -128 : i32
      %and3A_1247 = arith.andi %squeeze3A_1245, %and3A_1246 : i32
      %multiple_of3A_1248 = tpu.assume_multiple %and3A_1247, 128 : i32
      %add3A_1249 = arith.constant 8 : i32
      %add3A_1250 = arith.addi %mul3A_4, %add3A_1249 : i32
      %multiple_of3A_1251 = tpu.assume_multiple %add3A_1250, 8 : i32
      %run_scoped3A_1252 = arith.constant 11 : i32
      "tpu.region"() ({
        %run_scoped3A_1810 = tpu.sem_alloc : memref<!tpu.dma_semaphore, #tpu.memory_space<semaphore_mem>>
        %dma_start3A = arith.constant 0 : i32
        %dma_start3A_1811 = arith.constant 0 : i32
        %dma_start3A_1812 = tpu.memref_slice %arg6[%run_scoped3A_1252, %dma_start3A, %dma_start3A_1811] : memref<16x8x128xf32, #tpu.memory_space<vmem>> -> memref<1x8x128xf32, #tpu.memory_space<vmem>>
        %dma_start3A_1813 = tpu.memref_squeeze %dma_start3A_1812 : memref<1x8x128xf32, #tpu.memory_space<vmem>> -> memref<8x128xf32, #tpu.memory_space<vmem>>
        %dma_start3A_1814 = tpu.memref_slice %arg2[%multiple_of3A_1251, %multiple_of3A_1248] : memref<64x1000000xf32, #tpu.memory_space<hbm>> -> memref<8x128xf32, #tpu.memory_space<hbm>>
        %dma_start3A_1815 = arith.constant 0 : i32
        %dma_start3A_1816 = arith.constant 0 : i32
        %dma_start3A_1817 = tpu.memref_slice %arg6[%run_scoped3A_1252, %dma_start3A_1815, %dma_start3A_1816] : memref<16x8x128xf32, #tpu.memory_space<vmem>> -> memref<1x8x128xf32, #tpu.memory_space<vmem>>
        %dma_start3A_1818 = tpu.memref_squeeze %dma_start3A_1817 : memref<1x8x128xf32, #tpu.memory_space<vmem>> -> memref<8x128xf32, #tpu.memory_space<vmem>>
        %dma_start3A_1819 = tpu.memref_slice %arg2[%multiple_of3A_1251, %multiple_of3A_1248] : memref<64x1000000xf32, #tpu.memory_space<hbm>> -> memref<8x128xf32, #tpu.memory_space<hbm>>
        tpu.enqueue_dma source(%dma_start3A_1819 : memref<8x128xf32, #tpu.memory_space<hbm>>) target(%dma_start3A_1818 : memref<8x128xf32, #tpu.memory_space<vmem>>) target_semaphore(%run_scoped3A_1810 : memref<!tpu.dma_semaphore, #tpu.memory_space<semaphore_mem>>)
        %dma_wait3A = arith.constant 0 : i32
        %dma_wait3A_1820 = arith.constant 0 : i32
        %dma_wait3A_1821 = tpu.memref_slice %arg6[%run_scoped3A_1252, %dma_wait3A, %dma_wait3A_1820] : memref<16x8x128xf32, #tpu.memory_space<vmem>> -> memref<1x8x128xf32, #tpu.memory_space<vmem>>
        %dma_wait3A_1822 = tpu.memref_squeeze %dma_wait3A_1821 : memref<1x8x128xf32, #tpu.memory_space<vmem>> -> memref<8x128xf32, #tpu.memory_space<vmem>>
        %dma_wait3A_1823 = tpu.memref_slice %arg2[%multiple_of3A_1251, %multiple_of3A_1248] : memref<64x1000000xf32, #tpu.memory_space<hbm>> -> memref<8x128xf32, #tpu.memory_space<hbm>>
        %dma_wait3A_1824 = arith.constant 0 : i32
        %dma_wait3A_1825 = arith.constant 0 : i32
        %dma_wait3A_1826 = tpu.memref_slice %arg6[%run_scoped3A_1252, %dma_wait3A_1824, %dma_wait3A_1825] : memref<16x8x128xf32, #tpu.memory_space<vmem>> -> memref<1x8x128xf32, #tpu.memory_space<vmem>>
        %dma_wait3A_1827 = tpu.memref_squeeze %dma_wait3A_1826 : memref<1x8x128xf32, #tpu.memory_space<vmem>> -> memref<8x128xf32, #tpu.memory_space<vmem>>
        %dma_wait3A_1828 = tpu.memref_slice %arg2[%multiple_of3A_1251, %multiple_of3A_1248] : memref<64x1000000xf32, #tpu.memory_space<hbm>> -> memref<8x128xf32, #tpu.memory_space<hbm>>
        tpu.wait_dma2 semaphore(%run_scoped3A_1810 : memref<!tpu.dma_semaphore, #tpu.memory_space<semaphore_mem>>) src(%dma_wait3A_1828 : memref<8x128xf32, #tpu.memory_space<hbm>>) dst(%dma_wait3A_1827 : memref<8x128xf32, #tpu.memory_space<vmem>>)
        tpu.yield
      }) : () -> ()
      %get3A_1253 = arith.constant 11 : i32
      %get3A_1254 = arith.constant 3 : i32
      %get3A_1255 = arith.index_cast %get3A_1253 : i32 to index
      %get3A_1256 = arith.index_cast %get3A_1254 : i32 to index
      %get3A_1257 = arith.constant 0 : index
      %get3A_1258 = tpu.vector_load %arg6[%get3A_1255, %get3A_1256, %get3A_1257] {strides = array<i32>} : memref<16x8x128xf32, #tpu.memory_space<vmem>>, vector<1x1x16xf32>,
      %get3A_1259 = vector.shape_cast %get3A_1258 : vector<1x1x16xf32> to vector<16xf32>
      %swap3A_1260 = arith.constant 11 : i32
      %swap3A_1261 = arith.index_cast %swap3A_1260 : i32 to index
      %swap3A_1262 = arith.constant 0 : index
      %swap3A_1263 = tpu.vector_load %arg7[%swap3A_1261, %swap3A_1262] {strides = array<i32>} : memref<16x128xf32, #tpu.memory_space<vmem>>, vector<1x16xf32>,
      %swap3A_1264 = vector.shape_cast %swap3A_1263 : vector<1x16xf32> to vector<16xf32>
      %swap3A_1265 = vector.shape_cast %get3A_1259 : vector<16xf32> to vector<1x16xf32>
      tpu.vector_store %arg7[%swap3A_1261, %swap3A_1262], %swap3A_1265 {strides = array<i32>} : memref<16x128xf32, #tpu.memory_space<vmem>>, vector<1x16xf32>,
      %get3A_1266 = arith.constant 11 : i32
      %get3A_1267 = arith.constant 3 : i32
      %get3A_1268 = arith.index_cast %get3A_1266 : i32 to index
      %get3A_1269 = arith.index_cast %get3A_1267 : i32 to index
      %get3A_1270 = arith.constant 16 : index
      %get3A_1271 = tpu.vector_load %arg6[%get3A_1268, %get3A_1269, %get3A_1270] {strides = array<i32>} : memref<16x8x128xf32, #tpu.memory_space<vmem>>, vector<1x1x16xf32>,
      %get3A_1272 = vector.shape_cast %get3A_1271 : vector<1x1x16xf32> to vector<16xf32>
      %swap3A_1273 = arith.constant 11 : i32
      %swap3A_1274 = arith.index_cast %swap3A_1273 : i32 to index
      %swap3A_1275 = arith.constant 16 : index
      %swap3A_1276 = tpu.vector_load %arg7[%swap3A_1274, %swap3A_1275] {strides = array<i32>} : memref<16x128xf32, #tpu.memory_space<vmem>>, vector<1x16xf32>,
      %swap3A_1277 = vector.shape_cast %swap3A_1276 : vector<1x16xf32> to vector<16xf32>
      %swap3A_1278 = vector.shape_cast %get3A_1272 : vector<16xf32> to vector<1x16xf32>
      tpu.vector_store %arg7[%swap3A_1274, %swap3A_1275], %swap3A_1278 {strides = array<i32>} : memref<16x128xf32, #tpu.memory_space<vmem>>, vector<1x16xf32>,
      %get3A_1279 = arith.constant 11 : i32
      %get3A_1280 = arith.constant 3 : i32
      %get3A_1281 = arith.index_cast %get3A_1279 : i32 to index
      %get3A_1282 = arith.index_cast %get3A_1280 : i32 to index
      %get3A_1283 = arith.constant 32 : index
      %get3A_1284 = tpu.vector_load %arg6[%get3A_1281, %get3A_1282, %get3A_1283] {strides = array<i32>} : memref<16x8x128xf32, #tpu.memory_space<vmem>>, vector<1x1x16xf32>,
      %get3A_1285 = vector.shape_cast %get3A_1284 : vector<1x1x16xf32> to vector<16xf32>
      %swap3A_1286 = arith.constant 11 : i32
      %swap3A_1287 = arith.index_cast %swap3A_1286 : i32 to index
      %swap3A_1288 = arith.constant 32 : index
      %swap3A_1289 = tpu.vector_load %arg7[%swap3A_1287, %swap3A_1288] {strides = array<i32>} : memref<16x128xf32, #tpu.memory_space<vmem>>, vector<1x16xf32>,
      %swap3A_1290 = vector.shape_cast %swap3A_1289 : vector<1x16xf32> to vector<16xf32>
      %swap3A_1291 = vector.shape_cast %get3A_1285 : vector<16xf32> to vector<1x16xf32>
      tpu.vector_store %arg7[%swap3A_1287, %swap3A_1288], %swap3A_1291 {strides = array<i32>} : memref<16x128xf32, #tpu.memory_space<vmem>>, vector<1x16xf32>,
      %get3A_1292 = arith.constant 11 : i32
      %get3A_1293 = arith.constant 3 : i32
      %get3A_1294 = arith.index_cast %get3A_1292 : i32 to index
      %get3A_1295 = arith.index_cast %get3A_1293 : i32 to index
      %get3A_1296 = arith.constant 48 : index
      %get3A_1297 = tpu.vector_load %arg6[%get3A_1294, %get3A_1295, %get3A_1296] {strides = array<i32>} : memref<16x8x128xf32, #tpu.memory_space<vmem>>, vector<1x1x16xf32>,
      %get3A_1298 = vector.shape_cast %get3A_1297 : vector<1x1x16xf32> to vector<16xf32>
      %swap3A_1299 = arith.constant 11 : i32
      %swap3A_1300 = arith.index_cast %swap3A_1299 : i32 to index
      %swap3A_1301 = arith.constant 48 : index
      %swap3A_1302 = tpu.vector_load %arg7[%swap3A_1300, %swap3A_1301] {strides = array<i32>} : memref<16x128xf32, #tpu.memory_space<vmem>>, vector<1x16xf32>,
      %swap3A_1303 = vector.shape_cast %swap3A_1302 : vector<1x16xf32> to vector<16xf32>
      %swap3A_1304 = vector.shape_cast %get3A_1298 : vector<16xf32> to vector<1x16xf32>
      tpu.vector_store %arg7[%swap3A_1300, %swap3A_1301], %swap3A_1304 {strides = array<i32>} : memref<16x128xf32, #tpu.memory_space<vmem>>, vector<1x16xf32>,
      %get3A_1305 = arith.constant 11 : i32
      %get3A_1306 = arith.constant 3 : i32
      %get3A_1307 = arith.index_cast %get3A_1305 : i32 to index
      %get3A_1308 = arith.index_cast %get3A_1306 : i32 to index
      %get3A_1309 = arith.constant 64 : index
      %get3A_1310 = tpu.vector_load %arg6[%get3A_1307, %get3A_1308, %get3A_1309] {strides = array<i32>} : memref<16x8x128xf32, #tpu.memory_space<vmem>>, vector<1x1x16xf32>,
      %get3A_1311 = vector.shape_cast %get3A_1310 : vector<1x1x16xf32> to vector<16xf32>
      %swap3A_1312 = arith.constant 11 : i32
      %swap3A_1313 = arith.index_cast %swap3A_1312 : i32 to index
      %swap3A_1314 = arith.constant 64 : index
      %swap3A_1315 = tpu.vector_load %arg7[%swap3A_1313, %swap3A_1314] {strides = array<i32>} : memref<16x128xf32, #tpu.memory_space<vmem>>, vector<1x16xf32>,
      %swap3A_1316 = vector.shape_cast %swap3A_1315 : vector<1x16xf32> to vector<16xf32>
      %swap3A_1317 = vector.shape_cast %get3A_1311 : vector<16xf32> to vector<1x16xf32>
      tpu.vector_store %arg7[%swap3A_1313, %swap3A_1314], %swap3A_1317 {strides = array<i32>} : memref<16x128xf32, #tpu.memory_space<vmem>>, vector<1x16xf32>,
      %get3A_1318 = arith.constant 11 : i32
      %get3A_1319 = arith.constant 3 : i32
      %get3A_1320 = arith.index_cast %get3A_1318 : i32 to index
      %get3A_1321 = arith.index_cast %get3A_1319 : i32 to index
      %get3A_1322 = arith.constant 80 : index
      %get3A_1323 = tpu.vector_load %arg6[%get3A_1320, %get3A_1321, %get3A_1322] {strides = array<i32>} : memref<16x8x128xf32, #tpu.memory_space<vmem>>, vector<1x1x16xf32>,
      %get3A_1324 = vector.shape_cast %get3A_1323 : vector<1x1x16xf32> to vector<16xf32>
      %swap3A_1325 = arith.constant 11 : i32
      %swap3A_1326 = arith.index_cast %swap3A_1325 : i32 to index
      %swap3A_1327 = arith.constant 80 : index
      %swap3A_1328 = tpu.vector_load %arg7[%swap3A_1326, %swap3A_1327] {strides = array<i32>} : memref<16x128xf32, #tpu.memory_space<vmem>>, vector<1x16xf32>,
      %swap3A_1329 = vector.shape_cast %swap3A_1328 : vector<1x16xf32> to vector<16xf32>
      %swap3A_1330 = vector.shape_cast %get3A_1324 : vector<16xf32> to vector<1x16xf32>
      tpu.vector_store %arg7[%swap3A_1326, %swap3A_1327], %swap3A_1330 {strides = array<i32>} : memref<16x128xf32, #tpu.memory_space<vmem>>, vector<1x16xf32>,
      %get3A_1331 = arith.constant 11 : i32
      %get3A_1332 = arith.constant 3 : i32
      %get3A_1333 = arith.index_cast %get3A_1331 : i32 to index
      %get3A_1334 = arith.index_cast %get3A_1332 : i32 to index
      %get3A_1335 = arith.constant 96 : index
      %get3A_1336 = tpu.vector_load %arg6[%get3A_1333, %get3A_1334, %get3A_1335] {strides = array<i32>} : memref<16x8x128xf32, #tpu.memory_space<vmem>>, vector<1x1x16xf32>,
      %get3A_1337 = vector.shape_cast %get3A_1336 : vector<1x1x16xf32> to vector<16xf32>
      %swap3A_1338 = arith.constant 11 : i32
      %swap3A_1339 = arith.index_cast %swap3A_1338 : i32 to index
      %swap3A_1340 = arith.constant 96 : index
      %swap3A_1341 = tpu.vector_load %arg7[%swap3A_1339, %swap3A_1340] {strides = array<i32>} : memref<16x128xf32, #tpu.memory_space<vmem>>, vector<1x16xf32>,
      %swap3A_1342 = vector.shape_cast %swap3A_1341 : vector<1x16xf32> to vector<16xf32>
      %swap3A_1343 = vector.shape_cast %get3A_1337 : vector<16xf32> to vector<1x16xf32>
      tpu.vector_store %arg7[%swap3A_1339, %swap3A_1340], %swap3A_1343 {strides = array<i32>} : memref<16x128xf32, #tpu.memory_space<vmem>>, vector<1x16xf32>,
      %get3A_1344 = arith.constant 11 : i32
      %get3A_1345 = arith.constant 3 : i32
      %get3A_1346 = arith.index_cast %get3A_1344 : i32 to index
      %get3A_1347 = arith.index_cast %get3A_1345 : i32 to index
      %get3A_1348 = arith.constant 112 : index
      %get3A_1349 = tpu.vector_load %arg6[%get3A_1346, %get3A_1347, %get3A_1348] {strides = array<i32>} : memref<16x8x128xf32, #tpu.memory_space<vmem>>, vector<1x1x16xf32>,
      %get3A_1350 = vector.shape_cast %get3A_1349 : vector<1x1x16xf32> to vector<16xf32>
      %swap3A_1351 = arith.constant 11 : i32
      %swap3A_1352 = arith.index_cast %swap3A_1351 : i32 to index
      %swap3A_1353 = arith.constant 112 : index
      %swap3A_1354 = tpu.vector_load %arg7[%swap3A_1352, %swap3A_1353] {strides = array<i32>} : memref<16x128xf32, #tpu.memory_space<vmem>>, vector<1x16xf32>,
      %swap3A_1355 = vector.shape_cast %swap3A_1354 : vector<1x16xf32> to vector<16xf32>
      %swap3A_1356 = vector.shape_cast %get3A_1350 : vector<16xf32> to vector<1x16xf32>
      tpu.vector_store %arg7[%swap3A_1352, %swap3A_1353], %swap3A_1356 {strides = array<i32>} : memref<16x128xf32, #tpu.memory_space<vmem>>, vector<1x16xf32>,
      %slice3A_1357 = vector.extract_strided_slice %get3A_6 {offsets = [12], sizes = [1], strides = [1]} : vector<16xi32> to vector<1xi32>
      %squeeze3A_1358 = vector.extract %slice3A_1357[0] : i32 from vector<1xi32>
      %and3A_1359 = arith.constant -128 : i32
      %and3A_1360 = arith.andi %squeeze3A_1358, %and3A_1359 : i32
      %multiple_of3A_1361 = tpu.assume_multiple %and3A_1360, 128 : i32
      %add3A_1362 = arith.constant 8 : i32
      %add3A_1363 = arith.addi %mul3A_4, %add3A_1362 : i32
      %multiple_of3A_1364 = tpu.assume_multiple %add3A_1363, 8 : i32
      %run_scoped3A_1365 = arith.constant 12 : i32
      "tpu.region"() ({
        %run_scoped3A_1810 = tpu.sem_alloc : memref<!tpu.dma_semaphore, #tpu.memory_space<semaphore_mem>>
        %dma_start3A = arith.constant 0 : i32
        %dma_start3A_1811 = arith.constant 0 : i32
        %dma_start3A_1812 = tpu.memref_slice %arg6[%run_scoped3A_1365, %dma_start3A, %dma_start3A_1811] : memref<16x8x128xf32, #tpu.memory_space<vmem>> -> memref<1x8x128xf32, #tpu.memory_space<vmem>>
        %dma_start3A_1813 = tpu.memref_squeeze %dma_start3A_1812 : memref<1x8x128xf32, #tpu.memory_space<vmem>> -> memref<8x128xf32, #tpu.memory_space<vmem>>
        %dma_start3A_1814 = tpu.memref_slice %arg2[%multiple_of3A_1364, %multiple_of3A_1361] : memref<64x1000000xf32, #tpu.memory_space<hbm>> -> memref<8x128xf32, #tpu.memory_space<hbm>>
        %dma_start3A_1815 = arith.constant 0 : i32
        %dma_start3A_1816 = arith.constant 0 : i32
        %dma_start3A_1817 = tpu.memref_slice %arg6[%run_scoped3A_1365, %dma_start3A_1815, %dma_start3A_1816] : memref<16x8x128xf32, #tpu.memory_space<vmem>> -> memref<1x8x128xf32, #tpu.memory_space<vmem>>
        %dma_start3A_1818 = tpu.memref_squeeze %dma_start3A_1817 : memref<1x8x128xf32, #tpu.memory_space<vmem>> -> memref<8x128xf32, #tpu.memory_space<vmem>>
        %dma_start3A_1819 = tpu.memref_slice %arg2[%multiple_of3A_1364, %multiple_of3A_1361] : memref<64x1000000xf32, #tpu.memory_space<hbm>> -> memref<8x128xf32, #tpu.memory_space<hbm>>
        tpu.enqueue_dma source(%dma_start3A_1819 : memref<8x128xf32, #tpu.memory_space<hbm>>) target(%dma_start3A_1818 : memref<8x128xf32, #tpu.memory_space<vmem>>) target_semaphore(%run_scoped3A_1810 : memref<!tpu.dma_semaphore, #tpu.memory_space<semaphore_mem>>)
        %dma_wait3A = arith.constant 0 : i32
        %dma_wait3A_1820 = arith.constant 0 : i32
        %dma_wait3A_1821 = tpu.memref_slice %arg6[%run_scoped3A_1365, %dma_wait3A, %dma_wait3A_1820] : memref<16x8x128xf32, #tpu.memory_space<vmem>> -> memref<1x8x128xf32, #tpu.memory_space<vmem>>
        %dma_wait3A_1822 = tpu.memref_squeeze %dma_wait3A_1821 : memref<1x8x128xf32, #tpu.memory_space<vmem>> -> memref<8x128xf32, #tpu.memory_space<vmem>>
        %dma_wait3A_1823 = tpu.memref_slice %arg2[%multiple_of3A_1364, %multiple_of3A_1361] : memref<64x1000000xf32, #tpu.memory_space<hbm>> -> memref<8x128xf32, #tpu.memory_space<hbm>>
        %dma_wait3A_1824 = arith.constant 0 : i32
        %dma_wait3A_1825 = arith.constant 0 : i32
        %dma_wait3A_1826 = tpu.memref_slice %arg6[%run_scoped3A_1365, %dma_wait3A_1824, %dma_wait3A_1825] : memref<16x8x128xf32, #tpu.memory_space<vmem>> -> memref<1x8x128xf32, #tpu.memory_space<vmem>>
        %dma_wait3A_1827 = tpu.memref_squeeze %dma_wait3A_1826 : memref<1x8x128xf32, #tpu.memory_space<vmem>> -> memref<8x128xf32, #tpu.memory_space<vmem>>
        %dma_wait3A_1828 = tpu.memref_slice %arg2[%multiple_of3A_1364, %multiple_of3A_1361] : memref<64x1000000xf32, #tpu.memory_space<hbm>> -> memref<8x128xf32, #tpu.memory_space<hbm>>
        tpu.wait_dma2 semaphore(%run_scoped3A_1810 : memref<!tpu.dma_semaphore, #tpu.memory_space<semaphore_mem>>) src(%dma_wait3A_1828 : memref<8x128xf32, #tpu.memory_space<hbm>>) dst(%dma_wait3A_1827 : memref<8x128xf32, #tpu.memory_space<vmem>>)
        tpu.yield
      }) : () -> ()
      %get3A_1366 = arith.constant 12 : i32
      %get3A_1367 = arith.constant 4 : i32
      %get3A_1368 = arith.index_cast %get3A_1366 : i32 to index
      %get3A_1369 = arith.index_cast %get3A_1367 : i32 to index
      %get3A_1370 = arith.constant 0 : index
      %get3A_1371 = tpu.vector_load %arg6[%get3A_1368, %get3A_1369, %get3A_1370] {strides = array<i32>} : memref<16x8x128xf32, #tpu.memory_space<vmem>>, vector<1x1x16xf32>,
      %get3A_1372 = vector.shape_cast %get3A_1371 : vector<1x1x16xf32> to vector<16xf32>
      %swap3A_1373 = arith.constant 12 : i32
      %swap3A_1374 = arith.index_cast %swap3A_1373 : i32 to index
      %swap3A_1375 = arith.constant 0 : index
      %swap3A_1376 = tpu.vector_load %arg7[%swap3A_1374, %swap3A_1375] {strides = array<i32>} : memref<16x128xf32, #tpu.memory_space<vmem>>, vector<1x16xf32>,
      %swap3A_1377 = vector.shape_cast %swap3A_1376 : vector<1x16xf32> to vector<16xf32>
      %swap3A_1378 = vector.shape_cast %get3A_1372 : vector<16xf32> to vector<1x16xf32>
      tpu.vector_store %arg7[%swap3A_1374, %swap3A_1375], %swap3A_1378 {strides = array<i32>} : memref<16x128xf32, #tpu.memory_space<vmem>>, vector<1x16xf32>,
      %get3A_1379 = arith.constant 12 : i32
      %get3A_1380 = arith.constant 4 : i32
      %get3A_1381 = arith.index_cast %get3A_1379 : i32 to index
      %get3A_1382 = arith.index_cast %get3A_1380 : i32 to index
      %get3A_1383 = arith.constant 16 : index
      %get3A_1384 = tpu.vector_load %arg6[%get3A_1381, %get3A_1382, %get3A_1383] {strides = array<i32>} : memref<16x8x128xf32, #tpu.memory_space<vmem>>, vector<1x1x16xf32>,
      %get3A_1385 = vector.shape_cast %get3A_1384 : vector<1x1x16xf32> to vector<16xf32>
      %swap3A_1386 = arith.constant 12 : i32
      %swap3A_1387 = arith.index_cast %swap3A_1386 : i32 to index
      %swap3A_1388 = arith.constant 16 : index
      %swap3A_1389 = tpu.vector_load %arg7[%swap3A_1387, %swap3A_1388] {strides = array<i32>} : memref<16x128xf32, #tpu.memory_space<vmem>>, vector<1x16xf32>,
      %swap3A_1390 = vector.shape_cast %swap3A_1389 : vector<1x16xf32> to vector<16xf32>
      %swap3A_1391 = vector.shape_cast %get3A_1385 : vector<16xf32> to vector<1x16xf32>
      tpu.vector_store %arg7[%swap3A_1387, %swap3A_1388], %swap3A_1391 {strides = array<i32>} : memref<16x128xf32, #tpu.memory_space<vmem>>, vector<1x16xf32>,
      %get3A_1392 = arith.constant 12 : i32
      %get3A_1393 = arith.constant 4 : i32
      %get3A_1394 = arith.index_cast %get3A_1392 : i32 to index
      %get3A_1395 = arith.index_cast %get3A_1393 : i32 to index
      %get3A_1396 = arith.constant 32 : index
      %get3A_1397 = tpu.vector_load %arg6[%get3A_1394, %get3A_1395, %get3A_1396] {strides = array<i32>} : memref<16x8x128xf32, #tpu.memory_space<vmem>>, vector<1x1x16xf32>,
      %get3A_1398 = vector.shape_cast %get3A_1397 : vector<1x1x16xf32> to vector<16xf32>
      %swap3A_1399 = arith.constant 12 : i32
      %swap3A_1400 = arith.index_cast %swap3A_1399 : i32 to index
      %swap3A_1401 = arith.constant 32 : index
      %swap3A_1402 = tpu.vector_load %arg7[%swap3A_1400, %swap3A_1401] {strides = array<i32>} : memref<16x128xf32, #tpu.memory_space<vmem>>, vector<1x16xf32>,
      %swap3A_1403 = vector.shape_cast %swap3A_1402 : vector<1x16xf32> to vector<16xf32>
      %swap3A_1404 = vector.shape_cast %get3A_1398 : vector<16xf32> to vector<1x16xf32>
      tpu.vector_store %arg7[%swap3A_1400, %swap3A_1401], %swap3A_1404 {strides = array<i32>} : memref<16x128xf32, #tpu.memory_space<vmem>>, vector<1x16xf32>,
      %get3A_1405 = arith.constant 12 : i32
      %get3A_1406 = arith.constant 4 : i32
      %get3A_1407 = arith.index_cast %get3A_1405 : i32 to index
      %get3A_1408 = arith.index_cast %get3A_1406 : i32 to index
      %get3A_1409 = arith.constant 48 : index
      %get3A_1410 = tpu.vector_load %arg6[%get3A_1407, %get3A_1408, %get3A_1409] {strides = array<i32>} : memref<16x8x128xf32, #tpu.memory_space<vmem>>, vector<1x1x16xf32>,
      %get3A_1411 = vector.shape_cast %get3A_1410 : vector<1x1x16xf32> to vector<16xf32>
      %swap3A_1412 = arith.constant 12 : i32
      %swap3A_1413 = arith.index_cast %swap3A_1412 : i32 to index
      %swap3A_1414 = arith.constant 48 : index
      %swap3A_1415 = tpu.vector_load %arg7[%swap3A_1413, %swap3A_1414] {strides = array<i32>} : memref<16x128xf32, #tpu.memory_space<vmem>>, vector<1x16xf32>,
      %swap3A_1416 = vector.shape_cast %swap3A_1415 : vector<1x16xf32> to vector<16xf32>
      %swap3A_1417 = vector.shape_cast %get3A_1411 : vector<16xf32> to vector<1x16xf32>
      tpu.vector_store %arg7[%swap3A_1413, %swap3A_1414], %swap3A_1417 {strides = array<i32>} : memref<16x128xf32, #tpu.memory_space<vmem>>, vector<1x16xf32>,
      %get3A_1418 = arith.constant 12 : i32
      %get3A_1419 = arith.constant 4 : i32
      %get3A_1420 = arith.index_cast %get3A_1418 : i32 to index
      %get3A_1421 = arith.index_cast %get3A_1419 : i32 to index
      %get3A_1422 = arith.constant 64 : index
      %get3A_1423 = tpu.vector_load %arg6[%get3A_1420, %get3A_1421, %get3A_1422] {strides = array<i32>} : memref<16x8x128xf32, #tpu.memory_space<vmem>>, vector<1x1x16xf32>,
      %get3A_1424 = vector.shape_cast %get3A_1423 : vector<1x1x16xf32> to vector<16xf32>
      %swap3A_1425 = arith.constant 12 : i32
      %swap3A_1426 = arith.index_cast %swap3A_1425 : i32 to index
      %swap3A_1427 = arith.constant 64 : index
      %swap3A_1428 = tpu.vector_load %arg7[%swap3A_1426, %swap3A_1427] {strides = array<i32>} : memref<16x128xf32, #tpu.memory_space<vmem>>, vector<1x16xf32>,
      %swap3A_1429 = vector.shape_cast %swap3A_1428 : vector<1x16xf32> to vector<16xf32>
      %swap3A_1430 = vector.shape_cast %get3A_1424 : vector<16xf32> to vector<1x16xf32>
      tpu.vector_store %arg7[%swap3A_1426, %swap3A_1427], %swap3A_1430 {strides = array<i32>} : memref<16x128xf32, #tpu.memory_space<vmem>>, vector<1x16xf32>,
      %get3A_1431 = arith.constant 12 : i32
      %get3A_1432 = arith.constant 4 : i32
      %get3A_1433 = arith.index_cast %get3A_1431 : i32 to index
      %get3A_1434 = arith.index_cast %get3A_1432 : i32 to index
      %get3A_1435 = arith.constant 80 : index
      %get3A_1436 = tpu.vector_load %arg6[%get3A_1433, %get3A_1434, %get3A_1435] {strides = array<i32>} : memref<16x8x128xf32, #tpu.memory_space<vmem>>, vector<1x1x16xf32>,
      %get3A_1437 = vector.shape_cast %get3A_1436 : vector<1x1x16xf32> to vector<16xf32>
      %swap3A_1438 = arith.constant 12 : i32
      %swap3A_1439 = arith.index_cast %swap3A_1438 : i32 to index
      %swap3A_1440 = arith.constant 80 : index
      %swap3A_1441 = tpu.vector_load %arg7[%swap3A_1439, %swap3A_1440] {strides = array<i32>} : memref<16x128xf32, #tpu.memory_space<vmem>>, vector<1x16xf32>,
      %swap3A_1442 = vector.shape_cast %swap3A_1441 : vector<1x16xf32> to vector<16xf32>
      %swap3A_1443 = vector.shape_cast %get3A_1437 : vector<16xf32> to vector<1x16xf32>
      tpu.vector_store %arg7[%swap3A_1439, %swap3A_1440], %swap3A_1443 {strides = array<i32>} : memref<16x128xf32, #tpu.memory_space<vmem>>, vector<1x16xf32>,
      %get3A_1444 = arith.constant 12 : i32
      %get3A_1445 = arith.constant 4 : i32
      %get3A_1446 = arith.index_cast %get3A_1444 : i32 to index
      %get3A_1447 = arith.index_cast %get3A_1445 : i32 to index
      %get3A_1448 = arith.constant 96 : index
      %get3A_1449 = tpu.vector_load %arg6[%get3A_1446, %get3A_1447, %get3A_1448] {strides = array<i32>} : memref<16x8x128xf32, #tpu.memory_space<vmem>>, vector<1x1x16xf32>,
      %get3A_1450 = vector.shape_cast %get3A_1449 : vector<1x1x16xf32> to vector<16xf32>
      %swap3A_1451 = arith.constant 12 : i32
      %swap3A_1452 = arith.index_cast %swap3A_1451 : i32 to index
      %swap3A_1453 = arith.constant 96 : index
      %swap3A_1454 = tpu.vector_load %arg7[%swap3A_1452, %swap3A_1453] {strides = array<i32>} : memref<16x128xf32, #tpu.memory_space<vmem>>, vector<1x16xf32>,
      %swap3A_1455 = vector.shape_cast %swap3A_1454 : vector<1x16xf32> to vector<16xf32>
      %swap3A_1456 = vector.shape_cast %get3A_1450 : vector<16xf32> to vector<1x16xf32>
      tpu.vector_store %arg7[%swap3A_1452, %swap3A_1453], %swap3A_1456 {strides = array<i32>} : memref<16x128xf32, #tpu.memory_space<vmem>>, vector<1x16xf32>,
      %get3A_1457 = arith.constant 12 : i32
      %get3A_1458 = arith.constant 4 : i32
      %get3A_1459 = arith.index_cast %get3A_1457 : i32 to index
      %get3A_1460 = arith.index_cast %get3A_1458 : i32 to index
      %get3A_1461 = arith.constant 112 : index
      %get3A_1462 = tpu.vector_load %arg6[%get3A_1459, %get3A_1460, %get3A_1461] {strides = array<i32>} : memref<16x8x128xf32, #tpu.memory_space<vmem>>, vector<1x1x16xf32>,
      %get3A_1463 = vector.shape_cast %get3A_1462 : vector<1x1x16xf32> to vector<16xf32>
      %swap3A_1464 = arith.constant 12 : i32
      %swap3A_1465 = arith.index_cast %swap3A_1464 : i32 to index
      %swap3A_1466 = arith.constant 112 : index
      %swap3A_1467 = tpu.vector_load %arg7[%swap3A_1465, %swap3A_1466] {strides = array<i32>} : memref<16x128xf32, #tpu.memory_space<vmem>>, vector<1x16xf32>,
      %swap3A_1468 = vector.shape_cast %swap3A_1467 : vector<1x16xf32> to vector<16xf32>
      %swap3A_1469 = vector.shape_cast %get3A_1463 : vector<16xf32> to vector<1x16xf32>
      tpu.vector_store %arg7[%swap3A_1465, %swap3A_1466], %swap3A_1469 {strides = array<i32>} : memref<16x128xf32, #tpu.memory_space<vmem>>, vector<1x16xf32>,
      %slice3A_1470 = vector.extract_strided_slice %get3A_6 {offsets = [13], sizes = [1], strides = [1]} : vector<16xi32> to vector<1xi32>
      %squeeze3A_1471 = vector.extract %slice3A_1470[0] : i32 from vector<1xi32>
      %and3A_1472 = arith.constant -128 : i32
      %and3A_1473 = arith.andi %squeeze3A_1471, %and3A_1472 : i32
      %multiple_of3A_1474 = tpu.assume_multiple %and3A_1473, 128 : i32
      %add3A_1475 = arith.constant 8 : i32
      %add3A_1476 = arith.addi %mul3A_4, %add3A_1475 : i32
      %multiple_of3A_1477 = tpu.assume_multiple %add3A_1476, 8 : i32
      %run_scoped3A_1478 = arith.constant 13 : i32
      "tpu.region"() ({
        %run_scoped3A_1810 = tpu.sem_alloc : memref<!tpu.dma_semaphore, #tpu.memory_space<semaphore_mem>>
        %dma_start3A = arith.constant 0 : i32
        %dma_start3A_1811 = arith.constant 0 : i32
        %dma_start3A_1812 = tpu.memref_slice %arg6[%run_scoped3A_1478, %dma_start3A, %dma_start3A_1811] : memref<16x8x128xf32, #tpu.memory_space<vmem>> -> memref<1x8x128xf32, #tpu.memory_space<vmem>>
        %dma_start3A_1813 = tpu.memref_squeeze %dma_start3A_1812 : memref<1x8x128xf32, #tpu.memory_space<vmem>> -> memref<8x128xf32, #tpu.memory_space<vmem>>
        %dma_start3A_1814 = tpu.memref_slice %arg2[%multiple_of3A_1477, %multiple_of3A_1474] : memref<64x1000000xf32, #tpu.memory_space<hbm>> -> memref<8x128xf32, #tpu.memory_space<hbm>>
        %dma_start3A_1815 = arith.constant 0 : i32
        %dma_start3A_1816 = arith.constant 0 : i32
        %dma_start3A_1817 = tpu.memref_slice %arg6[%run_scoped3A_1478, %dma_start3A_1815, %dma_start3A_1816] : memref<16x8x128xf32, #tpu.memory_space<vmem>> -> memref<1x8x128xf32, #tpu.memory_space<vmem>>
        %dma_start3A_1818 = tpu.memref_squeeze %dma_start3A_1817 : memref<1x8x128xf32, #tpu.memory_space<vmem>> -> memref<8x128xf32, #tpu.memory_space<vmem>>
        %dma_start3A_1819 = tpu.memref_slice %arg2[%multiple_of3A_1477, %multiple_of3A_1474] : memref<64x1000000xf32, #tpu.memory_space<hbm>> -> memref<8x128xf32, #tpu.memory_space<hbm>>
        tpu.enqueue_dma source(%dma_start3A_1819 : memref<8x128xf32, #tpu.memory_space<hbm>>) target(%dma_start3A_1818 : memref<8x128xf32, #tpu.memory_space<vmem>>) target_semaphore(%run_scoped3A_1810 : memref<!tpu.dma_semaphore, #tpu.memory_space<semaphore_mem>>)
        %dma_wait3A = arith.constant 0 : i32
        %dma_wait3A_1820 = arith.constant 0 : i32
        %dma_wait3A_1821 = tpu.memref_slice %arg6[%run_scoped3A_1478, %dma_wait3A, %dma_wait3A_1820] : memref<16x8x128xf32, #tpu.memory_space<vmem>> -> memref<1x8x128xf32, #tpu.memory_space<vmem>>
        %dma_wait3A_1822 = tpu.memref_squeeze %dma_wait3A_1821 : memref<1x8x128xf32, #tpu.memory_space<vmem>> -> memref<8x128xf32, #tpu.memory_space<vmem>>
        %dma_wait3A_1823 = tpu.memref_slice %arg2[%multiple_of3A_1477, %multiple_of3A_1474] : memref<64x1000000xf32, #tpu.memory_space<hbm>> -> memref<8x128xf32, #tpu.memory_space<hbm>>
        %dma_wait3A_1824 = arith.constant 0 : i32
        %dma_wait3A_1825 = arith.constant 0 : i32
        %dma_wait3A_1826 = tpu.memref_slice %arg6[%run_scoped3A_1478, %dma_wait3A_1824, %dma_wait3A_1825] : memref<16x8x128xf32, #tpu.memory_space<vmem>> -> memref<1x8x128xf32, #tpu.memory_space<vmem>>
        %dma_wait3A_1827 = tpu.memref_squeeze %dma_wait3A_1826 : memref<1x8x128xf32, #tpu.memory_space<vmem>> -> memref<8x128xf32, #tpu.memory_space<vmem>>
        %dma_wait3A_1828 = tpu.memref_slice %arg2[%multiple_of3A_1477, %multiple_of3A_1474] : memref<64x1000000xf32, #tpu.memory_space<hbm>> -> memref<8x128xf32, #tpu.memory_space<hbm>>
        tpu.wait_dma2 semaphore(%run_scoped3A_1810 : memref<!tpu.dma_semaphore, #tpu.memory_space<semaphore_mem>>) src(%dma_wait3A_1828 : memref<8x128xf32, #tpu.memory_space<hbm>>) dst(%dma_wait3A_1827 : memref<8x128xf32, #tpu.memory_space<vmem>>)
        tpu.yield
      }) : () -> ()
      %get3A_1479 = arith.constant 13 : i32
      %get3A_1480 = arith.constant 5 : i32
      %get3A_1481 = arith.index_cast %get3A_1479 : i32 to index
      %get3A_1482 = arith.index_cast %get3A_1480 : i32 to index
      %get3A_1483 = arith.constant 0 : index
      %get3A_1484 = tpu.vector_load %arg6[%get3A_1481, %get3A_1482, %get3A_1483] {strides = array<i32>} : memref<16x8x128xf32, #tpu.memory_space<vmem>>, vector<1x1x16xf32>,
      %get3A_1485 = vector.shape_cast %get3A_1484 : vector<1x1x16xf32> to vector<16xf32>
      %swap3A_1486 = arith.constant 13 : i32
      %swap3A_1487 = arith.index_cast %swap3A_1486 : i32 to index
      %swap3A_1488 = arith.constant 0 : index
      %swap3A_1489 = tpu.vector_load %arg7[%swap3A_1487, %swap3A_1488] {strides = array<i32>} : memref<16x128xf32, #tpu.memory_space<vmem>>, vector<1x16xf32>,
      %swap3A_1490 = vector.shape_cast %swap3A_1489 : vector<1x16xf32> to vector<16xf32>
      %swap3A_1491 = vector.shape_cast %get3A_1485 : vector<16xf32> to vector<1x16xf32>
      tpu.vector_store %arg7[%swap3A_1487, %swap3A_1488], %swap3A_1491 {strides = array<i32>} : memref<16x128xf32, #tpu.memory_space<vmem>>, vector<1x16xf32>,
      %get3A_1492 = arith.constant 13 : i32
      %get3A_1493 = arith.constant 5 : i32
      %get3A_1494 = arith.index_cast %get3A_1492 : i32 to index
      %get3A_1495 = arith.index_cast %get3A_1493 : i32 to index
      %get3A_1496 = arith.constant 16 : index
      %get3A_1497 = tpu.vector_load %arg6[%get3A_1494, %get3A_1495, %get3A_1496] {strides = array<i32>} : memref<16x8x128xf32, #tpu.memory_space<vmem>>, vector<1x1x16xf32>,
      %get3A_1498 = vector.shape_cast %get3A_1497 : vector<1x1x16xf32> to vector<16xf32>
      %swap3A_1499 = arith.constant 13 : i32
      %swap3A_1500 = arith.index_cast %swap3A_1499 : i32 to index
      %swap3A_1501 = arith.constant 16 : index
      %swap3A_1502 = tpu.vector_load %arg7[%swap3A_1500, %swap3A_1501] {strides = array<i32>} : memref<16x128xf32, #tpu.memory_space<vmem>>, vector<1x16xf32>,
      %swap3A_1503 = vector.shape_cast %swap3A_1502 : vector<1x16xf32> to vector<16xf32>
      %swap3A_1504 = vector.shape_cast %get3A_1498 : vector<16xf32> to vector<1x16xf32>
      tpu.vector_store %arg7[%swap3A_1500, %swap3A_1501], %swap3A_1504 {strides = array<i32>} : memref<16x128xf32, #tpu.memory_space<vmem>>, vector<1x16xf32>,
      %get3A_1505 = arith.constant 13 : i32
      %get3A_1506 = arith.constant 5 : i32
      %get3A_1507 = arith.index_cast %get3A_1505 : i32 to index
      %get3A_1508 = arith.index_cast %get3A_1506 : i32 to index
      %get3A_1509 = arith.constant 32 : index
      %get3A_1510 = tpu.vector_load %arg6[%get3A_1507, %get3A_1508, %get3A_1509] {strides = array<i32>} : memref<16x8x128xf32, #tpu.memory_space<vmem>>, vector<1x1x16xf32>,
      %get3A_1511 = vector.shape_cast %get3A_1510 : vector<1x1x16xf32> to vector<16xf32>
      %swap3A_1512 = arith.constant 13 : i32
      %swap3A_1513 = arith.index_cast %swap3A_1512 : i32 to index
      %swap3A_1514 = arith.constant 32 : index
      %swap3A_1515 = tpu.vector_load %arg7[%swap3A_1513, %swap3A_1514] {strides = array<i32>} : memref<16x128xf32, #tpu.memory_space<vmem>>, vector<1x16xf32>,
      %swap3A_1516 = vector.shape_cast %swap3A_1515 : vector<1x16xf32> to vector<16xf32>
      %swap3A_1517 = vector.shape_cast %get3A_1511 : vector<16xf32> to vector<1x16xf32>
      tpu.vector_store %arg7[%swap3A_1513, %swap3A_1514], %swap3A_1517 {strides = array<i32>} : memref<16x128xf32, #tpu.memory_space<vmem>>, vector<1x16xf32>,
      %get3A_1518 = arith.constant 13 : i32
      %get3A_1519 = arith.constant 5 : i32
      %get3A_1520 = arith.index_cast %get3A_1518 : i32 to index
      %get3A_1521 = arith.index_cast %get3A_1519 : i32 to index
      %get3A_1522 = arith.constant 48 : index
      %get3A_1523 = tpu.vector_load %arg6[%get3A_1520, %get3A_1521, %get3A_1522] {strides = array<i32>} : memref<16x8x128xf32, #tpu.memory_space<vmem>>, vector<1x1x16xf32>,
      %get3A_1524 = vector.shape_cast %get3A_1523 : vector<1x1x16xf32> to vector<16xf32>
      %swap3A_1525 = arith.constant 13 : i32
      %swap3A_1526 = arith.index_cast %swap3A_1525 : i32 to index
      %swap3A_1527 = arith.constant 48 : index
      %swap3A_1528 = tpu.vector_load %arg7[%swap3A_1526, %swap3A_1527] {strides = array<i32>} : memref<16x128xf32, #tpu.memory_space<vmem>>, vector<1x16xf32>,
      %swap3A_1529 = vector.shape_cast %swap3A_1528 : vector<1x16xf32> to vector<16xf32>
      %swap3A_1530 = vector.shape_cast %get3A_1524 : vector<16xf32> to vector<1x16xf32>
      tpu.vector_store %arg7[%swap3A_1526, %swap3A_1527], %swap3A_1530 {strides = array<i32>} : memref<16x128xf32, #tpu.memory_space<vmem>>, vector<1x16xf32>,
      %get3A_1531 = arith.constant 13 : i32
      %get3A_1532 = arith.constant 5 : i32
      %get3A_1533 = arith.index_cast %get3A_1531 : i32 to index
      %get3A_1534 = arith.index_cast %get3A_1532 : i32 to index
      %get3A_1535 = arith.constant 64 : index
      %get3A_1536 = tpu.vector_load %arg6[%get3A_1533, %get3A_1534, %get3A_1535] {strides = array<i32>} : memref<16x8x128xf32, #tpu.memory_space<vmem>>, vector<1x1x16xf32>,
      %get3A_1537 = vector.shape_cast %get3A_1536 : vector<1x1x16xf32> to vector<16xf32>
      %swap3A_1538 = arith.constant 13 : i32
      %swap3A_1539 = arith.index_cast %swap3A_1538 : i32 to index
      %swap3A_1540 = arith.constant 64 : index
      %swap3A_1541 = tpu.vector_load %arg7[%swap3A_1539, %swap3A_1540] {strides = array<i32>} : memref<16x128xf32, #tpu.memory_space<vmem>>, vector<1x16xf32>,
      %swap3A_1542 = vector.shape_cast %swap3A_1541 : vector<1x16xf32> to vector<16xf32>
      %swap3A_1543 = vector.shape_cast %get3A_1537 : vector<16xf32> to vector<1x16xf32>
      tpu.vector_store %arg7[%swap3A_1539, %swap3A_1540], %swap3A_1543 {strides = array<i32>} : memref<16x128xf32, #tpu.memory_space<vmem>>, vector<1x16xf32>,
      %get3A_1544 = arith.constant 13 : i32
      %get3A_1545 = arith.constant 5 : i32
      %get3A_1546 = arith.index_cast %get3A_1544 : i32 to index
      %get3A_1547 = arith.index_cast %get3A_1545 : i32 to index
      %get3A_1548 = arith.constant 80 : index
      %get3A_1549 = tpu.vector_load %arg6[%get3A_1546, %get3A_1547, %get3A_1548] {strides = array<i32>} : memref<16x8x128xf32, #tpu.memory_space<vmem>>, vector<1x1x16xf32>,
      %get3A_1550 = vector.shape_cast %get3A_1549 : vector<1x1x16xf32> to vector<16xf32>
      %swap3A_1551 = arith.constant 13 : i32
      %swap3A_1552 = arith.index_cast %swap3A_1551 : i32 to index
      %swap3A_1553 = arith.constant 80 : index
      %swap3A_1554 = tpu.vector_load %arg7[%swap3A_1552, %swap3A_1553] {strides = array<i32>} : memref<16x128xf32, #tpu.memory_space<vmem>>, vector<1x16xf32>,
      %swap3A_1555 = vector.shape_cast %swap3A_1554 : vector<1x16xf32> to vector<16xf32>
      %swap3A_1556 = vector.shape_cast %get3A_1550 : vector<16xf32> to vector<1x16xf32>
      tpu.vector_store %arg7[%swap3A_1552, %swap3A_1553], %swap3A_1556 {strides = array<i32>} : memref<16x128xf32, #tpu.memory_space<vmem>>, vector<1x16xf32>,
      %get3A_1557 = arith.constant 13 : i32
      %get3A_1558 = arith.constant 5 : i32
      %get3A_1559 = arith.index_cast %get3A_1557 : i32 to index
      %get3A_1560 = arith.index_cast %get3A_1558 : i32 to index
      %get3A_1561 = arith.constant 96 : index
      %get3A_1562 = tpu.vector_load %arg6[%get3A_1559, %get3A_1560, %get3A_1561] {strides = array<i32>} : memref<16x8x128xf32, #tpu.memory_space<vmem>>, vector<1x1x16xf32>,
      %get3A_1563 = vector.shape_cast %get3A_1562 : vector<1x1x16xf32> to vector<16xf32>
      %swap3A_1564 = arith.constant 13 : i32
      %swap3A_1565 = arith.index_cast %swap3A_1564 : i32 to index
      %swap3A_1566 = arith.constant 96 : index
      %swap3A_1567 = tpu.vector_load %arg7[%swap3A_1565, %swap3A_1566] {strides = array<i32>} : memref<16x128xf32, #tpu.memory_space<vmem>>, vector<1x16xf32>,
      %swap3A_1568 = vector.shape_cast %swap3A_1567 : vector<1x16xf32> to vector<16xf32>
      %swap3A_1569 = vector.shape_cast %get3A_1563 : vector<16xf32> to vector<1x16xf32>
      tpu.vector_store %arg7[%swap3A_1565, %swap3A_1566], %swap3A_1569 {strides = array<i32>} : memref<16x128xf32, #tpu.memory_space<vmem>>, vector<1x16xf32>,
      %get3A_1570 = arith.constant 13 : i32
      %get3A_1571 = arith.constant 5 : i32
      %get3A_1572 = arith.index_cast %get3A_1570 : i32 to index
      %get3A_1573 = arith.index_cast %get3A_1571 : i32 to index
      %get3A_1574 = arith.constant 112 : index
      %get3A_1575 = tpu.vector_load %arg6[%get3A_1572, %get3A_1573, %get3A_1574] {strides = array<i32>} : memref<16x8x128xf32, #tpu.memory_space<vmem>>, vector<1x1x16xf32>,
      %get3A_1576 = vector.shape_cast %get3A_1575 : vector<1x1x16xf32> to vector<16xf32>
      %swap3A_1577 = arith.constant 13 : i32
      %swap3A_1578 = arith.index_cast %swap3A_1577 : i32 to index
      %swap3A_1579 = arith.constant 112 : index
      %swap3A_1580 = tpu.vector_load %arg7[%swap3A_1578, %swap3A_1579] {strides = array<i32>} : memref<16x128xf32, #tpu.memory_space<vmem>>, vector<1x16xf32>,
      %swap3A_1581 = vector.shape_cast %swap3A_1580 : vector<1x16xf32> to vector<16xf32>
      %swap3A_1582 = vector.shape_cast %get3A_1576 : vector<16xf32> to vector<1x16xf32>
      tpu.vector_store %arg7[%swap3A_1578, %swap3A_1579], %swap3A_1582 {strides = array<i32>} : memref<16x128xf32, #tpu.memory_space<vmem>>, vector<1x16xf32>,
      %slice3A_1583 = vector.extract_strided_slice %get3A_6 {offsets = [14], sizes = [1], strides = [1]} : vector<16xi32> to vector<1xi32>
      %squeeze3A_1584 = vector.extract %slice3A_1583[0] : i32 from vector<1xi32>
      %and3A_1585 = arith.constant -128 : i32
      %and3A_1586 = arith.andi %squeeze3A_1584, %and3A_1585 : i32
      %multiple_of3A_1587 = tpu.assume_multiple %and3A_1586, 128 : i32
      %add3A_1588 = arith.constant 8 : i32
      %add3A_1589 = arith.addi %mul3A_4, %add3A_1588 : i32
      %multiple_of3A_1590 = tpu.assume_multiple %add3A_1589, 8 : i32
      %run_scoped3A_1591 = arith.constant 14 : i32
      "tpu.region"() ({
        %run_scoped3A_1810 = tpu.sem_alloc : memref<!tpu.dma_semaphore, #tpu.memory_space<semaphore_mem>>
        %dma_start3A = arith.constant 0 : i32
        %dma_start3A_1811 = arith.constant 0 : i32
        %dma_start3A_1812 = tpu.memref_slice %arg6[%run_scoped3A_1591, %dma_start3A, %dma_start3A_1811] : memref<16x8x128xf32, #tpu.memory_space<vmem>> -> memref<1x8x128xf32, #tpu.memory_space<vmem>>
        %dma_start3A_1813 = tpu.memref_squeeze %dma_start3A_1812 : memref<1x8x128xf32, #tpu.memory_space<vmem>> -> memref<8x128xf32, #tpu.memory_space<vmem>>
        %dma_start3A_1814 = tpu.memref_slice %arg2[%multiple_of3A_1590, %multiple_of3A_1587] : memref<64x1000000xf32, #tpu.memory_space<hbm>> -> memref<8x128xf32, #tpu.memory_space<hbm>>
        %dma_start3A_1815 = arith.constant 0 : i32
        %dma_start3A_1816 = arith.constant 0 : i32
        %dma_start3A_1817 = tpu.memref_slice %arg6[%run_scoped3A_1591, %dma_start3A_1815, %dma_start3A_1816] : memref<16x8x128xf32, #tpu.memory_space<vmem>> -> memref<1x8x128xf32, #tpu.memory_space<vmem>>
        %dma_start3A_1818 = tpu.memref_squeeze %dma_start3A_1817 : memref<1x8x128xf32, #tpu.memory_space<vmem>> -> memref<8x128xf32, #tpu.memory_space<vmem>>
        %dma_start3A_1819 = tpu.memref_slice %arg2[%multiple_of3A_1590, %multiple_of3A_1587] : memref<64x1000000xf32, #tpu.memory_space<hbm>> -> memref<8x128xf32, #tpu.memory_space<hbm>>
        tpu.enqueue_dma source(%dma_start3A_1819 : memref<8x128xf32, #tpu.memory_space<hbm>>) target(%dma_start3A_1818 : memref<8x128xf32, #tpu.memory_space<vmem>>) target_semaphore(%run_scoped3A_1810 : memref<!tpu.dma_semaphore, #tpu.memory_space<semaphore_mem>>)
        %dma_wait3A = arith.constant 0 : i32
        %dma_wait3A_1820 = arith.constant 0 : i32
        %dma_wait3A_1821 = tpu.memref_slice %arg6[%run_scoped3A_1591, %dma_wait3A, %dma_wait3A_1820] : memref<16x8x128xf32, #tpu.memory_space<vmem>> -> memref<1x8x128xf32, #tpu.memory_space<vmem>>
        %dma_wait3A_1822 = tpu.memref_squeeze %dma_wait3A_1821 : memref<1x8x128xf32, #tpu.memory_space<vmem>> -> memref<8x128xf32, #tpu.memory_space<vmem>>
        %dma_wait3A_1823 = tpu.memref_slice %arg2[%multiple_of3A_1590, %multiple_of3A_1587] : memref<64x1000000xf32, #tpu.memory_space<hbm>> -> memref<8x128xf32, #tpu.memory_space<hbm>>
        %dma_wait3A_1824 = arith.constant 0 : i32
        %dma_wait3A_1825 = arith.constant 0 : i32
        %dma_wait3A_1826 = tpu.memref_slice %arg6[%run_scoped3A_1591, %dma_wait3A_1824, %dma_wait3A_1825] : memref<16x8x128xf32, #tpu.memory_space<vmem>> -> memref<1x8x128xf32, #tpu.memory_space<vmem>>
        %dma_wait3A_1827 = tpu.memref_squeeze %dma_wait3A_1826 : memref<1x8x128xf32, #tpu.memory_space<vmem>> -> memref<8x128xf32, #tpu.memory_space<vmem>>
        %dma_wait3A_1828 = tpu.memref_slice %arg2[%multiple_of3A_1590, %multiple_of3A_1587] : memref<64x1000000xf32, #tpu.memory_space<hbm>> -> memref<8x128xf32, #tpu.memory_space<hbm>>
        tpu.wait_dma2 semaphore(%run_scoped3A_1810 : memref<!tpu.dma_semaphore, #tpu.memory_space<semaphore_mem>>) src(%dma_wait3A_1828 : memref<8x128xf32, #tpu.memory_space<hbm>>) dst(%dma_wait3A_1827 : memref<8x128xf32, #tpu.memory_space<vmem>>)
        tpu.yield
      }) : () -> ()
      %get3A_1592 = arith.constant 14 : i32
      %get3A_1593 = arith.constant 6 : i32
      %get3A_1594 = arith.index_cast %get3A_1592 : i32 to index
      %get3A_1595 = arith.index_cast %get3A_1593 : i32 to index
      %get3A_1596 = arith.constant 0 : index
      %get3A_1597 = tpu.vector_load %arg6[%get3A_1594, %get3A_1595, %get3A_1596] {strides = array<i32>} : memref<16x8x128xf32, #tpu.memory_space<vmem>>, vector<1x1x16xf32>,
      %get3A_1598 = vector.shape_cast %get3A_1597 : vector<1x1x16xf32> to vector<16xf32>
      %swap3A_1599 = arith.constant 14 : i32
      %swap3A_1600 = arith.index_cast %swap3A_1599 : i32 to index
      %swap3A_1601 = arith.constant 0 : index
      %swap3A_1602 = tpu.vector_load %arg7[%swap3A_1600, %swap3A_1601] {strides = array<i32>} : memref<16x128xf32, #tpu.memory_space<vmem>>, vector<1x16xf32>,
      %swap3A_1603 = vector.shape_cast %swap3A_1602 : vector<1x16xf32> to vector<16xf32>
      %swap3A_1604 = vector.shape_cast %get3A_1598 : vector<16xf32> to vector<1x16xf32>
      tpu.vector_store %arg7[%swap3A_1600, %swap3A_1601], %swap3A_1604 {strides = array<i32>} : memref<16x128xf32, #tpu.memory_space<vmem>>, vector<1x16xf32>,
      %get3A_1605 = arith.constant 14 : i32
      %get3A_1606 = arith.constant 6 : i32
      %get3A_1607 = arith.index_cast %get3A_1605 : i32 to index
      %get3A_1608 = arith.index_cast %get3A_1606 : i32 to index
      %get3A_1609 = arith.constant 16 : index
      %get3A_1610 = tpu.vector_load %arg6[%get3A_1607, %get3A_1608, %get3A_1609] {strides = array<i32>} : memref<16x8x128xf32, #tpu.memory_space<vmem>>, vector<1x1x16xf32>,
      %get3A_1611 = vector.shape_cast %get3A_1610 : vector<1x1x16xf32> to vector<16xf32>
      %swap3A_1612 = arith.constant 14 : i32
      %swap3A_1613 = arith.index_cast %swap3A_1612 : i32 to index
      %swap3A_1614 = arith.constant 16 : index
      %swap3A_1615 = tpu.vector_load %arg7[%swap3A_1613, %swap3A_1614] {strides = array<i32>} : memref<16x128xf32, #tpu.memory_space<vmem>>, vector<1x16xf32>,
      %swap3A_1616 = vector.shape_cast %swap3A_1615 : vector<1x16xf32> to vector<16xf32>
      %swap3A_1617 = vector.shape_cast %get3A_1611 : vector<16xf32> to vector<1x16xf32>
      tpu.vector_store %arg7[%swap3A_1613, %swap3A_1614], %swap3A_1617 {strides = array<i32>} : memref<16x128xf32, #tpu.memory_space<vmem>>, vector<1x16xf32>,
      %get3A_1618 = arith.constant 14 : i32
      %get3A_1619 = arith.constant 6 : i32
      %get3A_1620 = arith.index_cast %get3A_1618 : i32 to index
      %get3A_1621 = arith.index_cast %get3A_1619 : i32 to index
      %get3A_1622 = arith.constant 32 : index
      %get3A_1623 = tpu.vector_load %arg6[%get3A_1620, %get3A_1621, %get3A_1622] {strides = array<i32>} : memref<16x8x128xf32, #tpu.memory_space<vmem>>, vector<1x1x16xf32>,
      %get3A_1624 = vector.shape_cast %get3A_1623 : vector<1x1x16xf32> to vector<16xf32>
      %swap3A_1625 = arith.constant 14 : i32
      %swap3A_1626 = arith.index_cast %swap3A_1625 : i32 to index
      %swap3A_1627 = arith.constant 32 : index
      %swap3A_1628 = tpu.vector_load %arg7[%swap3A_1626, %swap3A_1627] {strides = array<i32>} : memref<16x128xf32, #tpu.memory_space<vmem>>, vector<1x16xf32>,
      %swap3A_1629 = vector.shape_cast %swap3A_1628 : vector<1x16xf32> to vector<16xf32>
      %swap3A_1630 = vector.shape_cast %get3A_1624 : vector<16xf32> to vector<1x16xf32>
      tpu.vector_store %arg7[%swap3A_1626, %swap3A_1627], %swap3A_1630 {strides = array<i32>} : memref<16x128xf32, #tpu.memory_space<vmem>>, vector<1x16xf32>,
      %get3A_1631 = arith.constant 14 : i32
      %get3A_1632 = arith.constant 6 : i32
      %get3A_1633 = arith.index_cast %get3A_1631 : i32 to index
      %get3A_1634 = arith.index_cast %get3A_1632 : i32 to index
      %get3A_1635 = arith.constant 48 : index
      %get3A_1636 = tpu.vector_load %arg6[%get3A_1633, %get3A_1634, %get3A_1635] {strides = array<i32>} : memref<16x8x128xf32, #tpu.memory_space<vmem>>, vector<1x1x16xf32>,
      %get3A_1637 = vector.shape_cast %get3A_1636 : vector<1x1x16xf32> to vector<16xf32>
      %swap3A_1638 = arith.constant 14 : i32
      %swap3A_1639 = arith.index_cast %swap3A_1638 : i32 to index
      %swap3A_1640 = arith.constant 48 : index
      %swap3A_1641 = tpu.vector_load %arg7[%swap3A_1639, %swap3A_1640] {strides = array<i32>} : memref<16x128xf32, #tpu.memory_space<vmem>>, vector<1x16xf32>,
      %swap3A_1642 = vector.shape_cast %swap3A_1641 : vector<1x16xf32> to vector<16xf32>
      %swap3A_1643 = vector.shape_cast %get3A_1637 : vector<16xf32> to vector<1x16xf32>
      tpu.vector_store %arg7[%swap3A_1639, %swap3A_1640], %swap3A_1643 {strides = array<i32>} : memref<16x128xf32, #tpu.memory_space<vmem>>, vector<1x16xf32>,
      %get3A_1644 = arith.constant 14 : i32
      %get3A_1645 = arith.constant 6 : i32
      %get3A_1646 = arith.index_cast %get3A_1644 : i32 to index
      %get3A_1647 = arith.index_cast %get3A_1645 : i32 to index
      %get3A_1648 = arith.constant 64 : index
      %get3A_1649 = tpu.vector_load %arg6[%get3A_1646, %get3A_1647, %get3A_1648] {strides = array<i32>} : memref<16x8x128xf32, #tpu.memory_space<vmem>>, vector<1x1x16xf32>,
      %get3A_1650 = vector.shape_cast %get3A_1649 : vector<1x1x16xf32> to vector<16xf32>
      %swap3A_1651 = arith.constant 14 : i32
      %swap3A_1652 = arith.index_cast %swap3A_1651 : i32 to index
      %swap3A_1653 = arith.constant 64 : index
      %swap3A_1654 = tpu.vector_load %arg7[%swap3A_1652, %swap3A_1653] {strides = array<i32>} : memref<16x128xf32, #tpu.memory_space<vmem>>, vector<1x16xf32>,
      %swap3A_1655 = vector.shape_cast %swap3A_1654 : vector<1x16xf32> to vector<16xf32>
      %swap3A_1656 = vector.shape_cast %get3A_1650 : vector<16xf32> to vector<1x16xf32>
      tpu.vector_store %arg7[%swap3A_1652, %swap3A_1653], %swap3A_1656 {strides = array<i32>} : memref<16x128xf32, #tpu.memory_space<vmem>>, vector<1x16xf32>,
      %get3A_1657 = arith.constant 14 : i32
      %get3A_1658 = arith.constant 6 : i32
      %get3A_1659 = arith.index_cast %get3A_1657 : i32 to index
      %get3A_1660 = arith.index_cast %get3A_1658 : i32 to index
      %get3A_1661 = arith.constant 80 : index
      %get3A_1662 = tpu.vector_load %arg6[%get3A_1659, %get3A_1660, %get3A_1661] {strides = array<i32>} : memref<16x8x128xf32, #tpu.memory_space<vmem>>, vector<1x1x16xf32>,
      %get3A_1663 = vector.shape_cast %get3A_1662 : vector<1x1x16xf32> to vector<16xf32>
      %swap3A_1664 = arith.constant 14 : i32
      %swap3A_1665 = arith.index_cast %swap3A_1664 : i32 to index
      %swap3A_1666 = arith.constant 80 : index
      %swap3A_1667 = tpu.vector_load %arg7[%swap3A_1665, %swap3A_1666] {strides = array<i32>} : memref<16x128xf32, #tpu.memory_space<vmem>>, vector<1x16xf32>,
      %swap3A_1668 = vector.shape_cast %swap3A_1667 : vector<1x16xf32> to vector<16xf32>
      %swap3A_1669 = vector.shape_cast %get3A_1663 : vector<16xf32> to vector<1x16xf32>
      tpu.vector_store %arg7[%swap3A_1665, %swap3A_1666], %swap3A_1669 {strides = array<i32>} : memref<16x128xf32, #tpu.memory_space<vmem>>, vector<1x16xf32>,
      %get3A_1670 = arith.constant 14 : i32
      %get3A_1671 = arith.constant 6 : i32
      %get3A_1672 = arith.index_cast %get3A_1670 : i32 to index
      %get3A_1673 = arith.index_cast %get3A_1671 : i32 to index
      %get3A_1674 = arith.constant 96 : index
      %get3A_1675 = tpu.vector_load %arg6[%get3A_1672, %get3A_1673, %get3A_1674] {strides = array<i32>} : memref<16x8x128xf32, #tpu.memory_space<vmem>>, vector<1x1x16xf32>,
      %get3A_1676 = vector.shape_cast %get3A_1675 : vector<1x1x16xf32> to vector<16xf32>
      %swap3A_1677 = arith.constant 14 : i32
      %swap3A_1678 = arith.index_cast %swap3A_1677 : i32 to index
      %swap3A_1679 = arith.constant 96 : index
      %swap3A_1680 = tpu.vector_load %arg7[%swap3A_1678, %swap3A_1679] {strides = array<i32>} : memref<16x128xf32, #tpu.memory_space<vmem>>, vector<1x16xf32>,
      %swap3A_1681 = vector.shape_cast %swap3A_1680 : vector<1x16xf32> to vector<16xf32>
      %swap3A_1682 = vector.shape_cast %get3A_1676 : vector<16xf32> to vector<1x16xf32>
      tpu.vector_store %arg7[%swap3A_1678, %swap3A_1679], %swap3A_1682 {strides = array<i32>} : memref<16x128xf32, #tpu.memory_space<vmem>>, vector<1x16xf32>,
      %get3A_1683 = arith.constant 14 : i32
      %get3A_1684 = arith.constant 6 : i32
      %get3A_1685 = arith.index_cast %get3A_1683 : i32 to index
      %get3A_1686 = arith.index_cast %get3A_1684 : i32 to index
      %get3A_1687 = arith.constant 112 : index
      %get3A_1688 = tpu.vector_load %arg6[%get3A_1685, %get3A_1686, %get3A_1687] {strides = array<i32>} : memref<16x8x128xf32, #tpu.memory_space<vmem>>, vector<1x1x16xf32>,
      %get3A_1689 = vector.shape_cast %get3A_1688 : vector<1x1x16xf32> to vector<16xf32>
      %swap3A_1690 = arith.constant 14 : i32
      %swap3A_1691 = arith.index_cast %swap3A_1690 : i32 to index
      %swap3A_1692 = arith.constant 112 : index
      %swap3A_1693 = tpu.vector_load %arg7[%swap3A_1691, %swap3A_1692] {strides = array<i32>} : memref<16x128xf32, #tpu.memory_space<vmem>>, vector<1x16xf32>,
      %swap3A_1694 = vector.shape_cast %swap3A_1693 : vector<1x16xf32> to vector<16xf32>
      %swap3A_1695 = vector.shape_cast %get3A_1689 : vector<16xf32> to vector<1x16xf32>
      tpu.vector_store %arg7[%swap3A_1691, %swap3A_1692], %swap3A_1695 {strides = array<i32>} : memref<16x128xf32, #tpu.memory_space<vmem>>, vector<1x16xf32>,
      %slice3A_1696 = vector.extract_strided_slice %get3A_6 {offsets = [15], sizes = [1], strides = [1]} : vector<16xi32> to vector<1xi32>
      %squeeze3A_1697 = vector.extract %slice3A_1696[0] : i32 from vector<1xi32>
      %and3A_1698 = arith.constant -128 : i32
      %and3A_1699 = arith.andi %squeeze3A_1697, %and3A_1698 : i32
      %multiple_of3A_1700 = tpu.assume_multiple %and3A_1699, 128 : i32
      %add3A_1701 = arith.constant 8 : i32
      %add3A_1702 = arith.addi %mul3A_4, %add3A_1701 : i32
      %multiple_of3A_1703 = tpu.assume_multiple %add3A_1702, 8 : i32
      %run_scoped3A_1704 = arith.constant 15 : i32
      "tpu.region"() ({
        %run_scoped3A_1810 = tpu.sem_alloc : memref<!tpu.dma_semaphore, #tpu.memory_space<semaphore_mem>>
        %dma_start3A = arith.constant 0 : i32
        %dma_start3A_1811 = arith.constant 0 : i32
        %dma_start3A_1812 = tpu.memref_slice %arg6[%run_scoped3A_1704, %dma_start3A, %dma_start3A_1811] : memref<16x8x128xf32, #tpu.memory_space<vmem>> -> memref<1x8x128xf32, #tpu.memory_space<vmem>>
        %dma_start3A_1813 = tpu.memref_squeeze %dma_start3A_1812 : memref<1x8x128xf32, #tpu.memory_space<vmem>> -> memref<8x128xf32, #tpu.memory_space<vmem>>
        %dma_start3A_1814 = tpu.memref_slice %arg2[%multiple_of3A_1703, %multiple_of3A_1700] : memref<64x1000000xf32, #tpu.memory_space<hbm>> -> memref<8x128xf32, #tpu.memory_space<hbm>>
        %dma_start3A_1815 = arith.constant 0 : i32
        %dma_start3A_1816 = arith.constant 0 : i32
        %dma_start3A_1817 = tpu.memref_slice %arg6[%run_scoped3A_1704, %dma_start3A_1815, %dma_start3A_1816] : memref<16x8x128xf32, #tpu.memory_space<vmem>> -> memref<1x8x128xf32, #tpu.memory_space<vmem>>
        %dma_start3A_1818 = tpu.memref_squeeze %dma_start3A_1817 : memref<1x8x128xf32, #tpu.memory_space<vmem>> -> memref<8x128xf32, #tpu.memory_space<vmem>>
        %dma_start3A_1819 = tpu.memref_slice %arg2[%multiple_of3A_1703, %multiple_of3A_1700] : memref<64x1000000xf32, #tpu.memory_space<hbm>> -> memref<8x128xf32, #tpu.memory_space<hbm>>
        tpu.enqueue_dma source(%dma_start3A_1819 : memref<8x128xf32, #tpu.memory_space<hbm>>) target(%dma_start3A_1818 : memref<8x128xf32, #tpu.memory_space<vmem>>) target_semaphore(%run_scoped3A_1810 : memref<!tpu.dma_semaphore, #tpu.memory_space<semaphore_mem>>)
        %dma_wait3A = arith.constant 0 : i32
        %dma_wait3A_1820 = arith.constant 0 : i32
        %dma_wait3A_1821 = tpu.memref_slice %arg6[%run_scoped3A_1704, %dma_wait3A, %dma_wait3A_1820] : memref<16x8x128xf32, #tpu.memory_space<vmem>> -> memref<1x8x128xf32, #tpu.memory_space<vmem>>
        %dma_wait3A_1822 = tpu.memref_squeeze %dma_wait3A_1821 : memref<1x8x128xf32, #tpu.memory_space<vmem>> -> memref<8x128xf32, #tpu.memory_space<vmem>>
        %dma_wait3A_1823 = tpu.memref_slice %arg2[%multiple_of3A_1703, %multiple_of3A_1700] : memref<64x1000000xf32, #tpu.memory_space<hbm>> -> memref<8x128xf32, #tpu.memory_space<hbm>>
        %dma_wait3A_1824 = arith.constant 0 : i32
        %dma_wait3A_1825 = arith.constant 0 : i32
        %dma_wait3A_1826 = tpu.memref_slice %arg6[%run_scoped3A_1704, %dma_wait3A_1824, %dma_wait3A_1825] : memref<16x8x128xf32, #tpu.memory_space<vmem>> -> memref<1x8x128xf32, #tpu.memory_space<vmem>>
        %dma_wait3A_1827 = tpu.memref_squeeze %dma_wait3A_1826 : memref<1x8x128xf32, #tpu.memory_space<vmem>> -> memref<8x128xf32, #tpu.memory_space<vmem>>
        %dma_wait3A_1828 = tpu.memref_slice %arg2[%multiple_of3A_1703, %multiple_of3A_1700] : memref<64x1000000xf32, #tpu.memory_space<hbm>> -> memref<8x128xf32, #tpu.memory_space<hbm>>
        tpu.wait_dma2 semaphore(%run_scoped3A_1810 : memref<!tpu.dma_semaphore, #tpu.memory_space<semaphore_mem>>) src(%dma_wait3A_1828 : memref<8x128xf32, #tpu.memory_space<hbm>>) dst(%dma_wait3A_1827 : memref<8x128xf32, #tpu.memory_space<vmem>>)
        tpu.yield
      }) : () -> ()
      %get3A_1705 = arith.constant 15 : i32
      %get3A_1706 = arith.constant 7 : i32
      %get3A_1707 = arith.index_cast %get3A_1705 : i32 to index
      %get3A_1708 = arith.index_cast %get3A_1706 : i32 to index
      %get3A_1709 = arith.constant 0 : index
      %get3A_1710 = tpu.vector_load %arg6[%get3A_1707, %get3A_1708, %get3A_1709] {strides = array<i32>} : memref<16x8x128xf32, #tpu.memory_space<vmem>>, vector<1x1x16xf32>,
      %get3A_1711 = vector.shape_cast %get3A_1710 : vector<1x1x16xf32> to vector<16xf32>
      %swap3A_1712 = arith.constant 15 : i32
      %swap3A_1713 = arith.index_cast %swap3A_1712 : i32 to index
      %swap3A_1714 = arith.constant 0 : index
      %swap3A_1715 = tpu.vector_load %arg7[%swap3A_1713, %swap3A_1714] {strides = array<i32>} : memref<16x128xf32, #tpu.memory_space<vmem>>, vector<1x16xf32>,
      %swap3A_1716 = vector.shape_cast %swap3A_1715 : vector<1x16xf32> to vector<16xf32>
      %swap3A_1717 = vector.shape_cast %get3A_1711 : vector<16xf32> to vector<1x16xf32>
      tpu.vector_store %arg7[%swap3A_1713, %swap3A_1714], %swap3A_1717 {strides = array<i32>} : memref<16x128xf32, #tpu.memory_space<vmem>>, vector<1x16xf32>,
      %get3A_1718 = arith.constant 15 : i32
      %get3A_1719 = arith.constant 7 : i32
      %get3A_1720 = arith.index_cast %get3A_1718 : i32 to index
      %get3A_1721 = arith.index_cast %get3A_1719 : i32 to index
      %get3A_1722 = arith.constant 16 : index
      %get3A_1723 = tpu.vector_load %arg6[%get3A_1720, %get3A_1721, %get3A_1722] {strides = array<i32>} : memref<16x8x128xf32, #tpu.memory_space<vmem>>, vector<1x1x16xf32>,
      %get3A_1724 = vector.shape_cast %get3A_1723 : vector<1x1x16xf32> to vector<16xf32>
      %swap3A_1725 = arith.constant 15 : i32
      %swap3A_1726 = arith.index_cast %swap3A_1725 : i32 to index
      %swap3A_1727 = arith.constant 16 : index
      %swap3A_1728 = tpu.vector_load %arg7[%swap3A_1726, %swap3A_1727] {strides = array<i32>} : memref<16x128xf32, #tpu.memory_space<vmem>>, vector<1x16xf32>,
      %swap3A_1729 = vector.shape_cast %swap3A_1728 : vector<1x16xf32> to vector<16xf32>
      %swap3A_1730 = vector.shape_cast %get3A_1724 : vector<16xf32> to vector<1x16xf32>
      tpu.vector_store %arg7[%swap3A_1726, %swap3A_1727], %swap3A_1730 {strides = array<i32>} : memref<16x128xf32, #tpu.memory_space<vmem>>, vector<1x16xf32>,
      %get3A_1731 = arith.constant 15 : i32
      %get3A_1732 = arith.constant 7 : i32
      %get3A_1733 = arith.index_cast %get3A_1731 : i32 to index
      %get3A_1734 = arith.index_cast %get3A_1732 : i32 to index
      %get3A_1735 = arith.constant 32 : index
      %get3A_1736 = tpu.vector_load %arg6[%get3A_1733, %get3A_1734, %get3A_1735] {strides = array<i32>} : memref<16x8x128xf32, #tpu.memory_space<vmem>>, vector<1x1x16xf32>,
      %get3A_1737 = vector.shape_cast %get3A_1736 : vector<1x1x16xf32> to vector<16xf32>
      %swap3A_1738 = arith.constant 15 : i32
      %swap3A_1739 = arith.index_cast %swap3A_1738 : i32 to index
      %swap3A_1740 = arith.constant 32 : index
      %swap3A_1741 = tpu.vector_load %arg7[%swap3A_1739, %swap3A_1740] {strides = array<i32>} : memref<16x128xf32, #tpu.memory_space<vmem>>, vector<1x16xf32>,
      %swap3A_1742 = vector.shape_cast %swap3A_1741 : vector<1x16xf32> to vector<16xf32>
      %swap3A_1743 = vector.shape_cast %get3A_1737 : vector<16xf32> to vector<1x16xf32>
      tpu.vector_store %arg7[%swap3A_1739, %swap3A_1740], %swap3A_1743 {strides = array<i32>} : memref<16x128xf32, #tpu.memory_space<vmem>>, vector<1x16xf32>,
      %get3A_1744 = arith.constant 15 : i32
      %get3A_1745 = arith.constant 7 : i32
      %get3A_1746 = arith.index_cast %get3A_1744 : i32 to index
      %get3A_1747 = arith.index_cast %get3A_1745 : i32 to index
      %get3A_1748 = arith.constant 48 : index
      %get3A_1749 = tpu.vector_load %arg6[%get3A_1746, %get3A_1747, %get3A_1748] {strides = array<i32>} : memref<16x8x128xf32, #tpu.memory_space<vmem>>, vector<1x1x16xf32>,
      %get3A_1750 = vector.shape_cast %get3A_1749 : vector<1x1x16xf32> to vector<16xf32>
      %swap3A_1751 = arith.constant 15 : i32
      %swap3A_1752 = arith.index_cast %swap3A_1751 : i32 to index
      %swap3A_1753 = arith.constant 48 : index
      %swap3A_1754 = tpu.vector_load %arg7[%swap3A_1752, %swap3A_1753] {strides = array<i32>} : memref<16x128xf32, #tpu.memory_space<vmem>>, vector<1x16xf32>,
      %swap3A_1755 = vector.shape_cast %swap3A_1754 : vector<1x16xf32> to vector<16xf32>
      %swap3A_1756 = vector.shape_cast %get3A_1750 : vector<16xf32> to vector<1x16xf32>
      tpu.vector_store %arg7[%swap3A_1752, %swap3A_1753], %swap3A_1756 {strides = array<i32>} : memref<16x128xf32, #tpu.memory_space<vmem>>, vector<1x16xf32>,
      %get3A_1757 = arith.constant 15 : i32
      %get3A_1758 = arith.constant 7 : i32
      %get3A_1759 = arith.index_cast %get3A_1757 : i32 to index
      %get3A_1760 = arith.index_cast %get3A_1758 : i32 to index
      %get3A_1761 = arith.constant 64 : index
      %get3A_1762 = tpu.vector_load %arg6[%get3A_1759, %get3A_1760, %get3A_1761] {strides = array<i32>} : memref<16x8x128xf32, #tpu.memory_space<vmem>>, vector<1x1x16xf32>,
      %get3A_1763 = vector.shape_cast %get3A_1762 : vector<1x1x16xf32> to vector<16xf32>
      %swap3A_1764 = arith.constant 15 : i32
      %swap3A_1765 = arith.index_cast %swap3A_1764 : i32 to index
      %swap3A_1766 = arith.constant 64 : index
      %swap3A_1767 = tpu.vector_load %arg7[%swap3A_1765, %swap3A_1766] {strides = array<i32>} : memref<16x128xf32, #tpu.memory_space<vmem>>, vector<1x16xf32>,
      %swap3A_1768 = vector.shape_cast %swap3A_1767 : vector<1x16xf32> to vector<16xf32>
      %swap3A_1769 = vector.shape_cast %get3A_1763 : vector<16xf32> to vector<1x16xf32>
      tpu.vector_store %arg7[%swap3A_1765, %swap3A_1766], %swap3A_1769 {strides = array<i32>} : memref<16x128xf32, #tpu.memory_space<vmem>>, vector<1x16xf32>,
      %get3A_1770 = arith.constant 15 : i32
      %get3A_1771 = arith.constant 7 : i32
      %get3A_1772 = arith.index_cast %get3A_1770 : i32 to index
      %get3A_1773 = arith.index_cast %get3A_1771 : i32 to index
      %get3A_1774 = arith.constant 80 : index
      %get3A_1775 = tpu.vector_load %arg6[%get3A_1772, %get3A_1773, %get3A_1774] {strides = array<i32>} : memref<16x8x128xf32, #tpu.memory_space<vmem>>, vector<1x1x16xf32>,
      %get3A_1776 = vector.shape_cast %get3A_1775 : vector<1x1x16xf32> to vector<16xf32>
      %swap3A_1777 = arith.constant 15 : i32
      %swap3A_1778 = arith.index_cast %swap3A_1777 : i32 to index
      %swap3A_1779 = arith.constant 80 : index
      %swap3A_1780 = tpu.vector_load %arg7[%swap3A_1778, %swap3A_1779] {strides = array<i32>} : memref<16x128xf32, #tpu.memory_space<vmem>>, vector<1x16xf32>,
      %swap3A_1781 = vector.shape_cast %swap3A_1780 : vector<1x16xf32> to vector<16xf32>
      %swap3A_1782 = vector.shape_cast %get3A_1776 : vector<16xf32> to vector<1x16xf32>
      tpu.vector_store %arg7[%swap3A_1778, %swap3A_1779], %swap3A_1782 {strides = array<i32>} : memref<16x128xf32, #tpu.memory_space<vmem>>, vector<1x16xf32>,
      %get3A_1783 = arith.constant 15 : i32
      %get3A_1784 = arith.constant 7 : i32
      %get3A_1785 = arith.index_cast %get3A_1783 : i32 to index
      %get3A_1786 = arith.index_cast %get3A_1784 : i32 to index
      %get3A_1787 = arith.constant 96 : index
      %get3A_1788 = tpu.vector_load %arg6[%get3A_1785, %get3A_1786, %get3A_1787] {strides = array<i32>} : memref<16x8x128xf32, #tpu.memory_space<vmem>>, vector<1x1x16xf32>,
      %get3A_1789 = vector.shape_cast %get3A_1788 : vector<1x1x16xf32> to vector<16xf32>
      %swap3A_1790 = arith.constant 15 : i32
      %swap3A_1791 = arith.index_cast %swap3A_1790 : i32 to index
      %swap3A_1792 = arith.constant 96 : index
      %swap3A_1793 = tpu.vector_load %arg7[%swap3A_1791, %swap3A_1792] {strides = array<i32>} : memref<16x128xf32, #tpu.memory_space<vmem>>, vector<1x16xf32>,
      %swap3A_1794 = vector.shape_cast %swap3A_1793 : vector<1x16xf32> to vector<16xf32>
      %swap3A_1795 = vector.shape_cast %get3A_1789 : vector<16xf32> to vector<1x16xf32>
      tpu.vector_store %arg7[%swap3A_1791, %swap3A_1792], %swap3A_1795 {strides = array<i32>} : memref<16x128xf32, #tpu.memory_space<vmem>>, vector<1x16xf32>,
      %get3A_1796 = arith.constant 15 : i32
      %get3A_1797 = arith.constant 7 : i32
      %get3A_1798 = arith.index_cast %get3A_1796 : i32 to index
      %get3A_1799 = arith.index_cast %get3A_1797 : i32 to index
      %get3A_1800 = arith.constant 112 : index
      %get3A_1801 = tpu.vector_load %arg6[%get3A_1798, %get3A_1799, %get3A_1800] {strides = array<i32>} : memref<16x8x128xf32, #tpu.memory_space<vmem>>, vector<1x1x16xf32>,
      %get3A_1802 = vector.shape_cast %get3A_1801 : vector<1x1x16xf32> to vector<16xf32>
      %swap3A_1803 = arith.constant 15 : i32
      %swap3A_1804 = arith.index_cast %swap3A_1803 : i32 to index
      %swap3A_1805 = arith.constant 112 : index
      %swap3A_1806 = tpu.vector_load %arg7[%swap3A_1804, %swap3A_1805] {strides = array<i32>} : memref<16x128xf32, #tpu.memory_space<vmem>>, vector<1x16xf32>,
      %swap3A_1807 = vector.shape_cast %swap3A_1806 : vector<1x16xf32> to vector<16xf32>
      %swap3A_1808 = vector.shape_cast %get3A_1802 : vector<16xf32> to vector<1x16xf32>
      tpu.vector_store %arg7[%swap3A_1804, %swap3A_1805], %swap3A_1808 {strides = array<i32>} : memref<16x128xf32, #tpu.memory_space<vmem>>, vector<1x16xf32>,
      %multiple_of3A_1809 = tpu.assume_multiple %mul3A_4, 8 : i32
      "tpu.region"() ({
        %run_scoped3A_1810 = tpu.sem_alloc : memref<!tpu.dma_semaphore, #tpu.memory_space<semaphore_mem>>
        %dma_start3A = arith.constant 0 : i32
        %dma_start3A_1811 = tpu.memref_slice %arg4[%multiple_of3A_1809, %dma_start3A] : memref<64x128xf32, #tpu.memory_space<hbm>> -> memref<16x128xf32, #tpu.memory_space<hbm>>
        %dma_start3A_1812 = arith.constant 0 : i32
        %dma_start3A_1813 = tpu.memref_slice %arg4[%multiple_of3A_1809, %dma_start3A_1812] : memref<64x128xf32, #tpu.memory_space<hbm>> -> memref<16x128xf32, #tpu.memory_space<hbm>>
        tpu.enqueue_dma source(%arg7 : memref<16x128xf32, #tpu.memory_space<vmem>>) target(%dma_start3A_1813 : memref<16x128xf32, #tpu.memory_space<hbm>>) target_semaphore(%run_scoped3A_1810 : memref<!tpu.dma_semaphore, #tpu.memory_space<semaphore_mem>>)
        %dma_wait3A = arith.constant 0 : i32
        %dma_wait3A_1814 = tpu.memref_slice %arg4[%multiple_of3A_1809, %dma_wait3A] : memref<64x128xf32, #tpu.memory_space<hbm>> -> memref<16x128xf32, #tpu.memory_space<hbm>>
        %dma_wait3A_1815 = arith.constant 0 : i32
        %dma_wait3A_1816 = tpu.memref_slice %arg4[%multiple_of3A_1809, %dma_wait3A_1815] : memref<64x128xf32, #tpu.memory_space<hbm>> -> memref<16x128xf32, #tpu.memory_space<hbm>>
        tpu.wait_dma2 semaphore(%run_scoped3A_1810 : memref<!tpu.dma_semaphore, #tpu.memory_space<semaphore_mem>>) src(%arg7 : memref<16x128xf32, #tpu.memory_space<vmem>>) dst(%dma_wait3A_1816 : memref<16x128xf32, #tpu.memory_space<hbm>>)
        tpu.yield
      }) : () -> ()
    } else {
    }
    return
  }
}

#map = affine_map<(d0, d1) -> (0, 0)>
#map1 = affine_map<(d0, d1) -> (0, 0, 0)>
module attributes {stable_mosaic.version = 14 : i64} {
  func.func @k(%arg0: i32, %arg1: i32, %arg2: memref<64x1000000xf32, #tpu.memory_space<hbm>>, %arg3: memref<4x64x128xf32, #tpu.memory_space<hbm>>, %arg4: memref<4x64x128xf32, #tpu.memory_space<hbm>>, %arg5: memref<4x64x128xi32, #tpu.memory_space<hbm>>, %arg6: memref<8x1024xf32, #tpu.memory_space<vmem>>, %arg7: memref<8x128xf32, #tpu.memory_space<vmem>>, %arg8: memref<8x128xf32, #tpu.memory_space<vmem>>, %arg9: memref<8x128xi32, #tpu.memory_space<vmem>>) attributes {dimension_semantics = [#tpu.dimension_semantics<core_parallel>, #tpu.dimension_semantics<subcore_parallel>], iteration_bounds = array<i64: 2, 16>, scalar_prefetch = 0 : i64, scratch_operands = 4 : i64, tpu.core_type = #tpu.core_type<sc_vector_subcore>, window_params = [{transform_indices = #map}, {transform_indices = #map1}, {transform_indices = #map1}, {transform_indices = #map1}]} {
    %mul3A = arith.constant 2 : i32
    %mul3A_0 = arith.muli %arg1, %mul3A : i32
    %add3A = arith.addi %mul3A_0, %arg0 : i32
    %jit3A = arith.constant 4 : i32
    %div3A = arith.divsi %add3A, %jit3A : i32
    %sign3A = arith.constant 0 : i32
    %sign3A_1 = arith.cmpi sgt, %add3A, %sign3A : i32
    %sign3A_2 = arith.extui %sign3A_1 : i1 to i32
    %sign3A_3 = arith.constant 0 : i32
    %sign3A_4 = arith.cmpi slt, %add3A, %sign3A_3 : i32
    %sign3A_5 = arith.extui %sign3A_4 : i1 to i32
    %sign3A_6 = arith.subi %sign3A_2, %sign3A_5 : i32
    %sign3A_7 = arith.constant 0 : i32
    %sign3A_8 = arith.cmpi sgt, %jit3A, %sign3A_7 : i32
    %sign3A_9 = arith.extui %sign3A_8 : i1 to i32
    %sign3A_10 = arith.constant 0 : i32
    %sign3A_11 = arith.cmpi slt, %jit3A, %sign3A_10 : i32
    %sign3A_12 = arith.extui %sign3A_11 : i1 to i32
    %sign3A_13 = arith.subi %sign3A_9, %sign3A_12 : i32
    %ne3A = arith.cmpi ne, %sign3A_6, %sign3A_13 : i32
    %rem3A = arith.remsi %add3A, %jit3A : i32
    %ne3A_14 = arith.constant 0 : i32
    %ne3A_15 = arith.cmpi ne, %rem3A, %ne3A_14 : i32
    %and3A = arith.andi %ne3A, %ne3A_15 : i1
    %sub3A = arith.constant 1 : i32
    %sub3A_16 = arith.subi %div3A, %sub3A : i32
    %select_n3A = arith.select %and3A, %sub3A_16, %div3A : i32
    %rem3A_17 = arith.constant 4 : i32
    %rem3A_18 = arith.remsi %add3A, %rem3A_17 : i32
    %mul3A_19 = arith.constant 8 : i32
    %mul3A_20 = arith.muli %select_n3A, %mul3A_19 : i32
    %multiple_of3A = tpu.assume_multiple %mul3A_20, 8 : i32
    %mul3A_21 = arith.constant 32768 : i32
    %mul3A_22 = arith.muli %rem3A_18, %mul3A_21 : i32
    %add3A_23 = arith.constant 851968 : i32
    %add3A_24 = arith.addi %add3A_23, %mul3A_22 : i32
    %iota3A = tpu.iota {dimensions = array<i32: 0>} : vector<16xi32>
    %broadcast_in_dim3A = arith.constant 0xFF800000 : f32
    %broadcast_in_dim3A_25 = vector.broadcast %broadcast_in_dim3A : f32 to vector<16xf32>
    %broadcast_in_dim3A_26 = arith.constant 0.000000e+00 : f32
    %broadcast_in_dim3A_27 = vector.broadcast %broadcast_in_dim3A_26 : f32 to vector<16xf32>
    %broadcast_in_dim3A_28 = arith.constant 0 : i32
    %broadcast_in_dim3A_29 = vector.broadcast %broadcast_in_dim3A_28 : i32 to vector<16xi32>
    %scan3A = arith.constant 0 : i32
    %scan3A_30 = arith.constant 32 : i32
    %scan3A_31 = arith.addi %scan3A, %scan3A_30 : i32
    %scan3A_32 = arith.constant 1 : i32
    %scan3A_33:24 = scf.for %scan3A_178 = %scan3A to %scan3A_31 step %scan3A_32 iter_args(%scan3A_179 = %broadcast_in_dim3A_25, %scan3A_180 = %broadcast_in_dim3A_25, %scan3A_181 = %broadcast_in_dim3A_25, %scan3A_182 = %broadcast_in_dim3A_25, %scan3A_183 = %broadcast_in_dim3A_25, %scan3A_184 = %broadcast_in_dim3A_25, %scan3A_185 = %broadcast_in_dim3A_25, %scan3A_186 = %broadcast_in_dim3A_25, %scan3A_187 = %broadcast_in_dim3A_27, %scan3A_188 = %broadcast_in_dim3A_27, %scan3A_189 = %broadcast_in_dim3A_27, %scan3A_190 = %broadcast_in_dim3A_27, %scan3A_191 = %broadcast_in_dim3A_27, %scan3A_192 = %broadcast_in_dim3A_27, %scan3A_193 = %broadcast_in_dim3A_27, %scan3A_194 = %broadcast_in_dim3A_27, %scan3A_195 = %broadcast_in_dim3A_29, %scan3A_196 = %broadcast_in_dim3A_29, %scan3A_197 = %broadcast_in_dim3A_29, %scan3A_198 = %broadcast_in_dim3A_29, %scan3A_199 = %broadcast_in_dim3A_29, %scan3A_200 = %broadcast_in_dim3A_29, %scan3A_201 = %broadcast_in_dim3A_29, %scan3A_202 = %broadcast_in_dim3A_29) -> (vector<16xf32>, vector<16xf32>, vector<16xf32>, vector<16xf32>, vector<16xf32>, vector<16xf32>, vector<16xf32>, vector<16xf32>, vector<16xf32>, vector<16xf32>, vector<16xf32>, vector<16xf32>, vector<16xf32>, vector<16xf32>, vector<16xf32>, vector<16xf32>, vector<16xi32>, vector<16xi32>, vector<16xi32>, vector<16xi32>, vector<16xi32>, vector<16xi32>, vector<16xi32>, vector<16xi32>)  : i32 {
      %mul3A_203 = arith.constant 1024 : i32
      %mul3A_204 = arith.muli %scan3A_178, %mul3A_203 : i32
      %add3A_205 = arith.addi %add3A_24, %mul3A_204 : i32
      %multiple_of3A_206 = tpu.assume_multiple %add3A_205, 128 : i32
      "tpu.region"() ({
        %run_scoped3A = tpu.sem_alloc : memref<!tpu.dma_semaphore, #tpu.memory_space<semaphore_mem>>
        %dma_start3A = tpu.memref_slice %arg2[%multiple_of3A, %multiple_of3A_206] : memref<64x1000000xf32, #tpu.memory_space<hbm>> -> memref<8x1024xf32, #tpu.memory_space<hbm>>
        %dma_start3A_242 = tpu.memref_slice %arg2[%multiple_of3A, %multiple_of3A_206] : memref<64x1000000xf32, #tpu.memory_space<hbm>> -> memref<8x1024xf32, #tpu.memory_space<hbm>>
        tpu.enqueue_dma source(%dma_start3A_242 : memref<8x1024xf32, #tpu.memory_space<hbm>>) target(%arg6 : memref<8x1024xf32, #tpu.memory_space<vmem>>) target_semaphore(%run_scoped3A : memref<!tpu.dma_semaphore, #tpu.memory_space<semaphore_mem>>)
        %dma_wait3A = tpu.memref_slice %arg2[%multiple_of3A, %multiple_of3A_206] : memref<64x1000000xf32, #tpu.memory_space<hbm>> -> memref<8x1024xf32, #tpu.memory_space<hbm>>
        %dma_wait3A_243 = tpu.memref_slice %arg2[%multiple_of3A, %multiple_of3A_206] : memref<64x1000000xf32, #tpu.memory_space<hbm>> -> memref<8x1024xf32, #tpu.memory_space<hbm>>
        tpu.wait_dma2 semaphore(%run_scoped3A : memref<!tpu.dma_semaphore, #tpu.memory_space<semaphore_mem>>) src(%dma_wait3A_243 : memref<8x1024xf32, #tpu.memory_space<hbm>>) dst(%arg6 : memref<8x1024xf32, #tpu.memory_space<vmem>>)
        tpu.yield
      }) : () -> ()
      %scan3A_207 = arith.constant 0 : i32
      %scan3A_208 = arith.constant 64 : i32
      %scan3A_209 = arith.addi %scan3A_207, %scan3A_208 : i32
      %scan3A_210 = arith.constant 1 : i32
      %scan3A_211:16 = scf.for %scan3A_242 = %scan3A_207 to %scan3A_209 step %scan3A_210 iter_args(%scan3A_243 = %scan3A_179, %scan3A_244 = %scan3A_180, %scan3A_245 = %scan3A_181, %scan3A_246 = %scan3A_182, %scan3A_247 = %scan3A_183, %scan3A_248 = %scan3A_184, %scan3A_249 = %scan3A_185, %scan3A_250 = %scan3A_186, %scan3A_251 = %scan3A_195, %scan3A_252 = %scan3A_196, %scan3A_253 = %scan3A_197, %scan3A_254 = %scan3A_198, %scan3A_255 = %scan3A_199, %scan3A_256 = %scan3A_200, %scan3A_257 = %scan3A_201, %scan3A_258 = %scan3A_202) -> (vector<16xf32>, vector<16xf32>, vector<16xf32>, vector<16xf32>, vector<16xf32>, vector<16xf32>, vector<16xf32>, vector<16xf32>, vector<16xi32>, vector<16xi32>, vector<16xi32>, vector<16xi32>, vector<16xi32>, vector<16xi32>, vector<16xi32>, vector<16xi32>)  : i32 {
        %mul3A_259 = arith.constant 16 : i32
        %mul3A_260 = arith.muli %scan3A_242, %mul3A_259 : i32
        %add3A_261 = arith.addi %add3A_205, %mul3A_260 : i32
        %add3A_262 = vector.broadcast %add3A_261 : i32 to vector<16xi32>
        %add3A_263 = arith.addi %iota3A, %add3A_262 : vector<16xi32>
        %mul3A_264 = arith.constant 16 : i32
        %mul3A_265 = arith.muli %scan3A_242, %mul3A_264 : i32
        %multiple_of3A_266 = tpu.assume_multiple %mul3A_265, 8 : i32
        %get3A = arith.constant 0 : i32
        %get3A_267 = arith.index_cast %get3A : i32 to index
        %get3A_268 = arith.index_cast %multiple_of3A_266 : i32 to index
        %get3A_269 = tpu.vector_load %arg6[%get3A_267, %get3A_268] {strides = array<i32>} : memref<8x1024xf32, #tpu.memory_space<vmem>>, vector<1x16xf32>,
        %get3A_270 = vector.shape_cast %get3A_269 : vector<1x16xf32> to vector<16xf32>
        %gt3A = arith.cmpf ogt, %get3A_270, %scan3A_243 : vector<16xf32>
        %select_n3A_271 = arith.select %gt3A, %get3A_270, %scan3A_243 : vector<16xi1>, vector<16xf32>
        %select_n3A_272 = arith.select %gt3A, %add3A_263, %scan3A_251 : vector<16xi1>, vector<16xi32>
        %mul3A_273 = arith.constant 16 : i32
        %mul3A_274 = arith.muli %scan3A_242, %mul3A_273 : i32
        %multiple_of3A_275 = tpu.assume_multiple %mul3A_274, 8 : i32
        %get3A_276 = arith.constant 1 : i32
        %get3A_277 = arith.index_cast %get3A_276 : i32 to index
        %get3A_278 = arith.index_cast %multiple_of3A_275 : i32 to index
        %get3A_279 = tpu.vector_load %arg6[%get3A_277, %get3A_278] {strides = array<i32>} : memref<8x1024xf32, #tpu.memory_space<vmem>>, vector<1x16xf32>,
        %get3A_280 = vector.shape_cast %get3A_279 : vector<1x16xf32> to vector<16xf32>
        %gt3A_281 = arith.cmpf ogt, %get3A_280, %scan3A_244 : vector<16xf32>
        %select_n3A_282 = arith.select %gt3A_281, %get3A_280, %scan3A_244 : vector<16xi1>, vector<16xf32>
        %select_n3A_283 = arith.select %gt3A_281, %add3A_263, %scan3A_252 : vector<16xi1>, vector<16xi32>
        %mul3A_284 = arith.constant 16 : i32
        %mul3A_285 = arith.muli %scan3A_242, %mul3A_284 : i32
        %multiple_of3A_286 = tpu.assume_multiple %mul3A_285, 8 : i32
        %get3A_287 = arith.constant 2 : i32
        %get3A_288 = arith.index_cast %get3A_287 : i32 to index
        %get3A_289 = arith.index_cast %multiple_of3A_286 : i32 to index
        %get3A_290 = tpu.vector_load %arg6[%get3A_288, %get3A_289] {strides = array<i32>} : memref<8x1024xf32, #tpu.memory_space<vmem>>, vector<1x16xf32>,
        %get3A_291 = vector.shape_cast %get3A_290 : vector<1x16xf32> to vector<16xf32>
        %gt3A_292 = arith.cmpf ogt, %get3A_291, %scan3A_245 : vector<16xf32>
        %select_n3A_293 = arith.select %gt3A_292, %get3A_291, %scan3A_245 : vector<16xi1>, vector<16xf32>
        %select_n3A_294 = arith.select %gt3A_292, %add3A_263, %scan3A_253 : vector<16xi1>, vector<16xi32>
        %mul3A_295 = arith.constant 16 : i32
        %mul3A_296 = arith.muli %scan3A_242, %mul3A_295 : i32
        %multiple_of3A_297 = tpu.assume_multiple %mul3A_296, 8 : i32
        %get3A_298 = arith.constant 3 : i32
        %get3A_299 = arith.index_cast %get3A_298 : i32 to index
        %get3A_300 = arith.index_cast %multiple_of3A_297 : i32 to index
        %get3A_301 = tpu.vector_load %arg6[%get3A_299, %get3A_300] {strides = array<i32>} : memref<8x1024xf32, #tpu.memory_space<vmem>>, vector<1x16xf32>,
        %get3A_302 = vector.shape_cast %get3A_301 : vector<1x16xf32> to vector<16xf32>
        %gt3A_303 = arith.cmpf ogt, %get3A_302, %scan3A_246 : vector<16xf32>
        %select_n3A_304 = arith.select %gt3A_303, %get3A_302, %scan3A_246 : vector<16xi1>, vector<16xf32>
        %select_n3A_305 = arith.select %gt3A_303, %add3A_263, %scan3A_254 : vector<16xi1>, vector<16xi32>
        %mul3A_306 = arith.constant 16 : i32
        %mul3A_307 = arith.muli %scan3A_242, %mul3A_306 : i32
        %multiple_of3A_308 = tpu.assume_multiple %mul3A_307, 8 : i32
        %get3A_309 = arith.constant 4 : i32
        %get3A_310 = arith.index_cast %get3A_309 : i32 to index
        %get3A_311 = arith.index_cast %multiple_of3A_308 : i32 to index
        %get3A_312 = tpu.vector_load %arg6[%get3A_310, %get3A_311] {strides = array<i32>} : memref<8x1024xf32, #tpu.memory_space<vmem>>, vector<1x16xf32>,
        %get3A_313 = vector.shape_cast %get3A_312 : vector<1x16xf32> to vector<16xf32>
        %gt3A_314 = arith.cmpf ogt, %get3A_313, %scan3A_247 : vector<16xf32>
        %select_n3A_315 = arith.select %gt3A_314, %get3A_313, %scan3A_247 : vector<16xi1>, vector<16xf32>
        %select_n3A_316 = arith.select %gt3A_314, %add3A_263, %scan3A_255 : vector<16xi1>, vector<16xi32>
        %mul3A_317 = arith.constant 16 : i32
        %mul3A_318 = arith.muli %scan3A_242, %mul3A_317 : i32
        %multiple_of3A_319 = tpu.assume_multiple %mul3A_318, 8 : i32
        %get3A_320 = arith.constant 5 : i32
        %get3A_321 = arith.index_cast %get3A_320 : i32 to index
        %get3A_322 = arith.index_cast %multiple_of3A_319 : i32 to index
        %get3A_323 = tpu.vector_load %arg6[%get3A_321, %get3A_322] {strides = array<i32>} : memref<8x1024xf32, #tpu.memory_space<vmem>>, vector<1x16xf32>,
        %get3A_324 = vector.shape_cast %get3A_323 : vector<1x16xf32> to vector<16xf32>
        %gt3A_325 = arith.cmpf ogt, %get3A_324, %scan3A_248 : vector<16xf32>
        %select_n3A_326 = arith.select %gt3A_325, %get3A_324, %scan3A_248 : vector<16xi1>, vector<16xf32>
        %select_n3A_327 = arith.select %gt3A_325, %add3A_263, %scan3A_256 : vector<16xi1>, vector<16xi32>
        %mul3A_328 = arith.constant 16 : i32
        %mul3A_329 = arith.muli %scan3A_242, %mul3A_328 : i32
        %multiple_of3A_330 = tpu.assume_multiple %mul3A_329, 8 : i32
        %get3A_331 = arith.constant 6 : i32
        %get3A_332 = arith.index_cast %get3A_331 : i32 to index
        %get3A_333 = arith.index_cast %multiple_of3A_330 : i32 to index
        %get3A_334 = tpu.vector_load %arg6[%get3A_332, %get3A_333] {strides = array<i32>} : memref<8x1024xf32, #tpu.memory_space<vmem>>, vector<1x16xf32>,
        %get3A_335 = vector.shape_cast %get3A_334 : vector<1x16xf32> to vector<16xf32>
        %gt3A_336 = arith.cmpf ogt, %get3A_335, %scan3A_249 : vector<16xf32>
        %select_n3A_337 = arith.select %gt3A_336, %get3A_335, %scan3A_249 : vector<16xi1>, vector<16xf32>
        %select_n3A_338 = arith.select %gt3A_336, %add3A_263, %scan3A_257 : vector<16xi1>, vector<16xi32>
        %mul3A_339 = arith.constant 16 : i32
        %mul3A_340 = arith.muli %scan3A_242, %mul3A_339 : i32
        %multiple_of3A_341 = tpu.assume_multiple %mul3A_340, 8 : i32
        %get3A_342 = arith.constant 7 : i32
        %get3A_343 = arith.index_cast %get3A_342 : i32 to index
        %get3A_344 = arith.index_cast %multiple_of3A_341 : i32 to index
        %get3A_345 = tpu.vector_load %arg6[%get3A_343, %get3A_344] {strides = array<i32>} : memref<8x1024xf32, #tpu.memory_space<vmem>>, vector<1x16xf32>,
        %get3A_346 = vector.shape_cast %get3A_345 : vector<1x16xf32> to vector<16xf32>
        %gt3A_347 = arith.cmpf ogt, %get3A_346, %scan3A_250 : vector<16xf32>
        %select_n3A_348 = arith.select %gt3A_347, %get3A_346, %scan3A_250 : vector<16xi1>, vector<16xf32>
        %select_n3A_349 = arith.select %gt3A_347, %add3A_263, %scan3A_258 : vector<16xi1>, vector<16xi32>
        scf.yield %select_n3A_271, %select_n3A_282, %select_n3A_293, %select_n3A_304, %select_n3A_315, %select_n3A_326, %select_n3A_337, %select_n3A_348, %select_n3A_272, %select_n3A_283, %select_n3A_294, %select_n3A_305, %select_n3A_316, %select_n3A_327, %select_n3A_338, %select_n3A_349 : vector<16xf32>, vector<16xf32>, vector<16xf32>, vector<16xf32>, vector<16xf32>, vector<16xf32>, vector<16xf32>, vector<16xf32>, vector<16xi32>, vector<16xi32>, vector<16xi32>, vector<16xi32>, vector<16xi32>, vector<16xi32>, vector<16xi32>, vector<16xi32>
      }
      %scan3A_212 = arith.constant 64 : i32
      %sub3A_213 = arith.subf %scan3A_179, %scan3A_211#0 : vector<16xf32>
      %exp3A = math.exp %sub3A_213 : vector<16xf32>
      %mul3A_214 = arith.mulf %scan3A_187, %exp3A : vector<16xf32>
      %sub3A_215 = arith.subf %scan3A_180, %scan3A_211#1 : vector<16xf32>
      %exp3A_216 = math.exp %sub3A_215 : vector<16xf32>
      %mul3A_217 = arith.mulf %scan3A_188, %exp3A_216 : vector<16xf32>
      %sub3A_218 = arith.subf %scan3A_181, %scan3A_211#2 : vector<16xf32>
      %exp3A_219 = math.exp %sub3A_218 : vector<16xf32>
      %mul3A_220 = arith.mulf %scan3A_189, %exp3A_219 : vector<16xf32>
      %sub3A_221 = arith.subf %scan3A_182, %scan3A_211#3 : vector<16xf32>
      %exp3A_222 = math.exp %sub3A_221 : vector<16xf32>
      %mul3A_223 = arith.mulf %scan3A_190, %exp3A_222 : vector<16xf32>
      %sub3A_224 = arith.subf %scan3A_183, %scan3A_211#4 : vector<16xf32>
      %exp3A_225 = math.exp %sub3A_224 : vector<16xf32>
      %mul3A_226 = arith.mulf %scan3A_191, %exp3A_225 : vector<16xf32>
      %sub3A_227 = arith.subf %scan3A_184, %scan3A_211#5 : vector<16xf32>
      %exp3A_228 = math.exp %sub3A_227 : vector<16xf32>
      %mul3A_229 = arith.mulf %scan3A_192, %exp3A_228 : vector<16xf32>
      %sub3A_230 = arith.subf %scan3A_185, %scan3A_211#6 : vector<16xf32>
      %exp3A_231 = math.exp %sub3A_230 : vector<16xf32>
      %mul3A_232 = arith.mulf %scan3A_193, %exp3A_231 : vector<16xf32>
      %sub3A_233 = arith.subf %scan3A_186, %scan3A_211#7 : vector<16xf32>
      %exp3A_234 = math.exp %sub3A_233 : vector<16xf32>
      %mul3A_235 = arith.mulf %scan3A_194, %exp3A_234 : vector<16xf32>
      %scan3A_236 = arith.constant 0 : i32
      %scan3A_237 = arith.constant 64 : i32
      %scan3A_238 = arith.addi %scan3A_236, %scan3A_237 : i32
      %scan3A_239 = arith.constant 1 : i32
      %scan3A_240:8 = scf.for %scan3A_242 = %scan3A_236 to %scan3A_238 step %scan3A_239 iter_args(%scan3A_243 = %mul3A_214, %scan3A_244 = %mul3A_217, %scan3A_245 = %mul3A_220, %scan3A_246 = %mul3A_223, %scan3A_247 = %mul3A_226, %scan3A_248 = %mul3A_229, %scan3A_249 = %mul3A_232, %scan3A_250 = %mul3A_235) -> (vector<16xf32>, vector<16xf32>, vector<16xf32>, vector<16xf32>, vector<16xf32>, vector<16xf32>, vector<16xf32>, vector<16xf32>)  : i32 {
        %mul3A_251 = arith.constant 16 : i32
        %mul3A_252 = arith.muli %scan3A_242, %mul3A_251 : i32
        %multiple_of3A_253 = tpu.assume_multiple %mul3A_252, 8 : i32
        %get3A = arith.constant 0 : i32
        %get3A_254 = arith.index_cast %get3A : i32 to index
        %get3A_255 = arith.index_cast %multiple_of3A_253 : i32 to index
        %get3A_256 = tpu.vector_load %arg6[%get3A_254, %get3A_255] {strides = array<i32>} : memref<8x1024xf32, #tpu.memory_space<vmem>>, vector<1x16xf32>,
        %get3A_257 = vector.shape_cast %get3A_256 : vector<1x16xf32> to vector<16xf32>
        %sub3A_258 = arith.subf %get3A_257, %scan3A_211#0 : vector<16xf32>
        %exp3A_259 = math.exp %sub3A_258 : vector<16xf32>
        %add3A_260 = arith.addf %scan3A_243, %exp3A_259 : vector<16xf32>
        %mul3A_261 = arith.constant 16 : i32
        %mul3A_262 = arith.muli %scan3A_242, %mul3A_261 : i32
        %multiple_of3A_263 = tpu.assume_multiple %mul3A_262, 8 : i32
        %get3A_264 = arith.constant 1 : i32
        %get3A_265 = arith.index_cast %get3A_264 : i32 to index
        %get3A_266 = arith.index_cast %multiple_of3A_263 : i32 to index
        %get3A_267 = tpu.vector_load %arg6[%get3A_265, %get3A_266] {strides = array<i32>} : memref<8x1024xf32, #tpu.memory_space<vmem>>, vector<1x16xf32>,
        %get3A_268 = vector.shape_cast %get3A_267 : vector<1x16xf32> to vector<16xf32>
        %sub3A_269 = arith.subf %get3A_268, %scan3A_211#1 : vector<16xf32>
        %exp3A_270 = math.exp %sub3A_269 : vector<16xf32>
        %add3A_271 = arith.addf %scan3A_244, %exp3A_270 : vector<16xf32>
        %mul3A_272 = arith.constant 16 : i32
        %mul3A_273 = arith.muli %scan3A_242, %mul3A_272 : i32
        %multiple_of3A_274 = tpu.assume_multiple %mul3A_273, 8 : i32
        %get3A_275 = arith.constant 2 : i32
        %get3A_276 = arith.index_cast %get3A_275 : i32 to index
        %get3A_277 = arith.index_cast %multiple_of3A_274 : i32 to index
        %get3A_278 = tpu.vector_load %arg6[%get3A_276, %get3A_277] {strides = array<i32>} : memref<8x1024xf32, #tpu.memory_space<vmem>>, vector<1x16xf32>,
        %get3A_279 = vector.shape_cast %get3A_278 : vector<1x16xf32> to vector<16xf32>
        %sub3A_280 = arith.subf %get3A_279, %scan3A_211#2 : vector<16xf32>
        %exp3A_281 = math.exp %sub3A_280 : vector<16xf32>
        %add3A_282 = arith.addf %scan3A_245, %exp3A_281 : vector<16xf32>
        %mul3A_283 = arith.constant 16 : i32
        %mul3A_284 = arith.muli %scan3A_242, %mul3A_283 : i32
        %multiple_of3A_285 = tpu.assume_multiple %mul3A_284, 8 : i32
        %get3A_286 = arith.constant 3 : i32
        %get3A_287 = arith.index_cast %get3A_286 : i32 to index
        %get3A_288 = arith.index_cast %multiple_of3A_285 : i32 to index
        %get3A_289 = tpu.vector_load %arg6[%get3A_287, %get3A_288] {strides = array<i32>} : memref<8x1024xf32, #tpu.memory_space<vmem>>, vector<1x16xf32>,
        %get3A_290 = vector.shape_cast %get3A_289 : vector<1x16xf32> to vector<16xf32>
        %sub3A_291 = arith.subf %get3A_290, %scan3A_211#3 : vector<16xf32>
        %exp3A_292 = math.exp %sub3A_291 : vector<16xf32>
        %add3A_293 = arith.addf %scan3A_246, %exp3A_292 : vector<16xf32>
        %mul3A_294 = arith.constant 16 : i32
        %mul3A_295 = arith.muli %scan3A_242, %mul3A_294 : i32
        %multiple_of3A_296 = tpu.assume_multiple %mul3A_295, 8 : i32
        %get3A_297 = arith.constant 4 : i32
        %get3A_298 = arith.index_cast %get3A_297 : i32 to index
        %get3A_299 = arith.index_cast %multiple_of3A_296 : i32 to index
        %get3A_300 = tpu.vector_load %arg6[%get3A_298, %get3A_299] {strides = array<i32>} : memref<8x1024xf32, #tpu.memory_space<vmem>>, vector<1x16xf32>,
        %get3A_301 = vector.shape_cast %get3A_300 : vector<1x16xf32> to vector<16xf32>
        %sub3A_302 = arith.subf %get3A_301, %scan3A_211#4 : vector<16xf32>
        %exp3A_303 = math.exp %sub3A_302 : vector<16xf32>
        %add3A_304 = arith.addf %scan3A_247, %exp3A_303 : vector<16xf32>
        %mul3A_305 = arith.constant 16 : i32
        %mul3A_306 = arith.muli %scan3A_242, %mul3A_305 : i32
        %multiple_of3A_307 = tpu.assume_multiple %mul3A_306, 8 : i32
        %get3A_308 = arith.constant 5 : i32
        %get3A_309 = arith.index_cast %get3A_308 : i32 to index
        %get3A_310 = arith.index_cast %multiple_of3A_307 : i32 to index
        %get3A_311 = tpu.vector_load %arg6[%get3A_309, %get3A_310] {strides = array<i32>} : memref<8x1024xf32, #tpu.memory_space<vmem>>, vector<1x16xf32>,
        %get3A_312 = vector.shape_cast %get3A_311 : vector<1x16xf32> to vector<16xf32>
        %sub3A_313 = arith.subf %get3A_312, %scan3A_211#5 : vector<16xf32>
        %exp3A_314 = math.exp %sub3A_313 : vector<16xf32>
        %add3A_315 = arith.addf %scan3A_248, %exp3A_314 : vector<16xf32>
        %mul3A_316 = arith.constant 16 : i32
        %mul3A_317 = arith.muli %scan3A_242, %mul3A_316 : i32
        %multiple_of3A_318 = tpu.assume_multiple %mul3A_317, 8 : i32
        %get3A_319 = arith.constant 6 : i32
        %get3A_320 = arith.index_cast %get3A_319 : i32 to index
        %get3A_321 = arith.index_cast %multiple_of3A_318 : i32 to index
        %get3A_322 = tpu.vector_load %arg6[%get3A_320, %get3A_321] {strides = array<i32>} : memref<8x1024xf32, #tpu.memory_space<vmem>>, vector<1x16xf32>,
        %get3A_323 = vector.shape_cast %get3A_322 : vector<1x16xf32> to vector<16xf32>
        %sub3A_324 = arith.subf %get3A_323, %scan3A_211#6 : vector<16xf32>
        %exp3A_325 = math.exp %sub3A_324 : vector<16xf32>
        %add3A_326 = arith.addf %scan3A_249, %exp3A_325 : vector<16xf32>
        %mul3A_327 = arith.constant 16 : i32
        %mul3A_328 = arith.muli %scan3A_242, %mul3A_327 : i32
        %multiple_of3A_329 = tpu.assume_multiple %mul3A_328, 8 : i32
        %get3A_330 = arith.constant 7 : i32
        %get3A_331 = arith.index_cast %get3A_330 : i32 to index
        %get3A_332 = arith.index_cast %multiple_of3A_329 : i32 to index
        %get3A_333 = tpu.vector_load %arg6[%get3A_331, %get3A_332] {strides = array<i32>} : memref<8x1024xf32, #tpu.memory_space<vmem>>, vector<1x16xf32>,
        %get3A_334 = vector.shape_cast %get3A_333 : vector<1x16xf32> to vector<16xf32>
        %sub3A_335 = arith.subf %get3A_334, %scan3A_211#7 : vector<16xf32>
        %exp3A_336 = math.exp %sub3A_335 : vector<16xf32>
        %add3A_337 = arith.addf %scan3A_250, %exp3A_336 : vector<16xf32>
        scf.yield %add3A_260, %add3A_271, %add3A_282, %add3A_293, %add3A_304, %add3A_315, %add3A_326, %add3A_337 : vector<16xf32>, vector<16xf32>, vector<16xf32>, vector<16xf32>, vector<16xf32>, vector<16xf32>, vector<16xf32>, vector<16xf32>
      }
      %scan3A_241 = arith.constant 64 : i32
      scf.yield %scan3A_211#0, %scan3A_211#1, %scan3A_211#2, %scan3A_211#3, %scan3A_211#4, %scan3A_211#5, %scan3A_211#6, %scan3A_211#7, %scan3A_240#0, %scan3A_240#1, %scan3A_240#2, %scan3A_240#3, %scan3A_240#4, %scan3A_240#5, %scan3A_240#6, %scan3A_240#7, %scan3A_211#8, %scan3A_211#9, %scan3A_211#10, %scan3A_211#11, %scan3A_211#12, %scan3A_211#13, %scan3A_211#14, %scan3A_211#15 : vector<16xf32>, vector<16xf32>, vector<16xf32>, vector<16xf32>, vector<16xf32>, vector<16xf32>, vector<16xf32>, vector<16xf32>, vector<16xf32>, vector<16xf32>, vector<16xf32>, vector<16xf32>, vector<16xf32>, vector<16xf32>, vector<16xf32>, vector<16xf32>, vector<16xi32>, vector<16xi32>, vector<16xi32>, vector<16xi32>, vector<16xi32>, vector<16xi32>, vector<16xi32>, vector<16xi32>
    }
    %scan3A_34 = arith.constant 32 : i32
    %swap3A = arith.constant 0 : i32
    %swap3A_35 = arith.index_cast %swap3A : i32 to index
    %swap3A_36 = arith.constant 0 : index
    %swap3A_37 = tpu.vector_load %arg7[%swap3A_35, %swap3A_36] {strides = array<i32>} : memref<8x128xf32, #tpu.memory_space<vmem>>, vector<1x16xf32>,
    %swap3A_38 = vector.shape_cast %swap3A_37 : vector<1x16xf32> to vector<16xf32>
    %swap3A_39 = vector.shape_cast %scan3A_33#0 : vector<16xf32> to vector<1x16xf32>
    tpu.vector_store %arg7[%swap3A_35, %swap3A_36], %swap3A_39 {strides = array<i32>} : memref<8x128xf32, #tpu.memory_space<vmem>>, vector<1x16xf32>,
    %swap3A_40 = arith.constant 0 : i32
    %swap3A_41 = arith.index_cast %swap3A_40 : i32 to index
    %swap3A_42 = arith.constant 0 : index
    %swap3A_43 = tpu.vector_load %arg8[%swap3A_41, %swap3A_42] {strides = array<i32>} : memref<8x128xf32, #tpu.memory_space<vmem>>, vector<1x16xf32>,
    %swap3A_44 = vector.shape_cast %swap3A_43 : vector<1x16xf32> to vector<16xf32>
    %swap3A_45 = vector.shape_cast %scan3A_33#8 : vector<16xf32> to vector<1x16xf32>
    tpu.vector_store %arg8[%swap3A_41, %swap3A_42], %swap3A_45 {strides = array<i32>} : memref<8x128xf32, #tpu.memory_space<vmem>>, vector<1x16xf32>,
    %swap3A_46 = arith.constant 0 : i32
    %swap3A_47 = arith.index_cast %swap3A_46 : i32 to index
    %swap3A_48 = arith.constant 0 : index
    %swap3A_49 = tpu.vector_load %arg9[%swap3A_47, %swap3A_48] {strides = array<i32>} : memref<8x128xi32, #tpu.memory_space<vmem>>, vector<1x16xi32>,
    %swap3A_50 = vector.shape_cast %swap3A_49 : vector<1x16xi32> to vector<16xi32>
    %swap3A_51 = vector.shape_cast %scan3A_33#16 : vector<16xi32> to vector<1x16xi32>
    tpu.vector_store %arg9[%swap3A_47, %swap3A_48], %swap3A_51 {strides = array<i32>} : memref<8x128xi32, #tpu.memory_space<vmem>>, vector<1x16xi32>,
    %swap3A_52 = arith.constant 1 : i32
    %swap3A_53 = arith.index_cast %swap3A_52 : i32 to index
    %swap3A_54 = arith.constant 0 : index
    %swap3A_55 = tpu.vector_load %arg7[%swap3A_53, %swap3A_54] {strides = array<i32>} : memref<8x128xf32, #tpu.memory_space<vmem>>, vector<1x16xf32>,
    %swap3A_56 = vector.shape_cast %swap3A_55 : vector<1x16xf32> to vector<16xf32>
    %swap3A_57 = vector.shape_cast %scan3A_33#1 : vector<16xf32> to vector<1x16xf32>
    tpu.vector_store %arg7[%swap3A_53, %swap3A_54], %swap3A_57 {strides = array<i32>} : memref<8x128xf32, #tpu.memory_space<vmem>>, vector<1x16xf32>,
    %swap3A_58 = arith.constant 1 : i32
    %swap3A_59 = arith.index_cast %swap3A_58 : i32 to index
    %swap3A_60 = arith.constant 0 : index
    %swap3A_61 = tpu.vector_load %arg8[%swap3A_59, %swap3A_60] {strides = array<i32>} : memref<8x128xf32, #tpu.memory_space<vmem>>, vector<1x16xf32>,
    %swap3A_62 = vector.shape_cast %swap3A_61 : vector<1x16xf32> to vector<16xf32>
    %swap3A_63 = vector.shape_cast %scan3A_33#9 : vector<16xf32> to vector<1x16xf32>
    tpu.vector_store %arg8[%swap3A_59, %swap3A_60], %swap3A_63 {strides = array<i32>} : memref<8x128xf32, #tpu.memory_space<vmem>>, vector<1x16xf32>,
    %swap3A_64 = arith.constant 1 : i32
    %swap3A_65 = arith.index_cast %swap3A_64 : i32 to index
    %swap3A_66 = arith.constant 0 : index
    %swap3A_67 = tpu.vector_load %arg9[%swap3A_65, %swap3A_66] {strides = array<i32>} : memref<8x128xi32, #tpu.memory_space<vmem>>, vector<1x16xi32>,
    %swap3A_68 = vector.shape_cast %swap3A_67 : vector<1x16xi32> to vector<16xi32>
    %swap3A_69 = vector.shape_cast %scan3A_33#17 : vector<16xi32> to vector<1x16xi32>
    tpu.vector_store %arg9[%swap3A_65, %swap3A_66], %swap3A_69 {strides = array<i32>} : memref<8x128xi32, #tpu.memory_space<vmem>>, vector<1x16xi32>,
    %swap3A_70 = arith.constant 2 : i32
    %swap3A_71 = arith.index_cast %swap3A_70 : i32 to index
    %swap3A_72 = arith.constant 0 : index
    %swap3A_73 = tpu.vector_load %arg7[%swap3A_71, %swap3A_72] {strides = array<i32>} : memref<8x128xf32, #tpu.memory_space<vmem>>, vector<1x16xf32>,
    %swap3A_74 = vector.shape_cast %swap3A_73 : vector<1x16xf32> to vector<16xf32>
    %swap3A_75 = vector.shape_cast %scan3A_33#2 : vector<16xf32> to vector<1x16xf32>
    tpu.vector_store %arg7[%swap3A_71, %swap3A_72], %swap3A_75 {strides = array<i32>} : memref<8x128xf32, #tpu.memory_space<vmem>>, vector<1x16xf32>,
    %swap3A_76 = arith.constant 2 : i32
    %swap3A_77 = arith.index_cast %swap3A_76 : i32 to index
    %swap3A_78 = arith.constant 0 : index
    %swap3A_79 = tpu.vector_load %arg8[%swap3A_77, %swap3A_78] {strides = array<i32>} : memref<8x128xf32, #tpu.memory_space<vmem>>, vector<1x16xf32>,
    %swap3A_80 = vector.shape_cast %swap3A_79 : vector<1x16xf32> to vector<16xf32>
    %swap3A_81 = vector.shape_cast %scan3A_33#10 : vector<16xf32> to vector<1x16xf32>
    tpu.vector_store %arg8[%swap3A_77, %swap3A_78], %swap3A_81 {strides = array<i32>} : memref<8x128xf32, #tpu.memory_space<vmem>>, vector<1x16xf32>,
    %swap3A_82 = arith.constant 2 : i32
    %swap3A_83 = arith.index_cast %swap3A_82 : i32 to index
    %swap3A_84 = arith.constant 0 : index
    %swap3A_85 = tpu.vector_load %arg9[%swap3A_83, %swap3A_84] {strides = array<i32>} : memref<8x128xi32, #tpu.memory_space<vmem>>, vector<1x16xi32>,
    %swap3A_86 = vector.shape_cast %swap3A_85 : vector<1x16xi32> to vector<16xi32>
    %swap3A_87 = vector.shape_cast %scan3A_33#18 : vector<16xi32> to vector<1x16xi32>
    tpu.vector_store %arg9[%swap3A_83, %swap3A_84], %swap3A_87 {strides = array<i32>} : memref<8x128xi32, #tpu.memory_space<vmem>>, vector<1x16xi32>,
    %swap3A_88 = arith.constant 3 : i32
    %swap3A_89 = arith.index_cast %swap3A_88 : i32 to index
    %swap3A_90 = arith.constant 0 : index
    %swap3A_91 = tpu.vector_load %arg7[%swap3A_89, %swap3A_90] {strides = array<i32>} : memref<8x128xf32, #tpu.memory_space<vmem>>, vector<1x16xf32>,
    %swap3A_92 = vector.shape_cast %swap3A_91 : vector<1x16xf32> to vector<16xf32>
    %swap3A_93 = vector.shape_cast %scan3A_33#3 : vector<16xf32> to vector<1x16xf32>
    tpu.vector_store %arg7[%swap3A_89, %swap3A_90], %swap3A_93 {strides = array<i32>} : memref<8x128xf32, #tpu.memory_space<vmem>>, vector<1x16xf32>,
    %swap3A_94 = arith.constant 3 : i32
    %swap3A_95 = arith.index_cast %swap3A_94 : i32 to index
    %swap3A_96 = arith.constant 0 : index
    %swap3A_97 = tpu.vector_load %arg8[%swap3A_95, %swap3A_96] {strides = array<i32>} : memref<8x128xf32, #tpu.memory_space<vmem>>, vector<1x16xf32>,
    %swap3A_98 = vector.shape_cast %swap3A_97 : vector<1x16xf32> to vector<16xf32>
    %swap3A_99 = vector.shape_cast %scan3A_33#11 : vector<16xf32> to vector<1x16xf32>
    tpu.vector_store %arg8[%swap3A_95, %swap3A_96], %swap3A_99 {strides = array<i32>} : memref<8x128xf32, #tpu.memory_space<vmem>>, vector<1x16xf32>,
    %swap3A_100 = arith.constant 3 : i32
    %swap3A_101 = arith.index_cast %swap3A_100 : i32 to index
    %swap3A_102 = arith.constant 0 : index
    %swap3A_103 = tpu.vector_load %arg9[%swap3A_101, %swap3A_102] {strides = array<i32>} : memref<8x128xi32, #tpu.memory_space<vmem>>, vector<1x16xi32>,
    %swap3A_104 = vector.shape_cast %swap3A_103 : vector<1x16xi32> to vector<16xi32>
    %swap3A_105 = vector.shape_cast %scan3A_33#19 : vector<16xi32> to vector<1x16xi32>
    tpu.vector_store %arg9[%swap3A_101, %swap3A_102], %swap3A_105 {strides = array<i32>} : memref<8x128xi32, #tpu.memory_space<vmem>>, vector<1x16xi32>,
    %swap3A_106 = arith.constant 4 : i32
    %swap3A_107 = arith.index_cast %swap3A_106 : i32 to index
    %swap3A_108 = arith.constant 0 : index
    %swap3A_109 = tpu.vector_load %arg7[%swap3A_107, %swap3A_108] {strides = array<i32>} : memref<8x128xf32, #tpu.memory_space<vmem>>, vector<1x16xf32>,
    %swap3A_110 = vector.shape_cast %swap3A_109 : vector<1x16xf32> to vector<16xf32>
    %swap3A_111 = vector.shape_cast %scan3A_33#4 : vector<16xf32> to vector<1x16xf32>
    tpu.vector_store %arg7[%swap3A_107, %swap3A_108], %swap3A_111 {strides = array<i32>} : memref<8x128xf32, #tpu.memory_space<vmem>>, vector<1x16xf32>,
    %swap3A_112 = arith.constant 4 : i32
    %swap3A_113 = arith.index_cast %swap3A_112 : i32 to index
    %swap3A_114 = arith.constant 0 : index
    %swap3A_115 = tpu.vector_load %arg8[%swap3A_113, %swap3A_114] {strides = array<i32>} : memref<8x128xf32, #tpu.memory_space<vmem>>, vector<1x16xf32>,
    %swap3A_116 = vector.shape_cast %swap3A_115 : vector<1x16xf32> to vector<16xf32>
    %swap3A_117 = vector.shape_cast %scan3A_33#12 : vector<16xf32> to vector<1x16xf32>
    tpu.vector_store %arg8[%swap3A_113, %swap3A_114], %swap3A_117 {strides = array<i32>} : memref<8x128xf32, #tpu.memory_space<vmem>>, vector<1x16xf32>,
    %swap3A_118 = arith.constant 4 : i32
    %swap3A_119 = arith.index_cast %swap3A_118 : i32 to index
    %swap3A_120 = arith.constant 0 : index
    %swap3A_121 = tpu.vector_load %arg9[%swap3A_119, %swap3A_120] {strides = array<i32>} : memref<8x128xi32, #tpu.memory_space<vmem>>, vector<1x16xi32>,
    %swap3A_122 = vector.shape_cast %swap3A_121 : vector<1x16xi32> to vector<16xi32>
    %swap3A_123 = vector.shape_cast %scan3A_33#20 : vector<16xi32> to vector<1x16xi32>
    tpu.vector_store %arg9[%swap3A_119, %swap3A_120], %swap3A_123 {strides = array<i32>} : memref<8x128xi32, #tpu.memory_space<vmem>>, vector<1x16xi32>,
    %swap3A_124 = arith.constant 5 : i32
    %swap3A_125 = arith.index_cast %swap3A_124 : i32 to index
    %swap3A_126 = arith.constant 0 : index
    %swap3A_127 = tpu.vector_load %arg7[%swap3A_125, %swap3A_126] {strides = array<i32>} : memref<8x128xf32, #tpu.memory_space<vmem>>, vector<1x16xf32>,
    %swap3A_128 = vector.shape_cast %swap3A_127 : vector<1x16xf32> to vector<16xf32>
    %swap3A_129 = vector.shape_cast %scan3A_33#5 : vector<16xf32> to vector<1x16xf32>
    tpu.vector_store %arg7[%swap3A_125, %swap3A_126], %swap3A_129 {strides = array<i32>} : memref<8x128xf32, #tpu.memory_space<vmem>>, vector<1x16xf32>,
    %swap3A_130 = arith.constant 5 : i32
    %swap3A_131 = arith.index_cast %swap3A_130 : i32 to index
    %swap3A_132 = arith.constant 0 : index
    %swap3A_133 = tpu.vector_load %arg8[%swap3A_131, %swap3A_132] {strides = array<i32>} : memref<8x128xf32, #tpu.memory_space<vmem>>, vector<1x16xf32>,
    %swap3A_134 = vector.shape_cast %swap3A_133 : vector<1x16xf32> to vector<16xf32>
    %swap3A_135 = vector.shape_cast %scan3A_33#13 : vector<16xf32> to vector<1x16xf32>
    tpu.vector_store %arg8[%swap3A_131, %swap3A_132], %swap3A_135 {strides = array<i32>} : memref<8x128xf32, #tpu.memory_space<vmem>>, vector<1x16xf32>,
    %swap3A_136 = arith.constant 5 : i32
    %swap3A_137 = arith.index_cast %swap3A_136 : i32 to index
    %swap3A_138 = arith.constant 0 : index
    %swap3A_139 = tpu.vector_load %arg9[%swap3A_137, %swap3A_138] {strides = array<i32>} : memref<8x128xi32, #tpu.memory_space<vmem>>, vector<1x16xi32>,
    %swap3A_140 = vector.shape_cast %swap3A_139 : vector<1x16xi32> to vector<16xi32>
    %swap3A_141 = vector.shape_cast %scan3A_33#21 : vector<16xi32> to vector<1x16xi32>
    tpu.vector_store %arg9[%swap3A_137, %swap3A_138], %swap3A_141 {strides = array<i32>} : memref<8x128xi32, #tpu.memory_space<vmem>>, vector<1x16xi32>,
    %swap3A_142 = arith.constant 6 : i32
    %swap3A_143 = arith.index_cast %swap3A_142 : i32 to index
    %swap3A_144 = arith.constant 0 : index
    %swap3A_145 = tpu.vector_load %arg7[%swap3A_143, %swap3A_144] {strides = array<i32>} : memref<8x128xf32, #tpu.memory_space<vmem>>, vector<1x16xf32>,
    %swap3A_146 = vector.shape_cast %swap3A_145 : vector<1x16xf32> to vector<16xf32>
    %swap3A_147 = vector.shape_cast %scan3A_33#6 : vector<16xf32> to vector<1x16xf32>
    tpu.vector_store %arg7[%swap3A_143, %swap3A_144], %swap3A_147 {strides = array<i32>} : memref<8x128xf32, #tpu.memory_space<vmem>>, vector<1x16xf32>,
    %swap3A_148 = arith.constant 6 : i32
    %swap3A_149 = arith.index_cast %swap3A_148 : i32 to index
    %swap3A_150 = arith.constant 0 : index
    %swap3A_151 = tpu.vector_load %arg8[%swap3A_149, %swap3A_150] {strides = array<i32>} : memref<8x128xf32, #tpu.memory_space<vmem>>, vector<1x16xf32>,
    %swap3A_152 = vector.shape_cast %swap3A_151 : vector<1x16xf32> to vector<16xf32>
    %swap3A_153 = vector.shape_cast %scan3A_33#14 : vector<16xf32> to vector<1x16xf32>
    tpu.vector_store %arg8[%swap3A_149, %swap3A_150], %swap3A_153 {strides = array<i32>} : memref<8x128xf32, #tpu.memory_space<vmem>>, vector<1x16xf32>,
    %swap3A_154 = arith.constant 6 : i32
    %swap3A_155 = arith.index_cast %swap3A_154 : i32 to index
    %swap3A_156 = arith.constant 0 : index
    %swap3A_157 = tpu.vector_load %arg9[%swap3A_155, %swap3A_156] {strides = array<i32>} : memref<8x128xi32, #tpu.memory_space<vmem>>, vector<1x16xi32>,
    %swap3A_158 = vector.shape_cast %swap3A_157 : vector<1x16xi32> to vector<16xi32>
    %swap3A_159 = vector.shape_cast %scan3A_33#22 : vector<16xi32> to vector<1x16xi32>
    tpu.vector_store %arg9[%swap3A_155, %swap3A_156], %swap3A_159 {strides = array<i32>} : memref<8x128xi32, #tpu.memory_space<vmem>>, vector<1x16xi32>,
    %swap3A_160 = arith.constant 7 : i32
    %swap3A_161 = arith.index_cast %swap3A_160 : i32 to index
    %swap3A_162 = arith.constant 0 : index
    %swap3A_163 = tpu.vector_load %arg7[%swap3A_161, %swap3A_162] {strides = array<i32>} : memref<8x128xf32, #tpu.memory_space<vmem>>, vector<1x16xf32>,
    %swap3A_164 = vector.shape_cast %swap3A_163 : vector<1x16xf32> to vector<16xf32>
    %swap3A_165 = vector.shape_cast %scan3A_33#7 : vector<16xf32> to vector<1x16xf32>
    tpu.vector_store %arg7[%swap3A_161, %swap3A_162], %swap3A_165 {strides = array<i32>} : memref<8x128xf32, #tpu.memory_space<vmem>>, vector<1x16xf32>,
    %swap3A_166 = arith.constant 7 : i32
    %swap3A_167 = arith.index_cast %swap3A_166 : i32 to index
    %swap3A_168 = arith.constant 0 : index
    %swap3A_169 = tpu.vector_load %arg8[%swap3A_167, %swap3A_168] {strides = array<i32>} : memref<8x128xf32, #tpu.memory_space<vmem>>, vector<1x16xf32>,
    %swap3A_170 = vector.shape_cast %swap3A_169 : vector<1x16xf32> to vector<16xf32>
    %swap3A_171 = vector.shape_cast %scan3A_33#15 : vector<16xf32> to vector<1x16xf32>
    tpu.vector_store %arg8[%swap3A_167, %swap3A_168], %swap3A_171 {strides = array<i32>} : memref<8x128xf32, #tpu.memory_space<vmem>>, vector<1x16xf32>,
    %swap3A_172 = arith.constant 7 : i32
    %swap3A_173 = arith.index_cast %swap3A_172 : i32 to index
    %swap3A_174 = arith.constant 0 : index
    %swap3A_175 = tpu.vector_load %arg9[%swap3A_173, %swap3A_174] {strides = array<i32>} : memref<8x128xi32, #tpu.memory_space<vmem>>, vector<1x16xi32>,
    %swap3A_176 = vector.shape_cast %swap3A_175 : vector<1x16xi32> to vector<16xi32>
    %swap3A_177 = vector.shape_cast %scan3A_33#23 : vector<16xi32> to vector<1x16xi32>
    tpu.vector_store %arg9[%swap3A_173, %swap3A_174], %swap3A_177 {strides = array<i32>} : memref<8x128xi32, #tpu.memory_space<vmem>>, vector<1x16xi32>,
    "tpu.region"() ({
      %run_scoped3A = tpu.sem_alloc : memref<!tpu.dma_semaphore, #tpu.memory_space<semaphore_mem>>
      %dma_start3A = arith.constant 0 : i32
      %dma_start3A_178 = tpu.memref_slice %arg3[%rem3A_18, %multiple_of3A, %dma_start3A] : memref<4x64x128xf32, #tpu.memory_space<hbm>> -> memref<1x8x128xf32, #tpu.memory_space<hbm>>
      %dma_start3A_179 = tpu.memref_squeeze %dma_start3A_178 : memref<1x8x128xf32, #tpu.memory_space<hbm>> -> memref<8x128xf32, #tpu.memory_space<hbm>>
      %dma_start3A_180 = arith.constant 0 : i32
      %dma_start3A_181 = tpu.memref_slice %arg3[%rem3A_18, %multiple_of3A, %dma_start3A_180] : memref<4x64x128xf32, #tpu.memory_space<hbm>> -> memref<1x8x128xf32, #tpu.memory_space<hbm>>
      %dma_start3A_182 = tpu.memref_squeeze %dma_start3A_181 : memref<1x8x128xf32, #tpu.memory_space<hbm>> -> memref<8x128xf32, #tpu.memory_space<hbm>>
      tpu.enqueue_dma source(%arg7 : memref<8x128xf32, #tpu.memory_space<vmem>>) target(%dma_start3A_182 : memref<8x128xf32, #tpu.memory_space<hbm>>) target_semaphore(%run_scoped3A : memref<!tpu.dma_semaphore, #tpu.memory_space<semaphore_mem>>)
      %dma_wait3A = arith.constant 0 : i32
      %dma_wait3A_183 = tpu.memref_slice %arg3[%rem3A_18, %multiple_of3A, %dma_wait3A] : memref<4x64x128xf32, #tpu.memory_space<hbm>> -> memref<1x8x128xf32, #tpu.memory_space<hbm>>
      %dma_wait3A_184 = tpu.memref_squeeze %dma_wait3A_183 : memref<1x8x128xf32, #tpu.memory_space<hbm>> -> memref<8x128xf32, #tpu.memory_space<hbm>>
      %dma_wait3A_185 = arith.constant 0 : i32
      %dma_wait3A_186 = tpu.memref_slice %arg3[%rem3A_18, %multiple_of3A, %dma_wait3A_185] : memref<4x64x128xf32, #tpu.memory_space<hbm>> -> memref<1x8x128xf32, #tpu.memory_space<hbm>>
      %dma_wait3A_187 = tpu.memref_squeeze %dma_wait3A_186 : memref<1x8x128xf32, #tpu.memory_space<hbm>> -> memref<8x128xf32, #tpu.memory_space<hbm>>
      tpu.wait_dma2 semaphore(%run_scoped3A : memref<!tpu.dma_semaphore, #tpu.memory_space<semaphore_mem>>) src(%arg7 : memref<8x128xf32, #tpu.memory_space<vmem>>) dst(%dma_wait3A_187 : memref<8x128xf32, #tpu.memory_space<hbm>>)
      tpu.yield
    }) : () -> ()
    "tpu.region"() ({
      %run_scoped3A = tpu.sem_alloc : memref<!tpu.dma_semaphore, #tpu.memory_space<semaphore_mem>>
      %dma_start3A = arith.constant 0 : i32
      %dma_start3A_178 = tpu.memref_slice %arg4[%rem3A_18, %multiple_of3A, %dma_start3A] : memref<4x64x128xf32, #tpu.memory_space<hbm>> -> memref<1x8x128xf32, #tpu.memory_space<hbm>>
      %dma_start3A_179 = tpu.memref_squeeze %dma_start3A_178 : memref<1x8x128xf32, #tpu.memory_space<hbm>> -> memref<8x128xf32, #tpu.memory_space<hbm>>
      %dma_start3A_180 = arith.constant 0 : i32
      %dma_start3A_181 = tpu.memref_slice %arg4[%rem3A_18, %multiple_of3A, %dma_start3A_180] : memref<4x64x128xf32, #tpu.memory_space<hbm>> -> memref<1x8x128xf32, #tpu.memory_space<hbm>>
      %dma_start3A_182 = tpu.memref_squeeze %dma_start3A_181 : memref<1x8x128xf32, #tpu.memory_space<hbm>> -> memref<8x128xf32, #tpu.memory_space<hbm>>
      tpu.enqueue_dma source(%arg8 : memref<8x128xf32, #tpu.memory_space<vmem>>) target(%dma_start3A_182 : memref<8x128xf32, #tpu.memory_space<hbm>>) target_semaphore(%run_scoped3A : memref<!tpu.dma_semaphore, #tpu.memory_space<semaphore_mem>>)
      %dma_wait3A = arith.constant 0 : i32
      %dma_wait3A_183 = tpu.memref_slice %arg4[%rem3A_18, %multiple_of3A, %dma_wait3A] : memref<4x64x128xf32, #tpu.memory_space<hbm>> -> memref<1x8x128xf32, #tpu.memory_space<hbm>>
      %dma_wait3A_184 = tpu.memref_squeeze %dma_wait3A_183 : memref<1x8x128xf32, #tpu.memory_space<hbm>> -> memref<8x128xf32, #tpu.memory_space<hbm>>
      %dma_wait3A_185 = arith.constant 0 : i32
      %dma_wait3A_186 = tpu.memref_slice %arg4[%rem3A_18, %multiple_of3A, %dma_wait3A_185] : memref<4x64x128xf32, #tpu.memory_space<hbm>> -> memref<1x8x128xf32, #tpu.memory_space<hbm>>
      %dma_wait3A_187 = tpu.memref_squeeze %dma_wait3A_186 : memref<1x8x128xf32, #tpu.memory_space<hbm>> -> memref<8x128xf32, #tpu.memory_space<hbm>>
      tpu.wait_dma2 semaphore(%run_scoped3A : memref<!tpu.dma_semaphore, #tpu.memory_space<semaphore_mem>>) src(%arg8 : memref<8x128xf32, #tpu.memory_space<vmem>>) dst(%dma_wait3A_187 : memref<8x128xf32, #tpu.memory_space<hbm>>)
      tpu.yield
    }) : () -> ()
    "tpu.region"() ({
      %run_scoped3A = tpu.sem_alloc : memref<!tpu.dma_semaphore, #tpu.memory_space<semaphore_mem>>
      %dma_start3A = arith.constant 0 : i32
      %dma_start3A_178 = tpu.memref_slice %arg5[%rem3A_18, %multiple_of3A, %dma_start3A] : memref<4x64x128xi32, #tpu.memory_space<hbm>> -> memref<1x8x128xi32, #tpu.memory_space<hbm>>
      %dma_start3A_179 = tpu.memref_squeeze %dma_start3A_178 : memref<1x8x128xi32, #tpu.memory_space<hbm>> -> memref<8x128xi32, #tpu.memory_space<hbm>>
      %dma_start3A_180 = arith.constant 0 : i32
      %dma_start3A_181 = tpu.memref_slice %arg5[%rem3A_18, %multiple_of3A, %dma_start3A_180] : memref<4x64x128xi32, #tpu.memory_space<hbm>> -> memref<1x8x128xi32, #tpu.memory_space<hbm>>
      %dma_start3A_182 = tpu.memref_squeeze %dma_start3A_181 : memref<1x8x128xi32, #tpu.memory_space<hbm>> -> memref<8x128xi32, #tpu.memory_space<hbm>>
      tpu.enqueue_dma source(%arg9 : memref<8x128xi32, #tpu.memory_space<vmem>>) target(%dma_start3A_182 : memref<8x128xi32, #tpu.memory_space<hbm>>) target_semaphore(%run_scoped3A : memref<!tpu.dma_semaphore, #tpu.memory_space<semaphore_mem>>)
      %dma_wait3A = arith.constant 0 : i32
      %dma_wait3A_183 = tpu.memref_slice %arg5[%rem3A_18, %multiple_of3A, %dma_wait3A] : memref<4x64x128xi32, #tpu.memory_space<hbm>> -> memref<1x8x128xi32, #tpu.memory_space<hbm>>
      %dma_wait3A_184 = tpu.memref_squeeze %dma_wait3A_183 : memref<1x8x128xi32, #tpu.memory_space<hbm>> -> memref<8x128xi32, #tpu.memory_space<hbm>>
      %dma_wait3A_185 = arith.constant 0 : i32
      %dma_wait3A_186 = tpu.memref_slice %arg5[%rem3A_18, %multiple_of3A, %dma_wait3A_185] : memref<4x64x128xi32, #tpu.memory_space<hbm>> -> memref<1x8x128xi32, #tpu.memory_space<hbm>>
      %dma_wait3A_187 = tpu.memref_squeeze %dma_wait3A_186 : memref<1x8x128xi32, #tpu.memory_space<hbm>> -> memref<8x128xi32, #tpu.memory_space<hbm>>
      tpu.wait_dma2 semaphore(%run_scoped3A : memref<!tpu.dma_semaphore, #tpu.memory_space<semaphore_mem>>) src(%arg9 : memref<8x128xi32, #tpu.memory_space<vmem>>) dst(%dma_wait3A_187 : memref<8x128xi32, #tpu.memory_space<hbm>>)
      tpu.yield
    }) : () -> ()
    return
  }
}

module attributes {stable_mosaic.version = 14 : i64} {
  func.func @_merge_body(%arg0: memref<64x1xi32, #tpu.memory_space<vmem>>, %arg1: memref<64x128xf32, #tpu.memory_space<vmem>>, %arg2: memref<64x1xf32, #tpu.memory_space<vmem>>, %arg3: memref<64x1xf32, #tpu.memory_space<vmem>>, %arg4: memref<64x1xi32, #tpu.memory_space<vmem>>, %arg5: memref<4x64x128xf32, #tpu.memory_space<vmem>>, %arg6: memref<4x64x128xf32, #tpu.memory_space<vmem>>, %arg7: memref<4x64x128xi32, #tpu.memory_space<vmem>>, %arg8: memref<64x1xf32, #tpu.memory_space<vmem>>, %arg9: memref<64x1xi32, #tpu.memory_space<vmem>>) attributes {dimension_semantics = [], scalar_prefetch = 0 : i64, scratch_operands = 0 : i64, tpu.core_type = #tpu.core_type<tc>} {
    %iota3A = tpu.iota {dimensions = array<i32: 1>} : vector<64x128xi32>
    %lt3A = arith.constant 16 : i32
    %lt3A_0 = vector.broadcast %lt3A : i32 to vector<64x128xi32>
    %lt3A_1 = arith.cmpi slt, %iota3A, %lt3A_0 : vector<64x128xi32>
    %get3A = arith.constant 0 : index
    %get3A_2 = arith.constant 0 : index
    %get3A_3 = vector.load %arg2[%get3A, %get3A_2] : memref<64x1xf32, #tpu.memory_space<vmem>>, vector<64x1xf32>
    %get3A_4 = arith.constant 0 : index
    %get3A_5 = arith.constant 0 : index
    %get3A_6 = arith.constant 0 : index
    %get3A_7 = vector.load %arg5[%get3A_4, %get3A_5, %get3A_6] : memref<4x64x128xf32, #tpu.memory_space<vmem>>, vector<1x64x128xf32>
    %get3A_8 = vector.shape_cast %get3A_7 : vector<1x64x128xf32> to vector<64x128xf32>
    %jit3A = arith.constant 0xFF800000 : f32
    %broadcast_in_dim3A = vector.broadcast %jit3A : f32 to vector<64x128xf32>
    %select_n3A = arith.select %lt3A_1, %get3A_8, %broadcast_in_dim3A : vector<64x128xi1>, vector<64x128xf32>
    %reduce_max3A = arith.constant dense<0xFF800000> : vector<64xf32>
    %reduce_max3A_9 = vector.multi_reduction <maximumf>, %select_n3A, %reduce_max3A [1] : vector<64x128xf32> to vector<64xf32>
    %broadcast_in_dim3A_10 = vector.shape_cast %reduce_max3A_9 : vector<64xf32> to vector<64x1xf32>
    %max3A = arith.maximumf %get3A_3, %broadcast_in_dim3A_10 : vector<64x1xf32>
    %get3A_11 = arith.constant 1 : index
    %get3A_12 = arith.constant 0 : index
    %get3A_13 = arith.constant 0 : index
    %get3A_14 = vector.load %arg5[%get3A_11, %get3A_12, %get3A_13] : memref<4x64x128xf32, #tpu.memory_space<vmem>>, vector<1x64x128xf32>
    %get3A_15 = vector.shape_cast %get3A_14 : vector<1x64x128xf32> to vector<64x128xf32>
    %jit3A_16 = arith.constant 0xFF800000 : f32
    %broadcast_in_dim3A_17 = vector.broadcast %jit3A_16 : f32 to vector<64x128xf32>
    %select_n3A_18 = arith.select %lt3A_1, %get3A_15, %broadcast_in_dim3A_17 : vector<64x128xi1>, vector<64x128xf32>
    %reduce_max3A_19 = arith.constant dense<0xFF800000> : vector<64xf32>
    %reduce_max3A_20 = vector.multi_reduction <maximumf>, %select_n3A_18, %reduce_max3A_19 [1] : vector<64x128xf32> to vector<64xf32>
    %broadcast_in_dim3A_21 = vector.shape_cast %reduce_max3A_20 : vector<64xf32> to vector<64x1xf32>
    %max3A_22 = arith.maximumf %max3A, %broadcast_in_dim3A_21 : vector<64x1xf32>
    %get3A_23 = arith.constant 2 : index
    %get3A_24 = arith.constant 0 : index
    %get3A_25 = arith.constant 0 : index
    %get3A_26 = vector.load %arg5[%get3A_23, %get3A_24, %get3A_25] : memref<4x64x128xf32, #tpu.memory_space<vmem>>, vector<1x64x128xf32>
    %get3A_27 = vector.shape_cast %get3A_26 : vector<1x64x128xf32> to vector<64x128xf32>
    %jit3A_28 = arith.constant 0xFF800000 : f32
    %broadcast_in_dim3A_29 = vector.broadcast %jit3A_28 : f32 to vector<64x128xf32>
    %select_n3A_30 = arith.select %lt3A_1, %get3A_27, %broadcast_in_dim3A_29 : vector<64x128xi1>, vector<64x128xf32>
    %reduce_max3A_31 = arith.constant dense<0xFF800000> : vector<64xf32>
    %reduce_max3A_32 = vector.multi_reduction <maximumf>, %select_n3A_30, %reduce_max3A_31 [1] : vector<64x128xf32> to vector<64xf32>
    %broadcast_in_dim3A_33 = vector.shape_cast %reduce_max3A_32 : vector<64xf32> to vector<64x1xf32>
    %max3A_34 = arith.maximumf %max3A_22, %broadcast_in_dim3A_33 : vector<64x1xf32>
    %get3A_35 = arith.constant 3 : index
    %get3A_36 = arith.constant 0 : index
    %get3A_37 = arith.constant 0 : index
    %get3A_38 = vector.load %arg5[%get3A_35, %get3A_36, %get3A_37] : memref<4x64x128xf32, #tpu.memory_space<vmem>>, vector<1x64x128xf32>
    %get3A_39 = vector.shape_cast %get3A_38 : vector<1x64x128xf32> to vector<64x128xf32>
    %jit3A_40 = arith.constant 0xFF800000 : f32
    %broadcast_in_dim3A_41 = vector.broadcast %jit3A_40 : f32 to vector<64x128xf32>
    %select_n3A_42 = arith.select %lt3A_1, %get3A_39, %broadcast_in_dim3A_41 : vector<64x128xi1>, vector<64x128xf32>
    %reduce_max3A_43 = arith.constant dense<0xFF800000> : vector<64xf32>
    %reduce_max3A_44 = vector.multi_reduction <maximumf>, %select_n3A_42, %reduce_max3A_43 [1] : vector<64x128xf32> to vector<64xf32>
    %broadcast_in_dim3A_45 = vector.shape_cast %reduce_max3A_44 : vector<64xf32> to vector<64x1xf32>
    %max3A_46 = arith.maximumf %max3A_34, %broadcast_in_dim3A_45 : vector<64x1xf32>
    %get3A_47 = arith.constant 0 : index
    %get3A_48 = arith.constant 0 : index
    %get3A_49 = vector.load %arg3[%get3A_47, %get3A_48] : memref<64x1xf32, #tpu.memory_space<vmem>>, vector<64x1xf32>
    %get3A_50 = arith.constant 0 : index
    %get3A_51 = arith.constant 0 : index
    %get3A_52 = vector.load %arg2[%get3A_50, %get3A_51] : memref<64x1xf32, #tpu.memory_space<vmem>>, vector<64x1xf32>
    %sub3A = arith.subf %get3A_52, %max3A_46 : vector<64x1xf32>
    %exp3A = math.exp %sub3A : vector<64x1xf32>
    %mul3A = arith.mulf %get3A_49, %exp3A : vector<64x1xf32>
    %get3A_53 = arith.constant 0 : index
    %get3A_54 = arith.constant 0 : index
    %get3A_55 = vector.load %arg2[%get3A_53, %get3A_54] : memref<64x1xf32, #tpu.memory_space<vmem>>, vector<64x1xf32>
    %eq3A = arith.cmpf oeq, %get3A_55, %max3A_46 : vector<64x1xf32>
    %get3A_56 = arith.constant 0 : index
    %get3A_57 = arith.constant 0 : index
    %get3A_58 = vector.load %arg4[%get3A_56, %get3A_57] : memref<64x1xi32, #tpu.memory_space<vmem>>, vector<64x1xi32>
    %jit3A_59 = arith.constant 2147483647 : i32
    %broadcast_in_dim3A_60 = vector.broadcast %jit3A_59 : i32 to vector<64x1xi32>
    %select_n3A_61 = arith.select %eq3A, %get3A_58, %broadcast_in_dim3A_60 : vector<64x1xi1>, vector<64x1xi32>
    %get3A_62 = arith.constant 0 : index
    %get3A_63 = arith.constant 0 : index
    %get3A_64 = arith.constant 0 : index
    %get3A_65 = vector.load %arg6[%get3A_62, %get3A_63, %get3A_64] : memref<4x64x128xf32, #tpu.memory_space<vmem>>, vector<1x64x128xf32>
    %get3A_66 = vector.shape_cast %get3A_65 : vector<1x64x128xf32> to vector<64x128xf32>
    %jit3A_67 = arith.constant 0.000000e+00 : f32
    %broadcast_in_dim3A_68 = vector.broadcast %jit3A_67 : f32 to vector<64x128xf32>
    %select_n3A_69 = arith.select %lt3A_1, %get3A_66, %broadcast_in_dim3A_68 : vector<64x128xi1>, vector<64x128xf32>
    %sub3A_70 = vector.broadcast %max3A_46 : vector<64x1xf32> to vector<64x128xf32>
    %sub3A_71 = arith.subf %select_n3A, %sub3A_70 : vector<64x128xf32>
    %exp3A_72 = math.exp %sub3A_71 : vector<64x128xf32>
    %mul3A_73 = arith.mulf %select_n3A_69, %exp3A_72 : vector<64x128xf32>
    %reduce_sum3A = arith.constant dense<0.000000e+00> : vector<64xf32>
    %reduce_sum3A_74 = vector.multi_reduction <add>, %mul3A_73, %reduce_sum3A [1] : vector<64x128xf32> to vector<64xf32>
    %broadcast_in_dim3A_75 = vector.shape_cast %reduce_sum3A_74 : vector<64xf32> to vector<64x1xf32>
    %add3A = arith.addf %mul3A, %broadcast_in_dim3A_75 : vector<64x1xf32>
    %eq3A_76 = vector.broadcast %max3A_46 : vector<64x1xf32> to vector<64x128xf32>
    %eq3A_77 = arith.cmpf oeq, %select_n3A, %eq3A_76 : vector<64x128xf32>
    %get3A_78 = arith.constant 0 : index
    %get3A_79 = arith.constant 0 : index
    %get3A_80 = arith.constant 0 : index
    %get3A_81 = vector.load %arg7[%get3A_78, %get3A_79, %get3A_80] : memref<4x64x128xi32, #tpu.memory_space<vmem>>, vector<1x64x128xi32>
    %get3A_82 = vector.shape_cast %get3A_81 : vector<1x64x128xi32> to vector<64x128xi32>
    %jit3A_83 = arith.constant 2147483647 : i32
    %broadcast_in_dim3A_84 = vector.broadcast %jit3A_83 : i32 to vector<64x128xi32>
    %select_n3A_85 = arith.select %eq3A_77, %get3A_82, %broadcast_in_dim3A_84 : vector<64x128xi1>, vector<64x128xi32>
    %reduce_min3A = arith.constant dense<2147483647> : vector<64xi32>
    %reduce_min3A_86 = vector.multi_reduction <minsi>, %select_n3A_85, %reduce_min3A [1] : vector<64x128xi32> to vector<64xi32>
    %broadcast_in_dim3A_87 = vector.shape_cast %reduce_min3A_86 : vector<64xi32> to vector<64x1xi32>
    %min3A = arith.minsi %select_n3A_61, %broadcast_in_dim3A_87 : vector<64x1xi32>
    %get3A_88 = arith.constant 1 : index
    %get3A_89 = arith.constant 0 : index
    %get3A_90 = arith.constant 0 : index
    %get3A_91 = vector.load %arg6[%get3A_88, %get3A_89, %get3A_90] : memref<4x64x128xf32, #tpu.memory_space<vmem>>, vector<1x64x128xf32>
    %get3A_92 = vector.shape_cast %get3A_91 : vector<1x64x128xf32> to vector<64x128xf32>
    %jit3A_93 = arith.constant 0.000000e+00 : f32
    %broadcast_in_dim3A_94 = vector.broadcast %jit3A_93 : f32 to vector<64x128xf32>
    %select_n3A_95 = arith.select %lt3A_1, %get3A_92, %broadcast_in_dim3A_94 : vector<64x128xi1>, vector<64x128xf32>
    %sub3A_96 = vector.broadcast %max3A_46 : vector<64x1xf32> to vector<64x128xf32>
    %sub3A_97 = arith.subf %select_n3A_18, %sub3A_96 : vector<64x128xf32>
    %exp3A_98 = math.exp %sub3A_97 : vector<64x128xf32>
    %mul3A_99 = arith.mulf %select_n3A_95, %exp3A_98 : vector<64x128xf32>
    %reduce_sum3A_100 = arith.constant dense<0.000000e+00> : vector<64xf32>
    %reduce_sum3A_101 = vector.multi_reduction <add>, %mul3A_99, %reduce_sum3A_100 [1] : vector<64x128xf32> to vector<64xf32>
    %broadcast_in_dim3A_102 = vector.shape_cast %reduce_sum3A_101 : vector<64xf32> to vector<64x1xf32>
    %add3A_103 = arith.addf %add3A, %broadcast_in_dim3A_102 : vector<64x1xf32>
    %eq3A_104 = vector.broadcast %max3A_46 : vector<64x1xf32> to vector<64x128xf32>
    %eq3A_105 = arith.cmpf oeq, %select_n3A_18, %eq3A_104 : vector<64x128xf32>
    %get3A_106 = arith.constant 1 : index
    %get3A_107 = arith.constant 0 : index
    %get3A_108 = arith.constant 0 : index
    %get3A_109 = vector.load %arg7[%get3A_106, %get3A_107, %get3A_108] : memref<4x64x128xi32, #tpu.memory_space<vmem>>, vector<1x64x128xi32>
    %get3A_110 = vector.shape_cast %get3A_109 : vector<1x64x128xi32> to vector<64x128xi32>
    %jit3A_111 = arith.constant 2147483647 : i32
    %broadcast_in_dim3A_112 = vector.broadcast %jit3A_111 : i32 to vector<64x128xi32>
    %select_n3A_113 = arith.select %eq3A_105, %get3A_110, %broadcast_in_dim3A_112 : vector<64x128xi1>, vector<64x128xi32>
    %reduce_min3A_114 = arith.constant dense<2147483647> : vector<64xi32>
    %reduce_min3A_115 = vector.multi_reduction <minsi>, %select_n3A_113, %reduce_min3A_114 [1] : vector<64x128xi32> to vector<64xi32>
    %broadcast_in_dim3A_116 = vector.shape_cast %reduce_min3A_115 : vector<64xi32> to vector<64x1xi32>
    %min3A_117 = arith.minsi %min3A, %broadcast_in_dim3A_116 : vector<64x1xi32>
    %get3A_118 = arith.constant 2 : index
    %get3A_119 = arith.constant 0 : index
    %get3A_120 = arith.constant 0 : index
    %get3A_121 = vector.load %arg6[%get3A_118, %get3A_119, %get3A_120] : memref<4x64x128xf32, #tpu.memory_space<vmem>>, vector<1x64x128xf32>
    %get3A_122 = vector.shape_cast %get3A_121 : vector<1x64x128xf32> to vector<64x128xf32>
    %jit3A_123 = arith.constant 0.000000e+00 : f32
    %broadcast_in_dim3A_124 = vector.broadcast %jit3A_123 : f32 to vector<64x128xf32>
    %select_n3A_125 = arith.select %lt3A_1, %get3A_122, %broadcast_in_dim3A_124 : vector<64x128xi1>, vector<64x128xf32>
    %sub3A_126 = vector.broadcast %max3A_46 : vector<64x1xf32> to vector<64x128xf32>
    %sub3A_127 = arith.subf %select_n3A_30, %sub3A_126 : vector<64x128xf32>
    %exp3A_128 = math.exp %sub3A_127 : vector<64x128xf32>
    %mul3A_129 = arith.mulf %select_n3A_125, %exp3A_128 : vector<64x128xf32>
    %reduce_sum3A_130 = arith.constant dense<0.000000e+00> : vector<64xf32>
    %reduce_sum3A_131 = vector.multi_reduction <add>, %mul3A_129, %reduce_sum3A_130 [1] : vector<64x128xf32> to vector<64xf32>
    %broadcast_in_dim3A_132 = vector.shape_cast %reduce_sum3A_131 : vector<64xf32> to vector<64x1xf32>
    %add3A_133 = arith.addf %add3A_103, %broadcast_in_dim3A_132 : vector<64x1xf32>
    %eq3A_134 = vector.broadcast %max3A_46 : vector<64x1xf32> to vector<64x128xf32>
    %eq3A_135 = arith.cmpf oeq, %select_n3A_30, %eq3A_134 : vector<64x128xf32>
    %get3A_136 = arith.constant 2 : index
    %get3A_137 = arith.constant 0 : index
    %get3A_138 = arith.constant 0 : index
    %get3A_139 = vector.load %arg7[%get3A_136, %get3A_137, %get3A_138] : memref<4x64x128xi32, #tpu.memory_space<vmem>>, vector<1x64x128xi32>
    %get3A_140 = vector.shape_cast %get3A_139 : vector<1x64x128xi32> to vector<64x128xi32>
    %jit3A_141 = arith.constant 2147483647 : i32
    %broadcast_in_dim3A_142 = vector.broadcast %jit3A_141 : i32 to vector<64x128xi32>
    %select_n3A_143 = arith.select %eq3A_135, %get3A_140, %broadcast_in_dim3A_142 : vector<64x128xi1>, vector<64x128xi32>
    %reduce_min3A_144 = arith.constant dense<2147483647> : vector<64xi32>
    %reduce_min3A_145 = vector.multi_reduction <minsi>, %select_n3A_143, %reduce_min3A_144 [1] : vector<64x128xi32> to vector<64xi32>
    %broadcast_in_dim3A_146 = vector.shape_cast %reduce_min3A_145 : vector<64xi32> to vector<64x1xi32>
    %min3A_147 = arith.minsi %min3A_117, %broadcast_in_dim3A_146 : vector<64x1xi32>
    %get3A_148 = arith.constant 3 : index
    %get3A_149 = arith.constant 0 : index
    %get3A_150 = arith.constant 0 : index
    %get3A_151 = vector.load %arg6[%get3A_148, %get3A_149, %get3A_150] : memref<4x64x128xf32, #tpu.memory_space<vmem>>, vector<1x64x128xf32>
    %get3A_152 = vector.shape_cast %get3A_151 : vector<1x64x128xf32> to vector<64x128xf32>
    %jit3A_153 = arith.constant 0.000000e+00 : f32
    %broadcast_in_dim3A_154 = vector.broadcast %jit3A_153 : f32 to vector<64x128xf32>
    %select_n3A_155 = arith.select %lt3A_1, %get3A_152, %broadcast_in_dim3A_154 : vector<64x128xi1>, vector<64x128xf32>
    %sub3A_156 = vector.broadcast %max3A_46 : vector<64x1xf32> to vector<64x128xf32>
    %sub3A_157 = arith.subf %select_n3A_42, %sub3A_156 : vector<64x128xf32>
    %exp3A_158 = math.exp %sub3A_157 : vector<64x128xf32>
    %mul3A_159 = arith.mulf %select_n3A_155, %exp3A_158 : vector<64x128xf32>
    %reduce_sum3A_160 = arith.constant dense<0.000000e+00> : vector<64xf32>
    %reduce_sum3A_161 = vector.multi_reduction <add>, %mul3A_159, %reduce_sum3A_160 [1] : vector<64x128xf32> to vector<64xf32>
    %broadcast_in_dim3A_162 = vector.shape_cast %reduce_sum3A_161 : vector<64xf32> to vector<64x1xf32>
    %add3A_163 = arith.addf %add3A_133, %broadcast_in_dim3A_162 : vector<64x1xf32>
    %eq3A_164 = vector.broadcast %max3A_46 : vector<64x1xf32> to vector<64x128xf32>
    %eq3A_165 = arith.cmpf oeq, %select_n3A_42, %eq3A_164 : vector<64x128xf32>
    %get3A_166 = arith.constant 3 : index
    %get3A_167 = arith.constant 0 : index
    %get3A_168 = arith.constant 0 : index
    %get3A_169 = vector.load %arg7[%get3A_166, %get3A_167, %get3A_168] : memref<4x64x128xi32, #tpu.memory_space<vmem>>, vector<1x64x128xi32>
    %get3A_170 = vector.shape_cast %get3A_169 : vector<1x64x128xi32> to vector<64x128xi32>
    %jit3A_171 = arith.constant 2147483647 : i32
    %broadcast_in_dim3A_172 = vector.broadcast %jit3A_171 : i32 to vector<64x128xi32>
    %select_n3A_173 = arith.select %eq3A_165, %get3A_170, %broadcast_in_dim3A_172 : vector<64x128xi1>, vector<64x128xi32>
    %reduce_min3A_174 = arith.constant dense<2147483647> : vector<64xi32>
    %reduce_min3A_175 = vector.multi_reduction <minsi>, %select_n3A_173, %reduce_min3A_174 [1] : vector<64x128xi32> to vector<64xi32>
    %broadcast_in_dim3A_176 = vector.shape_cast %reduce_min3A_175 : vector<64xi32> to vector<64x1xi32>
    %min3A_177 = arith.minsi %min3A_147, %broadcast_in_dim3A_176 : vector<64x1xi32>
    %log3A = math.log %add3A_163 : vector<64x1xf32>
    %add3A_178 = arith.addf %max3A_46, %log3A : vector<64x1xf32>
    %get3A_179 = arith.constant 0 : index
    %get3A_180 = arith.constant 0 : index
    %get3A_181 = vector.load %arg0[%get3A_179, %get3A_180] : memref<64x1xi32, #tpu.memory_space<vmem>>, vector<64x1xi32>
    %and3A = arith.constant 127 : i32
    %and3A_182 = vector.broadcast %and3A : i32 to vector<64x1xi32>
    %and3A_183 = arith.andi %get3A_181, %and3A_182 : vector<64x1xi32>
    %eq3A_184 = vector.broadcast %and3A_183 : vector<64x1xi32> to vector<64x128xi32>
    %eq3A_185 = arith.cmpi eq, %iota3A, %eq3A_184 : vector<64x128xi32>
    %get3A_186 = arith.constant 0 : index
    %get3A_187 = arith.constant 0 : index
    %get3A_188 = vector.load %arg1[%get3A_186, %get3A_187] : memref<64x128xf32, #tpu.memory_space<vmem>>, vector<64x128xf32>
    %jit3A_189 = arith.constant 0.000000e+00 : f32
    %broadcast_in_dim3A_190 = vector.broadcast %jit3A_189 : f32 to vector<64x128xf32>
    %select_n3A_191 = arith.select %eq3A_185, %get3A_188, %broadcast_in_dim3A_190 : vector<64x128xi1>, vector<64x128xf32>
    %reduce_sum3A_192 = arith.constant dense<0.000000e+00> : vector<64xf32>
    %reduce_sum3A_193 = vector.multi_reduction <add>, %select_n3A_191, %reduce_sum3A_192 [1] : vector<64x128xf32> to vector<64xf32>
    %broadcast_in_dim3A_194 = vector.shape_cast %reduce_sum3A_193 : vector<64xf32> to vector<64x1xf32>
    %sub3A_195 = arith.subf %broadcast_in_dim3A_194, %add3A_178 : vector<64x1xf32>
    %swap3A = arith.constant 0 : index
    %swap3A_196 = arith.constant 0 : index
    %swap3A_197 = vector.load %arg8[%swap3A, %swap3A_196] : memref<64x1xf32, #tpu.memory_space<vmem>>, vector<64x1xf32>
    tpu.vector_store %arg8[%swap3A, %swap3A_196], %sub3A_195 {strides = array<i32>} : memref<64x1xf32, #tpu.memory_space<vmem>>, vector<64x1xf32>,
    %swap3A_198 = arith.constant 0 : index
    %swap3A_199 = arith.constant 0 : index
    %swap3A_200 = vector.load %arg9[%swap3A_198, %swap3A_199] : memref<64x1xi32, #tpu.memory_space<vmem>>, vector<64x1xi32>
    tpu.vector_store %arg9[%swap3A_198, %swap3A_199], %min3A_177 {strides = array<i32>} : memref<64x1xi32, #tpu.memory_space<vmem>>, vector<64x1xi32>,
    return
  }
}

module attributes {stable_mosaic.version = 14 : i64} {
  func.func @_reduce_body(%arg0: i32, %arg1: memref<64x32768xf32, #tpu.memory_space<vmem>>, %arg2: memref<64x1xf32, #tpu.memory_space<vmem>>, %arg3: memref<64x1xf32, #tpu.memory_space<vmem>>, %arg4: memref<64x1xi32, #tpu.memory_space<vmem>>, %arg5: memref<64x1xf32, #tpu.memory_space<vmem>>, %arg6: memref<64x1xf32, #tpu.memory_space<vmem>>, %arg7: memref<64x1xi32, #tpu.memory_space<vmem>>) attributes {dimension_semantics = [#tpu.dimension_semantics<arbitrary>], iteration_bounds = array<i64: 27>, scalar_prefetch = 0 : i64, scratch_operands = 3 : i64, tpu.core_type = #tpu.core_type<tc>, window_params = [{transform_indices = @transform_0, window_bounds = array<i64: 64, 32768>}, {pipeline_mode = #tpu.pipeline_mode<synchronous>, transform_indices = @transform_1, window_bounds = array<i64: 64, 1>}, {pipeline_mode = #tpu.pipeline_mode<synchronous>, transform_indices = @transform_2, window_bounds = array<i64: 64, 1>}, {pipeline_mode = #tpu.pipeline_mode<synchronous>, transform_indices = @transform_3, window_bounds = array<i64: 64, 1>}]} {
    %ge3A = arith.constant 26 : i32
    %ge3A_0 = arith.cmpi sge, %arg0, %ge3A : i32
    %add3A = arith.constant 4 : i32
    %add3A_1 = arith.addi %arg0, %add3A : i32
    %select_n3A = arith.select %ge3A_0, %add3A_1, %arg0 : i32
    %iota3A = tpu.iota {dimensions = array<i32: 1>} : vector<64x32768xi32>
    %eq3A = arith.constant 0 : i32
    %eq3A_2 = arith.cmpi eq, %arg0, %eq3A : i32
    %convert_element_type3A = arith.extui %eq3A_2 : i1 to i32
    %cond3A = arith.constant 0 : i32
    %cond3A_3 = arith.cmpi ne, %convert_element_type3A, %cond3A : i32
    scf.if %cond3A_3 {
      %get3A = arith.constant 0 : index
      %get3A_22 = arith.constant 0 : index
      %get3A_23 = vector.load %arg1[%get3A, %get3A_22] : memref<64x32768xf32, #tpu.memory_space<vmem>>, vector<64x32768xf32>
      %reduce_max3A = arith.constant dense<0xFF800000> : vector<64xf32>
      %reduce_max3A_24 = vector.multi_reduction <maximumf>, %get3A_23, %reduce_max3A [1] : vector<64x32768xf32> to vector<64xf32>
      %broadcast_in_dim3A = vector.shape_cast %reduce_max3A_24 : vector<64xf32> to vector<64x1xf32>
      %eq3A_25 = vector.broadcast %broadcast_in_dim3A : vector<64x1xf32> to vector<64x32768xf32>
      %eq3A_26 = arith.cmpf oeq, %get3A_23, %eq3A_25 : vector<64x32768xf32>
      %jit3A = arith.constant 2147483647 : i32
      %broadcast_in_dim3A_27 = vector.broadcast %jit3A : i32 to vector<64x32768xi32>
      %select_n3A_28 = arith.select %eq3A_26, %iota3A, %broadcast_in_dim3A_27 : vector<64x32768xi1>, vector<64x32768xi32>
      %reduce_min3A = arith.constant dense<2147483647> : vector<64xi32>
      %reduce_min3A_29 = vector.multi_reduction <minsi>, %select_n3A_28, %reduce_min3A [1] : vector<64x32768xi32> to vector<64xi32>
      %broadcast_in_dim3A_30 = vector.shape_cast %reduce_min3A_29 : vector<64xi32> to vector<64x1xi32>
      %mul3A = arith.constant 32768 : i32
      %mul3A_31 = arith.muli %select_n3A, %mul3A : i32
      %add3A_32 = vector.broadcast %mul3A_31 : i32 to vector<64x1xi32>
      %add3A_33 = arith.addi %broadcast_in_dim3A_30, %add3A_32 : vector<64x1xi32>
      %sub3A = vector.broadcast %broadcast_in_dim3A : vector<64x1xf32> to vector<64x32768xf32>
      %sub3A_34 = arith.subf %get3A_23, %sub3A : vector<64x32768xf32>
      %exp3A = math.exp %sub3A_34 : vector<64x32768xf32>
      %reduce_sum3A = arith.constant dense<0.000000e+00> : vector<64xf32>
      %reduce_sum3A_35 = vector.multi_reduction <add>, %exp3A, %reduce_sum3A [1] : vector<64x32768xf32> to vector<64xf32>
      %broadcast_in_dim3A_36 = vector.shape_cast %reduce_sum3A_35 : vector<64xf32> to vector<64x1xf32>
      %swap3A = arith.constant 0 : index
      %swap3A_37 = arith.constant 0 : index
      %swap3A_38 = vector.load %arg5[%swap3A, %swap3A_37] : memref<64x1xf32, #tpu.memory_space<vmem>>, vector<64x1xf32>
      tpu.vector_store %arg5[%swap3A, %swap3A_37], %broadcast_in_dim3A {strides = array<i32>} : memref<64x1xf32, #tpu.memory_space<vmem>>, vector<64x1xf32>,
      %swap3A_39 = arith.constant 0 : index
      %swap3A_40 = arith.constant 0 : index
      %swap3A_41 = vector.load %arg6[%swap3A_39, %swap3A_40] : memref<64x1xf32, #tpu.memory_space<vmem>>, vector<64x1xf32>
      tpu.vector_store %arg6[%swap3A_39, %swap3A_40], %broadcast_in_dim3A_36 {strides = array<i32>} : memref<64x1xf32, #tpu.memory_space<vmem>>, vector<64x1xf32>,
      %swap3A_42 = arith.constant 0 : index
      %swap3A_43 = arith.constant 0 : index
      %swap3A_44 = vector.load %arg7[%swap3A_42, %swap3A_43] : memref<64x1xi32, #tpu.memory_space<vmem>>, vector<64x1xi32>
      tpu.vector_store %arg7[%swap3A_42, %swap3A_43], %add3A_33 {strides = array<i32>} : memref<64x1xi32, #tpu.memory_space<vmem>>, vector<64x1xi32>,
    } else {
    }
    %gt3A = arith.constant 0 : i32
    %gt3A_4 = arith.cmpi sgt, %arg0, %gt3A : i32
    %lt3A = arith.constant 26 : i32
    %lt3A_5 = arith.cmpi slt, %arg0, %lt3A : i32
    %and3A = arith.andi %gt3A_4, %lt3A_5 : i1
    %convert_element_type3A_6 = arith.extui %and3A : i1 to i32
    %cond3A_7 = arith.constant 0 : i32
    %cond3A_8 = arith.cmpi ne, %convert_element_type3A_6, %cond3A_7 : i32
    scf.if %cond3A_8 {
      %get3A = arith.constant 0 : index
      %get3A_22 = arith.constant 0 : index
      %get3A_23 = vector.load %arg1[%get3A, %get3A_22] : memref<64x32768xf32, #tpu.memory_space<vmem>>, vector<64x32768xf32>
      %reduce_max3A = arith.constant dense<0xFF800000> : vector<64xf32>
      %reduce_max3A_24 = vector.multi_reduction <maximumf>, %get3A_23, %reduce_max3A [1] : vector<64x32768xf32> to vector<64xf32>
      %broadcast_in_dim3A = vector.shape_cast %reduce_max3A_24 : vector<64xf32> to vector<64x1xf32>
      %eq3A_25 = vector.broadcast %broadcast_in_dim3A : vector<64x1xf32> to vector<64x32768xf32>
      %eq3A_26 = arith.cmpf oeq, %get3A_23, %eq3A_25 : vector<64x32768xf32>
      %jit3A = arith.constant 2147483647 : i32
      %broadcast_in_dim3A_27 = vector.broadcast %jit3A : i32 to vector<64x32768xi32>
      %select_n3A_28 = arith.select %eq3A_26, %iota3A, %broadcast_in_dim3A_27 : vector<64x32768xi1>, vector<64x32768xi32>
      %reduce_min3A = arith.constant dense<2147483647> : vector<64xi32>
      %reduce_min3A_29 = vector.multi_reduction <minsi>, %select_n3A_28, %reduce_min3A [1] : vector<64x32768xi32> to vector<64xi32>
      %broadcast_in_dim3A_30 = vector.shape_cast %reduce_min3A_29 : vector<64xi32> to vector<64x1xi32>
      %mul3A = arith.constant 32768 : i32
      %mul3A_31 = arith.muli %select_n3A, %mul3A : i32
      %add3A_32 = vector.broadcast %mul3A_31 : i32 to vector<64x1xi32>
      %add3A_33 = arith.addi %broadcast_in_dim3A_30, %add3A_32 : vector<64x1xi32>
      %sub3A = vector.broadcast %broadcast_in_dim3A : vector<64x1xf32> to vector<64x32768xf32>
      %sub3A_34 = arith.subf %get3A_23, %sub3A : vector<64x32768xf32>
      %exp3A = math.exp %sub3A_34 : vector<64x32768xf32>
      %reduce_sum3A = arith.constant dense<0.000000e+00> : vector<64xf32>
      %reduce_sum3A_35 = vector.multi_reduction <add>, %exp3A, %reduce_sum3A [1] : vector<64x32768xf32> to vector<64xf32>
      %broadcast_in_dim3A_36 = vector.shape_cast %reduce_sum3A_35 : vector<64xf32> to vector<64x1xf32>
      %get3A_37 = arith.constant 0 : index
      %get3A_38 = arith.constant 0 : index
      %get3A_39 = vector.load %arg5[%get3A_37, %get3A_38] : memref<64x1xf32, #tpu.memory_space<vmem>>, vector<64x1xf32>
      %max3A = arith.maximumf %get3A_39, %broadcast_in_dim3A : vector<64x1xf32>
      %get3A_40 = arith.constant 0 : index
      %get3A_41 = arith.constant 0 : index
      %get3A_42 = vector.load %arg6[%get3A_40, %get3A_41] : memref<64x1xf32, #tpu.memory_space<vmem>>, vector<64x1xf32>
      %sub3A_43 = arith.subf %get3A_39, %max3A : vector<64x1xf32>
      %exp3A_44 = math.exp %sub3A_43 : vector<64x1xf32>
      %mul3A_45 = arith.mulf %get3A_42, %exp3A_44 : vector<64x1xf32>
      %sub3A_46 = arith.subf %broadcast_in_dim3A, %max3A : vector<64x1xf32>
      %exp3A_47 = math.exp %sub3A_46 : vector<64x1xf32>
      %mul3A_48 = arith.mulf %broadcast_in_dim3A_36, %exp3A_47 : vector<64x1xf32>
      %add3A_49 = arith.addf %mul3A_45, %mul3A_48 : vector<64x1xf32>
      %swap3A = arith.constant 0 : index
      %swap3A_50 = arith.constant 0 : index
      %swap3A_51 = vector.load %arg6[%swap3A, %swap3A_50] : memref<64x1xf32, #tpu.memory_space<vmem>>, vector<64x1xf32>
      tpu.vector_store %arg6[%swap3A, %swap3A_50], %add3A_49 {strides = array<i32>} : memref<64x1xf32, #tpu.memory_space<vmem>>, vector<64x1xf32>,
      %swap3A_52 = arith.constant 0 : index
      %swap3A_53 = arith.constant 0 : index
      %swap3A_54 = vector.load %arg5[%swap3A_52, %swap3A_53] : memref<64x1xf32, #tpu.memory_space<vmem>>, vector<64x1xf32>
      tpu.vector_store %arg5[%swap3A_52, %swap3A_53], %max3A {strides = array<i32>} : memref<64x1xf32, #tpu.memory_space<vmem>>, vector<64x1xf32>,
      %gt3A_55 = arith.cmpf ogt, %broadcast_in_dim3A, %get3A_39 : vector<64x1xf32>
      %get3A_56 = arith.constant 0 : index
      %get3A_57 = arith.constant 0 : index
      %get3A_58 = vector.load %arg7[%get3A_56, %get3A_57] : memref<64x1xi32, #tpu.memory_space<vmem>>, vector<64x1xi32>
      %select_n3A_59 = arith.select %gt3A_55, %add3A_33, %get3A_58 : vector<64x1xi1>, vector<64x1xi32>
      %swap3A_60 = arith.constant 0 : index
      %swap3A_61 = arith.constant 0 : index
      %swap3A_62 = vector.load %arg7[%swap3A_60, %swap3A_61] : memref<64x1xi32, #tpu.memory_space<vmem>>, vector<64x1xi32>
      tpu.vector_store %arg7[%swap3A_60, %swap3A_61], %select_n3A_59 {strides = array<i32>} : memref<64x1xi32, #tpu.memory_space<vmem>>, vector<64x1xi32>,
    } else {
    }
    %eq3A_9 = arith.constant 26 : i32
    %eq3A_10 = arith.cmpi eq, %arg0, %eq3A_9 : i32
    %gt3A_11 = arith.constant 0 : i32
    %gt3A_12 = arith.cmpi sgt, %arg0, %gt3A_11 : i32
    %and3A_13 = arith.andi %eq3A_10, %gt3A_12 : i1
    %convert_element_type3A_14 = arith.extui %and3A_13 : i1 to i32
    %cond3A_15 = arith.constant 0 : i32
    %cond3A_16 = arith.cmpi ne, %convert_element_type3A_14, %cond3A_15 : i32
    scf.if %cond3A_16 {
      %get3A = arith.constant 0 : index
      %get3A_22 = arith.constant 0 : index
      %get3A_23 = vector.load %arg1[%get3A, %get3A_22] : memref<64x32768xf32, #tpu.memory_space<vmem>>, vector<64x32768xf32>
      %mul3A = arith.constant 32768 : i32
      %mul3A_24 = arith.muli %select_n3A, %mul3A : i32
      %add3A_25 = vector.broadcast %mul3A_24 : i32 to vector<64x32768xi32>
      %add3A_26 = arith.addi %add3A_25, %iota3A : vector<64x32768xi32>
      %lt3A_27 = arith.constant 1000000 : i32
      %lt3A_28 = vector.broadcast %lt3A_27 : i32 to vector<64x32768xi32>
      %lt3A_29 = arith.cmpi slt, %add3A_26, %lt3A_28 : vector<64x32768xi32>
      %jit3A = arith.constant 0xFF800000 : f32
      %broadcast_in_dim3A = vector.broadcast %jit3A : f32 to vector<64x32768xf32>
      %select_n3A_30 = arith.select %lt3A_29, %get3A_23, %broadcast_in_dim3A : vector<64x32768xi1>, vector<64x32768xf32>
      %reduce_max3A = arith.constant dense<0xFF800000> : vector<64xf32>
      %reduce_max3A_31 = vector.multi_reduction <maximumf>, %select_n3A_30, %reduce_max3A [1] : vector<64x32768xf32> to vector<64xf32>
      %broadcast_in_dim3A_32 = vector.shape_cast %reduce_max3A_31 : vector<64xf32> to vector<64x1xf32>
      %eq3A_33 = vector.broadcast %broadcast_in_dim3A_32 : vector<64x1xf32> to vector<64x32768xf32>
      %eq3A_34 = arith.cmpf oeq, %select_n3A_30, %eq3A_33 : vector<64x32768xf32>
      %jit3A_35 = arith.constant 2147483647 : i32
      %broadcast_in_dim3A_36 = vector.broadcast %jit3A_35 : i32 to vector<64x32768xi32>
      %select_n3A_37 = arith.select %eq3A_34, %iota3A, %broadcast_in_dim3A_36 : vector<64x32768xi1>, vector<64x32768xi32>
      %reduce_min3A = arith.constant dense<2147483647> : vector<64xi32>
      %reduce_min3A_38 = vector.multi_reduction <minsi>, %select_n3A_37, %reduce_min3A [1] : vector<64x32768xi32> to vector<64xi32>
      %broadcast_in_dim3A_39 = vector.shape_cast %reduce_min3A_38 : vector<64xi32> to vector<64x1xi32>
      %mul3A_40 = arith.constant 32768 : i32
      %mul3A_41 = arith.muli %select_n3A, %mul3A_40 : i32
      %add3A_42 = vector.broadcast %mul3A_41 : i32 to vector<64x1xi32>
      %add3A_43 = arith.addi %broadcast_in_dim3A_39, %add3A_42 : vector<64x1xi32>
      %sub3A = vector.broadcast %broadcast_in_dim3A_32 : vector<64x1xf32> to vector<64x32768xf32>
      %sub3A_44 = arith.subf %select_n3A_30, %sub3A : vector<64x32768xf32>
      %exp3A = math.exp %sub3A_44 : vector<64x32768xf32>
      %reduce_sum3A = arith.constant dense<0.000000e+00> : vector<64xf32>
      %reduce_sum3A_45 = vector.multi_reduction <add>, %exp3A, %reduce_sum3A [1] : vector<64x32768xf32> to vector<64xf32>
      %broadcast_in_dim3A_46 = vector.shape_cast %reduce_sum3A_45 : vector<64xf32> to vector<64x1xf32>
      %get3A_47 = arith.constant 0 : index
      %get3A_48 = arith.constant 0 : index
      %get3A_49 = vector.load %arg5[%get3A_47, %get3A_48] : memref<64x1xf32, #tpu.memory_space<vmem>>, vector<64x1xf32>
      %max3A = arith.maximumf %get3A_49, %broadcast_in_dim3A_32 : vector<64x1xf32>
      %get3A_50 = arith.constant 0 : index
      %get3A_51 = arith.constant 0 : index
      %get3A_52 = vector.load %arg6[%get3A_50, %get3A_51] : memref<64x1xf32, #tpu.memory_space<vmem>>, vector<64x1xf32>
      %sub3A_53 = arith.subf %get3A_49, %max3A : vector<64x1xf32>
      %exp3A_54 = math.exp %sub3A_53 : vector<64x1xf32>
      %mul3A_55 = arith.mulf %get3A_52, %exp3A_54 : vector<64x1xf32>
      %sub3A_56 = arith.subf %broadcast_in_dim3A_32, %max3A : vector<64x1xf32>
      %exp3A_57 = math.exp %sub3A_56 : vector<64x1xf32>
      %mul3A_58 = arith.mulf %broadcast_in_dim3A_46, %exp3A_57 : vector<64x1xf32>
      %add3A_59 = arith.addf %mul3A_55, %mul3A_58 : vector<64x1xf32>
      %swap3A = arith.constant 0 : index
      %swap3A_60 = arith.constant 0 : index
      %swap3A_61 = vector.load %arg6[%swap3A, %swap3A_60] : memref<64x1xf32, #tpu.memory_space<vmem>>, vector<64x1xf32>
      tpu.vector_store %arg6[%swap3A, %swap3A_60], %add3A_59 {strides = array<i32>} : memref<64x1xf32, #tpu.memory_space<vmem>>, vector<64x1xf32>,
      %swap3A_62 = arith.constant 0 : index
      %swap3A_63 = arith.constant 0 : index
      %swap3A_64 = vector.load %arg5[%swap3A_62, %swap3A_63] : memref<64x1xf32, #tpu.memory_space<vmem>>, vector<64x1xf32>
      tpu.vector_store %arg5[%swap3A_62, %swap3A_63], %max3A {strides = array<i32>} : memref<64x1xf32, #tpu.memory_space<vmem>>, vector<64x1xf32>,
      %gt3A_65 = arith.cmpf ogt, %broadcast_in_dim3A_32, %get3A_49 : vector<64x1xf32>
      %get3A_66 = arith.constant 0 : index
      %get3A_67 = arith.constant 0 : index
      %get3A_68 = vector.load %arg7[%get3A_66, %get3A_67] : memref<64x1xi32, #tpu.memory_space<vmem>>, vector<64x1xi32>
      %select_n3A_69 = arith.select %gt3A_65, %add3A_43, %get3A_68 : vector<64x1xi1>, vector<64x1xi32>
      %swap3A_70 = arith.constant 0 : index
      %swap3A_71 = arith.constant 0 : index
      %swap3A_72 = vector.load %arg7[%swap3A_70, %swap3A_71] : memref<64x1xi32, #tpu.memory_space<vmem>>, vector<64x1xi32>
      tpu.vector_store %arg7[%swap3A_70, %swap3A_71], %select_n3A_69 {strides = array<i32>} : memref<64x1xi32, #tpu.memory_space<vmem>>, vector<64x1xi32>,
    } else {
    }
    %eq3A_17 = arith.constant 26 : i32
    %eq3A_18 = arith.cmpi eq, %arg0, %eq3A_17 : i32
    %convert_element_type3A_19 = arith.extui %eq3A_18 : i1 to i32
    %cond3A_20 = arith.constant 0 : i32
    %cond3A_21 = arith.cmpi ne, %convert_element_type3A_19, %cond3A_20 : i32
    scf.if %cond3A_21 {
      %get3A = arith.constant 0 : index
      %get3A_22 = arith.constant 0 : index
      %get3A_23 = vector.load %arg5[%get3A, %get3A_22] : memref<64x1xf32, #tpu.memory_space<vmem>>, vector<64x1xf32>
      %swap3A = arith.constant 0 : index
      %swap3A_24 = arith.constant 0 : index
      %swap3A_25 = vector.load %arg2[%swap3A, %swap3A_24] : memref<64x1xf32, #tpu.memory_space<vmem>>, vector<64x1xf32>
      tpu.vector_store %arg2[%swap3A, %swap3A_24], %get3A_23 {strides = array<i32>} : memref<64x1xf32, #tpu.memory_space<vmem>>, vector<64x1xf32>,
      %get3A_26 = arith.constant 0 : index
      %get3A_27 = arith.constant 0 : index
      %get3A_28 = vector.load %arg6[%get3A_26, %get3A_27] : memref<64x1xf32, #tpu.memory_space<vmem>>, vector<64x1xf32>
      %swap3A_29 = arith.constant 0 : index
      %swap3A_30 = arith.constant 0 : index
      %swap3A_31 = vector.load %arg3[%swap3A_29, %swap3A_30] : memref<64x1xf32, #tpu.memory_space<vmem>>, vector<64x1xf32>
      tpu.vector_store %arg3[%swap3A_29, %swap3A_30], %get3A_28 {strides = array<i32>} : memref<64x1xf32, #tpu.memory_space<vmem>>, vector<64x1xf32>,
      %get3A_32 = arith.constant 0 : index
      %get3A_33 = arith.constant 0 : index
      %get3A_34 = vector.load %arg7[%get3A_32, %get3A_33] : memref<64x1xi32, #tpu.memory_space<vmem>>, vector<64x1xi32>
      %swap3A_35 = arith.constant 0 : index
      %swap3A_36 = arith.constant 0 : index
      %swap3A_37 = vector.load %arg4[%swap3A_35, %swap3A_36] : memref<64x1xi32, #tpu.memory_space<vmem>>, vector<64x1xi32>
      tpu.vector_store %arg4[%swap3A_35, %swap3A_36], %get3A_34 {strides = array<i32>} : memref<64x1xi32, #tpu.memory_space<vmem>>, vector<64x1xi32>,
    } else {
    }
    return
  }
  func.func @transform_0(%arg0: i32) -> (i32, i32) {
    %ge3A = arith.constant 26 : i32
    %ge3A_0 = arith.cmpi sge, %arg0, %ge3A : i32
    %add3A = arith.constant 4 : i32
    %add3A_1 = arith.addi %arg0, %add3A : i32
    %select_n3A = arith.select %ge3A_0, %add3A_1, %arg0 : i32
    %c0_i32 = arith.constant 0 : i32
    %c0_i32_2 = arith.constant 0 : i32
    return %c0_i32, %select_n3A : i32, i32
  }
  func.func @transform_1(%arg0: i32) -> (i32, i32) {
    %c0_i32 = arith.constant 0 : i32
    %c0_i32_0 = arith.constant 0 : i32
    %c0_i32_1 = arith.constant 0 : i32
    return %c0_i32, %c0_i32_0 : i32, i32
  }
  func.func @transform_2(%arg0: i32) -> (i32, i32) {
    %c0_i32 = arith.constant 0 : i32
    %c0_i32_0 = arith.constant 0 : i32
    %c0_i32_1 = arith.constant 0 : i32
    return %c0_i32, %c0_i32_0 : i32, i32
  }
  func.func @transform_3(%arg0: i32) -> (i32, i32) {
    %c0_i32 = arith.constant 0 : i32
    %c0_i32_0 = arith.constant 0 : i32
    %c0_i32_1 = arith.constant 0 : i32
    return %c0_i32, %c0_i32_0 : i32, i32
  }
}

</mosaic_0001>

<sc_bundles>
// kernel: kernel.6.cloned.1.call-start
scs
__scs_entry_jumppad:
0x0: {  	(pc) =	sbr.rel $0x88, $3  }
0x1: {  	(tag) =	ssettag $0x0;
	lr =	simm.s32 $0x1  }
0x2: {  	[smem:$0x3F9F] =	sst lr;
	_ =	strace $0xD0000000  }
0x3: {  	_ = 	snop  }
0x4: {  	_ = 	snop  }
0x5: {  	_ = 	snop  }
0x6: {  	_ = 	snop  }
0x7: {  	_ = 	snop  }
__scs_overlays_trampoline_lowered:
0x8: {  	[smem:$0x3FAE] =	sst s0  }
0x9: {  	[smem:$0x3FAF] =	sst s1  }
0xa: {  	[smem:$0x3FB0] =	sst s2  }
0xb: {  	[smem:$0x3FB1] =	sst s3  }
0xc: {  	[smem:$0x3FB2] =	sst s4  }
0xd: {  	[smem:$0x3FB3] =	sst s5  }
0xe: {  	[smem:$0x3FB4] =	sst s6  }
0xf: {  	[smem:$0x3FB5] =	sst s7  }
0x10: {  	[smem:$0x3FB6] =	sst s8  }
0x11: {  	[smem:$0x3FB7] =	sst s9;
	s0 =	simm.s32 @!p0 $0x0  }
0x12: {  	s1 =	sld [smem:$0x3F9D];
	s0 =	simm.s32 @p0 $0x1  }
0x13: {  	[smem:$0x3FB8] =	sst s0;
	s0 =	simm.s32 @!p1 $0x0  }
0x14: {  	s2 =	sld [smem:$0x3F9C];
	s0 =	simm.s32 @p1 $0x1  }
0x15: {  	[smem:$0x3FB9] =	sst s0;
	s0 =	simm.s32 @!p2 $0x0  }
0x16: {  	s3 =	sld [smem:$0x3FDB];
	s0 =	simm.s32 @p2 $0x1  }
0x17: {  	s4 =	simm.s32 $0x1BF5;
	[smem:$0x3FBB] =	sst s0  }
0x18: {  	s0 =	sld [smem:$0x3F9E];
	_ =	swait.ge [sflag:s4], $0x0  }
0x19: {  	s7 =	sld [smem:$0x3F9F]  }
0x1a: {  	s8 =	sadd.s32 $0xFFFFE003, lr  }
0x1b: {  	s9 =	sadd.s32 $0xFFFFFEF7, lr;
	s5 =	simm.s32 $0xFFFFFFFF;
	p2 =	slt.u32 s8, $0xFFFFF086  }
0x1c: {  	p1 =	slt.u32 s9, $0xF7A;
	s5 =	simm.s32 @!p2 $0x0  }
0x1d: {  	s5 =	simm.s32 @p1 $0x1;
	p0 =	seq.s32 s7, s2  }
0x1e: {  	s7 =	smul.u32 @!p0 $0xF7A, s2;
	p2 =	seq.s32 @!p0 s5, $0x0  }
0x1f: {  	s9 =	smul.u32 $0xF7A, s1;
	s8 =	simm.s32 @!p0 $0x1BF5;
	p2 =	por !p2, p0  }
0x20: {  	[sflag:s8] =	ssyncset.s32 @!p0 $0xFFFFF086;
	s6 =	sadd.s32 @!p0 s3, s7;
	s7 =	simm.s32 @!p0 $0x108  }
0x21: {  	s3 =	sadd.s32 s3, s9;
	s6 =	sadd.s32 @!p0 $0x88, s6;
	s7 =	simm.s32 @p2 $0x1082  }
0x22: {  	[simem:s7], [sflag:s8] =	dma.local @!p0 [hbm:s6], $0xF7A  }
0x23: {  	s9 =	sor.u32 $0xD0000000, s2;
	s6 =	simm.s32 $0x108;
	_ =	swait.ge @!p0 [sflag:s8], $0x0  }
0x24: {  	s3 =	sadd.s32 $0x88, s3;
	s6 =	simm.s32 @!p1 $0x1082;
	[sflag:s4] =	ssyncset.s32 $0xFFFFF086  }
0x25: {  	[simem:s6], [sflag:s4] =	dma.local [hbm:s3], $0xF7A  }
0x26: {  	[smem:$0x3F9F] =	sst s1;
	(tag) =	ssettag s2;
	_ =	strace s9  }
0x27: {  	s1 =	sld [smem:$0x3FAF]  }
0x28: {  	s2 =	sld [smem:$0x3FB0]  }
0x29: {  	s4 =	sld [smem:$0x3FB2]  }
0x2a: {  	p0 =	seq.s32 s5, $0x0;
	s5 =	sld [smem:$0x3FB3]  }
0x2b: {  	s6 =	sld [smem:$0x3FB4]  }
0x2c: {  	s7 =	sld [smem:$0x3FB5]  }
0x2d: {  	s3 =	simm.s32 $0x108;
	s8 =	sld [smem:$0x3FB6]  }
0x2e: {  	s3 =	simm.s32 @!p0 $0x1082;
	s9 =	sld [smem:$0x3FB7]  }
0x2f: {  	lr =	sadd.s32 s0, s3;
	s0 =	sld [smem:$0x3FAE]  }
0x30: {  	s3 =	sld [smem:$0x3FB1]  }
0x31: {  	[smem:$0x3FBA] =	sst s10  }
0x32: {  	s10 =	sld [smem:$0x3FB8];
	_ =	sdelay $0x3  }
0x33: {  	p0 =	seq.s32 s10, $0x1;
	s10 =	sld [smem:$0x3FBA];
	_ =	sdelay $0x3  }
0x34: {  	[smem:$0x3FBA] =	sst s10  }
0x35: {  	s10 =	sld [smem:$0x3FB9];
	_ =	sdelay $0x3  }
0x36: {  	p1 =	seq.s32 s10, $0x1;
	s10 =	sld [smem:$0x3FBA];
	_ =	sdelay $0x3  }
0x37: {  	[smem:$0x3FBA] =	sst s10  }
0x38: {  	s10 =	sld [smem:$0x3FBB]  }
0x39: {  	_ = 	snop;
	(pc) =	sbr.ind lr, $3  }
0x3a: {  	_ = 	snop  }
0x3b: {  	_ = 	snop  }
0x3c: {  	p2 =	seq.s32 s10, $0x1;
	s10 =	sld [smem:$0x3FBA]  }
0x3d: {  	_ =	shalt  }
0x3e: {  	_ =	shalt  }
0x3f: {  	_ =	shalt  }
0x40: {  	_ =	shalt  }
0x41: {  	_ =	shalt  }
0x42: {  	_ =	shalt  }
0x43: {  	_ =	shalt  }
0x44: {  	_ =	shalt  }
0x45: {  	_ =	shalt  }
0x46: {  	_ =	shalt  }
0x47: {  	_ =	shalt  }
0x48: {  	_ =	shalt  }
0x49: {  	_ =	shalt  }
0x4a: {  	_ =	shalt  }
0x4b: {  	_ =	shalt  }
0x4c: {  	_ =	shalt  }
0x4d: {  	_ =	shalt  }
0x4e: {  	_ =	shalt  }
0x4f: {  	_ =	shalt  }
0x50: {  	_ =	shalt  }
0x51: {  	_ =	shalt  }
0x52: {  	_ =	shalt  }
0x53: {  	_ =	shalt  }
0x54: {  	_ =	shalt  }
0x55: {  	_ =	shalt  }
0x56: {  	_ =	shalt  }
0x57: {  	_ =	shalt  }
0x58: {  	_ =	shalt  }
0x59: {  	_ =	shalt  }
0x5a: {  	_ =	shalt  }
0x5b: {  	_ =	shalt  }
0x5c: {  	_ =	shalt  }
0x5d: {  	_ =	shalt  }
0x5e: {  	_ =	shalt  }
0x5f: {  	_ =	shalt  }
0x60: {  	_ =	shalt  }
0x61: {  	_ =	shalt  }
0x62: {  	_ =	shalt  }
0x63: {  	_ =	shalt  }
0x64: {  	_ =	shalt  }
0x65: {  	_ =	shalt  }
0x66: {  	_ =	shalt  }
0x67: {  	_ =	shalt  }
0x68: {  	_ =	shalt  }
0x69: {  	_ =	shalt  }
0x6a: {  	_ =	shalt  }
0x6b: {  	_ =	shalt  }
0x6c: {  	_ =	shalt  }
0x6d: {  	_ =	shalt  }
0x6e: {  	_ =	shalt  }
0x6f: {  	_ =	shalt  }
0x70: {  	_ =	shalt  }
0x71: {  	_ =	shalt  }
0x72: {  	_ =	shalt  }
0x73: {  	_ =	shalt  }
0x74: {  	_ =	shalt  }
0x75: {  	_ =	shalt  }
0x76: {  	_ =	shalt  }
0x77: {  	_ =	shalt  }
0x78: {  	_ =	shalt  }
0x79: {  	_ =	shalt  }
0x7a: {  	_ =	shalt  }
0x7b: {  	_ =	shalt  }
0x7c: {  	_ =	shalt  }
0x7d: {  	_ =	shalt  }
0x7e: {  	_ =	shalt  }
0x7f: {  	_ =	shalt  }
0x80: {  	_ =	shalt  }
0x81: {  	_ =	shalt  }
0x82: {  	_ =	shalt  }
0x83: {  	_ =	shalt  }
0x84: {  	_ =	shalt  }
0x85: {  	_ =	shalt  }
0x86: {  	_ =	shalt  }
0x87: {  	_ =	shalt  }
.Lfunc_end0:
.L_simem_size_0:
called_computation_lowered:
.L_overlay_start_0:
0x88: {  	s2 =	sld [smem:$0x3FD9]  }
0x89: {  	s3 =	sld [smem:$0x3FFE];
	_ =	sdelay $0x1  }
0x8a: {  	s1 =	srdreg.scid  }
0x8b: {  	s0 =	sand.u32 $0x1, s1  }
0x8c: {  	s17 =	sshll.u32 s0, $0xA;
	s2 =	sadd.s32 s3, s2  }
0x8d: {  	s2 =	sadd.s32 s2, s17  }
0x8e: {  	[smem:$0x3FC6] =	sst s2  }
0x8f: {  	_ = 	snop  }
0x90: {  	s2 =	sld [smem:$0x3FC9]  }
0x91: {  	s18 =	sld [smem:$0x3FC8];
	(tm) =	ssettm $0x1  }
0x92: {  	s4 =	sld [smem:$0x3FFB];
	_ =	sdelay $0x3  }
0x93: {  	_ =	strace s4  }
0x94: {  	s4 =	sld [smem:$0x3FFC];
	_ =	sdelay $0x3  }
0x95: {  	_ =	strace s4  }
0x96: {  	s4 =	sld [smem:$0x3FFD];
	_ =	sdelay $0x3  }
0x97: {  	_ =	strace s4  }
0x98: {  	_ =	strace $0x8FFFFFFF  }
0x99: {  	s19 =	sld [smem:$0x3FDB];
	_ =	sdelay $0x1  }
0x9a: {  	s5 =	simm.s32 $_scs_section_size  }
0x9b: {  	s6 =	simm.s32 $_size__tile_overlayer_lowered;
	s7 =	simm.s32 $_tile_overlayer_lowered  }
0x9c: {  	s22 =	simm.s32 $0x1BFF;
	s21 =	sshll.u32 s7, $0x1;
	s4 =	sadd.s32 s5, s19  }
0x9d: {  	s8 =	simm.s32 $0x0;
	s20 =	sshll.u32 s6, $0x1;
	s6 =	sadd.s32 s21, s4  }
0x9e: {  	[timem:s8], [sflag:s22] =	dma.local [hbm:s6], s20  }
0x9f: {  	_ =	swait.ge [sflag:s22], s20  }
0xa0: {  	s5 =	ssub.s32 $0x0, s20;
	[sflag:s22] =	ssyncset.done $0x0  }
0xa1: {  	[sflag:s22] =	ssyncadd.s32 s5;
	_ =	sdelay $0x1  }
0xa2: {  	s23 =	simm.s32 $0x1B8B  }
0xa3: {  	_ =	swait.ge [sflag:s23], $0x1  }
0xa4: {  	[sflag:s23] =	ssyncset.done $0x0  }
0xa5: {  	s25 =	simm.s32 $0x1B8E;
	s24 =	sld [smem:$0x3FFE];
	[sflag:s23] =	ssyncadd.s32 $0xFFFFFFFF  }
0xa6: {  	s26 =	simm.s32 $execute0_lowered;
	[smem:$0x3FD2] =	sst s25  }
0xa7: {  	s6 =	sshll.u32 s26, $0x1;
	_ =	strace $0x80000046;
	[dreg:$0x1] =	wrdreg $0xFFFFFFFF  }
0xa8: {  	s28 =	simm.s32 $_size_execute0_lowered;
	s4 =	sadd.s32 s4, s6;
	[dreg:$0x0] =	wrdreg $0x0  }
0xa9: {  	s6 =	sshll.u32 s28, $0x1;
	[dreg:$0x2] =	wrdreg s4  }
0xaa: {  	[dreg:$0x3] =	wrdreg s6  }
0xab: {  	[dreg:$0x4] =	wrdreg $0xC0  }
0xac: {  	_ =	task [dreg:s8], $0x5FFFF  }
0xad: {  	[dreg:$0x1] =	wrdreg $0xFFFFFFFF  }
0xae: {  	[dreg:$0x0] =	wrdreg $0x60  }
0xaf: {  	[dreg:$0x2] =	wrdreg s2  }
0xb0: {  	[dreg:$0x3] =	wrdreg s18  }
0xb1: {  	[dreg:$0x4] =	wrdreg s24  }
0xb2: {  	[dreg:$0x5] =	wrdreg $0x9  }
0xb3: {  	_ =	task.clear_ibuf [dreg:s8], $0x6FFFF;
	_ =	strace $0x90000046  }
0xb4: {  	s29 =	simm.s32 $0x9;
	_ =	strace $0x80000048  }
0xb5: {  	_ =	swait.ge [sflag:s29], $0x1  }
0xb6: {  	[sflag:s29] =	ssyncadd.s32 $0xFFFFFFFF  }
0xb7: {  	_ =	strace $0x90000048  }
0xb8: {  	_ =	sfence  }
0xb9: {  	s30 =	sld [smem:$0x0];
	_ =	sdelay $0x2  }
0xba: {  	s31 =	sshll.u32 s1, $0xD;
	s1 =	sshrl.u32 s1, $0x2  }
0xbb: {  	s3 =	sand.u32 $0x4000, s31;
	s1 =	sadd.s32 s1, s30  }
0xbc: {  	s0 =	sor.u32 s3, s0;
	s1 =	sshll.u32 s1, $0x11  }
0xbd: {  	s0 =	sor.u32 s1, s0  }
0xbe: {  	s0 =	sadd.s32 $0x8F2B, s0  }
0xbf: {  	[sflag:s0] =	ssyncadd.remote.s32 $0x1  }
0xc0: {  	_ =	sfence.sel $0xFFFF  }
0xc1: {  	[dreg:$0x0] =	wrdreg $0xFFFFFFFF;
	(pc) =	sbr.abs _section_cstart, $3  }
0xc2: {  	[dreg:$0x1] =	wrdreg $0xFFFFFFFF  }
0xc3: {  	_ =	task.clear_ibuf [dreg:s8], $0x2FFFF;
	_ =	strace $0x9FFFFFFF  }
0xc4: {  	(tm) =	ssettm $0x7FFFFFFF  }
0xc5: {  	_ =	shalt  }
tec
execute0_lowered:
.L_overlay_start_1:
0x0: {  	(tag) =	ssettag $0x1  }
0x1: {  	s2 =	stileid.u32  }
0x2: {  	p0 =	sgt.u32 s2, $0x1  }
.Ltmp0:
0x3: {  	s1 =	rddreg [dreg:$0x0];
	(pc) =	sbr.rel @p0 .LBB2_3-.Ltmp0, $4  }
0x4: {  	s4 =	rddreg [dreg:$0x1]  }
0x5: {  	s5 =	rddreg [dreg:$0x2];
	s3 =	simm.s32 $0x0  }
0x6: {  	[smem:$0x7FF] =	sst s3  }
0x7: {  	s0 =	rddreg [dreg:$0x3];
	_ =	strace $0x80000047  }
0x8: {  	s13 =	simm.s32 $0x80  }
0x9: {  	s14 =	simm.s32 $0x480;
	[dreg:$0x6] =	wrdreg s13  }
0xa: {  	s15 =	simm.s32 $0x880;
	[dreg:$0x7] =	wrdreg s14  }
0xb: {  	s16 =	simm.s32 $0xC80;
	[dreg:$0x8] =	wrdreg s15  }
0xc: {  	s17 =	simm.s32 $0x1080;
	[dreg:$0x9] =	wrdreg s16  }
0xd: {  	s18 =	simm.s32 $0x1480;
	[dreg:$0xa] =	wrdreg s17  }
0xe: {  	s19 =	simm.s32 $0x1880;
	[dreg:$0xb] =	wrdreg s18  }
0xf: {  	s20 =	simm.s32 $0x1C80;
	[dreg:$0xc] =	wrdreg s19  }
0x10: {  	s21 =	simm.s32 $0x2080;
	[dreg:$0xd] =	wrdreg s20  }
0x11: {  	s22 =	simm.s32 $0x2480;
	[dreg:$0xe] =	wrdreg s21  }
0x12: {  	s23 =	simm.s32 $0x2880;
	[dreg:$0xf] =	wrdreg s22  }
0x13: {  	s24 =	simm.s32 $0x2C80;
	[dreg:$0x10] =	wrdreg s23  }
0x14: {  	s25 =	simm.s32 $0x3080;
	[dreg:$0x11] =	wrdreg s24  }
0x15: {  	s6 =	srdreg.scid;
	s26 =	simm.s32 $0x3480;
	[dreg:$0x12] =	wrdreg s25  }
0x16: {  	s7 =	sshll.u32 s2, $0x1;
	s28 =	simm.s32 $0x3880;
	[dreg:$0x13] =	wrdreg s26  }
0x17: {  	s30 =	simm.s32 $0x3C80;
	s6 =	sand.u32 $0x1, s6;
	[dreg:$0x14] =	wrdreg s28  }
0x18: {  	s31 =	simm.s32 $0x4080;
	[dreg:$0x15] =	wrdreg s30;
	s7 =	sor.u32 s6, s7  }
0x19: {  	s6 =	ssub.s32 $0x2, s6;
	s8 =	sshll.u32 s7, $0x8;
	s12 =	sshll.u32 s7, $0x1  }
0x1a: {  	s29 =	sshrl.u32 s6, $0x1;
	s5 =	sadd.s32 s8, s5;
	s4 =	sadd.s32 s4, s12  }
0x1b: {  	s6 =	ssub.s32 s6, s29;
	[dreg:$0x5] =	wrdreg s4;
	s4 =	smul.u32 $0xF42800, s7  }
0x1c: {  	[dreg:$0x16] =	wrdreg s31;
	s5 =	sadd.s32 $0x1A00, s5;
	s6 =	smax.u32 s6, $0x1  }
0x1d: {  	s7 =	simm.s32 $0x1;
	[dreg:$0x4] =	wrdreg s5;
	s5 =	sadd.s32 $0x7A1400, s4  }
.LBB2_2:
0x1e: {  	s8 =	rddreg [dreg:$0x5]  }
0x1f: {  	[tilespmem:s3], [sflag:$0x1] =	stream.linear.gather [hbm4b:s8+s3], $0x10, $0x38;
	[tilespmem:$0x4880] =	vst v63  }
0x20: {  	_ =	swait.ge [sflag:s7], $0x10  }
0x21: {  	[sflag:s7] =	ssyncset.done $0x0  }
0x22: {  	[sflag:s7] =	ssyncadd.s32 $0xFFFFFFF0  }
0x23: {  	v0 =	vld [tilespmem:$0x0];
	_ =	sdelay $0x4  }
0x24: {  	v0 =	vshll.u32 v0, $0x3  }
0x25: {  	(v2sf) =	vpush v0, $0x0;
	_ =	sdelay $0xe  }
0x26: {  	s20 =	spop (v2sf)  }
0x27: {  	s8 =	sand.u32 $0x7FFFFC00, s20  }
0x28: {  	s8 =	sadd.s32 s4, s8  }
0x29: {  	s8 =	sshrl.u32 s8, $0x3  }
0x2a: {  	s9 =	rddreg [dreg:$0x6];
	s8 =	sadd.s32 s1, s8  }
0x2b: {  	[tilespmem:s9], [sflag:$0x1] =	stream.linear.gather [hbm4b:s8+s3], $0x400, $0x38;
	[tilespmem:$0x4880] =	vst v63  }
0x2c: {  	_ =	swait.ge [sflag:s7], $0x400  }
0x2d: {  	(v2sf) =	vpush v0, $0x1;
	_ =	sdelay $0x4  }
0x2e: {  	[sflag:s7] =	ssyncset.done $0x0  }
0x2f: {  	[sflag:s7] =	ssyncadd.s32 $0xFFFFFC00  }
0x30: {  	v1 =	vld [tilespmem:$0x80]  }
0x31: {  	v2 =	vld [tilespmem:$0x90]  }
0x32: {  	v3 =	vld [tilespmem:$0xA0]  }
0x33: {  	v4 =	vld [tilespmem:$0xB0]  }
0x34: {  	v5 =	vld [tilespmem:$0xC0]  }
0x35: {  	v56 =	vld [tilespmem:$0xD0];
	[tilespmem:$0x4080] =	vst v1  }
0x36: {  	v57 =	vld [tilespmem:$0xE0];
	[tilespmem:$0x4090] =	vst v2  }
0x37: {  	v58 =	vld [tilespmem:$0xF0];
	[tilespmem:$0x40A0] =	vst v3  }
0x38: {  	[tilespmem:$0x40B0] =	vst v4;
	s21 =	spop (v2sf)  }
0x39: {  	[tilespmem:$0x40C0] =	vst v5;
	s8 =	sand.u32 $0x7FFFFC00, s21  }
0x3a: {  	[tilespmem:$0x40D0] =	vst v56;
	s8 =	sadd.s32 s4, s8  }
0x3b: {  	[tilespmem:$0x40E0] =	vst v57;
	s8 =	sshrl.u32 s8, $0x3  }
0x3c: {  	s22 =	rddreg [dreg:$0x7];
	[tilespmem:$0x40F0] =	vst v58;
	s8 =	sadd.s32 s1, s8  }
0x3d: {  	[tilespmem:s22], [sflag:$0x1] =	stream.linear.gather [hbm4b:s8+s3], $0x400, $0x38;
	[tilespmem:$0x4880] =	vst v63  }
0x3e: {  	_ =	swait.ge [sflag:s7], $0x400  }
0x3f: {  	(v2sf) =	vpush v0, $0x2;
	_ =	sdelay $0x4  }
0x40: {  	[sflag:s7] =	ssyncset.done $0x0  }
0x41: {  	[sflag:s7] =	ssyncadd.s32 $0xFFFFFC00  }
0x42: {  	v59 =	vld [tilespmem:$0x500]  }
0x43: {  	v60 =	vld [tilespmem:$0x510]  }
0x44: {  	v61 =	vld [tilespmem:$0x520]  }
0x45: {  	v62 =	vld [tilespmem:$0x530]  }
0x46: {  	v63 =	vld [tilespmem:$0x540]  }
0x47: {  	v7 =	vld [tilespmem:$0x550];
	[tilespmem:$0x4100] =	vst v59  }
0x48: {  	v8 =	vld [tilespmem:$0x560];
	[tilespmem:$0x4110] =	vst v60  }
0x49: {  	v9 =	vld [tilespmem:$0x570];
	[tilespmem:$0x4120] =	vst v61  }
0x4a: {  	[tilespmem:$0x4130] =	vst v62;
	s23 =	spop (v2sf)  }
0x4b: {  	[tilespmem:$0x4140] =	vst v63;
	s8 =	sand.u32 $0x7FFFFC00, s23  }
0x4c: {  	[tilespmem:$0x4150] =	vst v7;
	s8 =	sadd.s32 s4, s8  }
0x4d: {  	[tilespmem:$0x4160] =	vst v8;
	s8 =	sshrl.u32 s8, $0x3  }
0x4e: {  	s24 =	rddreg [dreg:$0x8];
	[tilespmem:$0x4170] =	vst v9;
	s8 =	sadd.s32 s1, s8  }
0x4f: {  	[tilespmem:s24], [sflag:$0x1] =	stream.linear.gather [hbm4b:s8+s3], $0x400, $0x38;
	[tilespmem:$0x4880] =	vst v63  }
0x50: {  	_ =	swait.ge [sflag:s7], $0x400  }
0x51: {  	(v2sf) =	vpush v0, $0x3;
	_ =	sdelay $0x4  }
0x52: {  	[sflag:s7] =	ssyncset.done $0x0  }
0x53: {  	[sflag:s7] =	ssyncadd.s32 $0xFFFFFC00  }
0x54: {  	v10 =	vld [tilespmem:$0x980]  }
0x55: {  	v11 =	vld [tilespmem:$0x990]  }
0x56: {  	v12 =	vld [tilespmem:$0x9A0]  }
0x57: {  	v13 =	vld [tilespmem:$0x9B0]  }
0x58: {  	v14 =	vld [tilespmem:$0x9C0]  }
0x59: {  	v15 =	vld [tilespmem:$0x9D0];
	[tilespmem:$0x4180] =	vst v10  }
0x5a: {  	v16 =	vld [tilespmem:$0x9E0];
	[tilespmem:$0x4190] =	vst v11  }
0x5b: {  	v17 =	vld [tilespmem:$0x9F0];
	[tilespmem:$0x41A0] =	vst v12  }
0x5c: {  	[tilespmem:$0x41B0] =	vst v13;
	s25 =	spop (v2sf)  }
0x5d: {  	[tilespmem:$0x41C0] =	vst v14;
	s8 =	sand.u32 $0x7FFFFC00, s25  }
0x5e: {  	[tilespmem:$0x41D0] =	vst v15;
	s8 =	sadd.s32 s4, s8  }
0x5f: {  	[tilespmem:$0x41E0] =	vst v16;
	s8 =	sshrl.u32 s8, $0x3  }
0x60: {  	s26 =	rddreg [dreg:$0x9];
	[tilespmem:$0x41F0] =	vst v17;
	s8 =	sadd.s32 s1, s8  }
0x61: {  	[tilespmem:s26], [sflag:$0x1] =	stream.linear.gather [hbm4b:s8+s3], $0x400, $0x38;
	[tilespmem:$0x4880] =	vst v63  }
0x62: {  	_ =	swait.ge [sflag:s7], $0x400  }
0x63: {  	(v2sf) =	vpush v0, $0x4;
	_ =	sdelay $0x4  }
0x64: {  	[sflag:s7] =	ssyncset.done $0x0  }
0x65: {  	[sflag:s7] =	ssyncadd.s32 $0xFFFFFC00  }
0x66: {  	v18 =	vld [tilespmem:$0xE00]  }
0x67: {  	v19 =	vld [tilespmem:$0xE10]  }
0x68: {  	v20 =	vld [tilespmem:$0xE20]  }
0x69: {  	v21 =	vld [tilespmem:$0xE30]  }
0x6a: {  	v22 =	vld [tilespmem:$0xE40]  }
0x6b: {  	v23 =	vld [tilespmem:$0xE50];
	[tilespmem:$0x4200] =	vst v18  }
0x6c: {  	v24 =	vld [tilespmem:$0xE60];
	[tilespmem:$0x4210] =	vst v19  }
0x6d: {  	v25 =	vld [tilespmem:$0xE70];
	[tilespmem:$0x4220] =	vst v20  }
0x6e: {  	[tilespmem:$0x4230] =	vst v21;
	s28 =	spop (v2sf)  }
0x6f: {  	[tilespmem:$0x4240] =	vst v22;
	s8 =	sand.u32 $0x7FFFFC00, s28  }
0x70: {  	[tilespmem:$0x4250] =	vst v23;
	s8 =	sadd.s32 s4, s8  }
0x71: {  	[tilespmem:$0x4260] =	vst v24;
	s8 =	sshrl.u32 s8, $0x3  }
0x72: {  	s29 =	rddreg [dreg:$0xa];
	[tilespmem:$0x4270] =	vst v25;
	s8 =	sadd.s32 s1, s8  }
0x73: {  	[tilespmem:s29], [sflag:$0x1] =	stream.linear.gather [hbm4b:s8+s3], $0x400, $0x38;
	[tilespmem:$0x4880] =	vst v63  }
0x74: {  	_ =	swait.ge [sflag:s7], $0x400  }
0x75: {  	(v2sf) =	vpush v0, $0x5;
	_ =	sdelay $0x4  }
0x76: {  	[sflag:s7] =	ssyncset.done $0x0  }
0x77: {  	[sflag:s7] =	ssyncadd.s32 $0xFFFFFC00  }
0x78: {  	v26 =	vld [tilespmem:$0x1280]  }
0x79: {  	v27 =	vld [tilespmem:$0x1290]  }
0x7a: {  	v28 =	vld [tilespmem:$0x12A0]  }
0x7b: {  	v29 =	vld [tilespmem:$0x12B0]  }
0x7c: {  	v30 =	vld [tilespmem:$0x12C0]  }
0x7d: {  	v31 =	vld [tilespmem:$0x12D0];
	[tilespmem:$0x4280] =	vst v26  }
0x7e: {  	v32 =	vld [tilespmem:$0x12E0];
	[tilespmem:$0x4290] =	vst v27  }
0x7f: {  	v33 =	vld [tilespmem:$0x12F0];
	[tilespmem:$0x42A0] =	vst v28  }
0x80: {  	[tilespmem:$0x42B0] =	vst v29;
	s30 =	spop (v2sf)  }
0x81: {  	[tilespmem:$0x42C0] =	vst v30;
	s8 =	sand.u32 $0x7FFFFC00, s30  }
0x82: {  	[tilespmem:$0x42D0] =	vst v31;
	s8 =	sadd.s32 s4, s8  }
0x83: {  	[tilespmem:$0x42E0] =	vst v32;
	s8 =	sshrl.u32 s8, $0x3  }
0x84: {  	s31 =	rddreg [dreg:$0xb];
	[tilespmem:$0x42F0] =	vst v33;
	s8 =	sadd.s32 s1, s8  }
0x85: {  	[tilespmem:s31], [sflag:$0x1] =	stream.linear.gather [hbm4b:s8+s3], $0x400, $0x38;
	[tilespmem:$0x4880] =	vst v63  }
0x86: {  	_ =	swait.ge [sflag:s7], $0x400  }
0x87: {  	(v2sf) =	vpush v0, $0x6;
	_ =	sdelay $0x4  }
0x88: {  	[sflag:s7] =	ssyncset.done $0x0  }
0x89: {  	[sflag:s7] =	ssyncadd.s32 $0xFFFFFC00  }
0x8a: {  	v34 =	vld [tilespmem:$0x1700]  }
0x8b: {  	v35 =	vld [tilespmem:$0x1710]  }
0x8c: {  	v36 =	vld [tilespmem:$0x1720]  }
0x8d: {  	v37 =	vld [tilespmem:$0x1730]  }
0x8e: {  	v38 =	vld [tilespmem:$0x1740]  }
0x8f: {  	v39 =	vld [tilespmem:$0x1750];
	[tilespmem:$0x4300] =	vst v34  }
0x90: {  	v40 =	vld [tilespmem:$0x1760];
	[tilespmem:$0x4310] =	vst v35  }
0x91: {  	v41 =	vld [tilespmem:$0x1770];
	[tilespmem:$0x4320] =	vst v36  }
0x92: {  	[tilespmem:$0x4330] =	vst v37;
	s9 =	spop (v2sf)  }
0x93: {  	[tilespmem:$0x4340] =	vst v38;
	s8 =	sand.u32 $0x7FFFFC00, s9  }
0x94: {  	[tilespmem:$0x4350] =	vst v39;
	s8 =	sadd.s32 s4, s8  }
0x95: {  	[tilespmem:$0x4360] =	vst v40;
	s8 =	sshrl.u32 s8, $0x3  }
0x96: {  	s10 =	rddreg [dreg:$0xc];
	[tilespmem:$0x4370] =	vst v41;
	s8 =	sadd.s32 s1, s8  }
0x97: {  	[tilespmem:s10], [sflag:$0x1] =	stream.linear.gather [hbm4b:s8+s3], $0x400, $0x38;
	[tilespmem:$0x4880] =	vst v63  }
0x98: {  	_ =	swait.ge [sflag:s7], $0x400  }
0x99: {  	(v2sf) =	vpush v0, $0x7;
	_ =	sdelay $0x4  }
0x9a: {  	[sflag:s7] =	ssyncset.done $0x0  }
0x9b: {  	[sflag:s7] =	ssyncadd.s32 $0xFFFFFC00  }
0x9c: {  	v42 =	vld [tilespmem:$0x1B80]  }
0x9d: {  	v43 =	vld [tilespmem:$0x1B90]  }
0x9e: {  	v44 =	vld [tilespmem:$0x1BA0]  }
0x9f: {  	v45 =	vld [tilespmem:$0x1BB0]  }
0xa0: {  	v46 =	vld [tilespmem:$0x1BC0]  }
0xa1: {  	v47 =	vld [tilespmem:$0x1BD0];
	[tilespmem:$0x4380] =	vst v42  }
0xa2: {  	v48 =	vld [tilespmem:$0x1BE0];
	[tilespmem:$0x4390] =	vst v43  }
0xa3: {  	v49 =	vld [tilespmem:$0x1BF0];
	[tilespmem:$0x43A0] =	vst v44  }
0xa4: {  	[tilespmem:$0x43B0] =	vst v45;
	s11 =	spop (v2sf)  }
0xa5: {  	[tilespmem:$0x43C0] =	vst v46;
	s8 =	sand.u32 $0x7FFFFC00, s11  }
0xa6: {  	[tilespmem:$0x43D0] =	vst v47;
	s8 =	sadd.s32 s4, s8  }
0xa7: {  	[tilespmem:$0x43E0] =	vst v48;
	s8 =	sshrl.u32 s8, $0x3  }
0xa8: {  	s12 =	rddreg [dreg:$0xd];
	[tilespmem:$0x43F0] =	vst v49;
	s8 =	sadd.s32 s1, s8  }
0xa9: {  	[tilespmem:s12], [sflag:$0x1] =	stream.linear.gather [hbm4b:s8+s3], $0x400, $0x38;
	[tilespmem:$0x4880] =	vst v63  }
0xaa: {  	_ =	swait.ge [sflag:s7], $0x400  }
0xab: {  	(v2sf) =	vpush v0, $0x8;
	_ =	sdelay $0x4  }
0xac: {  	[sflag:s7] =	ssyncset.done $0x0  }
0xad: {  	[sflag:s7] =	ssyncadd.s32 $0xFFFFFC00  }
0xae: {  	v50 =	vld [tilespmem:$0x2000]  }
0xaf: {  	v51 =	vld [tilespmem:$0x2010]  }
0xb0: {  	v52 =	vld [tilespmem:$0x2020]  }
0xb1: {  	v53 =	vld [tilespmem:$0x2030]  }
0xb2: {  	v54 =	vld [tilespmem:$0x2040]  }
0xb3: {  	v55 =	vld [tilespmem:$0x2050];
	[tilespmem:$0x4400] =	vst v50  }
0xb4: {  	v56 =	vld [tilespmem:$0x2060];
	[tilespmem:$0x4410] =	vst v51  }
0xb5: {  	v57 =	vld [tilespmem:$0x2070];
	[tilespmem:$0x4420] =	vst v52  }
0xb6: {  	[tilespmem:$0x4430] =	vst v53;
	s13 =	spop (v2sf)  }
0xb7: {  	[tilespmem:$0x4440] =	vst v54;
	s8 =	sand.u32 $0x7FFFFC00, s13  }
0xb8: {  	[tilespmem:$0x4450] =	vst v55;
	s8 =	sadd.s32 s5, s8  }
0xb9: {  	[tilespmem:$0x4460] =	vst v56;
	s8 =	sshrl.u32 s8, $0x3  }
0xba: {  	s14 =	rddreg [dreg:$0xe];
	[tilespmem:$0x4470] =	vst v57;
	s8 =	sadd.s32 s1, s8  }
0xbb: {  	[tilespmem:s14], [sflag:$0x1] =	stream.linear.gather [hbm4b:s8+s3], $0x400, $0x38;
	[tilespmem:$0x4880] =	vst v63  }
0xbc: {  	_ =	swait.ge [sflag:s7], $0x400  }
0xbd: {  	(v2sf) =	vpush v0, $0x9;
	_ =	sdelay $0x4  }
0xbe: {  	[sflag:s7] =	ssyncset.done $0x0  }
0xbf: {  	[sflag:s7] =	ssyncadd.s32 $0xFFFFFC00  }
0xc0: {  	v58 =	vld [tilespmem:$0x2080]  }
0xc1: {  	v59 =	vld [tilespmem:$0x2090]  }
0xc2: {  	v60 =	vld [tilespmem:$0x20A0]  }
0xc3: {  	v61 =	vld [tilespmem:$0x20B0]  }
0xc4: {  	v62 =	vld [tilespmem:$0x20C0]  }
0xc5: {  	v63 =	vld [tilespmem:$0x20D0];
	[tilespmem:$0x4480] =	vst v58  }
0xc6: {  	v6 =	vld [tilespmem:$0x20E0];
	[tilespmem:$0x4490] =	vst v59  }
0xc7: {  	v7 =	vld [tilespmem:$0x20F0];
	[tilespmem:$0x44A0] =	vst v60  }
0xc8: {  	[tilespmem:$0x44B0] =	vst v61;
	s15 =	spop (v2sf)  }
0xc9: {  	[tilespmem:$0x44C0] =	vst v62;
	s8 =	sand.u32 $0x7FFFFC00, s15  }
0xca: {  	[tilespmem:$0x44D0] =	vst v63;
	s8 =	sadd.s32 s5, s8  }
0xcb: {  	[tilespmem:$0x44E0] =	vst v6;
	s8 =	sshrl.u32 s8, $0x3  }
0xcc: {  	s16 =	rddreg [dreg:$0xf];
	[tilespmem:$0x44F0] =	vst v7;
	s8 =	sadd.s32 s1, s8  }
0xcd: {  	[tilespmem:s16], [sflag:$0x1] =	stream.linear.gather [hbm4b:s8+s3], $0x400, $0x38;
	[tilespmem:$0x4880] =	vst v63  }
0xce: {  	_ =	swait.ge [sflag:s7], $0x400  }
0xcf: {  	(v2sf) =	vpush v0, $0xA;
	_ =	sdelay $0x4  }
0xd0: {  	[sflag:s7] =	ssyncset.done $0x0  }
0xd1: {  	[sflag:s7] =	ssyncadd.s32 $0xFFFFFC00  }
0xd2: {  	v8 =	vld [tilespmem:$0x2500]  }
0xd3: {  	v9 =	vld [tilespmem:$0x2510]  }
0xd4: {  	v10 =	vld [tilespmem:$0x2520]  }
0xd5: {  	v11 =	vld [tilespmem:$0x2530]  }
0xd6: {  	v12 =	vld [tilespmem:$0x2540]  }
0xd7: {  	v13 =	vld [tilespmem:$0x2550];
	[tilespmem:$0x4500] =	vst v8  }
0xd8: {  	v14 =	vld [tilespmem:$0x2560];
	[tilespmem:$0x4510] =	vst v9  }
0xd9: {  	v15 =	vld [tilespmem:$0x2570];
	[tilespmem:$0x4520] =	vst v10  }
0xda: {  	[tilespmem:$0x4530] =	vst v11;
	s17 =	spop (v2sf)  }
0xdb: {  	[tilespmem:$0x4540] =	vst v12;
	s8 =	sand.u32 $0x7FFFFC00, s17  }
0xdc: {  	[tilespmem:$0x4550] =	vst v13;
	s8 =	sadd.s32 s5, s8  }
0xdd: {  	[tilespmem:$0x4560] =	vst v14;
	s8 =	sshrl.u32 s8, $0x3  }
0xde: {  	s18 =	rddreg [dreg:$0x10];
	[tilespmem:$0x4570] =	vst v15;
	s8 =	sadd.s32 s1, s8  }
0xdf: {  	[tilespmem:s18], [sflag:$0x1] =	stream.linear.gather [hbm4b:s8+s3], $0x400, $0x38;
	[tilespmem:$0x4880] =	vst v63  }
0xe0: {  	_ =	swait.ge [sflag:s7], $0x400  }
0xe1: {  	(v2sf) =	vpush v0, $0xB;
	_ =	sdelay $0x4  }
0xe2: {  	[sflag:s7] =	ssyncset.done $0x0  }
0xe3: {  	[sflag:s7] =	ssyncadd.s32 $0xFFFFFC00  }
0xe4: {  	v16 =	vld [tilespmem:$0x2980]  }
0xe5: {  	v17 =	vld [tilespmem:$0x2990]  }
0xe6: {  	v18 =	vld [tilespmem:$0x29A0]  }
0xe7: {  	v19 =	vld [tilespmem:$0x29B0]  }
0xe8: {  	v20 =	vld [tilespmem:$0x29C0]  }
0xe9: {  	v21 =	vld [tilespmem:$0x29D0];
	[tilespmem:$0x4580] =	vst v16  }
0xea: {  	v22 =	vld [tilespmem:$0x29E0];
	[tilespmem:$0x4590] =	vst v17  }
0xeb: {  	v23 =	vld [tilespmem:$0x29F0];
	[tilespmem:$0x45A0] =	vst v18  }
0xec: {  	[tilespmem:$0x45B0] =	vst v19;
	s19 =	spop (v2sf)  }
0xed: {  	[tilespmem:$0x45C0] =	vst v20;
	s8 =	sand.u32 $0x7FFFFC00, s19  }
0xee: {  	[tilespmem:$0x45D0] =	vst v21;
	s8 =	sadd.s32 s5, s8  }
0xef: {  	[tilespmem:$0x45E0] =	vst v22;
	s8 =	sshrl.u32 s8, $0x3  }
0xf0: {  	s20 =	rddreg [dreg:$0x11];
	[tilespmem:$0x45F0] =	vst v23;
	s8 =	sadd.s32 s1, s8  }
0xf1: {  	[tilespmem:s20], [sflag:$0x1] =	stream.linear.gather [hbm4b:s8+s3], $0x400, $0x38;
	[tilespmem:$0x4880] =	vst v63  }
0xf2: {  	_ =	swait.ge [sflag:s7], $0x400  }
0xf3: {  	(v2sf) =	vpush v0, $0xC;
	_ =	sdelay $0x4  }
0xf4: {  	[sflag:s7] =	ssyncset.done $0x0  }
0xf5: {  	[sflag:s7] =	ssyncadd.s32 $0xFFFFFC00  }
0xf6: {  	v24 =	vld [tilespmem:$0x2E00]  }
0xf7: {  	v25 =	vld [tilespmem:$0x2E10]  }
0xf8: {  	v26 =	vld [tilespmem:$0x2E20]  }
0xf9: {  	v27 =	vld [tilespmem:$0x2E30]  }
0xfa: {  	v28 =	vld [tilespmem:$0x2E40]  }
0xfb: {  	v29 =	vld [tilespmem:$0x2E50];
	[tilespmem:$0x4600] =	vst v24  }
0xfc: {  	v30 =	vld [tilespmem:$0x2E60];
	[tilespmem:$0x4610] =	vst v25  }
0xfd: {  	v31 =	vld [tilespmem:$0x2E70];
	[tilespmem:$0x4620] =	vst v26  }
0xfe: {  	[tilespmem:$0x4630] =	vst v27;
	s21 =	spop (v2sf)  }
0xff: {  	[tilespmem:$0x4640] =	vst v28;
	s8 =	sand.u32 $0x7FFFFC00, s21  }
0x100: {  	[tilespmem:$0x4650] =	vst v29;
	s8 =	sadd.s32 s5, s8  }
0x101: {  	[tilespmem:$0x4660] =	vst v30;
	s8 =	sshrl.u32 s8, $0x3  }
0x102: {  	s22 =	rddreg [dreg:$0x12];
	[tilespmem:$0x4670] =	vst v31;
	s8 =	sadd.s32 s1, s8  }
0x103: {  	[tilespmem:s22], [sflag:$0x1] =	stream.linear.gather [hbm4b:s8+s3], $0x400, $0x38;
	[tilespmem:$0x4880] =	vst v63  }
0x104: {  	_ =	swait.ge [sflag:s7], $0x400  }
0x105: {  	(v2sf) =	vpush v0, $0xD;
	_ =	sdelay $0x4  }
0x106: {  	[sflag:s7] =	ssyncset.done $0x0  }
0x107: {  	[sflag:s7] =	ssyncadd.s32 $0xFFFFFC00  }
0x108: {  	v32 =	vld [tilespmem:$0x3280]  }
0x109: {  	v33 =	vld [tilespmem:$0x3290]  }
0x10a: {  	v34 =	vld [tilespmem:$0x32A0]  }
0x10b: {  	v35 =	vld [tilespmem:$0x32B0]  }
0x10c: {  	v36 =	vld [tilespmem:$0x32C0]  }
0x10d: {  	v37 =	vld [tilespmem:$0x32D0];
	[tilespmem:$0x4680] =	vst v32  }
0x10e: {  	v38 =	vld [tilespmem:$0x32E0];
	[tilespmem:$0x4690] =	vst v33  }
0x10f: {  	v39 =	vld [tilespmem:$0x32F0];
	[tilespmem:$0x46A0] =	vst v34  }
0x110: {  	[tilespmem:$0x46B0] =	vst v35;
	s23 =	spop (v2sf)  }
0x111: {  	[tilespmem:$0x46C0] =	vst v36;
	s8 =	sand.u32 $0x7FFFFC00, s23  }
0x112: {  	[tilespmem:$0x46D0] =	vst v37;
	s8 =	sadd.s32 s5, s8  }
0x113: {  	[tilespmem:$0x46E0] =	vst v38;
	s8 =	sshrl.u32 s8, $0x3  }
0x114: {  	s24 =	rddreg [dreg:$0x13];
	[tilespmem:$0x46F0] =	vst v39;
	s8 =	sadd.s32 s1, s8  }
0x115: {  	[tilespmem:s24], [sflag:$0x1] =	stream.linear.gather [hbm4b:s8+s3], $0x400, $0x38;
	[tilespmem:$0x4880] =	vst v63  }
0x116: {  	_ =	swait.ge [sflag:s7], $0x400  }
0x117: {  	(v2sf) =	vpush v0, $0xE;
	_ =	sdelay $0x4  }
0x118: {  	[sflag:s7] =	ssyncset.done $0x0  }
0x119: {  	[sflag:s7] =	ssyncadd.s32 $0xFFFFFC00  }
0x11a: {  	v40 =	vld [tilespmem:$0x3700]  }
0x11b: {  	v41 =	vld [tilespmem:$0x3710]  }
0x11c: {  	v42 =	vld [tilespmem:$0x3720]  }
0x11d: {  	v43 =	vld [tilespmem:$0x3730]  }
0x11e: {  	v44 =	vld [tilespmem:$0x3740]  }
0x11f: {  	v45 =	vld [tilespmem:$0x3750];
	[tilespmem:$0x4700] =	vst v40  }
0x120: {  	v46 =	vld [tilespmem:$0x3760];
	[tilespmem:$0x4710] =	vst v41  }
0x121: {  	v47 =	vld [tilespmem:$0x3770];
	[tilespmem:$0x4720] =	vst v42  }
0x122: {  	[tilespmem:$0x4730] =	vst v43;
	s25 =	spop (v2sf)  }
0x123: {  	[tilespmem:$0x4740] =	vst v44;
	s8 =	sand.u32 $0x7FFFFC00, s25  }
0x124: {  	[tilespmem:$0x4750] =	vst v45;
	s8 =	sadd.s32 s5, s8  }
0x125: {  	[tilespmem:$0x4760] =	vst v46;
	s8 =	sshrl.u32 s8, $0x3  }
0x126: {  	s26 =	rddreg [dreg:$0x14];
	[tilespmem:$0x4770] =	vst v47;
	s8 =	sadd.s32 s1, s8  }
0x127: {  	[tilespmem:s26], [sflag:$0x1] =	stream.linear.gather [hbm4b:s8+s3], $0x400, $0x38;
	[tilespmem:$0x4880] =	vst v63  }
0x128: {  	_ =	swait.ge [sflag:s7], $0x400  }
0x129: {  	(v2sf) =	vpush v0, $0xF;
	_ =	sdelay $0x4  }
0x12a: {  	[sflag:s7] =	ssyncset.done $0x0  }
0x12b: {  	[sflag:s7] =	ssyncadd.s32 $0xFFFFFC00  }
0x12c: {  	v48 =	vld [tilespmem:$0x3B80]  }
0x12d: {  	v49 =	vld [tilespmem:$0x3B90]  }
0x12e: {  	v50 =	vld [tilespmem:$0x3BA0]  }
0x12f: {  	v51 =	vld [tilespmem:$0x3BB0]  }
0x130: {  	v52 =	vld [tilespmem:$0x3BC0]  }
0x131: {  	v53 =	vld [tilespmem:$0x3BD0];
	[tilespmem:$0x4780] =	vst v48  }
0x132: {  	v54 =	vld [tilespmem:$0x3BE0];
	[tilespmem:$0x4790] =	vst v49  }
0x133: {  	v55 =	vld [tilespmem:$0x3BF0];
	[tilespmem:$0x47A0] =	vst v50  }
0x134: {  	[tilespmem:$0x47B0] =	vst v51;
	s28 =	spop (v2sf)  }
0x135: {  	[tilespmem:$0x47C0] =	vst v52;
	s8 =	sand.u32 $0x7FFFFC00, s28  }
0x136: {  	[tilespmem:$0x47D0] =	vst v53;
	s8 =	sadd.s32 s5, s8  }
0x137: {  	[tilespmem:$0x47E0] =	vst v54;
	s8 =	sshrl.u32 s8, $0x3  }
0x138: {  	s29 =	rddreg [dreg:$0x15];
	[tilespmem:$0x47F0] =	vst v55;
	s8 =	sadd.s32 s1, s8  }
0x139: {  	[tilespmem:s29], [sflag:$0x1] =	stream.linear.gather [hbm4b:s8+s3], $0x400, $0x38;
	[tilespmem:$0x4880] =	vst v63  }
0x13a: {  	_ =	swait.ge [sflag:s7], $0x400  }
0x13b: {  	[sflag:s7] =	ssyncset.done $0x0  }
0x13c: {  	[sflag:s7] =	ssyncadd.s32 $0xFFFFFC00  }
0x13d: {  	v56 =	vld [tilespmem:$0x4000]  }
0x13e: {  	v57 =	vld [tilespmem:$0x4010]  }
0x13f: {  	v58 =	vld [tilespmem:$0x4020]  }
0x140: {  	v59 =	vld [tilespmem:$0x4030]  }
0x141: {  	v60 =	vld [tilespmem:$0x4040]  }
0x142: {  	v61 =	vld [tilespmem:$0x4050];
	[tilespmem:$0x4800] =	vst v56  }
0x143: {  	v62 =	vld [tilespmem:$0x4060];
	[tilespmem:$0x4810] =	vst v57  }
0x144: {  	v63 =	vld [tilespmem:$0x4070];
	[tilespmem:$0x4820] =	vst v58  }
0x145: {  	[tilespmem:$0x4830] =	vst v59  }
0x146: {  	[tilespmem:$0x4840] =	vst v60  }
0x147: {  	[tilespmem:$0x4850] =	vst v61  }
0x148: {  	p0 =	sne.s32 s6, $0x1;
	s30 =	rddreg [dreg:$0x4];
	[tilespmem:$0x4860] =	vst v62  }
.Ltmp1:
0x149: {  	s31 =	rddreg [dreg:$0x16];
	[tilespmem:$0x4870] =	vst v63;
	(pc) =	sbr.rel @p0 .LBB2_2-.Ltmp1, $4  }
0x14a: {  	[hbm4b:s30+s3] =	stream.linear.scatter [tilespmem:s31], [sflag:$0x1], $0x800, $0x38;
	[tilespmem:$0x4880] =	vst v63  }
0x14b: {  	_ =	swait.ge [sflag:s7], $0x800  }
0x14c: {  	[sflag:s7] =	ssyncset.done $0x0  }
0x14d: {  	s6 =	sadd.s32 $0xFFFFFFFF, s6;
	[sflag:s7] =	ssyncadd.s32 $0xFFFFF800  }
.LBB2_3:
0x14e: {  	_ =	sfence.sel $0x180000  }
0x14f: {  	[bflag:$0x0] =	sbarrier.arrive $0xFFFF  }
0x150: {  	p0 =	sne.s32 s2, $0x0;
	_ =	strace $0x90000047  }
0x151: {  	s0 =	sadd.s32 @!p0 $0x100000, s0;
	[bflag:$0x2] =	sbarrier.arrive $0xFFFF  }
0x152: {  	[sflag:s0] =	ssyncadd.tile.s32 @!p0 $0x1;
	_ =	shalt  }
.Lfunc_end2:
_tile_overlayer_lowered:
.L_overlay_start_2:
0x153: {  	(tag) =	ssettag $0x2  }
0x154: {  	s0 =	rddreg [dreg:$0x0];
	s2 =	stileid.u32  }
0x155: {  	s1 =	rddreg [dreg:$0x1];
	p0 =	sne.s32 s2, $0x0  }
0x156: {  	s3 =	rddreg [dreg:$0x2];
	[bflag:$0x3] =	sbarrier.arrive $0xFFFF;
	s2 =	simm.s32 @!p0 $0x1C01  }
0x157: {  	[timem:s3], [sflag:s2] =	dma.local @!p0 [hbm:s0], s1  }
0x158: {  	s0 =	simm.s32 @!p0 $0x1  }
0x159: {  	_ =	swait.ge @!p0 [sflag:s0], s1  }
0x15a: {  	s1 =	ssub.s32 @!p0 $0x0, s1;
	[sflag:s0] =	ssyncset.done @!p0 $0x0  }
0x15b: {  	[sflag:s0] =	ssyncadd.s32 @!p0 s1  }
0x15c: {  	[bflag:$0x3] =	sbarrier.arrive $0xFFFF  }
0x15d: {  	_ =	shalt  }

// kernel: kernel.9.cloned.1.call-start
scs
__scs_entry_jumppad:
0x0: {  	(pc) =	sbr.rel $0x88, $3  }
0x1: {  	(tag) =	ssettag $0x0;
	lr =	simm.s32 $0x1  }
0x2: {  	[smem:$0x3F9F] =	sst lr;
	_ =	strace $0xD0000000  }
0x3: {  	_ = 	snop  }
0x4: {  	_ = 	snop  }
0x5: {  	_ = 	snop  }
0x6: {  	_ = 	snop  }
0x7: {  	_ = 	snop  }
__scs_overlays_trampoline_lowered:
0x8: {  	[smem:$0x3FAE] =	sst s0  }
0x9: {  	[smem:$0x3FAF] =	sst s1  }
0xa: {  	[smem:$0x3FB0] =	sst s2  }
0xb: {  	[smem:$0x3FB1] =	sst s3  }
0xc: {  	[smem:$0x3FB2] =	sst s4  }
0xd: {  	[smem:$0x3FB3] =	sst s5  }
0xe: {  	[smem:$0x3FB4] =	sst s6  }
0xf: {  	[smem:$0x3FB5] =	sst s7  }
0x10: {  	[smem:$0x3FB6] =	sst s8  }
0x11: {  	[smem:$0x3FB7] =	sst s9;
	s0 =	simm.s32 @!p0 $0x0  }
0x12: {  	s1 =	sld [smem:$0x3F9D];
	s0 =	simm.s32 @p0 $0x1  }
0x13: {  	[smem:$0x3FB8] =	sst s0;
	s0 =	simm.s32 @!p1 $0x0  }
0x14: {  	s2 =	sld [smem:$0x3F9C];
	s0 =	simm.s32 @p1 $0x1  }
0x15: {  	[smem:$0x3FB9] =	sst s0;
	s0 =	simm.s32 @!p2 $0x0  }
0x16: {  	s3 =	sld [smem:$0x3FDB];
	s0 =	simm.s32 @p2 $0x1  }
0x17: {  	s4 =	simm.s32 $0x1BF5;
	[smem:$0x3FBB] =	sst s0  }
0x18: {  	s0 =	sld [smem:$0x3F9E];
	_ =	swait.ge [sflag:s4], $0x0  }
0x19: {  	s7 =	sld [smem:$0x3F9F]  }
0x1a: {  	s8 =	sadd.s32 $0xFFFFE003, lr  }
0x1b: {  	s9 =	sadd.s32 $0xFFFFFEF7, lr;
	s5 =	simm.s32 $0xFFFFFFFF;
	p2 =	slt.u32 s8, $0xFFFFF086  }
0x1c: {  	p1 =	slt.u32 s9, $0xF7A;
	s5 =	simm.s32 @!p2 $0x0  }
0x1d: {  	s5 =	simm.s32 @p1 $0x1;
	p0 =	seq.s32 s7, s2  }
0x1e: {  	s7 =	smul.u32 @!p0 $0xF7A, s2;
	p2 =	seq.s32 @!p0 s5, $0x0  }
0x1f: {  	s9 =	smul.u32 $0xF7A, s1;
	s8 =	simm.s32 @!p0 $0x1BF5;
	p2 =	por !p2, p0  }
0x20: {  	[sflag:s8] =	ssyncset.s32 @!p0 $0xFFFFF086;
	s6 =	sadd.s32 @!p0 s3, s7;
	s7 =	simm.s32 @!p0 $0x108  }
0x21: {  	s3 =	sadd.s32 s3, s9;
	s6 =	sadd.s32 @!p0 $0x88, s6;
	s7 =	simm.s32 @p2 $0x1082  }
0x22: {  	[simem:s7], [sflag:s8] =	dma.local @!p0 [hbm:s6], $0xF7A  }
0x23: {  	s9 =	sor.u32 $0xD0000000, s2;
	s6 =	simm.s32 $0x108;
	_ =	swait.ge @!p0 [sflag:s8], $0x0  }
0x24: {  	s3 =	sadd.s32 $0x88, s3;
	s6 =	simm.s32 @!p1 $0x1082;
	[sflag:s4] =	ssyncset.s32 $0xFFFFF086  }
0x25: {  	[simem:s6], [sflag:s4] =	dma.local [hbm:s3], $0xF7A  }
0x26: {  	[smem:$0x3F9F] =	sst s1;
	(tag) =	ssettag s2;
	_ =	strace s9  }
0x27: {  	s1 =	sld [smem:$0x3FAF]  }
0x28: {  	s2 =	sld [smem:$0x3FB0]  }
0x29: {  	s4 =	sld [smem:$0x3FB2]  }
0x2a: {  	p0 =	seq.s32 s5, $0x0;
	s5 =	sld [smem:$0x3FB3]  }
0x2b: {  	s6 =	sld [smem:$0x3FB4]  }
0x2c: {  	s7 =	sld [smem:$0x3FB5]  }
0x2d: {  	s3 =	simm.s32 $0x108;
	s8 =	sld [smem:$0x3FB6]  }
0x2e: {  	s3 =	simm.s32 @!p0 $0x1082;
	s9 =	sld [smem:$0x3FB7]  }
0x2f: {  	lr =	sadd.s32 s0, s3;
	s0 =	sld [smem:$0x3FAE]  }
0x30: {  	s3 =	sld [smem:$0x3FB1]  }
0x31: {  	[smem:$0x3FBA] =	sst s10  }
0x32: {  	s10 =	sld [smem:$0x3FB8];
	_ =	sdelay $0x3  }
0x33: {  	p0 =	seq.s32 s10, $0x1;
	s10 =	sld [smem:$0x3FBA];
	_ =	sdelay $0x3  }
0x34: {  	[smem:$0x3FBA] =	sst s10  }
0x35: {  	s10 =	sld [smem:$0x3FB9];
	_ =	sdelay $0x3  }
0x36: {  	p1 =	seq.s32 s10, $0x1;
	s10 =	sld [smem:$0x3FBA];
	_ =	sdelay $0x3  }
0x37: {  	[smem:$0x3FBA] =	sst s10  }
0x38: {  	s10 =	sld [smem:$0x3FBB]  }
0x39: {  	_ = 	snop;
	(pc) =	sbr.ind lr, $3  }
0x3a: {  	_ = 	snop  }
0x3b: {  	_ = 	snop  }
0x3c: {  	p2 =	seq.s32 s10, $0x1;
	s10 =	sld [smem:$0x3FBA]  }
0x3d: {  	_ =	shalt  }
0x3e: {  	_ =	shalt  }
0x3f: {  	_ =	shalt  }
0x40: {  	_ =	shalt  }
0x41: {  	_ =	shalt  }
0x42: {  	_ =	shalt  }
0x43: {  	_ =	shalt  }
0x44: {  	_ =	shalt  }
0x45: {  	_ =	shalt  }
0x46: {  	_ =	shalt  }
0x47: {  	_ =	shalt  }
0x48: {  	_ =	shalt  }
0x49: {  	_ =	shalt  }
0x4a: {  	_ =	shalt  }
0x4b: {  	_ =	shalt  }
0x4c: {  	_ =	shalt  }
0x4d: {  	_ =	shalt  }
0x4e: {  	_ =	shalt  }
0x4f: {  	_ =	shalt  }
0x50: {  	_ =	shalt  }
0x51: {  	_ =	shalt  }
0x52: {  	_ =	shalt  }
0x53: {  	_ =	shalt  }
0x54: {  	_ =	shalt  }
0x55: {  	_ =	shalt  }
0x56: {  	_ =	shalt  }
0x57: {  	_ =	shalt  }
0x58: {  	_ =	shalt  }
0x59: {  	_ =	shalt  }
0x5a: {  	_ =	shalt  }
0x5b: {  	_ =	shalt  }
0x5c: {  	_ =	shalt  }
0x5d: {  	_ =	shalt  }
0x5e: {  	_ =	shalt  }
0x5f: {  	_ =	shalt  }
0x60: {  	_ =	shalt  }
0x61: {  	_ =	shalt  }
0x62: {  	_ =	shalt  }
0x63: {  	_ =	shalt  }
0x64: {  	_ =	shalt  }
0x65: {  	_ =	shalt  }
0x66: {  	_ =	shalt  }
0x67: {  	_ =	shalt  }
0x68: {  	_ =	shalt  }
0x69: {  	_ =	shalt  }
0x6a: {  	_ =	shalt  }
0x6b: {  	_ =	shalt  }
0x6c: {  	_ =	shalt  }
0x6d: {  	_ =	shalt  }
0x6e: {  	_ =	shalt  }
0x6f: {  	_ =	shalt  }
0x70: {  	_ =	shalt  }
0x71: {  	_ =	shalt  }
0x72: {  	_ =	shalt  }
0x73: {  	_ =	shalt  }
0x74: {  	_ =	shalt  }
0x75: {  	_ =	shalt  }
0x76: {  	_ =	shalt  }
0x77: {  	_ =	shalt  }
0x78: {  	_ =	shalt  }
0x79: {  	_ =	shalt  }
0x7a: {  	_ =	shalt  }
0x7b: {  	_ =	shalt  }
0x7c: {  	_ =	shalt  }
0x7d: {  	_ =	shalt  }
0x7e: {  	_ =	shalt  }
0x7f: {  	_ =	shalt  }
0x80: {  	_ =	shalt  }
0x81: {  	_ =	shalt  }
0x82: {  	_ =	shalt  }
0x83: {  	_ =	shalt  }
0x84: {  	_ =	shalt  }
0x85: {  	_ =	shalt  }
0x86: {  	_ =	shalt  }
0x87: {  	_ =	shalt  }
.Lfunc_end0:
.L_simem_size_0:
called_computation.1_lowered:
.L_overlay_start_0:
0x88: {  	s2 =	sld [smem:$0x3FD9]  }
0x89: {  	s3 =	sld [smem:$0x3FFE];
	_ =	sdelay $0x1  }
0x8a: {  	s1 =	srdreg.scid  }
0x8b: {  	s0 =	sand.u32 $0x1, s1  }
0x8c: {  	s17 =	sshll.u32 s0, $0xA;
	s2 =	sadd.s32 s3, s2  }
0x8d: {  	s2 =	sadd.s32 s2, s17  }
0x8e: {  	[smem:$0x3FC6] =	sst s2  }
0x8f: {  	_ = 	snop  }
0x90: {  	s18 =	sld [smem:$0x3FC9];
	(tm) =	ssettm $0x1  }
0x91: {  	s19 =	sld [smem:$0x3FFB];
	_ =	sdelay $0x3  }
0x92: {  	_ =	strace s19  }
0x93: {  	s2 =	sld [smem:$0x3FFC];
	_ =	sdelay $0x3  }
0x94: {  	_ =	strace s2  }
0x95: {  	s2 =	sld [smem:$0x3FFD];
	_ =	sdelay $0x3  }
0x96: {  	_ =	strace s2  }
0x97: {  	_ =	strace $0x8FFFFFFF  }
0x98: {  	s20 =	sld [smem:$0x3FDB];
	_ =	sdelay $0x1  }
0x99: {  	s4 =	simm.s32 $_scs_section_size  }
0x9a: {  	s5 =	simm.s32 $_size__tile_overlayer_lowered;
	s6 =	simm.s32 $_tile_overlayer_lowered  }
0x9b: {  	s7 =	simm.s32 $0x1BFF;
	s21 =	sshll.u32 s6, $0x1;
	s4 =	sadd.s32 s4, s20  }
0x9c: {  	s22 =	simm.s32 $0x0;
	s5 =	sshll.u32 s5, $0x1;
	s6 =	sadd.s32 s21, s4  }
0x9d: {  	[timem:s22], [sflag:s7] =	dma.local [hbm:s6], s5  }
0x9e: {  	_ =	swait.ge [sflag:s7], s5  }
0x9f: {  	s5 =	ssub.s32 $0x0, s5;
	[sflag:s7] =	ssyncset.done $0x0  }
0xa0: {  	[sflag:s7] =	ssyncadd.s32 s5;
	_ =	sdelay $0x1  }
0xa1: {  	s23 =	simm.s32 $0x1B8B  }
0xa2: {  	_ =	swait.ge [sflag:s23], $0x1  }
0xa3: {  	[sflag:s23] =	ssyncset.done $0x0  }
0xa4: {  	[sflag:s23] =	ssyncadd.s32 $0xFFFFFFFF  }
0xa5: {  	s5 =	sld [smem:$0x0]  }
0xa6: {  	s6 =	sand.u32 $0xFFFFFFFE, s1  }
0xa7: {  	p0 =	sne.s32 s1, s6  }
0xa8: {  	s6 =	sshll.u32 @p0 s6, $0xE  }
0xa9: {  	s6 =	sadd.s32 @p0 $0x11B8D, s6;
	s7 =	sshll.u32 @p0 s5, $0x11  }
0xaa: {  	s6 =	sor.u32 @p0 s7, s6  }
0xab: {  	[sflag:s6] =	ssyncadd.remote.s32 @p0 $0x1;
	_ =	sdelay $0x1  }
0xac: {  	s6 =	simm.s32 @p0 $0x1B8D  }
0xad: {  	_ =	swait.eq @p0 [sflag:s6], $0x1  }
0xae: {  	[sflag:s6] =	ssyncadd.s32 @p0 $0xFFFFFFFF  }
0xaf: {  	s7 =	sshll.u32 @!p0 s1, $0xE  }
0xb0: {  	s7 =	sor.u32 @!p0 $0x4000, s7;
	s6 =	simm.s32 @!p0 $0x1B8D  }
0xb1: {  	s5 =	sshll.u32 @!p0 s5, $0x11;
	s7 =	sadd.s32 @!p0 $0x11B8D, s7;
	_ =	swait.eq @!p0 [sflag:s6], $0x1  }
0xb2: {  	s5 =	sor.u32 @!p0 s5, s7;
	[sflag:s6] =	ssyncadd.s32 @!p0 $0xFFFFFFFF  }
0xb3: {  	s25 =	simm.s32 $0x1B8E;
	s24 =	sld [smem:$0x3FFE];
	[sflag:s5] =	ssyncadd.remote.s32 @!p0 $0x1  }
0xb4: {  	s26 =	simm.s32 $execute0_lowered;
	[smem:$0x3FD2] =	sst s25  }
0xb5: {  	s6 =	sshll.u32 s26, $0x1;
	_ =	strace $0x80000049;
	[dreg:$0x1] =	wrdreg $0xFFFFFFFF  }
0xb6: {  	s28 =	simm.s32 $_size_execute0_lowered;
	s4 =	sadd.s32 s4, s6;
	[dreg:$0x0] =	wrdreg $0x0  }
0xb7: {  	s6 =	sshll.u32 s28, $0x1;
	[dreg:$0x2] =	wrdreg s4  }
0xb8: {  	[dreg:$0x3] =	wrdreg s6  }
0xb9: {  	[dreg:$0x4] =	wrdreg $0xC0  }
0xba: {  	_ =	task [dreg:s22], $0x5FFFF  }
0xbb: {  	[dreg:$0x1] =	wrdreg $0xFFFFFFFF  }
0xbc: {  	[dreg:$0x0] =	wrdreg $0x60  }
0xbd: {  	[dreg:$0x2] =	wrdreg s18  }
0xbe: {  	[dreg:$0x3] =	wrdreg s24  }
0xbf: {  	[dreg:$0x4] =	wrdreg $0xA  }
0xc0: {  	_ =	task.clear_ibuf [dreg:s22], $0x5FFFF;
	_ =	strace $0x90000049  }
0xc1: {  	s29 =	simm.s32 $0xA;
	_ =	strace $0x8000004B  }
0xc2: {  	_ =	swait.ge [sflag:s29], $0x1  }
0xc3: {  	[sflag:s29] =	ssyncadd.s32 $0xFFFFFFFF  }
0xc4: {  	_ =	strace $0x9000004B  }
0xc5: {  	_ =	sfence  }
0xc6: {  	s30 =	sld [smem:$0x0];
	_ =	sdelay $0x2  }
0xc7: {  	s31 =	sshll.u32 s1, $0xD;
	s1 =	sshrl.u32 s1, $0x2  }
0xc8: {  	s4 =	sand.u32 $0x4000, s31;
	s1 =	sadd.s32 s1, s30  }
0xc9: {  	s0 =	sor.u32 s4, s0;
	s1 =	sshll.u32 s1, $0x11  }
0xca: {  	s0 =	sor.u32 s1, s0  }
0xcb: {  	s0 =	sadd.s32 $0x8F2B, s0  }
0xcc: {  	[sflag:s0] =	ssyncadd.remote.s32 $0x1  }
0xcd: {  	_ =	sfence.sel $0xFFFF  }
0xce: {  	[dreg:$0x0] =	wrdreg $0xFFFFFFFF;
	(pc) =	sbr.abs _section_cstart, $3  }
0xcf: {  	[dreg:$0x1] =	wrdreg $0xFFFFFFFF  }
0xd0: {  	_ =	task.clear_ibuf [dreg:s22], $0x2FFFF;
	_ =	strace $0x9FFFFFFF  }
0xd1: {  	(tm) =	ssettm $0x7FFFFFFF  }
tec
execute0_lowered:
.L_overlay_start_1:
0x0: {  	(tag) =	ssettag $0x1  }
0x1: {  	s4 =	rddreg [dreg:$0x0]  }
0x2: {  	s0 =	stileid.u32;
	s3 =	rddreg [dreg:$0x1]  }
0x3: {  	s2 =	srdreg.scid;
	s1 =	rddreg [dreg:$0x2]  }
0x4: {  	s12 =	simm.s32 $0x2400;
	s13 =	simm.s32 $0x2800;
	s14 =	simm.s32 $0x0  }
0x5: {  	s5 =	sshll.u32 s0, $0x1;
	s7 =	sand.u32 $0x1, s2;
	s2 =	simm.s32 $0x0  }
0x6: {  	s6 =	sshrl.u32 s0, $0x1;
	s30 =	sand.u32 $0x1, s0;
	s5 =	sand.u32 $0x2, s5  }
0x7: {  	[smem:$0x7FF] =	sst s2;
	s9 =	sshll.u32 s6, $0x7;
	s29 =	ssub.s32 $0x2, s7  }
0x8: {  	s6 =	smul.u32 $0xF4280, s6;
	s11 =	sshll.u32 s7, $0xF;
	s5 =	sor.u32 s7, s5  }
0x9: {  	_ =	strace $0x8000004A;
	s10 =	sshrl.u32 s29, $0x1;
	s8 =	sshll.u32 s5, $0xA  }
0xa: {  	s5 =	sshll.u32 s5, $0xF;
	s4 =	sadd.s32 s4, s6;
	s8 =	sor.u32 s9, s8  }
0xb: {  	s9 =	ssub.s32 s29, s10;
	s10 =	sshll.u32 s30, $0x10;
	s8 =	sadd.s32 s8, s3  }
0xc: {  	s3 =	sadd.s32 $0xD0000, s5;
	s31 =	sor.u32 s11, s10;
	s10 =	simm.s32 $0x1  }
0xd: {  	s11 =	simm.s32 $0x2000;
	s5 =	sadd.s32 $0x1E00, s8;
	s6 =	sadd.s32 $0x2E00, s8  }
0xe: {  	v0 =	vlaneseq.u32;
	s7 =	sadd.s32 $0x3E00, s8;
	s8 =	smax.u32 s9, $0x1;
	s9 =	sadd.s32 $0xD0000, s31  }
.LBB2_1:
0xf: {  	v25 =	vimm.f32 $-Inf;
	v16 =	vimm.f32 $0.0e+00;
	v3 =	vimm.s32 $0x0  }
0x10: {  	v1 =	vimm.s32 $0x0;
	v4 =	vimm.s32 $0x0;
	v2 =	vimm.s32 $0x0  }
0x11: {  	v5 =	vimm.s32 $0x0;
	v6 =	vimm.s32 $0x0;
	v7 =	vimm.s32 $0x0  }
0x12: {  	v8 =	vimm.s32 $0x0;
	v18 =	vimm.f32 $0.0e+00;
	v19 =	vimm.f32 $0.0e+00  }
0x13: {  	v20 =	vimm.f32 $0.0e+00;
	v21 =	vimm.f32 $0.0e+00;
	v22 =	vimm.f32 $0.0e+00  }
0x14: {  	v23 =	vimm.f32 $0.0e+00;
	v24 =	vimm.f32 $0.0e+00;
	v26 =	vimm.f32 $-Inf  }
0x15: {  	v27 =	vimm.f32 $-Inf;
	v28 =	vimm.f32 $-Inf;
	v29 =	vimm.f32 $-Inf  }
0x16: {  	s15 =	smov.u32 s9;
	v30 =	vimm.f32 $-Inf;
	v31 =	vimm.f32 $-Inf;
	v32 =	vimm.f32 $-Inf;
	s16 =	simm.s32 $0x0  }
.LBB2_2:
0x17: {  	s17 =	sshll.u32 s16, $0xA  }
0x18: {  	s17 =	sadd.s32 s3, s17  }
0x19: {  	s18 =	simm.s32 $0x0;
	s17 =	sadd.s32 s17, s4  }
0x1a: {  	[tilespmem:s18], [sflag:$0x1] =	stream.linear.gather [hbm4b:s17+s18], $0x2000, $0x38;
	[tilespmem:$0x2C00] =	vst v63  }
0x1b: {  	_ =	swait.ge [sflag:s10], $0x2000  }
0x1c: {  	s30 =	sand.u32 $0x70, s18;
	s19 =	sand.u32 $0x1C00, s18;
	[sflag:s10] =	ssyncset.done $0x0  }
0x1d: {  	s19 =	sor.u32 s30, s19;
	[sflag:s10] =	ssyncadd.s32 $0xFFFFE000  }
0x1e: {  	v10 =	vld [tilespmem:s19+$0x0]  }
0x1f: {  	v11 =	vld [tilespmem:s19+$0x80]  }
0x20: {  	v12 =	vld [tilespmem:s19+$0x100]  }
0x21: {  	v13 =	vld [tilespmem:s19+$0x180]  }
0x22: {  	v14 =	vld [tilespmem:s19+$0x200]  }
0x23: {  	v33 =	vld [tilespmem:s19+$0x280]  }
0x24: {  	s18 =	sor.u32 s18, s18;
	v34 =	vld [tilespmem:s19+$0x300]  }
0x25: {  	s17 =	simm.s32 $0x10;
	s31 =	sor.u32 $0x380, s18;
	s18 =	simm.s32 $0x80  }
0x26: {  	s22 =	sadd.s32 $0x0, s15;
	s20 =	sand.u32 $0x70, s17;
	s21 =	sand.u32 $0x1C00, s18;
	v35 =	vld [tilespmem:s31+$0x0]  }
0x27: {  	v17 =	vor.u32 s22, v0;
	s19 =	sor.u32 s20, s21;
	vm0 =	vgt.f32 v10, v32;
	vm4 =	vgt.f32 v11, v31  }
0x28: {  	v9 =	vld [tilespmem:s19+$0x0];
	vm5 =	vgt.f32 v12, v30;
	vm6 =	vgt.f32 v13, v29;
	vm2 =	vgt.f32 v14, v28  }
0x29: {  	v38 =	vld [tilespmem:s19+$0x80];
	vm3 =	vgt.f32 v33, v27;
	vm1 =	vgt.f32 v34, v26;
	v10 =	vsel vm0, v10, v32  }
0x2a: {  	v36 =	vld [tilespmem:s19+$0x100];
	v8 =	vsel vm0, v17, v8;
	v11 =	vsel vm4, v11, v31;
	v37 =	vsel vm5, v12, v30  }
0x2b: {  	v39 =	vld [tilespmem:s19+$0x180];
	v12 =	vsel vm6, v13, v29;
	v15 =	vsel vm2, v14, v28;
	vm0 =	vgt.f32 v35, v25  }
0x2c: {  	v40 =	vld [tilespmem:s19+$0x200];
	v14 =	vsel vm3, v33, v27;
	v34 =	vsel vm1, v34, v26;
	v7 =	vsel vm4, v17, v7  }
0x2d: {  	s21 =	sor.u32 s18, s17;
	s20 =	simm.s32 $0x20;
	v6 =	vsel vm5, v17, v6;
	v5 =	vsel vm6, v17, v5;
	v33 =	vsel vm0, v35, v25;
	v35 =	vld [tilespmem:s19+$0x280]  }
.LBB2_3:
0x2e: {  	p0 =	sne.s32 s20, $0x3F0;
	v13 =	vld [tilespmem:s19+$0x300];
	s19 =	sor.u32 $0x380, s21;
	s18 =	sadd.s32 $0x80, s18;
	v2 =	vsel vm2, v17, v2;
	v4 =	vsel vm3, v17, v4;
	v1 =	vsel vm1, v17, v1  }
0x2f: {  	s21 =	sand.u32 $0x70, s20;
	s17 =	sadd.s32 s17, s15;
	v3 =	vsel vm0, v17, v3;
	s22 =	sand.u32 $0x1C00, s18;
	v41 =	vld [tilespmem:s19+$0x0]  }
0x30: {  	vm0 =	vgt.f32 v9, v10;
	vm4 =	vgt.f32 v38, v11;
	v17 =	vor.u32 s17, v0;
	s17 =	smov.u32 s20;
	s19 =	sor.u32 s21, s22  }
0x31: {  	v10 =	vsel vm0, v9, v10;
	v11 =	vsel vm4, v38, v11;
	v8 =	vsel vm0, v17, v8;
	v9 =	vld [tilespmem:s19+$0x0]  }
.Ltmp0:
0x32: {  	vm5 =	vgt.f32 v36, v37;
	vm6 =	vgt.f32 v39, v12;
	vm2 =	vgt.f32 v40, v15;
	v38 =	vld [tilespmem:s19+$0x80];
	(pc) =	sbr.rel @p0 .LBB2_3-.Ltmp0, $4  }
0x33: {  	v37 =	vsel vm5, v36, v37;
	v12 =	vsel vm6, v39, v12;
	v15 =	vsel vm2, v40, v15;
	v36 =	vld [tilespmem:s19+$0x100]  }
0x34: {  	vm3 =	vgt.f32 v35, v14;
	vm1 =	vgt.f32 v13, v34;
	v39 =	vld [tilespmem:s19+$0x180];
	vm0 =	vgt.f32 v41, v33  }
0x35: {  	v14 =	vsel vm3, v35, v14;
	v34 =	vsel vm1, v13, v34;
	v40 =	vld [tilespmem:s19+$0x200];
	v33 =	vsel vm0, v41, v33  }
0x36: {  	s20 =	sadd.s32 $0x10, s20;
	s21 =	sor.u32 s18, s17;
	v7 =	vsel vm4, v17, v7;
	v6 =	vsel vm5, v17, v6;
	v5 =	vsel vm6, v17, v5;
	v35 =	vld [tilespmem:s19+$0x280]  }
0x37: {  	vm4 =	vgt.f32 v9, v10;
	vm5 =	vgt.f32 v38, v11  }
0x38: {  	v41 =	vld [tilespmem:s19+$0x300];
	v13 =	vsel vm4, v9, v10;
	v9 =	vsel vm5, v38, v11;
	vm6 =	vgt.f32 v36, v37  }
0x39: {  	v10 =	vsub.f32 v32, v13;
	vm7 =	vgt.f32 v39, v12;
	v11 =	vsel vm6, v36, v37  }
0x3a: {  	v31 =	vsub.f32 v31, v9;
	vm8 =	vgt.f32 v40, v15;
	v12 =	vsel vm7, v39, v12  }
0x3b: {  	v30 =	vsub.f32 v30, v11;
	v32 =	vmul.f32 $1.442695020e+00, v10;
	v10 =	vsel vm8, v40, v15  }
0x3c: {  	v15 =	vmul.f32 $1.442695020e+00, v31;
	vm13 =	vgt.f32 v35, v14;
	v29 =	vsub.f32 v29, v12  }
0x3d: {  	s18 =	sor.u32 $0x380, s21;
	vm14 =	vgt.f32 v41, v34;
	v30 =	vmul.f32 $1.442695020e+00, v30;
	(erf) = vpow2.f32 v32  }
0x3e: {  	s24 =	simm.s32 $0x0;
	v31 =	vld [tilespmem:s18+$0x0];
	v28 =	vsub.f32 v28, v10;
	(erf) = vpow2.f32 v15;
	v15 =	vsel vm13, v35, v14  }
0x3f: {  	s25 =	sor.u32 s24, s24;
	v29 =	vmul.f32 $1.442695020e+00, v29;
	v14 =	vsel vm14, v41, v34;
	v27 =	vsub.f32 v27, v15  }
0x40: {  	s20 =	sand.u32 $0x70, s24;
	s19 =	sor.u32 $0x380, s25;
	s18 =	sand.u32 $0x1C00, s24;
	v28 =	vmul.f32 $1.442695020e+00, v28;
	(erf) = vpow2.f32 v30;
	v26 =	vsub.f32 v26, v14  }
0x41: {  	s18 =	sor.u32 s20, s18;
	(erf) = vpow2.f32 v29;
	v29 =	vld [tilespmem:s19+$0x0];
	v27 =	vmul.f32 $1.442695020e+00, v27  }
0x42: {  	v2 =	vsel vm2, v17, v2;
	(erf) = vpow2.f32 v28;
	v26 =	vmul.f32 $1.442695020e+00, v26;
	v28 =	vld [tilespmem:s18+$0x0]  }
0x43: {  	v4 =	vsel vm3, v17, v4;
	vm15 =	vgt.f32 v31, v33;
	(erf) = vpow2.f32 v27;
	v27 =	vld [tilespmem:s18+$0x80]  }
0x44: {  	v1 =	vsel vm1, v17, v1;
	v3 =	vsel vm0, v17, v3;
	s17 =	sadd.s32 s17, s15;
	v17 =	vsel vm15, v31, v33  }
0x45: {  	v30 =	vor.u32 s17, v0;
	v25 =	vsub.f32 v25, v17;
	(erf) = vpow2.f32 v26  }
0x46: {  	v8 =	vsel vm4, v30, v8;
	v7 =	vsel vm5, v30, v7;
	v29 =	vsub.f32 v29, v17;
	v26 =	vpop (erf)  }
0x47: {  	v56 =	vld [tilespmem:s18+$0x100];
	v25 =	vmul.f32 $1.442695020e+00, v25;
	v28 =	vsub.f32 v28, v13;
	v31 =	vpop (erf);
	v24 =	vmul.f32 v26, v24  }
0x48: {  	v26 =	vld [tilespmem:s18+$0x180];
	v29 =	vmul.f32 $1.442695020e+00, v29;
	v23 =	vmul.f32 v31, v23;
	v27 =	vsub.f32 v27, v9  }
0x49: {  	v6 =	vsel vm6, v30, v6;
	v31 =	vpop (erf);
	(erf) = vpow2.f32 v25;
	v25 =	vld [tilespmem:s18+$0x200];
	v28 =	vmul.f32 $1.442695020e+00, v28  }
0x4a: {  	s26 =	simm.s32 $0x10;
	s28 =	simm.s32 $0x80;
	v5 =	vsel vm7, v30, v5;
	v22 =	vmul.f32 v31, v22;
	v31 =	vld [tilespmem:s18+$0x280];
	v27 =	vmul.f32 $1.442695020e+00, v27  }
0x4b: {  	s29 =	sor.u32 s28, s26;
	v58 =	vld [tilespmem:s18+$0x300];
	v2 =	vsel vm8, v30, v2;
	v4 =	vsel vm13, v30, v4;
	v57 =	vpop (erf);
	(erf) = vpow2.f32 v29  }
0x4c: {  	v1 =	vsel vm14, v30, v1;
	v32 =	vsub.f32 v56, v11;
	s18 =	sor.u32 $0x380, s29;
	(erf) = vpow2.f32 v28;
	v29 =	vpop (erf)  }
0x4d: {  	s17 =	sand.u32 $0x70, s26;
	s19 =	sand.u32 $0x1C00, s28;
	v20 =	vmul.f32 v29, v20;
	v28 =	vpop (erf);
	v26 =	vsub.f32 v26, v12;
	v29 =	vld [tilespmem:s18+$0x0];
	(erf) = vpow2.f32 v27  }
0x4e: {  	s30 =	sor.u32 s17, s19;
	v19 =	vmul.f32 v28, v19;
	v28 =	vmul.f32 $1.442695020e+00, v32;
	v25 =	vsub.f32 v25, v10;
	v27 =	vpop (erf)  }
0x4f: {  	v59 =	vld [tilespmem:s30+$0x0];
	v26 =	vmul.f32 $1.442695020e+00, v26;
	v18 =	vmul.f32 v27, v18;
	v27 =	vsub.f32 v31, v15  }
0x50: {  	v60 =	vsub.f32 v58, v14;
	v25 =	vmul.f32 $1.442695020e+00, v25;
	(erf) = vpow2.f32 v28  }
0x51: {  	v3 =	vsel vm15, v30, v3;
	v31 =	vld [tilespmem:s30+$0x80];
	(erf) = vpow2.f32 v26;
	v27 =	vmul.f32 $1.442695020e+00, v27  }
0x52: {  	v61 =	vld [tilespmem:s30+$0x100];
	v30 =	vmul.f32 $1.442695020e+00, v60;
	v28 =	vpop (erf);
	(erf) = vpow2.f32 v25;
	v25 =	vsub.f32 v29, v17  }
0x53: {  	v26 =	vld [tilespmem:s30+$0x180];
	(erf) = vpow2.f32 v27  }
0x54: {  	v29 =	vsub.f32 v59, v13;
	v27 =	vld [tilespmem:s30+$0x200];
	(erf) = vpow2.f32 v30  }
0x55: {  	v16 =	vmul.f32 v28, v16;
	v28 =	vld [tilespmem:s30+$0x280]  }
0x56: {  	s31 =	simm.s32 $0x20;
	v63 =	vmul.f32 $1.442695020e+00, v25;
	v62 =	vsub.f32 v31, v9;
	v30 =	vmul.f32 $1.442695020e+00, v29;
	v29 =	vld [tilespmem:s30+$0x300];
	v25 =	vpop (erf)  }
0x57: {  	s19 =	sand.u32 $0x70, s31;
	s17 =	simm.s32 $0x100;
	v21 =	vmul.f32 v57, v21;
	v31 =	vsub.f32 v61, v11;
	v16 =	vadd.f32 v25, v16;
	v25 =	vpop (erf)  }
0x58: {  	s20 =	sand.u32 $0x1C00, s17;
	s21 =	sor.u32 s17, s31;
	s18 =	simm.s32 $0x30;
	v33 =	vsub.f32 v26, v12;
	(erf) = vpow2.f32 v63;
	v32 =	vmul.f32 $1.442695020e+00, v62;
	v26 =	vpop (erf)  }
.LBB2_5:
0x59: {  	p0 =	sne.s32 s18, $0x3F0;
	s19 =	sor.u32 s19, s20;
	s20 =	sor.u32 $0x380, s21;
	v36 =	vmul.f32 $1.442695020e+00, v31;
	v27 =	vsub.f32 v27, v10;
	(erf) = vpow2.f32 v30;
	v30 =	vpop (erf)  }
0x5a: {  	v34 =	vld [tilespmem:s20+$0x0];
	v33 =	vmul.f32 $1.442695020e+00, v33;
	v28 =	vsub.f32 v28, v15;
	(erf) = vpow2.f32 v32;
	v32 =	vpop (erf)  }
0x5b: {  	v35 =	vld [tilespmem:s19+$0x0];
	v27 =	vmul.f32 $1.442695020e+00, v27;
	v29 =	vsub.f32 v29, v14;
	(erf) = vpow2.f32 v36;
	v31 =	vpop (erf)  }
0x5c: {  	v24 =	vadd.f32 v25, v24;
	v36 =	vld [tilespmem:s19+$0x80];
	v28 =	vmul.f32 $1.442695020e+00, v28;
	(erf) = vpow2.f32 v33;
	v25 =	vpop (erf)  }
0x5d: {  	v23 =	vadd.f32 v26, v23;
	v33 =	vld [tilespmem:s19+$0x100];
	v29 =	vmul.f32 $1.442695020e+00, v29;
	(erf) = vpow2.f32 v27;
	v26 =	vpop (erf)  }
0x5e: {  	v22 =	vadd.f32 v30, v22;
	v21 =	vadd.f32 v32, v21;
	v37 =	vld [tilespmem:s19+$0x180];
	(erf) = vpow2.f32 v28  }
.Ltmp1:
0x5f: {  	v20 =	vadd.f32 v31, v20;
	v27 =	vld [tilespmem:s19+$0x200];
	v30 =	vsub.f32 v34, v17;
	(erf) = vpow2.f32 v29;
	(pc) =	sbr.rel @p0 .LBB2_5-.Ltmp1, $4  }
0x60: {  	v19 =	vadd.f32 v25, v19;
	v31 =	vsub.f32 v35, v13;
	v28 =	vld [tilespmem:s19+$0x280]  }
0x61: {  	v18 =	vadd.f32 v26, v18;
	v32 =	vsub.f32 v36, v9;
	v29 =	vld [tilespmem:s19+$0x300];
	v34 =	vmul.f32 $1.442695020e+00, v30;
	v25 =	vpop (erf)  }
0x62: {  	s17 =	sadd.s32 $0x80, s17;
	s19 =	sand.u32 $0x70, s18;
	v30 =	vmul.f32 $1.442695020e+00, v31;
	v31 =	vsub.f32 v33, v11;
	v16 =	vadd.f32 v25, v16;
	v25 =	vpop (erf)  }
0x63: {  	s20 =	sand.u32 $0x1C00, s17;
	s21 =	sor.u32 s17, s18;
	s18 =	sadd.s32 $0x10, s18;
	v32 =	vmul.f32 $1.442695020e+00, v32;
	v33 =	vsub.f32 v37, v12;
	(erf) = vpow2.f32 v34;
	v26 =	vpop (erf)  }
0x64: {  	s17 =	sor.u32 $0x380, s21  }
0x65: {  	s18 =	sor.u32 s19, s20;
	v34 =	vld [tilespmem:s17+$0x0]  }
0x66: {  	v31 =	vmul.f32 $1.442695020e+00, v31;
	v27 =	vsub.f32 v27, v10;
	(erf) = vpow2.f32 v30;
	v35 =	vld [tilespmem:s18+$0x0]  }
0x67: {  	v30 =	vld [tilespmem:s18+$0x80];
	v33 =	vmul.f32 $1.442695020e+00, v33;
	v28 =	vsub.f32 v28, v15;
	(erf) = vpow2.f32 v32  }
0x68: {  	v58 =	vld [tilespmem:s18+$0x100];
	v27 =	vmul.f32 $1.442695020e+00, v27;
	v29 =	vsub.f32 v29, v14;
	(erf) = vpow2.f32 v31  }
0x69: {  	v36 =	vpop (erf);
	v31 =	vld [tilespmem:s18+$0x180];
	v28 =	vmul.f32 $1.442695020e+00, v28;
	(erf) = vpow2.f32 v33  }
0x6a: {  	v59 =	vld [tilespmem:s18+$0x200];
	v37 =	vpop (erf);
	v29 =	vmul.f32 $1.442695020e+00, v29;
	(erf) = vpow2.f32 v27  }
0x6b: {  	v60 =	vld [tilespmem:s18+$0x280];
	v38 =	vpop (erf);
	(erf) = vpow2.f32 v28;
	v34 =	vsub.f32 v34, v17;
	v27 =	vsub.f32 v35, v13  }
0x6c: {  	v39 =	vpop (erf);
	v28 =	vsub.f32 v30, v9;
	v30 =	vld [tilespmem:s18+$0x300];
	(erf) = vpow2.f32 v29  }
0x6d: {  	v29 =	vsub.f32 v58, v11;
	v34 =	vmul.f32 $1.442695020e+00, v34;
	v27 =	vmul.f32 $1.442695020e+00, v27  }
0x6e: {  	v31 =	vsub.f32 v31, v12;
	v28 =	vmul.f32 $1.442695020e+00, v28  }
0x6f: {  	v61 =	vpop (erf);
	v33 =	vsub.f32 v59, v10;
	v29 =	vmul.f32 $1.442695020e+00, v29;
	(erf) = vpow2.f32 v34  }
0x70: {  	v35 =	vsub.f32 v60, v15;
	v62 =	vpop (erf);
	v31 =	vmul.f32 $1.442695020e+00, v31;
	(erf) = vpow2.f32 v27  }
0x71: {  	v33 =	vmul.f32 $1.442695020e+00, v33;
	v30 =	vsub.f32 v30, v14;
	v27 =	vpop (erf);
	(erf) = vpow2.f32 v28  }
0x72: {  	v35 =	vmul.f32 $1.442695020e+00, v35;
	v28 =	vpop (erf);
	(erf) = vpow2.f32 v29  }
0x73: {  	v30 =	vmul.f32 $1.442695020e+00, v30;
	v29 =	vpop (erf);
	(erf) = vpow2.f32 v31  }
0x74: {  	v31 =	vpop (erf);
	(erf) = vpow2.f32 v33  }
0x75: {  	v24 =	vadd.f32 v25, v24;
	v25 =	vpop (erf);
	(erf) = vpow2.f32 v35  }
0x76: {  	v23 =	vadd.f32 v26, v23;
	v22 =	vadd.f32 v36, v22;
	v26 =	vpop (erf);
	(erf) = vpow2.f32 v30  }
0x77: {  	v21 =	vadd.f32 v37, v21;
	v20 =	vadd.f32 v38, v20;
	v30 =	vpop (erf)  }
0x78: {  	v19 =	vadd.f32 v39, v19;
	v18 =	vadd.f32 v61, v18;
	v63 =	vpop (erf)  }
0x79: {  	v16 =	vadd.f32 v62, v16;
	v24 =	vadd.f32 v27, v24;
	v27 =	vpop (erf)  }
0x7a: {  	s16 =	sadd.s32 $0x1, s16;
	v23 =	vadd.f32 v28, v23;
	v22 =	vadd.f32 v29, v22;
	v28 =	vpop (erf)  }
0x7b: {  	p0 =	sne.s32 s16, $0x20;
	v32 =	vmov v13;
	v21 =	vadd.f32 v31, v21;
	v20 =	vadd.f32 v25, v20;
	v25 =	vpop (erf)  }
.Ltmp2:
0x7c: {  	v31 =	vmov v9;
	v19 =	vadd.f32 v26, v19;
	v18 =	vadd.f32 v30, v18;
	v26 =	vpop (erf);
	(pc) =	sbr.rel @p0 .LBB2_2-.Ltmp2, $4  }
0x7d: {  	v30 =	vmov v11;
	v16 =	vadd.f32 v63, v16;
	v24 =	vadd.f32 v27, v24;
	v29 =	vpop (erf)  }
0x7e: {  	v23 =	vadd.f32 v28, v23;
	v28 =	vmov v10;
	v22 =	vadd.f32 v25, v22;
	v27 =	vpop (erf)  }
0x7f: {  	v21 =	vadd.f32 v26, v21;
	v26 =	vmov v14;
	v20 =	vadd.f32 v29, v20;
	v25 =	vpop (erf)  }
0x80: {  	s15 =	sadd.s32 $0x400, s15;
	v29 =	vmovc v12;
	v19 =	vadd.f32 v27, v19;
	v27 =	vmovc v15;
	v18 =	vadd.f32 v25, v18;
	v25 =	vmov v17  }
0x81: {  	[tilespmem:$0x2000] =	vst v13  }
0x82: {  	[tilespmem:$0x2400] =	vst v24  }
0x83: {  	[tilespmem:$0x2800] =	vst v8  }
0x84: {  	[tilespmem:$0x2080] =	vst v9  }
0x85: {  	[tilespmem:$0x2480] =	vst v23  }
0x86: {  	[tilespmem:$0x2880] =	vst v7  }
0x87: {  	[tilespmem:$0x2100] =	vst v11  }
0x88: {  	[tilespmem:$0x2500] =	vst v22  }
0x89: {  	[tilespmem:$0x2900] =	vst v6  }
0x8a: {  	[tilespmem:$0x2180] =	vst v12  }
0x8b: {  	[tilespmem:$0x2580] =	vst v21  }
0x8c: {  	[tilespmem:$0x2980] =	vst v5  }
0x8d: {  	[tilespmem:$0x2200] =	vst v10  }
0x8e: {  	[tilespmem:$0x2600] =	vst v20  }
0x8f: {  	[tilespmem:$0x2A00] =	vst v2  }
0x90: {  	[tilespmem:$0x2280] =	vst v15  }
0x91: {  	[tilespmem:$0x2A80] =	vst v4  }
0x92: {  	[tilespmem:$0x2300] =	vst v14  }
0x93: {  	[tilespmem:$0x2B00] =	vst v1  }
0x94: {  	[tilespmem:$0x2380] =	vst v17  }
0x95: {  	[tilespmem:$0x2780] =	vst v16  }
0x96: {  	[tilespmem:$0x2B80] =	vst v3  }
0x97: {  	[tilespmem:$0x2680] =	vst v19  }
0x98: {  	[tilespmem:$0x2700] =	vst v18  }
0x99: {  	[hbm4b:s5+s2] =	stream.linear.scatter [tilespmem:s11], [sflag:$0x1], $0x400, $0x38;
	[tilespmem:$0x2C00] =	vst v63  }
0x9a: {  	_ =	swait.ge [sflag:s10], $0x400  }
0x9b: {  	[sflag:s10] =	ssyncset.done $0x0  }
0x9c: {  	[sflag:s10] =	ssyncadd.s32 $0xFFFFFC00  }
0x9d: {  	[hbm4b:s6+s2] =	stream.linear.scatter [tilespmem:s12], [sflag:$0x1], $0x400, $0x38;
	[tilespmem:$0x2C00] =	vst v63  }
0x9e: {  	s14 =	sadd.s32 $0x1, s14;
	_ =	swait.ge [sflag:s10], $0x400  }
0x9f: {  	p0 =	sne.s32 s14, s8;
	[sflag:s10] =	ssyncset.done $0x0  }
.Ltmp3:
0xa0: {  	[sflag:s10] =	ssyncadd.s32 $0xFFFFFC00;
	(pc) =	sbr.rel @p0 .LBB2_1-.Ltmp3, $4  }
0xa1: {  	[hbm4b:s7+s2] =	stream.linear.scatter [tilespmem:s13], [sflag:$0x1], $0x400, $0x38;
	[tilespmem:$0x2C00] =	vst v63  }
0xa2: {  	_ =	swait.ge [sflag:s10], $0x400  }
0xa3: {  	[sflag:s10] =	ssyncset.done $0x0  }
0xa4: {  	[sflag:s10] =	ssyncadd.s32 $0xFFFFFC00  }
0xa5: {  	_ =	sfence.sel $0x180000  }
0xa6: {  	[bflag:$0x0] =	sbarrier.arrive $0xFFFF  }
0xa7: {  	p0 =	sne.s32 s0, $0x0;
	_ =	strace $0x9000004A  }
0xa8: {  	s0 =	sadd.s32 @!p0 $0x100000, s1;
	[bflag:$0x2] =	sbarrier.arrive $0xFFFF  }
0xa9: {  	[sflag:s0] =	ssyncadd.tile.s32 @!p0 $0x1;
	_ =	shalt  }
.Lfunc_end2:
_tile_overlayer_lowered:
.L_overlay_start_2:
0xaa: {  	(tag) =	ssettag $0x2  }
0xab: {  	s0 =	rddreg [dreg:$0x0];
	s2 =	stileid.u32  }
0xac: {  	s1 =	rddreg [dreg:$0x1];
	p0 =	sne.s32 s2, $0x0  }
0xad: {  	s3 =	rddreg [dreg:$0x2];
	[bflag:$0x3] =	sbarrier.arrive $0xFFFF;
	s2 =	simm.s32 @!p0 $0x1C01  }
0xae: {  	[timem:s3], [sflag:s2] =	dma.local @!p0 [hbm:s0], s1  }
0xaf: {  	s0 =	simm.s32 @!p0 $0x1  }
0xb0: {  	_ =	swait.ge @!p0 [sflag:s0], s1  }
0xb1: {  	s1 =	ssub.s32 @!p0 $0x0, s1;
	[sflag:s0] =	ssyncset.done @!p0 $0x0  }
0xb2: {  	[sflag:s0] =	ssyncadd.s32 @!p0 s1  }
0xb3: {  	[bflag:$0x3] =	sbarrier.arrive $0xFFFF  }
0xb4: {  	_ =	shalt  }

</sc_bundles>
